<compile_context>
chip_gen: v7x
topology: tpu7x:2x2x1
jax: 0.10.2.dev20260603
libtpu: 0.0.44.dev20260713+nightly
codegen_flags: <defaults>
</compile_context>

<pallas_src>
import functools

import jax
import jax.numpy as jnp
from jax import lax
from jax.experimental import pallas as pl
from jax.experimental.pallas import tpu as pltpu
from jax.experimental.pallas import tpu_sc as plsc

NE = 8
LANES = 16
NWORK = 32


def _dot_split(a, bmat):
    hi = a.astype(jnp.bfloat16).astype(jnp.float32)
    lo = a - hi
    dims = (((1,), (0,)), ((), ()))
    return (lax.dot_general(hi, bmat, dims,
                            precision=lax.Precision.DEFAULT,
                            preferred_element_type=jnp.float32) +
            lax.dot_general(lo, bmat, dims,
                            precision=lax.Precision.DEFAULT,
                            preferred_element_type=jnp.float32))


def _dot_split_b(a, bmat):
    hi = bmat.astype(jnp.bfloat16).astype(jnp.float32)
    lo = bmat - hi
    dims = (((1,), (0,)), ((), ()))
    return (lax.dot_general(a, hi, dims,
                            precision=lax.Precision.DEFAULT,
                            preferred_element_type=jnp.float32) +
            lax.dot_general(a, lo, dims,
                            precision=lax.Precision.DEFAULT,
                            preferred_element_type=jnp.float32))


def _dot_split2(a, bmat, dims):
    ah = a.astype(jnp.bfloat16).astype(jnp.float32)
    al = a - ah
    bh = bmat.astype(jnp.bfloat16).astype(jnp.float32)
    bl = bmat - bh
    dot = functools.partial(lax.dot_general, dimension_numbers=dims,
                            precision=lax.Precision.DEFAULT,
                            preferred_element_type=jnp.float32)
    return dot(ah, bh) + dot(ah, bl) + dot(al, bh)


def _prologue_body(w_ref, b_ref, x_ref, p_ref, bsum_ref, wsum_ref):
    g = pl.program_id(0)
    f = w_ref.shape[1]
    i_in = f // NE

    @pl.when(g == 0)
    def _():
        row = lax.broadcasted_iota(jnp.int32, (f, i_in), 0)
        col = lax.broadcasted_iota(jnp.int32, (f, i_in), 1)
        fold = (row % i_in == col).astype(jnp.float32)
        ones = jnp.ones((1, i_in), jnp.float32)
        parts = []
        for e in range(NE):
            wb = w_ref[e * i_in:(e + 1) * i_in, :]
            cs = _dot_split_b(ones, wb)
            parts.append(_dot_split(cs, fold))
        wsum_ref[...] = jnp.concatenate(parts, axis=1)
        bsum_ref[...] = jnp.sum(b_ref[...], keepdims=True).reshape(1, 1)

    xw = x_ref[...] * wsum_ref[...]
    seg_r = lax.broadcasted_iota(jnp.int32, (f, NE), 0)
    seg_c = lax.broadcasted_iota(jnp.int32, (f, NE), 1)
    seg = (seg_r // i_in == seg_c).astype(jnp.float32)
    p_ref[...] = _dot_split(xw, seg)


def _pass_a_body(p_ref, d_ref, bsum_ref, s_ref, *, nt):
    g = pl.program_id(0)
    cap = s_ref.shape[2]

    @pl.when(g % nt == 0)
    def _():
        s_ref[0] = jnp.broadcast_to(bsum_ref[...], (NE, cap))

    p = p_ref[...]
    incs = [
        _dot_split2(p[:, e:e + 1], d_ref[:, e, :],
                    (((0,), (0,)), ((), ())))
        for e in range(NE)
    ]
    s_ref[0] += jnp.concatenate(incs, axis=0)


def _pass_b_body(c_ref, s_ref, o_ref):
    acc = _dot_split2(c_ref[:, 0, :], s_ref[0, 0:1, :],
                      (((1,), (1,)), ((), ())))
    for e in range(1, NE):
        acc += _dot_split2(c_ref[:, e, :], s_ref[0, e:e + 1, :],
                           (((1,), (1,)), ((), ())))
    o_ref[...] = acc


def _make_sc_pass_b(t_tok, rt, cap, nr):
    nchunk = nr // LANES
    mesh = plsc.VectorSubcoreMesh(core_axis_name="c", subcore_axis_name="s")

    @functools.partial(
        pl.kernel,
        mesh=mesh,
        out_type=jax.ShapeDtypeStruct((2 * (t_tok - rt),), jnp.float32),
        scratch_types=[
            pltpu.VMEM((LANES, NE, cap), jnp.float32),
            pltpu.VMEM((NE, cap), jnp.float32),
            pltpu.VMEM((nr,), jnp.float32),
        ],
    )
    def sc_kernel(c_hbm, s_hbm, outp_hbm, cbuf, sbuf, obuf):
        wid = lax.axis_index("s") * 2 + lax.axis_index("c")
        b_w = wid // 16
        sub = wid % 16
        row0 = b_w * t_tok + rt + sub * nr
        out0 = b_w * (t_tok - rt) + sub * nr
        lane = lax.iota(jnp.int32, LANES)
        perms = [(lane + sh) & (LANES - 1) for sh in (8, 4, 2, 1)]
        pltpu.sync_copy(s_hbm.at[b_w], sbuf)
        njv = cap // LANES
        for ch in range(nchunk):
            pltpu.sync_copy(c_hbm.at[pl.ds(row0 + ch * LANES, LANES)], cbuf)

            def jbody(j, accs):
                se = [sbuf[e, pl.ds(j * LANES, LANES)] for e in range(NE)]
                new = []
                for r in range(LANES):
                    a = accs[r]
                    for e in range(NE):
                        a = a + cbuf[r, e, pl.ds(j * LANES, LANES)] * se[e]
                    new.append(a)
                return tuple(new)

            accs = lax.fori_loop(
                0, njv, jbody,
                tuple(jnp.zeros((LANES,), jnp.float32)
                      for _ in range(LANES)))
            res = jnp.zeros((LANES,), jnp.float32)
            for r in range(LANES):
                v = accs[r]
                for idx in perms:
                    v = v + lax.gather(
                        v, idx[:, None],
                        lax.GatherDimensionNumbers(
                            offset_dims=(), collapsed_slice_dims=(0,),
                            start_index_map=(0,)),
                        slice_sizes=(1,),
                        mode=lax.GatherScatterMode.PROMISE_IN_BOUNDS)
                res = jnp.where(lane == r, v, res)
            obuf[pl.ds(ch * LANES, LANES)] = res
        pltpu.sync_copy(obuf, outp_hbm.at[pl.ds(out0, nr)])

    return sc_kernel


def kernel(x, combine_array, dispatch_mask, weight, bias):
    b, t, f = x.shape
    e, c = dispatch_mask.shape[2], dispatch_mask.shape[3]
    assert e == NE and b == 2
    i_in = f // e
    tblk = 512
    bt = b * t
    nt = t // tblk
    nbt = bt // tblk
    rt = 1536
    nt_tc = rt // tblk
    nr = (t - rt) // 16

    x2 = x.reshape(bt, f)
    d3 = dispatch_mask.reshape(bt, e, c)
    c3 = combine_array.reshape(bt, e, c)

    p, bsum, _ = pl.pallas_call(
        _prologue_body,
        grid=(nbt,),
        in_specs=[
            pl.BlockSpec((f, f), lambda g: (0, 0)),
            pl.BlockSpec((1, f), lambda g: (0, 0)),
            pl.BlockSpec((tblk, f), lambda g: (g, 0)),
        ],
        out_specs=[
            pl.BlockSpec((tblk, NE), lambda g: (g, 0)),
            pl.BlockSpec((1, 1), lambda g: (0, 0)),
            pl.BlockSpec((1, f), lambda g: (0, 0)),
        ],
        out_shape=[
            jax.ShapeDtypeStruct((bt, NE), jnp.float32),
            jax.ShapeDtypeStruct((1, 1), jnp.float32),
            jax.ShapeDtypeStruct((1, f), jnp.float32),
        ],
    )(weight, bias.reshape(1, f), x2)

    s = pl.pallas_call(
        functools.partial(_pass_a_body, nt=nt),
        grid=(nbt,),
        in_specs=[
            pl.BlockSpec((tblk, NE), lambda g: (g, 0)),
            pl.BlockSpec((tblk, e, c), lambda g: (g, 0, 0)),
            pl.BlockSpec((1, 1), lambda g: (0, 0)),
        ],
        out_specs=pl.BlockSpec((1, e, c), lambda g, nt=nt: (g // nt, 0, 0)),
        out_shape=jax.ShapeDtypeStruct((b, e, c), jnp.float32),
    )(p, d3, bsum)

    out_sc = _make_sc_pass_b(t, rt, c, nr)(c3, s)

    out_tc = pl.pallas_call(
        _pass_b_body,
        grid=(b, nt_tc),
        in_specs=[
            pl.BlockSpec((tblk, e, c),
                         lambda gb, gt, nt=nt: (gb * nt + gt, 0, 0)),
            pl.BlockSpec((1, e, c), lambda gb, gt: (gb, 0, 0)),
        ],
        out_specs=pl.BlockSpec(
            (tblk, 1), lambda gb, gt, n=nt_tc: (gb * n + gt, 0)),
        out_shape=jax.ShapeDtypeStruct((b * rt, 1), jnp.float32),
    )(c3, s)

    out = jnp.concatenate(
        [out_tc.reshape(b, rt), out_sc.reshape(b, t - rt)], axis=1)
    return out

# --- scband reference (transcript-rebuilt; emitter-appended) ---
"""Pipeline reference for scband-experts-choose-masked-expand-64080912056708 (READ-ONLY COPY).

The authoritative reference and input builder live on the scoring server;
editing this copy changes nothing except your own understanding.
"""

import jax, jax.numpy as jnp
import numpy as np

NUM_EXPERTS = 8
IN_FEATURES = 2048
OUT_FEATURES = 2048
BATCH = 2
TOKENS = 2048
CAPACITY = 512


def setup_inputs(seed: int = 0) -> dict:
    key = jax.random.key(seed)
    k1, k2, k3, k4, k5 = jax.random.split(key, 5)
    x = jax.random.normal(k1, (BATCH, TOKENS, IN_FEATURES), dtype=jnp.float32)
    combine_array = jax.random.uniform(k2, (BATCH, TOKENS, NUM_EXPERTS, CAPACITY), dtype=jnp.float32)
    dispatch_mask = jax.random.uniform(k3, (BATCH, TOKENS, NUM_EXPERTS, CAPACITY), dtype=jnp.float32)
    weight = jax.random.normal(k4, (OUT_FEATURES, IN_FEATURES), dtype=jnp.float32) * 0.02
    bias = jax.random.normal(k5, (OUT_FEATURES,), dtype=jnp.float32) * 0.02
    return {"x": x, "combine_array": combine_array, "dispatch_mask": dispatch_mask, "weight": weight, "bias": bias}


def reference(x, combine_array, dispatch_mask, weight, bias):
    num_experts = NUM_EXPERTS
    expert_in_features = weight.shape[1] // num_experts
    # torch: weight.reshape(num_experts, -1, expert_in_features) -- row-major reshape
    w = jnp.reshape(weight, (num_experts, -1, expert_in_features))
    # dispatch_mask branch: x -> (b, t, e, i) then einsum to (b, e, c, i)
    xr = jnp.reshape(x, (x.shape[0], -1, num_experts, expert_in_features))
    xd = jnp.einsum('btei,btec->beci', xr, dispatch_mask)
    # bias branch: homogeneous coordinates
    x_homo = jnp.concatenate([xd, jnp.ones_like(xd[..., :1])], axis=-1)
    b_exp = jnp.broadcast_to(jnp.reshape(bias, (1, -1)), (num_experts, bias.shape[0]))[..., None]
    w_homo = jnp.concatenate([w, b_exp], axis=-1)
    # torch einsum 'beci,eoi,btec->bt...' with no input ellipsis: 'o' is summed, output (b, t)
    out = jnp.einsum('beci,eoi,btec->bt', x_homo, w_homo, combine_array)
    return out

if __name__ == "__main__":
    import jax
    _d = setup_inputs()
    print(jax.jit(kernel)(*tuple(_d.values())))

</pallas_src>

<mosaic_0001>
#map = affine_map<(d0, d1) -> (0, 0, 0)>
#map1 = affine_map<(d0, d1) -> (0)>
module attributes {stable_mosaic.version = 14 : i64} {
  func.func @sc_kernel(%arg0: i32, %arg1: i32, %arg2: memref<4096x8x512xf32, #tpu.memory_space<hbm>>, %arg3: memref<2x8x512xf32, #tpu.memory_space<hbm>>, %arg4: memref<1024xf32, #tpu.memory_space<hbm>>, %arg5: memref<16x8x512xf32, #tpu.memory_space<vmem>>, %arg6: memref<8x512xf32, #tpu.memory_space<vmem>>, %arg7: memref<32xf32, #tpu.memory_space<vmem>>) attributes {dimension_semantics = [#tpu.dimension_semantics<core_parallel>, #tpu.dimension_semantics<subcore_parallel>], iteration_bounds = array<i64: 2, 16>, scalar_prefetch = 0 : i64, scratch_operands = 3 : i64, tpu.core_type = #tpu.core_type<sc_vector_subcore>, window_params = [{transform_indices = #map}, {transform_indices = #map}, {transform_indices = #map1}]} {
    %mul3A = arith.constant 2 : i32
    %mul3A_0 = arith.muli %arg1, %mul3A : i32
    %add3A = arith.addi %mul3A_0, %arg0 : i32
    %jit3A = arith.constant 16 : i32
    %div3A = arith.divsi %add3A, %jit3A : i32
    %sign3A = arith.constant 0 : i32
    %sign3A_1 = arith.cmpi sgt, %add3A, %sign3A : i32
    %sign3A_2 = arith.extui %sign3A_1 : i1 to i32
    %sign3A_3 = arith.constant 0 : i32
    %sign3A_4 = arith.cmpi slt, %add3A, %sign3A_3 : i32
    %sign3A_5 = arith.extui %sign3A_4 : i1 to i32
    %sign3A_6 = arith.subi %sign3A_2, %sign3A_5 : i32
    %sign3A_7 = arith.constant 0 : i32
    %sign3A_8 = arith.cmpi sgt, %jit3A, %sign3A_7 : i32
    %sign3A_9 = arith.extui %sign3A_8 : i1 to i32
    %sign3A_10 = arith.constant 0 : i32
    %sign3A_11 = arith.cmpi slt, %jit3A, %sign3A_10 : i32
    %sign3A_12 = arith.extui %sign3A_11 : i1 to i32
    %sign3A_13 = arith.subi %sign3A_9, %sign3A_12 : i32
    %ne3A = arith.cmpi ne, %sign3A_6, %sign3A_13 : i32
    %rem3A = arith.remsi %add3A, %jit3A : i32
    %ne3A_14 = arith.constant 0 : i32
    %ne3A_15 = arith.cmpi ne, %rem3A, %ne3A_14 : i32
    %and3A = arith.andi %ne3A, %ne3A_15 : i1
    %sub3A = arith.constant 1 : i32
    %sub3A_16 = arith.subi %div3A, %sub3A : i32
    %select_n3A = arith.select %and3A, %sub3A_16, %div3A : i32
    %jit3A_17 = arith.constant 16 : i32
    %eq3A = arith.constant 0 : i32
    %eq3A_18 = arith.cmpi eq, %jit3A_17, %eq3A : i32
    %jit3A_19 = arith.constant 1 : i32
    %select_n3A_20 = arith.select %eq3A_18, %jit3A_19, %jit3A_17 : i32
    %rem3A_21 = arith.remsi %add3A, %select_n3A_20 : i32
    %ne3A_22 = arith.constant 0 : i32
    %ne3A_23 = arith.cmpi ne, %rem3A_21, %ne3A_22 : i32
    %lt3A = arith.constant 0 : i32
    %lt3A_24 = arith.cmpi slt, %rem3A_21, %lt3A : i32
    %lt3A_25 = arith.constant 0 : i32
    %lt3A_26 = arith.cmpi slt, %select_n3A_20, %lt3A_25 : i32
    %ne3A_27 = arith.xori %lt3A_24, %lt3A_26 : i1
    %and3A_28 = arith.andi %ne3A_27, %ne3A_23 : i1
    %add3A_29 = arith.addi %rem3A_21, %select_n3A_20 : i32
    %select_n3A_30 = arith.select %and3A_28, %add3A_29, %rem3A_21 : i32
    %mul3A_31 = arith.constant 2048 : i32
    %mul3A_32 = arith.muli %select_n3A, %mul3A_31 : i32
    %add3A_33 = arith.constant 1536 : i32
    %add3A_34 = arith.addi %mul3A_32, %add3A_33 : i32
    %mul3A_35 = arith.constant 32 : i32
    %mul3A_36 = arith.muli %select_n3A_30, %mul3A_35 : i32
    %add3A_37 = arith.addi %add3A_34, %mul3A_36 : i32
    %mul3A_38 = arith.constant 512 : i32
    %mul3A_39 = arith.muli %select_n3A, %mul3A_38 : i32
    %mul3A_40 = arith.constant 32 : i32
    %mul3A_41 = arith.muli %select_n3A_30, %mul3A_40 : i32
    %add3A_42 = arith.addi %mul3A_39, %mul3A_41 : i32
    %iota3A = tpu.iota {dimensions = array<i32: 0>} : vector<16xi32>
    %add3A_43 = arith.constant 8 : i32
    %add3A_44 = vector.broadcast %add3A_43 : i32 to vector<16xi32>
    %add3A_45 = arith.addi %iota3A, %add3A_44 : vector<16xi32>
    %and3A_46 = arith.constant 15 : i32
    %and3A_47 = vector.broadcast %and3A_46 : i32 to vector<16xi32>
    %and3A_48 = arith.andi %add3A_45, %and3A_47 : vector<16xi32>
    %add3A_49 = arith.constant 4 : i32
    %add3A_50 = vector.broadcast %add3A_49 : i32 to vector<16xi32>
    %add3A_51 = arith.addi %iota3A, %add3A_50 : vector<16xi32>
    %and3A_52 = arith.constant 15 : i32
    %and3A_53 = vector.broadcast %and3A_52 : i32 to vector<16xi32>
    %and3A_54 = arith.andi %add3A_51, %and3A_53 : vector<16xi32>
    %add3A_55 = arith.constant 2 : i32
    %add3A_56 = vector.broadcast %add3A_55 : i32 to vector<16xi32>
    %add3A_57 = arith.addi %iota3A, %add3A_56 : vector<16xi32>
    %and3A_58 = arith.constant 15 : i32
    %and3A_59 = vector.broadcast %and3A_58 : i32 to vector<16xi32>
    %and3A_60 = arith.andi %add3A_57, %and3A_59 : vector<16xi32>
    %add3A_61 = arith.constant 1 : i32
    %add3A_62 = vector.broadcast %add3A_61 : i32 to vector<16xi32>
    %add3A_63 = arith.addi %iota3A, %add3A_62 : vector<16xi32>
    %and3A_64 = arith.constant 15 : i32
    %and3A_65 = vector.broadcast %and3A_64 : i32 to vector<16xi32>
    %and3A_66 = arith.andi %add3A_63, %and3A_65 : vector<16xi32>
    "tpu.region"() ({
      %run_scoped3A = tpu.sem_alloc : memref<!tpu.dma_semaphore, #tpu.memory_space<semaphore_mem>>
      %dma_start3A = arith.constant 0 : i32
      %dma_start3A_795 = arith.constant 0 : i32
      %dma_start3A_796 = tpu.memref_slice %arg3[%select_n3A, %dma_start3A, %dma_start3A_795] : memref<2x8x512xf32, #tpu.memory_space<hbm>> -> memref<1x8x512xf32, #tpu.memory_space<hbm>>
      %dma_start3A_797 = tpu.memref_squeeze %dma_start3A_796 : memref<1x8x512xf32, #tpu.memory_space<hbm>> -> memref<8x512xf32, #tpu.memory_space<hbm>>
      %dma_start3A_798 = arith.constant 0 : i32
      %dma_start3A_799 = arith.constant 0 : i32
      %dma_start3A_800 = tpu.memref_slice %arg3[%select_n3A, %dma_start3A_798, %dma_start3A_799] : memref<2x8x512xf32, #tpu.memory_space<hbm>> -> memref<1x8x512xf32, #tpu.memory_space<hbm>>
      %dma_start3A_801 = tpu.memref_squeeze %dma_start3A_800 : memref<1x8x512xf32, #tpu.memory_space<hbm>> -> memref<8x512xf32, #tpu.memory_space<hbm>>
      tpu.enqueue_dma source(%dma_start3A_801 : memref<8x512xf32, #tpu.memory_space<hbm>>) target(%arg6 : memref<8x512xf32, #tpu.memory_space<vmem>>) target_semaphore(%run_scoped3A : memref<!tpu.dma_semaphore, #tpu.memory_space<semaphore_mem>>)
      %dma_wait3A = arith.constant 0 : i32
      %dma_wait3A_802 = arith.constant 0 : i32
      %dma_wait3A_803 = tpu.memref_slice %arg3[%select_n3A, %dma_wait3A, %dma_wait3A_802] : memref<2x8x512xf32, #tpu.memory_space<hbm>> -> memref<1x8x512xf32, #tpu.memory_space<hbm>>
      %dma_wait3A_804 = tpu.memref_squeeze %dma_wait3A_803 : memref<1x8x512xf32, #tpu.memory_space<hbm>> -> memref<8x512xf32, #tpu.memory_space<hbm>>
      %dma_wait3A_805 = arith.constant 0 : i32
      %dma_wait3A_806 = arith.constant 0 : i32
      %dma_wait3A_807 = tpu.memref_slice %arg3[%select_n3A, %dma_wait3A_805, %dma_wait3A_806] : memref<2x8x512xf32, #tpu.memory_space<hbm>> -> memref<1x8x512xf32, #tpu.memory_space<hbm>>
      %dma_wait3A_808 = tpu.memref_squeeze %dma_wait3A_807 : memref<1x8x512xf32, #tpu.memory_space<hbm>> -> memref<8x512xf32, #tpu.memory_space<hbm>>
      tpu.wait_dma2 semaphore(%run_scoped3A : memref<!tpu.dma_semaphore, #tpu.memory_space<semaphore_mem>>) src(%dma_wait3A_808 : memref<8x512xf32, #tpu.memory_space<hbm>>) dst(%arg6 : memref<8x512xf32, #tpu.memory_space<vmem>>)
      tpu.yield
    }) : () -> ()
    %add3A_67 = arith.constant 0 : i32
    %add3A_68 = arith.addi %add3A_37, %add3A_67 : i32
    "tpu.region"() ({
      %run_scoped3A = tpu.sem_alloc : memref<!tpu.dma_semaphore, #tpu.memory_space<semaphore_mem>>
      %dma_start3A = arith.constant 0 : i32
      %dma_start3A_795 = arith.constant 0 : i32
      %dma_start3A_796 = tpu.memref_slice %arg2[%add3A_68, %dma_start3A, %dma_start3A_795] : memref<4096x8x512xf32, #tpu.memory_space<hbm>> -> memref<16x8x512xf32, #tpu.memory_space<hbm>>
      %dma_start3A_797 = arith.constant 0 : i32
      %dma_start3A_798 = arith.constant 0 : i32
      %dma_start3A_799 = tpu.memref_slice %arg2[%add3A_68, %dma_start3A_797, %dma_start3A_798] : memref<4096x8x512xf32, #tpu.memory_space<hbm>> -> memref<16x8x512xf32, #tpu.memory_space<hbm>>
      tpu.enqueue_dma source(%dma_start3A_799 : memref<16x8x512xf32, #tpu.memory_space<hbm>>) target(%arg5 : memref<16x8x512xf32, #tpu.memory_space<vmem>>) target_semaphore(%run_scoped3A : memref<!tpu.dma_semaphore, #tpu.memory_space<semaphore_mem>>)
      %dma_wait3A = arith.constant 0 : i32
      %dma_wait3A_800 = arith.constant 0 : i32
      %dma_wait3A_801 = tpu.memref_slice %arg2[%add3A_68, %dma_wait3A, %dma_wait3A_800] : memref<4096x8x512xf32, #tpu.memory_space<hbm>> -> memref<16x8x512xf32, #tpu.memory_space<hbm>>
      %dma_wait3A_802 = arith.constant 0 : i32
      %dma_wait3A_803 = arith.constant 0 : i32
      %dma_wait3A_804 = tpu.memref_slice %arg2[%add3A_68, %dma_wait3A_802, %dma_wait3A_803] : memref<4096x8x512xf32, #tpu.memory_space<hbm>> -> memref<16x8x512xf32, #tpu.memory_space<hbm>>
      tpu.wait_dma2 semaphore(%run_scoped3A : memref<!tpu.dma_semaphore, #tpu.memory_space<semaphore_mem>>) src(%dma_wait3A_804 : memref<16x8x512xf32, #tpu.memory_space<hbm>>) dst(%arg5 : memref<16x8x512xf32, #tpu.memory_space<vmem>>)
      tpu.yield
    }) : () -> ()
    %broadcast_in_dim3A = arith.constant 0.000000e+00 : f32
    %broadcast_in_dim3A_69 = vector.broadcast %broadcast_in_dim3A : f32 to vector<16xf32>
    %broadcast_in_dim3A_70 = arith.constant 0.000000e+00 : f32
    %broadcast_in_dim3A_71 = vector.broadcast %broadcast_in_dim3A_70 : f32 to vector<16xf32>
    %broadcast_in_dim3A_72 = arith.constant 0.000000e+00 : f32
    %broadcast_in_dim3A_73 = vector.broadcast %broadcast_in_dim3A_72 : f32 to vector<16xf32>
    %broadcast_in_dim3A_74 = arith.constant 0.000000e+00 : f32
    %broadcast_in_dim3A_75 = vector.broadcast %broadcast_in_dim3A_74 : f32 to vector<16xf32>
    %broadcast_in_dim3A_76 = arith.constant 0.000000e+00 : f32
    %broadcast_in_dim3A_77 = vector.broadcast %broadcast_in_dim3A_76 : f32 to vector<16xf32>
    %broadcast_in_dim3A_78 = arith.constant 0.000000e+00 : f32
    %broadcast_in_dim3A_79 = vector.broadcast %broadcast_in_dim3A_78 : f32 to vector<16xf32>
    %broadcast_in_dim3A_80 = arith.constant 0.000000e+00 : f32
    %broadcast_in_dim3A_81 = vector.broadcast %broadcast_in_dim3A_80 : f32 to vector<16xf32>
    %broadcast_in_dim3A_82 = arith.constant 0.000000e+00 : f32
    %broadcast_in_dim3A_83 = vector.broadcast %broadcast_in_dim3A_82 : f32 to vector<16xf32>
    %broadcast_in_dim3A_84 = arith.constant 0.000000e+00 : f32
    %broadcast_in_dim3A_85 = vector.broadcast %broadcast_in_dim3A_84 : f32 to vector<16xf32>
    %broadcast_in_dim3A_86 = arith.constant 0.000000e+00 : f32
    %broadcast_in_dim3A_87 = vector.broadcast %broadcast_in_dim3A_86 : f32 to vector<16xf32>
    %broadcast_in_dim3A_88 = arith.constant 0.000000e+00 : f32
    %broadcast_in_dim3A_89 = vector.broadcast %broadcast_in_dim3A_88 : f32 to vector<16xf32>
    %broadcast_in_dim3A_90 = arith.constant 0.000000e+00 : f32
    %broadcast_in_dim3A_91 = vector.broadcast %broadcast_in_dim3A_90 : f32 to vector<16xf32>
    %broadcast_in_dim3A_92 = arith.constant 0.000000e+00 : f32
    %broadcast_in_dim3A_93 = vector.broadcast %broadcast_in_dim3A_92 : f32 to vector<16xf32>
    %broadcast_in_dim3A_94 = arith.constant 0.000000e+00 : f32
    %broadcast_in_dim3A_95 = vector.broadcast %broadcast_in_dim3A_94 : f32 to vector<16xf32>
    %broadcast_in_dim3A_96 = arith.constant 0.000000e+00 : f32
    %broadcast_in_dim3A_97 = vector.broadcast %broadcast_in_dim3A_96 : f32 to vector<16xf32>
    %broadcast_in_dim3A_98 = arith.constant 0.000000e+00 : f32
    %broadcast_in_dim3A_99 = vector.broadcast %broadcast_in_dim3A_98 : f32 to vector<16xf32>
    %scan3A = arith.constant 0 : i32
    %scan3A_100 = arith.constant 32 : i32
    %scan3A_101 = arith.addi %scan3A, %scan3A_100 : i32
    %scan3A_102 = arith.constant 1 : i32
    %scan3A_103:16 = scf.for %scan3A_795 = %scan3A to %scan3A_101 step %scan3A_102 iter_args(%scan3A_796 = %broadcast_in_dim3A_69, %scan3A_797 = %broadcast_in_dim3A_71, %scan3A_798 = %broadcast_in_dim3A_73, %scan3A_799 = %broadcast_in_dim3A_75, %scan3A_800 = %broadcast_in_dim3A_77, %scan3A_801 = %broadcast_in_dim3A_79, %scan3A_802 = %broadcast_in_dim3A_81, %scan3A_803 = %broadcast_in_dim3A_83, %scan3A_804 = %broadcast_in_dim3A_85, %scan3A_805 = %broadcast_in_dim3A_87, %scan3A_806 = %broadcast_in_dim3A_89, %scan3A_807 = %broadcast_in_dim3A_91, %scan3A_808 = %broadcast_in_dim3A_93, %scan3A_809 = %broadcast_in_dim3A_95, %scan3A_810 = %broadcast_in_dim3A_97, %scan3A_811 = %broadcast_in_dim3A_99) -> (vector<16xf32>, vector<16xf32>, vector<16xf32>, vector<16xf32>, vector<16xf32>, vector<16xf32>, vector<16xf32>, vector<16xf32>, vector<16xf32>, vector<16xf32>, vector<16xf32>, vector<16xf32>, vector<16xf32>, vector<16xf32>, vector<16xf32>, vector<16xf32>)  : i32 {
      %mul3A_812 = arith.constant 16 : i32
      %mul3A_813 = arith.muli %scan3A_795, %mul3A_812 : i32
      %get3A = arith.constant 0 : i32
      %get3A_814 = arith.index_cast %get3A : i32 to index
      %get3A_815 = arith.index_cast %mul3A_813 : i32 to index
      %get3A_816 = tpu.vector_load %arg6[%get3A_814, %get3A_815] {strides = array<i32>} : memref<8x512xf32, #tpu.memory_space<vmem>>, vector<1x16xf32>,
      %get3A_817 = vector.shape_cast %get3A_816 : vector<1x16xf32> to vector<16xf32>
      %mul3A_818 = arith.constant 16 : i32
      %mul3A_819 = arith.muli %scan3A_795, %mul3A_818 : i32
      %get3A_820 = arith.constant 1 : i32
      %get3A_821 = arith.index_cast %get3A_820 : i32 to index
      %get3A_822 = arith.index_cast %mul3A_819 : i32 to index
      %get3A_823 = tpu.vector_load %arg6[%get3A_821, %get3A_822] {strides = array<i32>} : memref<8x512xf32, #tpu.memory_space<vmem>>, vector<1x16xf32>,
      %get3A_824 = vector.shape_cast %get3A_823 : vector<1x16xf32> to vector<16xf32>
      %mul3A_825 = arith.constant 16 : i32
      %mul3A_826 = arith.muli %scan3A_795, %mul3A_825 : i32
      %get3A_827 = arith.constant 2 : i32
      %get3A_828 = arith.index_cast %get3A_827 : i32 to index
      %get3A_829 = arith.index_cast %mul3A_826 : i32 to index
      %get3A_830 = tpu.vector_load %arg6[%get3A_828, %get3A_829] {strides = array<i32>} : memref<8x512xf32, #tpu.memory_space<vmem>>, vector<1x16xf32>,
      %get3A_831 = vector.shape_cast %get3A_830 : vector<1x16xf32> to vector<16xf32>
      %mul3A_832 = arith.constant 16 : i32
      %mul3A_833 = arith.muli %scan3A_795, %mul3A_832 : i32
      %get3A_834 = arith.constant 3 : i32
      %get3A_835 = arith.index_cast %get3A_834 : i32 to index
      %get3A_836 = arith.index_cast %mul3A_833 : i32 to index
      %get3A_837 = tpu.vector_load %arg6[%get3A_835, %get3A_836] {strides = array<i32>} : memref<8x512xf32, #tpu.memory_space<vmem>>, vector<1x16xf32>,
      %get3A_838 = vector.shape_cast %get3A_837 : vector<1x16xf32> to vector<16xf32>
      %mul3A_839 = arith.constant 16 : i32
      %mul3A_840 = arith.muli %scan3A_795, %mul3A_839 : i32
      %get3A_841 = arith.constant 4 : i32
      %get3A_842 = arith.index_cast %get3A_841 : i32 to index
      %get3A_843 = arith.index_cast %mul3A_840 : i32 to index
      %get3A_844 = tpu.vector_load %arg6[%get3A_842, %get3A_843] {strides = array<i32>} : memref<8x512xf32, #tpu.memory_space<vmem>>, vector<1x16xf32>,
      %get3A_845 = vector.shape_cast %get3A_844 : vector<1x16xf32> to vector<16xf32>
      %mul3A_846 = arith.constant 16 : i32
      %mul3A_847 = arith.muli %scan3A_795, %mul3A_846 : i32
      %get3A_848 = arith.constant 5 : i32
      %get3A_849 = arith.index_cast %get3A_848 : i32 to index
      %get3A_850 = arith.index_cast %mul3A_847 : i32 to index
      %get3A_851 = tpu.vector_load %arg6[%get3A_849, %get3A_850] {strides = array<i32>} : memref<8x512xf32, #tpu.memory_space<vmem>>, vector<1x16xf32>,
      %get3A_852 = vector.shape_cast %get3A_851 : vector<1x16xf32> to vector<16xf32>
      %mul3A_853 = arith.constant 16 : i32
      %mul3A_854 = arith.muli %scan3A_795, %mul3A_853 : i32
      %get3A_855 = arith.constant 6 : i32
      %get3A_856 = arith.index_cast %get3A_855 : i32 to index
      %get3A_857 = arith.index_cast %mul3A_854 : i32 to index
      %get3A_858 = tpu.vector_load %arg6[%get3A_856, %get3A_857] {strides = array<i32>} : memref<8x512xf32, #tpu.memory_space<vmem>>, vector<1x16xf32>,
      %get3A_859 = vector.shape_cast %get3A_858 : vector<1x16xf32> to vector<16xf32>
      %mul3A_860 = arith.constant 16 : i32
      %mul3A_861 = arith.muli %scan3A_795, %mul3A_860 : i32
      %get3A_862 = arith.constant 7 : i32
      %get3A_863 = arith.index_cast %get3A_862 : i32 to index
      %get3A_864 = arith.index_cast %mul3A_861 : i32 to index
      %get3A_865 = tpu.vector_load %arg6[%get3A_863, %get3A_864] {strides = array<i32>} : memref<8x512xf32, #tpu.memory_space<vmem>>, vector<1x16xf32>,
      %get3A_866 = vector.shape_cast %get3A_865 : vector<1x16xf32> to vector<16xf32>
      %mul3A_867 = arith.constant 16 : i32
      %mul3A_868 = arith.muli %scan3A_795, %mul3A_867 : i32
      %get3A_869 = arith.constant 0 : i32
      %get3A_870 = arith.constant 0 : i32
      %get3A_871 = arith.index_cast %get3A_869 : i32 to index
      %get3A_872 = arith.index_cast %get3A_870 : i32 to index
      %get3A_873 = arith.index_cast %mul3A_868 : i32 to index
      %get3A_874 = tpu.vector_load %arg5[%get3A_871, %get3A_872, %get3A_873] {strides = array<i32>} : memref<16x8x512xf32, #tpu.memory_space<vmem>>, vector<1x1x16xf32>,
      %get3A_875 = vector.shape_cast %get3A_874 : vector<1x1x16xf32> to vector<16xf32>
      %mul3A_876 = arith.mulf %get3A_875, %get3A_817 : vector<16xf32>
      %add3A_877 = arith.addf %scan3A_796, %mul3A_876 : vector<16xf32>
      %mul3A_878 = arith.constant 16 : i32
      %mul3A_879 = arith.muli %scan3A_795, %mul3A_878 : i32
      %get3A_880 = arith.constant 0 : i32
      %get3A_881 = arith.constant 1 : i32
      %get3A_882 = arith.index_cast %get3A_880 : i32 to index
      %get3A_883 = arith.index_cast %get3A_881 : i32 to index
      %get3A_884 = arith.index_cast %mul3A_879 : i32 to index
      %get3A_885 = tpu.vector_load %arg5[%get3A_882, %get3A_883, %get3A_884] {strides = array<i32>} : memref<16x8x512xf32, #tpu.memory_space<vmem>>, vector<1x1x16xf32>,
      %get3A_886 = vector.shape_cast %get3A_885 : vector<1x1x16xf32> to vector<16xf32>
      %mul3A_887 = arith.mulf %get3A_886, %get3A_824 : vector<16xf32>
      %add3A_888 = arith.addf %add3A_877, %mul3A_887 : vector<16xf32>
      %mul3A_889 = arith.constant 16 : i32
      %mul3A_890 = arith.muli %scan3A_795, %mul3A_889 : i32
      %get3A_891 = arith.constant 0 : i32
      %get3A_892 = arith.constant 2 : i32
      %get3A_893 = arith.index_cast %get3A_891 : i32 to index
      %get3A_894 = arith.index_cast %get3A_892 : i32 to index
      %get3A_895 = arith.index_cast %mul3A_890 : i32 to index
      %get3A_896 = tpu.vector_load %arg5[%get3A_893, %get3A_894, %get3A_895] {strides = array<i32>} : memref<16x8x512xf32, #tpu.memory_space<vmem>>, vector<1x1x16xf32>,
      %get3A_897 = vector.shape_cast %get3A_896 : vector<1x1x16xf32> to vector<16xf32>
      %mul3A_898 = arith.mulf %get3A_897, %get3A_831 : vector<16xf32>
      %add3A_899 = arith.addf %add3A_888, %mul3A_898 : vector<16xf32>
      %mul3A_900 = arith.constant 16 : i32
      %mul3A_901 = arith.muli %scan3A_795, %mul3A_900 : i32
      %get3A_902 = arith.constant 0 : i32
      %get3A_903 = arith.constant 3 : i32
      %get3A_904 = arith.index_cast %get3A_902 : i32 to index
      %get3A_905 = arith.index_cast %get3A_903 : i32 to index
      %get3A_906 = arith.index_cast %mul3A_901 : i32 to index
      %get3A_907 = tpu.vector_load %arg5[%get3A_904, %get3A_905, %get3A_906] {strides = array<i32>} : memref<16x8x512xf32, #tpu.memory_space<vmem>>, vector<1x1x16xf32>,
      %get3A_908 = vector.shape_cast %get3A_907 : vector<1x1x16xf32> to vector<16xf32>
      %mul3A_909 = arith.mulf %get3A_908, %get3A_838 : vector<16xf32>
      %add3A_910 = arith.addf %add3A_899, %mul3A_909 : vector<16xf32>
      %mul3A_911 = arith.constant 16 : i32
      %mul3A_912 = arith.muli %scan3A_795, %mul3A_911 : i32
      %get3A_913 = arith.constant 0 : i32
      %get3A_914 = arith.constant 4 : i32
      %get3A_915 = arith.index_cast %get3A_913 : i32 to index
      %get3A_916 = arith.index_cast %get3A_914 : i32 to index
      %get3A_917 = arith.index_cast %mul3A_912 : i32 to index
      %get3A_918 = tpu.vector_load %arg5[%get3A_915, %get3A_916, %get3A_917] {strides = array<i32>} : memref<16x8x512xf32, #tpu.memory_space<vmem>>, vector<1x1x16xf32>,
      %get3A_919 = vector.shape_cast %get3A_918 : vector<1x1x16xf32> to vector<16xf32>
      %mul3A_920 = arith.mulf %get3A_919, %get3A_845 : vector<16xf32>
      %add3A_921 = arith.addf %add3A_910, %mul3A_920 : vector<16xf32>
      %mul3A_922 = arith.constant 16 : i32
      %mul3A_923 = arith.muli %scan3A_795, %mul3A_922 : i32
      %get3A_924 = arith.constant 0 : i32
      %get3A_925 = arith.constant 5 : i32
      %get3A_926 = arith.index_cast %get3A_924 : i32 to index
      %get3A_927 = arith.index_cast %get3A_925 : i32 to index
      %get3A_928 = arith.index_cast %mul3A_923 : i32 to index
      %get3A_929 = tpu.vector_load %arg5[%get3A_926, %get3A_927, %get3A_928] {strides = array<i32>} : memref<16x8x512xf32, #tpu.memory_space<vmem>>, vector<1x1x16xf32>,
      %get3A_930 = vector.shape_cast %get3A_929 : vector<1x1x16xf32> to vector<16xf32>
      %mul3A_931 = arith.mulf %get3A_930, %get3A_852 : vector<16xf32>
      %add3A_932 = arith.addf %add3A_921, %mul3A_931 : vector<16xf32>
      %mul3A_933 = arith.constant 16 : i32
      %mul3A_934 = arith.muli %scan3A_795, %mul3A_933 : i32
      %get3A_935 = arith.constant 0 : i32
      %get3A_936 = arith.constant 6 : i32
      %get3A_937 = arith.index_cast %get3A_935 : i32 to index
      %get3A_938 = arith.index_cast %get3A_936 : i32 to index
      %get3A_939 = arith.index_cast %mul3A_934 : i32 to index
      %get3A_940 = tpu.vector_load %arg5[%get3A_937, %get3A_938, %get3A_939] {strides = array<i32>} : memref<16x8x512xf32, #tpu.memory_space<vmem>>, vector<1x1x16xf32>,
      %get3A_941 = vector.shape_cast %get3A_940 : vector<1x1x16xf32> to vector<16xf32>
      %mul3A_942 = arith.mulf %get3A_941, %get3A_859 : vector<16xf32>
      %add3A_943 = arith.addf %add3A_932, %mul3A_942 : vector<16xf32>
      %mul3A_944 = arith.constant 16 : i32
      %mul3A_945 = arith.muli %scan3A_795, %mul3A_944 : i32
      %get3A_946 = arith.constant 0 : i32
      %get3A_947 = arith.constant 7 : i32
      %get3A_948 = arith.index_cast %get3A_946 : i32 to index
      %get3A_949 = arith.index_cast %get3A_947 : i32 to index
      %get3A_950 = arith.index_cast %mul3A_945 : i32 to index
      %get3A_951 = tpu.vector_load %arg5[%get3A_948, %get3A_949, %get3A_950] {strides = array<i32>} : memref<16x8x512xf32, #tpu.memory_space<vmem>>, vector<1x1x16xf32>,
      %get3A_952 = vector.shape_cast %get3A_951 : vector<1x1x16xf32> to vector<16xf32>
      %mul3A_953 = arith.mulf %get3A_952, %get3A_866 : vector<16xf32>
      %add3A_954 = arith.addf %add3A_943, %mul3A_953 : vector<16xf32>
      %mul3A_955 = arith.constant 16 : i32
      %mul3A_956 = arith.muli %scan3A_795, %mul3A_955 : i32
      %get3A_957 = arith.constant 1 : i32
      %get3A_958 = arith.constant 0 : i32
      %get3A_959 = arith.index_cast %get3A_957 : i32 to index
      %get3A_960 = arith.index_cast %get3A_958 : i32 to index
      %get3A_961 = arith.index_cast %mul3A_956 : i32 to index
      %get3A_962 = tpu.vector_load %arg5[%get3A_959, %get3A_960, %get3A_961] {strides = array<i32>} : memref<16x8x512xf32, #tpu.memory_space<vmem>>, vector<1x1x16xf32>,
      %get3A_963 = vector.shape_cast %get3A_962 : vector<1x1x16xf32> to vector<16xf32>
      %mul3A_964 = arith.mulf %get3A_963, %get3A_817 : vector<16xf32>
      %add3A_965 = arith.addf %scan3A_797, %mul3A_964 : vector<16xf32>
      %mul3A_966 = arith.constant 16 : i32
      %mul3A_967 = arith.muli %scan3A_795, %mul3A_966 : i32
      %get3A_968 = arith.constant 1 : i32
      %get3A_969 = arith.constant 1 : i32
      %get3A_970 = arith.index_cast %get3A_968 : i32 to index
      %get3A_971 = arith.index_cast %get3A_969 : i32 to index
      %get3A_972 = arith.index_cast %mul3A_967 : i32 to index
      %get3A_973 = tpu.vector_load %arg5[%get3A_970, %get3A_971, %get3A_972] {strides = array<i32>} : memref<16x8x512xf32, #tpu.memory_space<vmem>>, vector<1x1x16xf32>,
      %get3A_974 = vector.shape_cast %get3A_973 : vector<1x1x16xf32> to vector<16xf32>
      %mul3A_975 = arith.mulf %get3A_974, %get3A_824 : vector<16xf32>
      %add3A_976 = arith.addf %add3A_965, %mul3A_975 : vector<16xf32>
      %mul3A_977 = arith.constant 16 : i32
      %mul3A_978 = arith.muli %scan3A_795, %mul3A_977 : i32
      %get3A_979 = arith.constant 1 : i32
      %get3A_980 = arith.constant 2 : i32
      %get3A_981 = arith.index_cast %get3A_979 : i32 to index
      %get3A_982 = arith.index_cast %get3A_980 : i32 to index
      %get3A_983 = arith.index_cast %mul3A_978 : i32 to index
      %get3A_984 = tpu.vector_load %arg5[%get3A_981, %get3A_982, %get3A_983] {strides = array<i32>} : memref<16x8x512xf32, #tpu.memory_space<vmem>>, vector<1x1x16xf32>,
      %get3A_985 = vector.shape_cast %get3A_984 : vector<1x1x16xf32> to vector<16xf32>
      %mul3A_986 = arith.mulf %get3A_985, %get3A_831 : vector<16xf32>
      %add3A_987 = arith.addf %add3A_976, %mul3A_986 : vector<16xf32>
      %mul3A_988 = arith.constant 16 : i32
      %mul3A_989 = arith.muli %scan3A_795, %mul3A_988 : i32
      %get3A_990 = arith.constant 1 : i32
      %get3A_991 = arith.constant 3 : i32
      %get3A_992 = arith.index_cast %get3A_990 : i32 to index
      %get3A_993 = arith.index_cast %get3A_991 : i32 to index
      %get3A_994 = arith.index_cast %mul3A_989 : i32 to index
      %get3A_995 = tpu.vector_load %arg5[%get3A_992, %get3A_993, %get3A_994] {strides = array<i32>} : memref<16x8x512xf32, #tpu.memory_space<vmem>>, vector<1x1x16xf32>,
      %get3A_996 = vector.shape_cast %get3A_995 : vector<1x1x16xf32> to vector<16xf32>
      %mul3A_997 = arith.mulf %get3A_996, %get3A_838 : vector<16xf32>
      %add3A_998 = arith.addf %add3A_987, %mul3A_997 : vector<16xf32>
      %mul3A_999 = arith.constant 16 : i32
      %mul3A_1000 = arith.muli %scan3A_795, %mul3A_999 : i32
      %get3A_1001 = arith.constant 1 : i32
      %get3A_1002 = arith.constant 4 : i32
      %get3A_1003 = arith.index_cast %get3A_1001 : i32 to index
      %get3A_1004 = arith.index_cast %get3A_1002 : i32 to index
      %get3A_1005 = arith.index_cast %mul3A_1000 : i32 to index
      %get3A_1006 = tpu.vector_load %arg5[%get3A_1003, %get3A_1004, %get3A_1005] {strides = array<i32>} : memref<16x8x512xf32, #tpu.memory_space<vmem>>, vector<1x1x16xf32>,
      %get3A_1007 = vector.shape_cast %get3A_1006 : vector<1x1x16xf32> to vector<16xf32>
      %mul3A_1008 = arith.mulf %get3A_1007, %get3A_845 : vector<16xf32>
      %add3A_1009 = arith.addf %add3A_998, %mul3A_1008 : vector<16xf32>
      %mul3A_1010 = arith.constant 16 : i32
      %mul3A_1011 = arith.muli %scan3A_795, %mul3A_1010 : i32
      %get3A_1012 = arith.constant 1 : i32
      %get3A_1013 = arith.constant 5 : i32
      %get3A_1014 = arith.index_cast %get3A_1012 : i32 to index
      %get3A_1015 = arith.index_cast %get3A_1013 : i32 to index
      %get3A_1016 = arith.index_cast %mul3A_1011 : i32 to index
      %get3A_1017 = tpu.vector_load %arg5[%get3A_1014, %get3A_1015, %get3A_1016] {strides = array<i32>} : memref<16x8x512xf32, #tpu.memory_space<vmem>>, vector<1x1x16xf32>,
      %get3A_1018 = vector.shape_cast %get3A_1017 : vector<1x1x16xf32> to vector<16xf32>
      %mul3A_1019 = arith.mulf %get3A_1018, %get3A_852 : vector<16xf32>
      %add3A_1020 = arith.addf %add3A_1009, %mul3A_1019 : vector<16xf32>
      %mul3A_1021 = arith.constant 16 : i32
      %mul3A_1022 = arith.muli %scan3A_795, %mul3A_1021 : i32
      %get3A_1023 = arith.constant 1 : i32
      %get3A_1024 = arith.constant 6 : i32
      %get3A_1025 = arith.index_cast %get3A_1023 : i32 to index
      %get3A_1026 = arith.index_cast %get3A_1024 : i32 to index
      %get3A_1027 = arith.index_cast %mul3A_1022 : i32 to index
      %get3A_1028 = tpu.vector_load %arg5[%get3A_1025, %get3A_1026, %get3A_1027] {strides = array<i32>} : memref<16x8x512xf32, #tpu.memory_space<vmem>>, vector<1x1x16xf32>,
      %get3A_1029 = vector.shape_cast %get3A_1028 : vector<1x1x16xf32> to vector<16xf32>
      %mul3A_1030 = arith.mulf %get3A_1029, %get3A_859 : vector<16xf32>
      %add3A_1031 = arith.addf %add3A_1020, %mul3A_1030 : vector<16xf32>
      %mul3A_1032 = arith.constant 16 : i32
      %mul3A_1033 = arith.muli %scan3A_795, %mul3A_1032 : i32
      %get3A_1034 = arith.constant 1 : i32
      %get3A_1035 = arith.constant 7 : i32
      %get3A_1036 = arith.index_cast %get3A_1034 : i32 to index
      %get3A_1037 = arith.index_cast %get3A_1035 : i32 to index
      %get3A_1038 = arith.index_cast %mul3A_1033 : i32 to index
      %get3A_1039 = tpu.vector_load %arg5[%get3A_1036, %get3A_1037, %get3A_1038] {strides = array<i32>} : memref<16x8x512xf32, #tpu.memory_space<vmem>>, vector<1x1x16xf32>,
      %get3A_1040 = vector.shape_cast %get3A_1039 : vector<1x1x16xf32> to vector<16xf32>
      %mul3A_1041 = arith.mulf %get3A_1040, %get3A_866 : vector<16xf32>
      %add3A_1042 = arith.addf %add3A_1031, %mul3A_1041 : vector<16xf32>
      %mul3A_1043 = arith.constant 16 : i32
      %mul3A_1044 = arith.muli %scan3A_795, %mul3A_1043 : i32
      %get3A_1045 = arith.constant 2 : i32
      %get3A_1046 = arith.constant 0 : i32
      %get3A_1047 = arith.index_cast %get3A_1045 : i32 to index
      %get3A_1048 = arith.index_cast %get3A_1046 : i32 to index
      %get3A_1049 = arith.index_cast %mul3A_1044 : i32 to index
      %get3A_1050 = tpu.vector_load %arg5[%get3A_1047, %get3A_1048, %get3A_1049] {strides = array<i32>} : memref<16x8x512xf32, #tpu.memory_space<vmem>>, vector<1x1x16xf32>,
      %get3A_1051 = vector.shape_cast %get3A_1050 : vector<1x1x16xf32> to vector<16xf32>
      %mul3A_1052 = arith.mulf %get3A_1051, %get3A_817 : vector<16xf32>
      %add3A_1053 = arith.addf %scan3A_798, %mul3A_1052 : vector<16xf32>
      %mul3A_1054 = arith.constant 16 : i32
      %mul3A_1055 = arith.muli %scan3A_795, %mul3A_1054 : i32
      %get3A_1056 = arith.constant 2 : i32
      %get3A_1057 = arith.constant 1 : i32
      %get3A_1058 = arith.index_cast %get3A_1056 : i32 to index
      %get3A_1059 = arith.index_cast %get3A_1057 : i32 to index
      %get3A_1060 = arith.index_cast %mul3A_1055 : i32 to index
      %get3A_1061 = tpu.vector_load %arg5[%get3A_1058, %get3A_1059, %get3A_1060] {strides = array<i32>} : memref<16x8x512xf32, #tpu.memory_space<vmem>>, vector<1x1x16xf32>,
      %get3A_1062 = vector.shape_cast %get3A_1061 : vector<1x1x16xf32> to vector<16xf32>
      %mul3A_1063 = arith.mulf %get3A_1062, %get3A_824 : vector<16xf32>
      %add3A_1064 = arith.addf %add3A_1053, %mul3A_1063 : vector<16xf32>
      %mul3A_1065 = arith.constant 16 : i32
      %mul3A_1066 = arith.muli %scan3A_795, %mul3A_1065 : i32
      %get3A_1067 = arith.constant 2 : i32
      %get3A_1068 = arith.constant 2 : i32
      %get3A_1069 = arith.index_cast %get3A_1067 : i32 to index
      %get3A_1070 = arith.index_cast %get3A_1068 : i32 to index
      %get3A_1071 = arith.index_cast %mul3A_1066 : i32 to index
      %get3A_1072 = tpu.vector_load %arg5[%get3A_1069, %get3A_1070, %get3A_1071] {strides = array<i32>} : memref<16x8x512xf32, #tpu.memory_space<vmem>>, vector<1x1x16xf32>,
      %get3A_1073 = vector.shape_cast %get3A_1072 : vector<1x1x16xf32> to vector<16xf32>
      %mul3A_1074 = arith.mulf %get3A_1073, %get3A_831 : vector<16xf32>
      %add3A_1075 = arith.addf %add3A_1064, %mul3A_1074 : vector<16xf32>
      %mul3A_1076 = arith.constant 16 : i32
      %mul3A_1077 = arith.muli %scan3A_795, %mul3A_1076 : i32
      %get3A_1078 = arith.constant 2 : i32
      %get3A_1079 = arith.constant 3 : i32
      %get3A_1080 = arith.index_cast %get3A_1078 : i32 to index
      %get3A_1081 = arith.index_cast %get3A_1079 : i32 to index
      %get3A_1082 = arith.index_cast %mul3A_1077 : i32 to index
      %get3A_1083 = tpu.vector_load %arg5[%get3A_1080, %get3A_1081, %get3A_1082] {strides = array<i32>} : memref<16x8x512xf32, #tpu.memory_space<vmem>>, vector<1x1x16xf32>,
      %get3A_1084 = vector.shape_cast %get3A_1083 : vector<1x1x16xf32> to vector<16xf32>
      %mul3A_1085 = arith.mulf %get3A_1084, %get3A_838 : vector<16xf32>
      %add3A_1086 = arith.addf %add3A_1075, %mul3A_1085 : vector<16xf32>
      %mul3A_1087 = arith.constant 16 : i32
      %mul3A_1088 = arith.muli %scan3A_795, %mul3A_1087 : i32
      %get3A_1089 = arith.constant 2 : i32
      %get3A_1090 = arith.constant 4 : i32
      %get3A_1091 = arith.index_cast %get3A_1089 : i32 to index
      %get3A_1092 = arith.index_cast %get3A_1090 : i32 to index
      %get3A_1093 = arith.index_cast %mul3A_1088 : i32 to index
      %get3A_1094 = tpu.vector_load %arg5[%get3A_1091, %get3A_1092, %get3A_1093] {strides = array<i32>} : memref<16x8x512xf32, #tpu.memory_space<vmem>>, vector<1x1x16xf32>,
      %get3A_1095 = vector.shape_cast %get3A_1094 : vector<1x1x16xf32> to vector<16xf32>
      %mul3A_1096 = arith.mulf %get3A_1095, %get3A_845 : vector<16xf32>
      %add3A_1097 = arith.addf %add3A_1086, %mul3A_1096 : vector<16xf32>
      %mul3A_1098 = arith.constant 16 : i32
      %mul3A_1099 = arith.muli %scan3A_795, %mul3A_1098 : i32
      %get3A_1100 = arith.constant 2 : i32
      %get3A_1101 = arith.constant 5 : i32
      %get3A_1102 = arith.index_cast %get3A_1100 : i32 to index
      %get3A_1103 = arith.index_cast %get3A_1101 : i32 to index
      %get3A_1104 = arith.index_cast %mul3A_1099 : i32 to index
      %get3A_1105 = tpu.vector_load %arg5[%get3A_1102, %get3A_1103, %get3A_1104] {strides = array<i32>} : memref<16x8x512xf32, #tpu.memory_space<vmem>>, vector<1x1x16xf32>,
      %get3A_1106 = vector.shape_cast %get3A_1105 : vector<1x1x16xf32> to vector<16xf32>
      %mul3A_1107 = arith.mulf %get3A_1106, %get3A_852 : vector<16xf32>
      %add3A_1108 = arith.addf %add3A_1097, %mul3A_1107 : vector<16xf32>
      %mul3A_1109 = arith.constant 16 : i32
      %mul3A_1110 = arith.muli %scan3A_795, %mul3A_1109 : i32
      %get3A_1111 = arith.constant 2 : i32
      %get3A_1112 = arith.constant 6 : i32
      %get3A_1113 = arith.index_cast %get3A_1111 : i32 to index
      %get3A_1114 = arith.index_cast %get3A_1112 : i32 to index
      %get3A_1115 = arith.index_cast %mul3A_1110 : i32 to index
      %get3A_1116 = tpu.vector_load %arg5[%get3A_1113, %get3A_1114, %get3A_1115] {strides = array<i32>} : memref<16x8x512xf32, #tpu.memory_space<vmem>>, vector<1x1x16xf32>,
      %get3A_1117 = vector.shape_cast %get3A_1116 : vector<1x1x16xf32> to vector<16xf32>
      %mul3A_1118 = arith.mulf %get3A_1117, %get3A_859 : vector<16xf32>
      %add3A_1119 = arith.addf %add3A_1108, %mul3A_1118 : vector<16xf32>
      %mul3A_1120 = arith.constant 16 : i32
      %mul3A_1121 = arith.muli %scan3A_795, %mul3A_1120 : i32
      %get3A_1122 = arith.constant 2 : i32
      %get3A_1123 = arith.constant 7 : i32
      %get3A_1124 = arith.index_cast %get3A_1122 : i32 to index
      %get3A_1125 = arith.index_cast %get3A_1123 : i32 to index
      %get3A_1126 = arith.index_cast %mul3A_1121 : i32 to index
      %get3A_1127 = tpu.vector_load %arg5[%get3A_1124, %get3A_1125, %get3A_1126] {strides = array<i32>} : memref<16x8x512xf32, #tpu.memory_space<vmem>>, vector<1x1x16xf32>,
      %get3A_1128 = vector.shape_cast %get3A_1127 : vector<1x1x16xf32> to vector<16xf32>
      %mul3A_1129 = arith.mulf %get3A_1128, %get3A_866 : vector<16xf32>
      %add3A_1130 = arith.addf %add3A_1119, %mul3A_1129 : vector<16xf32>
      %mul3A_1131 = arith.constant 16 : i32
      %mul3A_1132 = arith.muli %scan3A_795, %mul3A_1131 : i32
      %get3A_1133 = arith.constant 3 : i32
      %get3A_1134 = arith.constant 0 : i32
      %get3A_1135 = arith.index_cast %get3A_1133 : i32 to index
      %get3A_1136 = arith.index_cast %get3A_1134 : i32 to index
      %get3A_1137 = arith.index_cast %mul3A_1132 : i32 to index
      %get3A_1138 = tpu.vector_load %arg5[%get3A_1135, %get3A_1136, %get3A_1137] {strides = array<i32>} : memref<16x8x512xf32, #tpu.memory_space<vmem>>, vector<1x1x16xf32>,
      %get3A_1139 = vector.shape_cast %get3A_1138 : vector<1x1x16xf32> to vector<16xf32>
      %mul3A_1140 = arith.mulf %get3A_1139, %get3A_817 : vector<16xf32>
      %add3A_1141 = arith.addf %scan3A_799, %mul3A_1140 : vector<16xf32>
      %mul3A_1142 = arith.constant 16 : i32
      %mul3A_1143 = arith.muli %scan3A_795, %mul3A_1142 : i32
      %get3A_1144 = arith.constant 3 : i32
      %get3A_1145 = arith.constant 1 : i32
      %get3A_1146 = arith.index_cast %get3A_1144 : i32 to index
      %get3A_1147 = arith.index_cast %get3A_1145 : i32 to index
      %get3A_1148 = arith.index_cast %mul3A_1143 : i32 to index
      %get3A_1149 = tpu.vector_load %arg5[%get3A_1146, %get3A_1147, %get3A_1148] {strides = array<i32>} : memref<16x8x512xf32, #tpu.memory_space<vmem>>, vector<1x1x16xf32>,
      %get3A_1150 = vector.shape_cast %get3A_1149 : vector<1x1x16xf32> to vector<16xf32>
      %mul3A_1151 = arith.mulf %get3A_1150, %get3A_824 : vector<16xf32>
      %add3A_1152 = arith.addf %add3A_1141, %mul3A_1151 : vector<16xf32>
      %mul3A_1153 = arith.constant 16 : i32
      %mul3A_1154 = arith.muli %scan3A_795, %mul3A_1153 : i32
      %get3A_1155 = arith.constant 3 : i32
      %get3A_1156 = arith.constant 2 : i32
      %get3A_1157 = arith.index_cast %get3A_1155 : i32 to index
      %get3A_1158 = arith.index_cast %get3A_1156 : i32 to index
      %get3A_1159 = arith.index_cast %mul3A_1154 : i32 to index
      %get3A_1160 = tpu.vector_load %arg5[%get3A_1157, %get3A_1158, %get3A_1159] {strides = array<i32>} : memref<16x8x512xf32, #tpu.memory_space<vmem>>, vector<1x1x16xf32>,
      %get3A_1161 = vector.shape_cast %get3A_1160 : vector<1x1x16xf32> to vector<16xf32>
      %mul3A_1162 = arith.mulf %get3A_1161, %get3A_831 : vector<16xf32>
      %add3A_1163 = arith.addf %add3A_1152, %mul3A_1162 : vector<16xf32>
      %mul3A_1164 = arith.constant 16 : i32
      %mul3A_1165 = arith.muli %scan3A_795, %mul3A_1164 : i32
      %get3A_1166 = arith.constant 3 : i32
      %get3A_1167 = arith.constant 3 : i32
      %get3A_1168 = arith.index_cast %get3A_1166 : i32 to index
      %get3A_1169 = arith.index_cast %get3A_1167 : i32 to index
      %get3A_1170 = arith.index_cast %mul3A_1165 : i32 to index
      %get3A_1171 = tpu.vector_load %arg5[%get3A_1168, %get3A_1169, %get3A_1170] {strides = array<i32>} : memref<16x8x512xf32, #tpu.memory_space<vmem>>, vector<1x1x16xf32>,
      %get3A_1172 = vector.shape_cast %get3A_1171 : vector<1x1x16xf32> to vector<16xf32>
      %mul3A_1173 = arith.mulf %get3A_1172, %get3A_838 : vector<16xf32>
      %add3A_1174 = arith.addf %add3A_1163, %mul3A_1173 : vector<16xf32>
      %mul3A_1175 = arith.constant 16 : i32
      %mul3A_1176 = arith.muli %scan3A_795, %mul3A_1175 : i32
      %get3A_1177 = arith.constant 3 : i32
      %get3A_1178 = arith.constant 4 : i32
      %get3A_1179 = arith.index_cast %get3A_1177 : i32 to index
      %get3A_1180 = arith.index_cast %get3A_1178 : i32 to index
      %get3A_1181 = arith.index_cast %mul3A_1176 : i32 to index
      %get3A_1182 = tpu.vector_load %arg5[%get3A_1179, %get3A_1180, %get3A_1181] {strides = array<i32>} : memref<16x8x512xf32, #tpu.memory_space<vmem>>, vector<1x1x16xf32>,
      %get3A_1183 = vector.shape_cast %get3A_1182 : vector<1x1x16xf32> to vector<16xf32>
      %mul3A_1184 = arith.mulf %get3A_1183, %get3A_845 : vector<16xf32>
      %add3A_1185 = arith.addf %add3A_1174, %mul3A_1184 : vector<16xf32>
      %mul3A_1186 = arith.constant 16 : i32
      %mul3A_1187 = arith.muli %scan3A_795, %mul3A_1186 : i32
      %get3A_1188 = arith.constant 3 : i32
      %get3A_1189 = arith.constant 5 : i32
      %get3A_1190 = arith.index_cast %get3A_1188 : i32 to index
      %get3A_1191 = arith.index_cast %get3A_1189 : i32 to index
      %get3A_1192 = arith.index_cast %mul3A_1187 : i32 to index
      %get3A_1193 = tpu.vector_load %arg5[%get3A_1190, %get3A_1191, %get3A_1192] {strides = array<i32>} : memref<16x8x512xf32, #tpu.memory_space<vmem>>, vector<1x1x16xf32>,
      %get3A_1194 = vector.shape_cast %get3A_1193 : vector<1x1x16xf32> to vector<16xf32>
      %mul3A_1195 = arith.mulf %get3A_1194, %get3A_852 : vector<16xf32>
      %add3A_1196 = arith.addf %add3A_1185, %mul3A_1195 : vector<16xf32>
      %mul3A_1197 = arith.constant 16 : i32
      %mul3A_1198 = arith.muli %scan3A_795, %mul3A_1197 : i32
      %get3A_1199 = arith.constant 3 : i32
      %get3A_1200 = arith.constant 6 : i32
      %get3A_1201 = arith.index_cast %get3A_1199 : i32 to index
      %get3A_1202 = arith.index_cast %get3A_1200 : i32 to index
      %get3A_1203 = arith.index_cast %mul3A_1198 : i32 to index
      %get3A_1204 = tpu.vector_load %arg5[%get3A_1201, %get3A_1202, %get3A_1203] {strides = array<i32>} : memref<16x8x512xf32, #tpu.memory_space<vmem>>, vector<1x1x16xf32>,
      %get3A_1205 = vector.shape_cast %get3A_1204 : vector<1x1x16xf32> to vector<16xf32>
      %mul3A_1206 = arith.mulf %get3A_1205, %get3A_859 : vector<16xf32>
      %add3A_1207 = arith.addf %add3A_1196, %mul3A_1206 : vector<16xf32>
      %mul3A_1208 = arith.constant 16 : i32
      %mul3A_1209 = arith.muli %scan3A_795, %mul3A_1208 : i32
      %get3A_1210 = arith.constant 3 : i32
      %get3A_1211 = arith.constant 7 : i32
      %get3A_1212 = arith.index_cast %get3A_1210 : i32 to index
      %get3A_1213 = arith.index_cast %get3A_1211 : i32 to index
      %get3A_1214 = arith.index_cast %mul3A_1209 : i32 to index
      %get3A_1215 = tpu.vector_load %arg5[%get3A_1212, %get3A_1213, %get3A_1214] {strides = array<i32>} : memref<16x8x512xf32, #tpu.memory_space<vmem>>, vector<1x1x16xf32>,
      %get3A_1216 = vector.shape_cast %get3A_1215 : vector<1x1x16xf32> to vector<16xf32>
      %mul3A_1217 = arith.mulf %get3A_1216, %get3A_866 : vector<16xf32>
      %add3A_1218 = arith.addf %add3A_1207, %mul3A_1217 : vector<16xf32>
      %mul3A_1219 = arith.constant 16 : i32
      %mul3A_1220 = arith.muli %scan3A_795, %mul3A_1219 : i32
      %get3A_1221 = arith.constant 4 : i32
      %get3A_1222 = arith.constant 0 : i32
      %get3A_1223 = arith.index_cast %get3A_1221 : i32 to index
      %get3A_1224 = arith.index_cast %get3A_1222 : i32 to index
      %get3A_1225 = arith.index_cast %mul3A_1220 : i32 to index
      %get3A_1226 = tpu.vector_load %arg5[%get3A_1223, %get3A_1224, %get3A_1225] {strides = array<i32>} : memref<16x8x512xf32, #tpu.memory_space<vmem>>, vector<1x1x16xf32>,
      %get3A_1227 = vector.shape_cast %get3A_1226 : vector<1x1x16xf32> to vector<16xf32>
      %mul3A_1228 = arith.mulf %get3A_1227, %get3A_817 : vector<16xf32>
      %add3A_1229 = arith.addf %scan3A_800, %mul3A_1228 : vector<16xf32>
      %mul3A_1230 = arith.constant 16 : i32
      %mul3A_1231 = arith.muli %scan3A_795, %mul3A_1230 : i32
      %get3A_1232 = arith.constant 4 : i32
      %get3A_1233 = arith.constant 1 : i32
      %get3A_1234 = arith.index_cast %get3A_1232 : i32 to index
      %get3A_1235 = arith.index_cast %get3A_1233 : i32 to index
      %get3A_1236 = arith.index_cast %mul3A_1231 : i32 to index
      %get3A_1237 = tpu.vector_load %arg5[%get3A_1234, %get3A_1235, %get3A_1236] {strides = array<i32>} : memref<16x8x512xf32, #tpu.memory_space<vmem>>, vector<1x1x16xf32>,
      %get3A_1238 = vector.shape_cast %get3A_1237 : vector<1x1x16xf32> to vector<16xf32>
      %mul3A_1239 = arith.mulf %get3A_1238, %get3A_824 : vector<16xf32>
      %add3A_1240 = arith.addf %add3A_1229, %mul3A_1239 : vector<16xf32>
      %mul3A_1241 = arith.constant 16 : i32
      %mul3A_1242 = arith.muli %scan3A_795, %mul3A_1241 : i32
      %get3A_1243 = arith.constant 4 : i32
      %get3A_1244 = arith.constant 2 : i32
      %get3A_1245 = arith.index_cast %get3A_1243 : i32 to index
      %get3A_1246 = arith.index_cast %get3A_1244 : i32 to index
      %get3A_1247 = arith.index_cast %mul3A_1242 : i32 to index
      %get3A_1248 = tpu.vector_load %arg5[%get3A_1245, %get3A_1246, %get3A_1247] {strides = array<i32>} : memref<16x8x512xf32, #tpu.memory_space<vmem>>, vector<1x1x16xf32>,
      %get3A_1249 = vector.shape_cast %get3A_1248 : vector<1x1x16xf32> to vector<16xf32>
      %mul3A_1250 = arith.mulf %get3A_1249, %get3A_831 : vector<16xf32>
      %add3A_1251 = arith.addf %add3A_1240, %mul3A_1250 : vector<16xf32>
      %mul3A_1252 = arith.constant 16 : i32
      %mul3A_1253 = arith.muli %scan3A_795, %mul3A_1252 : i32
      %get3A_1254 = arith.constant 4 : i32
      %get3A_1255 = arith.constant 3 : i32
      %get3A_1256 = arith.index_cast %get3A_1254 : i32 to index
      %get3A_1257 = arith.index_cast %get3A_1255 : i32 to index
      %get3A_1258 = arith.index_cast %mul3A_1253 : i32 to index
      %get3A_1259 = tpu.vector_load %arg5[%get3A_1256, %get3A_1257, %get3A_1258] {strides = array<i32>} : memref<16x8x512xf32, #tpu.memory_space<vmem>>, vector<1x1x16xf32>,
      %get3A_1260 = vector.shape_cast %get3A_1259 : vector<1x1x16xf32> to vector<16xf32>
      %mul3A_1261 = arith.mulf %get3A_1260, %get3A_838 : vector<16xf32>
      %add3A_1262 = arith.addf %add3A_1251, %mul3A_1261 : vector<16xf32>
      %mul3A_1263 = arith.constant 16 : i32
      %mul3A_1264 = arith.muli %scan3A_795, %mul3A_1263 : i32
      %get3A_1265 = arith.constant 4 : i32
      %get3A_1266 = arith.constant 4 : i32
      %get3A_1267 = arith.index_cast %get3A_1265 : i32 to index
      %get3A_1268 = arith.index_cast %get3A_1266 : i32 to index
      %get3A_1269 = arith.index_cast %mul3A_1264 : i32 to index
      %get3A_1270 = tpu.vector_load %arg5[%get3A_1267, %get3A_1268, %get3A_1269] {strides = array<i32>} : memref<16x8x512xf32, #tpu.memory_space<vmem>>, vector<1x1x16xf32>,
      %get3A_1271 = vector.shape_cast %get3A_1270 : vector<1x1x16xf32> to vector<16xf32>
      %mul3A_1272 = arith.mulf %get3A_1271, %get3A_845 : vector<16xf32>
      %add3A_1273 = arith.addf %add3A_1262, %mul3A_1272 : vector<16xf32>
      %mul3A_1274 = arith.constant 16 : i32
      %mul3A_1275 = arith.muli %scan3A_795, %mul3A_1274 : i32
      %get3A_1276 = arith.constant 4 : i32
      %get3A_1277 = arith.constant 5 : i32
      %get3A_1278 = arith.index_cast %get3A_1276 : i32 to index
      %get3A_1279 = arith.index_cast %get3A_1277 : i32 to index
      %get3A_1280 = arith.index_cast %mul3A_1275 : i32 to index
      %get3A_1281 = tpu.vector_load %arg5[%get3A_1278, %get3A_1279, %get3A_1280] {strides = array<i32>} : memref<16x8x512xf32, #tpu.memory_space<vmem>>, vector<1x1x16xf32>,
      %get3A_1282 = vector.shape_cast %get3A_1281 : vector<1x1x16xf32> to vector<16xf32>
      %mul3A_1283 = arith.mulf %get3A_1282, %get3A_852 : vector<16xf32>
      %add3A_1284 = arith.addf %add3A_1273, %mul3A_1283 : vector<16xf32>
      %mul3A_1285 = arith.constant 16 : i32
      %mul3A_1286 = arith.muli %scan3A_795, %mul3A_1285 : i32
      %get3A_1287 = arith.constant 4 : i32
      %get3A_1288 = arith.constant 6 : i32
      %get3A_1289 = arith.index_cast %get3A_1287 : i32 to index
      %get3A_1290 = arith.index_cast %get3A_1288 : i32 to index
      %get3A_1291 = arith.index_cast %mul3A_1286 : i32 to index
      %get3A_1292 = tpu.vector_load %arg5[%get3A_1289, %get3A_1290, %get3A_1291] {strides = array<i32>} : memref<16x8x512xf32, #tpu.memory_space<vmem>>, vector<1x1x16xf32>,
      %get3A_1293 = vector.shape_cast %get3A_1292 : vector<1x1x16xf32> to vector<16xf32>
      %mul3A_1294 = arith.mulf %get3A_1293, %get3A_859 : vector<16xf32>
      %add3A_1295 = arith.addf %add3A_1284, %mul3A_1294 : vector<16xf32>
      %mul3A_1296 = arith.constant 16 : i32
      %mul3A_1297 = arith.muli %scan3A_795, %mul3A_1296 : i32
      %get3A_1298 = arith.constant 4 : i32
      %get3A_1299 = arith.constant 7 : i32
      %get3A_1300 = arith.index_cast %get3A_1298 : i32 to index
      %get3A_1301 = arith.index_cast %get3A_1299 : i32 to index
      %get3A_1302 = arith.index_cast %mul3A_1297 : i32 to index
      %get3A_1303 = tpu.vector_load %arg5[%get3A_1300, %get3A_1301, %get3A_1302] {strides = array<i32>} : memref<16x8x512xf32, #tpu.memory_space<vmem>>, vector<1x1x16xf32>,
      %get3A_1304 = vector.shape_cast %get3A_1303 : vector<1x1x16xf32> to vector<16xf32>
      %mul3A_1305 = arith.mulf %get3A_1304, %get3A_866 : vector<16xf32>
      %add3A_1306 = arith.addf %add3A_1295, %mul3A_1305 : vector<16xf32>
      %mul3A_1307 = arith.constant 16 : i32
      %mul3A_1308 = arith.muli %scan3A_795, %mul3A_1307 : i32
      %get3A_1309 = arith.constant 5 : i32
      %get3A_1310 = arith.constant 0 : i32
      %get3A_1311 = arith.index_cast %get3A_1309 : i32 to index
      %get3A_1312 = arith.index_cast %get3A_1310 : i32 to index
      %get3A_1313 = arith.index_cast %mul3A_1308 : i32 to index
      %get3A_1314 = tpu.vector_load %arg5[%get3A_1311, %get3A_1312, %get3A_1313] {strides = array<i32>} : memref<16x8x512xf32, #tpu.memory_space<vmem>>, vector<1x1x16xf32>,
      %get3A_1315 = vector.shape_cast %get3A_1314 : vector<1x1x16xf32> to vector<16xf32>
      %mul3A_1316 = arith.mulf %get3A_1315, %get3A_817 : vector<16xf32>
      %add3A_1317 = arith.addf %scan3A_801, %mul3A_1316 : vector<16xf32>
      %mul3A_1318 = arith.constant 16 : i32
      %mul3A_1319 = arith.muli %scan3A_795, %mul3A_1318 : i32
      %get3A_1320 = arith.constant 5 : i32
      %get3A_1321 = arith.constant 1 : i32
      %get3A_1322 = arith.index_cast %get3A_1320 : i32 to index
      %get3A_1323 = arith.index_cast %get3A_1321 : i32 to index
      %get3A_1324 = arith.index_cast %mul3A_1319 : i32 to index
      %get3A_1325 = tpu.vector_load %arg5[%get3A_1322, %get3A_1323, %get3A_1324] {strides = array<i32>} : memref<16x8x512xf32, #tpu.memory_space<vmem>>, vector<1x1x16xf32>,
      %get3A_1326 = vector.shape_cast %get3A_1325 : vector<1x1x16xf32> to vector<16xf32>
      %mul3A_1327 = arith.mulf %get3A_1326, %get3A_824 : vector<16xf32>
      %add3A_1328 = arith.addf %add3A_1317, %mul3A_1327 : vector<16xf32>
      %mul3A_1329 = arith.constant 16 : i32
      %mul3A_1330 = arith.muli %scan3A_795, %mul3A_1329 : i32
      %get3A_1331 = arith.constant 5 : i32
      %get3A_1332 = arith.constant 2 : i32
      %get3A_1333 = arith.index_cast %get3A_1331 : i32 to index
      %get3A_1334 = arith.index_cast %get3A_1332 : i32 to index
      %get3A_1335 = arith.index_cast %mul3A_1330 : i32 to index
      %get3A_1336 = tpu.vector_load %arg5[%get3A_1333, %get3A_1334, %get3A_1335] {strides = array<i32>} : memref<16x8x512xf32, #tpu.memory_space<vmem>>, vector<1x1x16xf32>,
      %get3A_1337 = vector.shape_cast %get3A_1336 : vector<1x1x16xf32> to vector<16xf32>
      %mul3A_1338 = arith.mulf %get3A_1337, %get3A_831 : vector<16xf32>
      %add3A_1339 = arith.addf %add3A_1328, %mul3A_1338 : vector<16xf32>
      %mul3A_1340 = arith.constant 16 : i32
      %mul3A_1341 = arith.muli %scan3A_795, %mul3A_1340 : i32
      %get3A_1342 = arith.constant 5 : i32
      %get3A_1343 = arith.constant 3 : i32
      %get3A_1344 = arith.index_cast %get3A_1342 : i32 to index
      %get3A_1345 = arith.index_cast %get3A_1343 : i32 to index
      %get3A_1346 = arith.index_cast %mul3A_1341 : i32 to index
      %get3A_1347 = tpu.vector_load %arg5[%get3A_1344, %get3A_1345, %get3A_1346] {strides = array<i32>} : memref<16x8x512xf32, #tpu.memory_space<vmem>>, vector<1x1x16xf32>,
      %get3A_1348 = vector.shape_cast %get3A_1347 : vector<1x1x16xf32> to vector<16xf32>
      %mul3A_1349 = arith.mulf %get3A_1348, %get3A_838 : vector<16xf32>
      %add3A_1350 = arith.addf %add3A_1339, %mul3A_1349 : vector<16xf32>
      %mul3A_1351 = arith.constant 16 : i32
      %mul3A_1352 = arith.muli %scan3A_795, %mul3A_1351 : i32
      %get3A_1353 = arith.constant 5 : i32
      %get3A_1354 = arith.constant 4 : i32
      %get3A_1355 = arith.index_cast %get3A_1353 : i32 to index
      %get3A_1356 = arith.index_cast %get3A_1354 : i32 to index
      %get3A_1357 = arith.index_cast %mul3A_1352 : i32 to index
      %get3A_1358 = tpu.vector_load %arg5[%get3A_1355, %get3A_1356, %get3A_1357] {strides = array<i32>} : memref<16x8x512xf32, #tpu.memory_space<vmem>>, vector<1x1x16xf32>,
      %get3A_1359 = vector.shape_cast %get3A_1358 : vector<1x1x16xf32> to vector<16xf32>
      %mul3A_1360 = arith.mulf %get3A_1359, %get3A_845 : vector<16xf32>
      %add3A_1361 = arith.addf %add3A_1350, %mul3A_1360 : vector<16xf32>
      %mul3A_1362 = arith.constant 16 : i32
      %mul3A_1363 = arith.muli %scan3A_795, %mul3A_1362 : i32
      %get3A_1364 = arith.constant 5 : i32
      %get3A_1365 = arith.constant 5 : i32
      %get3A_1366 = arith.index_cast %get3A_1364 : i32 to index
      %get3A_1367 = arith.index_cast %get3A_1365 : i32 to index
      %get3A_1368 = arith.index_cast %mul3A_1363 : i32 to index
      %get3A_1369 = tpu.vector_load %arg5[%get3A_1366, %get3A_1367, %get3A_1368] {strides = array<i32>} : memref<16x8x512xf32, #tpu.memory_space<vmem>>, vector<1x1x16xf32>,
      %get3A_1370 = vector.shape_cast %get3A_1369 : vector<1x1x16xf32> to vector<16xf32>
      %mul3A_1371 = arith.mulf %get3A_1370, %get3A_852 : vector<16xf32>
      %add3A_1372 = arith.addf %add3A_1361, %mul3A_1371 : vector<16xf32>
      %mul3A_1373 = arith.constant 16 : i32
      %mul3A_1374 = arith.muli %scan3A_795, %mul3A_1373 : i32
      %get3A_1375 = arith.constant 5 : i32
      %get3A_1376 = arith.constant 6 : i32
      %get3A_1377 = arith.index_cast %get3A_1375 : i32 to index
      %get3A_1378 = arith.index_cast %get3A_1376 : i32 to index
      %get3A_1379 = arith.index_cast %mul3A_1374 : i32 to index
      %get3A_1380 = tpu.vector_load %arg5[%get3A_1377, %get3A_1378, %get3A_1379] {strides = array<i32>} : memref<16x8x512xf32, #tpu.memory_space<vmem>>, vector<1x1x16xf32>,
      %get3A_1381 = vector.shape_cast %get3A_1380 : vector<1x1x16xf32> to vector<16xf32>
      %mul3A_1382 = arith.mulf %get3A_1381, %get3A_859 : vector<16xf32>
      %add3A_1383 = arith.addf %add3A_1372, %mul3A_1382 : vector<16xf32>
      %mul3A_1384 = arith.constant 16 : i32
      %mul3A_1385 = arith.muli %scan3A_795, %mul3A_1384 : i32
      %get3A_1386 = arith.constant 5 : i32
      %get3A_1387 = arith.constant 7 : i32
      %get3A_1388 = arith.index_cast %get3A_1386 : i32 to index
      %get3A_1389 = arith.index_cast %get3A_1387 : i32 to index
      %get3A_1390 = arith.index_cast %mul3A_1385 : i32 to index
      %get3A_1391 = tpu.vector_load %arg5[%get3A_1388, %get3A_1389, %get3A_1390] {strides = array<i32>} : memref<16x8x512xf32, #tpu.memory_space<vmem>>, vector<1x1x16xf32>,
      %get3A_1392 = vector.shape_cast %get3A_1391 : vector<1x1x16xf32> to vector<16xf32>
      %mul3A_1393 = arith.mulf %get3A_1392, %get3A_866 : vector<16xf32>
      %add3A_1394 = arith.addf %add3A_1383, %mul3A_1393 : vector<16xf32>
      %mul3A_1395 = arith.constant 16 : i32
      %mul3A_1396 = arith.muli %scan3A_795, %mul3A_1395 : i32
      %get3A_1397 = arith.constant 6 : i32
      %get3A_1398 = arith.constant 0 : i32
      %get3A_1399 = arith.index_cast %get3A_1397 : i32 to index
      %get3A_1400 = arith.index_cast %get3A_1398 : i32 to index
      %get3A_1401 = arith.index_cast %mul3A_1396 : i32 to index
      %get3A_1402 = tpu.vector_load %arg5[%get3A_1399, %get3A_1400, %get3A_1401] {strides = array<i32>} : memref<16x8x512xf32, #tpu.memory_space<vmem>>, vector<1x1x16xf32>,
      %get3A_1403 = vector.shape_cast %get3A_1402 : vector<1x1x16xf32> to vector<16xf32>
      %mul3A_1404 = arith.mulf %get3A_1403, %get3A_817 : vector<16xf32>
      %add3A_1405 = arith.addf %scan3A_802, %mul3A_1404 : vector<16xf32>
      %mul3A_1406 = arith.constant 16 : i32
      %mul3A_1407 = arith.muli %scan3A_795, %mul3A_1406 : i32
      %get3A_1408 = arith.constant 6 : i32
      %get3A_1409 = arith.constant 1 : i32
      %get3A_1410 = arith.index_cast %get3A_1408 : i32 to index
      %get3A_1411 = arith.index_cast %get3A_1409 : i32 to index
      %get3A_1412 = arith.index_cast %mul3A_1407 : i32 to index
      %get3A_1413 = tpu.vector_load %arg5[%get3A_1410, %get3A_1411, %get3A_1412] {strides = array<i32>} : memref<16x8x512xf32, #tpu.memory_space<vmem>>, vector<1x1x16xf32>,
      %get3A_1414 = vector.shape_cast %get3A_1413 : vector<1x1x16xf32> to vector<16xf32>
      %mul3A_1415 = arith.mulf %get3A_1414, %get3A_824 : vector<16xf32>
      %add3A_1416 = arith.addf %add3A_1405, %mul3A_1415 : vector<16xf32>
      %mul3A_1417 = arith.constant 16 : i32
      %mul3A_1418 = arith.muli %scan3A_795, %mul3A_1417 : i32
      %get3A_1419 = arith.constant 6 : i32
      %get3A_1420 = arith.constant 2 : i32
      %get3A_1421 = arith.index_cast %get3A_1419 : i32 to index
      %get3A_1422 = arith.index_cast %get3A_1420 : i32 to index
      %get3A_1423 = arith.index_cast %mul3A_1418 : i32 to index
      %get3A_1424 = tpu.vector_load %arg5[%get3A_1421, %get3A_1422, %get3A_1423] {strides = array<i32>} : memref<16x8x512xf32, #tpu.memory_space<vmem>>, vector<1x1x16xf32>,
      %get3A_1425 = vector.shape_cast %get3A_1424 : vector<1x1x16xf32> to vector<16xf32>
      %mul3A_1426 = arith.mulf %get3A_1425, %get3A_831 : vector<16xf32>
      %add3A_1427 = arith.addf %add3A_1416, %mul3A_1426 : vector<16xf32>
      %mul3A_1428 = arith.constant 16 : i32
      %mul3A_1429 = arith.muli %scan3A_795, %mul3A_1428 : i32
      %get3A_1430 = arith.constant 6 : i32
      %get3A_1431 = arith.constant 3 : i32
      %get3A_1432 = arith.index_cast %get3A_1430 : i32 to index
      %get3A_1433 = arith.index_cast %get3A_1431 : i32 to index
      %get3A_1434 = arith.index_cast %mul3A_1429 : i32 to index
      %get3A_1435 = tpu.vector_load %arg5[%get3A_1432, %get3A_1433, %get3A_1434] {strides = array<i32>} : memref<16x8x512xf32, #tpu.memory_space<vmem>>, vector<1x1x16xf32>,
      %get3A_1436 = vector.shape_cast %get3A_1435 : vector<1x1x16xf32> to vector<16xf32>
      %mul3A_1437 = arith.mulf %get3A_1436, %get3A_838 : vector<16xf32>
      %add3A_1438 = arith.addf %add3A_1427, %mul3A_1437 : vector<16xf32>
      %mul3A_1439 = arith.constant 16 : i32
      %mul3A_1440 = arith.muli %scan3A_795, %mul3A_1439 : i32
      %get3A_1441 = arith.constant 6 : i32
      %get3A_1442 = arith.constant 4 : i32
      %get3A_1443 = arith.index_cast %get3A_1441 : i32 to index
      %get3A_1444 = arith.index_cast %get3A_1442 : i32 to index
      %get3A_1445 = arith.index_cast %mul3A_1440 : i32 to index
      %get3A_1446 = tpu.vector_load %arg5[%get3A_1443, %get3A_1444, %get3A_1445] {strides = array<i32>} : memref<16x8x512xf32, #tpu.memory_space<vmem>>, vector<1x1x16xf32>,
      %get3A_1447 = vector.shape_cast %get3A_1446 : vector<1x1x16xf32> to vector<16xf32>
      %mul3A_1448 = arith.mulf %get3A_1447, %get3A_845 : vector<16xf32>
      %add3A_1449 = arith.addf %add3A_1438, %mul3A_1448 : vector<16xf32>
      %mul3A_1450 = arith.constant 16 : i32
      %mul3A_1451 = arith.muli %scan3A_795, %mul3A_1450 : i32
      %get3A_1452 = arith.constant 6 : i32
      %get3A_1453 = arith.constant 5 : i32
      %get3A_1454 = arith.index_cast %get3A_1452 : i32 to index
      %get3A_1455 = arith.index_cast %get3A_1453 : i32 to index
      %get3A_1456 = arith.index_cast %mul3A_1451 : i32 to index
      %get3A_1457 = tpu.vector_load %arg5[%get3A_1454, %get3A_1455, %get3A_1456] {strides = array<i32>} : memref<16x8x512xf32, #tpu.memory_space<vmem>>, vector<1x1x16xf32>,
      %get3A_1458 = vector.shape_cast %get3A_1457 : vector<1x1x16xf32> to vector<16xf32>
      %mul3A_1459 = arith.mulf %get3A_1458, %get3A_852 : vector<16xf32>
      %add3A_1460 = arith.addf %add3A_1449, %mul3A_1459 : vector<16xf32>
      %mul3A_1461 = arith.constant 16 : i32
      %mul3A_1462 = arith.muli %scan3A_795, %mul3A_1461 : i32
      %get3A_1463 = arith.constant 6 : i32
      %get3A_1464 = arith.constant 6 : i32
      %get3A_1465 = arith.index_cast %get3A_1463 : i32 to index
      %get3A_1466 = arith.index_cast %get3A_1464 : i32 to index
      %get3A_1467 = arith.index_cast %mul3A_1462 : i32 to index
      %get3A_1468 = tpu.vector_load %arg5[%get3A_1465, %get3A_1466, %get3A_1467] {strides = array<i32>} : memref<16x8x512xf32, #tpu.memory_space<vmem>>, vector<1x1x16xf32>,
      %get3A_1469 = vector.shape_cast %get3A_1468 : vector<1x1x16xf32> to vector<16xf32>
      %mul3A_1470 = arith.mulf %get3A_1469, %get3A_859 : vector<16xf32>
      %add3A_1471 = arith.addf %add3A_1460, %mul3A_1470 : vector<16xf32>
      %mul3A_1472 = arith.constant 16 : i32
      %mul3A_1473 = arith.muli %scan3A_795, %mul3A_1472 : i32
      %get3A_1474 = arith.constant 6 : i32
      %get3A_1475 = arith.constant 7 : i32
      %get3A_1476 = arith.index_cast %get3A_1474 : i32 to index
      %get3A_1477 = arith.index_cast %get3A_1475 : i32 to index
      %get3A_1478 = arith.index_cast %mul3A_1473 : i32 to index
      %get3A_1479 = tpu.vector_load %arg5[%get3A_1476, %get3A_1477, %get3A_1478] {strides = array<i32>} : memref<16x8x512xf32, #tpu.memory_space<vmem>>, vector<1x1x16xf32>,
      %get3A_1480 = vector.shape_cast %get3A_1479 : vector<1x1x16xf32> to vector<16xf32>
      %mul3A_1481 = arith.mulf %get3A_1480, %get3A_866 : vector<16xf32>
      %add3A_1482 = arith.addf %add3A_1471, %mul3A_1481 : vector<16xf32>
      %mul3A_1483 = arith.constant 16 : i32
      %mul3A_1484 = arith.muli %scan3A_795, %mul3A_1483 : i32
      %get3A_1485 = arith.constant 7 : i32
      %get3A_1486 = arith.constant 0 : i32
      %get3A_1487 = arith.index_cast %get3A_1485 : i32 to index
      %get3A_1488 = arith.index_cast %get3A_1486 : i32 to index
      %get3A_1489 = arith.index_cast %mul3A_1484 : i32 to index
      %get3A_1490 = tpu.vector_load %arg5[%get3A_1487, %get3A_1488, %get3A_1489] {strides = array<i32>} : memref<16x8x512xf32, #tpu.memory_space<vmem>>, vector<1x1x16xf32>,
      %get3A_1491 = vector.shape_cast %get3A_1490 : vector<1x1x16xf32> to vector<16xf32>
      %mul3A_1492 = arith.mulf %get3A_1491, %get3A_817 : vector<16xf32>
      %add3A_1493 = arith.addf %scan3A_803, %mul3A_1492 : vector<16xf32>
      %mul3A_1494 = arith.constant 16 : i32
      %mul3A_1495 = arith.muli %scan3A_795, %mul3A_1494 : i32
      %get3A_1496 = arith.constant 7 : i32
      %get3A_1497 = arith.constant 1 : i32
      %get3A_1498 = arith.index_cast %get3A_1496 : i32 to index
      %get3A_1499 = arith.index_cast %get3A_1497 : i32 to index
      %get3A_1500 = arith.index_cast %mul3A_1495 : i32 to index
      %get3A_1501 = tpu.vector_load %arg5[%get3A_1498, %get3A_1499, %get3A_1500] {strides = array<i32>} : memref<16x8x512xf32, #tpu.memory_space<vmem>>, vector<1x1x16xf32>,
      %get3A_1502 = vector.shape_cast %get3A_1501 : vector<1x1x16xf32> to vector<16xf32>
      %mul3A_1503 = arith.mulf %get3A_1502, %get3A_824 : vector<16xf32>
      %add3A_1504 = arith.addf %add3A_1493, %mul3A_1503 : vector<16xf32>
      %mul3A_1505 = arith.constant 16 : i32
      %mul3A_1506 = arith.muli %scan3A_795, %mul3A_1505 : i32
      %get3A_1507 = arith.constant 7 : i32
      %get3A_1508 = arith.constant 2 : i32
      %get3A_1509 = arith.index_cast %get3A_1507 : i32 to index
      %get3A_1510 = arith.index_cast %get3A_1508 : i32 to index
      %get3A_1511 = arith.index_cast %mul3A_1506 : i32 to index
      %get3A_1512 = tpu.vector_load %arg5[%get3A_1509, %get3A_1510, %get3A_1511] {strides = array<i32>} : memref<16x8x512xf32, #tpu.memory_space<vmem>>, vector<1x1x16xf32>,
      %get3A_1513 = vector.shape_cast %get3A_1512 : vector<1x1x16xf32> to vector<16xf32>
      %mul3A_1514 = arith.mulf %get3A_1513, %get3A_831 : vector<16xf32>
      %add3A_1515 = arith.addf %add3A_1504, %mul3A_1514 : vector<16xf32>
      %mul3A_1516 = arith.constant 16 : i32
      %mul3A_1517 = arith.muli %scan3A_795, %mul3A_1516 : i32
      %get3A_1518 = arith.constant 7 : i32
      %get3A_1519 = arith.constant 3 : i32
      %get3A_1520 = arith.index_cast %get3A_1518 : i32 to index
      %get3A_1521 = arith.index_cast %get3A_1519 : i32 to index
      %get3A_1522 = arith.index_cast %mul3A_1517 : i32 to index
      %get3A_1523 = tpu.vector_load %arg5[%get3A_1520, %get3A_1521, %get3A_1522] {strides = array<i32>} : memref<16x8x512xf32, #tpu.memory_space<vmem>>, vector<1x1x16xf32>,
      %get3A_1524 = vector.shape_cast %get3A_1523 : vector<1x1x16xf32> to vector<16xf32>
      %mul3A_1525 = arith.mulf %get3A_1524, %get3A_838 : vector<16xf32>
      %add3A_1526 = arith.addf %add3A_1515, %mul3A_1525 : vector<16xf32>
      %mul3A_1527 = arith.constant 16 : i32
      %mul3A_1528 = arith.muli %scan3A_795, %mul3A_1527 : i32
      %get3A_1529 = arith.constant 7 : i32
      %get3A_1530 = arith.constant 4 : i32
      %get3A_1531 = arith.index_cast %get3A_1529 : i32 to index
      %get3A_1532 = arith.index_cast %get3A_1530 : i32 to index
      %get3A_1533 = arith.index_cast %mul3A_1528 : i32 to index
      %get3A_1534 = tpu.vector_load %arg5[%get3A_1531, %get3A_1532, %get3A_1533] {strides = array<i32>} : memref<16x8x512xf32, #tpu.memory_space<vmem>>, vector<1x1x16xf32>,
      %get3A_1535 = vector.shape_cast %get3A_1534 : vector<1x1x16xf32> to vector<16xf32>
      %mul3A_1536 = arith.mulf %get3A_1535, %get3A_845 : vector<16xf32>
      %add3A_1537 = arith.addf %add3A_1526, %mul3A_1536 : vector<16xf32>
      %mul3A_1538 = arith.constant 16 : i32
      %mul3A_1539 = arith.muli %scan3A_795, %mul3A_1538 : i32
      %get3A_1540 = arith.constant 7 : i32
      %get3A_1541 = arith.constant 5 : i32
      %get3A_1542 = arith.index_cast %get3A_1540 : i32 to index
      %get3A_1543 = arith.index_cast %get3A_1541 : i32 to index
      %get3A_1544 = arith.index_cast %mul3A_1539 : i32 to index
      %get3A_1545 = tpu.vector_load %arg5[%get3A_1542, %get3A_1543, %get3A_1544] {strides = array<i32>} : memref<16x8x512xf32, #tpu.memory_space<vmem>>, vector<1x1x16xf32>,
      %get3A_1546 = vector.shape_cast %get3A_1545 : vector<1x1x16xf32> to vector<16xf32>
      %mul3A_1547 = arith.mulf %get3A_1546, %get3A_852 : vector<16xf32>
      %add3A_1548 = arith.addf %add3A_1537, %mul3A_1547 : vector<16xf32>
      %mul3A_1549 = arith.constant 16 : i32
      %mul3A_1550 = arith.muli %scan3A_795, %mul3A_1549 : i32
      %get3A_1551 = arith.constant 7 : i32
      %get3A_1552 = arith.constant 6 : i32
      %get3A_1553 = arith.index_cast %get3A_1551 : i32 to index
      %get3A_1554 = arith.index_cast %get3A_1552 : i32 to index
      %get3A_1555 = arith.index_cast %mul3A_1550 : i32 to index
      %get3A_1556 = tpu.vector_load %arg5[%get3A_1553, %get3A_1554, %get3A_1555] {strides = array<i32>} : memref<16x8x512xf32, #tpu.memory_space<vmem>>, vector<1x1x16xf32>,
      %get3A_1557 = vector.shape_cast %get3A_1556 : vector<1x1x16xf32> to vector<16xf32>
      %mul3A_1558 = arith.mulf %get3A_1557, %get3A_859 : vector<16xf32>
      %add3A_1559 = arith.addf %add3A_1548, %mul3A_1558 : vector<16xf32>
      %mul3A_1560 = arith.constant 16 : i32
      %mul3A_1561 = arith.muli %scan3A_795, %mul3A_1560 : i32
      %get3A_1562 = arith.constant 7 : i32
      %get3A_1563 = arith.constant 7 : i32
      %get3A_1564 = arith.index_cast %get3A_1562 : i32 to index
      %get3A_1565 = arith.index_cast %get3A_1563 : i32 to index
      %get3A_1566 = arith.index_cast %mul3A_1561 : i32 to index
      %get3A_1567 = tpu.vector_load %arg5[%get3A_1564, %get3A_1565, %get3A_1566] {strides = array<i32>} : memref<16x8x512xf32, #tpu.memory_space<vmem>>, vector<1x1x16xf32>,
      %get3A_1568 = vector.shape_cast %get3A_1567 : vector<1x1x16xf32> to vector<16xf32>
      %mul3A_1569 = arith.mulf %get3A_1568, %get3A_866 : vector<16xf32>
      %add3A_1570 = arith.addf %add3A_1559, %mul3A_1569 : vector<16xf32>
      %mul3A_1571 = arith.constant 16 : i32
      %mul3A_1572 = arith.muli %scan3A_795, %mul3A_1571 : i32
      %get3A_1573 = arith.constant 8 : i32
      %get3A_1574 = arith.constant 0 : i32
      %get3A_1575 = arith.index_cast %get3A_1573 : i32 to index
      %get3A_1576 = arith.index_cast %get3A_1574 : i32 to index
      %get3A_1577 = arith.index_cast %mul3A_1572 : i32 to index
      %get3A_1578 = tpu.vector_load %arg5[%get3A_1575, %get3A_1576, %get3A_1577] {strides = array<i32>} : memref<16x8x512xf32, #tpu.memory_space<vmem>>, vector<1x1x16xf32>,
      %get3A_1579 = vector.shape_cast %get3A_1578 : vector<1x1x16xf32> to vector<16xf32>
      %mul3A_1580 = arith.mulf %get3A_1579, %get3A_817 : vector<16xf32>
      %add3A_1581 = arith.addf %scan3A_804, %mul3A_1580 : vector<16xf32>
      %mul3A_1582 = arith.constant 16 : i32
      %mul3A_1583 = arith.muli %scan3A_795, %mul3A_1582 : i32
      %get3A_1584 = arith.constant 8 : i32
      %get3A_1585 = arith.constant 1 : i32
      %get3A_1586 = arith.index_cast %get3A_1584 : i32 to index
      %get3A_1587 = arith.index_cast %get3A_1585 : i32 to index
      %get3A_1588 = arith.index_cast %mul3A_1583 : i32 to index
      %get3A_1589 = tpu.vector_load %arg5[%get3A_1586, %get3A_1587, %get3A_1588] {strides = array<i32>} : memref<16x8x512xf32, #tpu.memory_space<vmem>>, vector<1x1x16xf32>,
      %get3A_1590 = vector.shape_cast %get3A_1589 : vector<1x1x16xf32> to vector<16xf32>
      %mul3A_1591 = arith.mulf %get3A_1590, %get3A_824 : vector<16xf32>
      %add3A_1592 = arith.addf %add3A_1581, %mul3A_1591 : vector<16xf32>
      %mul3A_1593 = arith.constant 16 : i32
      %mul3A_1594 = arith.muli %scan3A_795, %mul3A_1593 : i32
      %get3A_1595 = arith.constant 8 : i32
      %get3A_1596 = arith.constant 2 : i32
      %get3A_1597 = arith.index_cast %get3A_1595 : i32 to index
      %get3A_1598 = arith.index_cast %get3A_1596 : i32 to index
      %get3A_1599 = arith.index_cast %mul3A_1594 : i32 to index
      %get3A_1600 = tpu.vector_load %arg5[%get3A_1597, %get3A_1598, %get3A_1599] {strides = array<i32>} : memref<16x8x512xf32, #tpu.memory_space<vmem>>, vector<1x1x16xf32>,
      %get3A_1601 = vector.shape_cast %get3A_1600 : vector<1x1x16xf32> to vector<16xf32>
      %mul3A_1602 = arith.mulf %get3A_1601, %get3A_831 : vector<16xf32>
      %add3A_1603 = arith.addf %add3A_1592, %mul3A_1602 : vector<16xf32>
      %mul3A_1604 = arith.constant 16 : i32
      %mul3A_1605 = arith.muli %scan3A_795, %mul3A_1604 : i32
      %get3A_1606 = arith.constant 8 : i32
      %get3A_1607 = arith.constant 3 : i32
      %get3A_1608 = arith.index_cast %get3A_1606 : i32 to index
      %get3A_1609 = arith.index_cast %get3A_1607 : i32 to index
      %get3A_1610 = arith.index_cast %mul3A_1605 : i32 to index
      %get3A_1611 = tpu.vector_load %arg5[%get3A_1608, %get3A_1609, %get3A_1610] {strides = array<i32>} : memref<16x8x512xf32, #tpu.memory_space<vmem>>, vector<1x1x16xf32>,
      %get3A_1612 = vector.shape_cast %get3A_1611 : vector<1x1x16xf32> to vector<16xf32>
      %mul3A_1613 = arith.mulf %get3A_1612, %get3A_838 : vector<16xf32>
      %add3A_1614 = arith.addf %add3A_1603, %mul3A_1613 : vector<16xf32>
      %mul3A_1615 = arith.constant 16 : i32
      %mul3A_1616 = arith.muli %scan3A_795, %mul3A_1615 : i32
      %get3A_1617 = arith.constant 8 : i32
      %get3A_1618 = arith.constant 4 : i32
      %get3A_1619 = arith.index_cast %get3A_1617 : i32 to index
      %get3A_1620 = arith.index_cast %get3A_1618 : i32 to index
      %get3A_1621 = arith.index_cast %mul3A_1616 : i32 to index
      %get3A_1622 = tpu.vector_load %arg5[%get3A_1619, %get3A_1620, %get3A_1621] {strides = array<i32>} : memref<16x8x512xf32, #tpu.memory_space<vmem>>, vector<1x1x16xf32>,
      %get3A_1623 = vector.shape_cast %get3A_1622 : vector<1x1x16xf32> to vector<16xf32>
      %mul3A_1624 = arith.mulf %get3A_1623, %get3A_845 : vector<16xf32>
      %add3A_1625 = arith.addf %add3A_1614, %mul3A_1624 : vector<16xf32>
      %mul3A_1626 = arith.constant 16 : i32
      %mul3A_1627 = arith.muli %scan3A_795, %mul3A_1626 : i32
      %get3A_1628 = arith.constant 8 : i32
      %get3A_1629 = arith.constant 5 : i32
      %get3A_1630 = arith.index_cast %get3A_1628 : i32 to index
      %get3A_1631 = arith.index_cast %get3A_1629 : i32 to index
      %get3A_1632 = arith.index_cast %mul3A_1627 : i32 to index
      %get3A_1633 = tpu.vector_load %arg5[%get3A_1630, %get3A_1631, %get3A_1632] {strides = array<i32>} : memref<16x8x512xf32, #tpu.memory_space<vmem>>, vector<1x1x16xf32>,
      %get3A_1634 = vector.shape_cast %get3A_1633 : vector<1x1x16xf32> to vector<16xf32>
      %mul3A_1635 = arith.mulf %get3A_1634, %get3A_852 : vector<16xf32>
      %add3A_1636 = arith.addf %add3A_1625, %mul3A_1635 : vector<16xf32>
      %mul3A_1637 = arith.constant 16 : i32
      %mul3A_1638 = arith.muli %scan3A_795, %mul3A_1637 : i32
      %get3A_1639 = arith.constant 8 : i32
      %get3A_1640 = arith.constant 6 : i32
      %get3A_1641 = arith.index_cast %get3A_1639 : i32 to index
      %get3A_1642 = arith.index_cast %get3A_1640 : i32 to index
      %get3A_1643 = arith.index_cast %mul3A_1638 : i32 to index
      %get3A_1644 = tpu.vector_load %arg5[%get3A_1641, %get3A_1642, %get3A_1643] {strides = array<i32>} : memref<16x8x512xf32, #tpu.memory_space<vmem>>, vector<1x1x16xf32>,
      %get3A_1645 = vector.shape_cast %get3A_1644 : vector<1x1x16xf32> to vector<16xf32>
      %mul3A_1646 = arith.mulf %get3A_1645, %get3A_859 : vector<16xf32>
      %add3A_1647 = arith.addf %add3A_1636, %mul3A_1646 : vector<16xf32>
      %mul3A_1648 = arith.constant 16 : i32
      %mul3A_1649 = arith.muli %scan3A_795, %mul3A_1648 : i32
      %get3A_1650 = arith.constant 8 : i32
      %get3A_1651 = arith.constant 7 : i32
      %get3A_1652 = arith.index_cast %get3A_1650 : i32 to index
      %get3A_1653 = arith.index_cast %get3A_1651 : i32 to index
      %get3A_1654 = arith.index_cast %mul3A_1649 : i32 to index
      %get3A_1655 = tpu.vector_load %arg5[%get3A_1652, %get3A_1653, %get3A_1654] {strides = array<i32>} : memref<16x8x512xf32, #tpu.memory_space<vmem>>, vector<1x1x16xf32>,
      %get3A_1656 = vector.shape_cast %get3A_1655 : vector<1x1x16xf32> to vector<16xf32>
      %mul3A_1657 = arith.mulf %get3A_1656, %get3A_866 : vector<16xf32>
      %add3A_1658 = arith.addf %add3A_1647, %mul3A_1657 : vector<16xf32>
      %mul3A_1659 = arith.constant 16 : i32
      %mul3A_1660 = arith.muli %scan3A_795, %mul3A_1659 : i32
      %get3A_1661 = arith.constant 9 : i32
      %get3A_1662 = arith.constant 0 : i32
      %get3A_1663 = arith.index_cast %get3A_1661 : i32 to index
      %get3A_1664 = arith.index_cast %get3A_1662 : i32 to index
      %get3A_1665 = arith.index_cast %mul3A_1660 : i32 to index
      %get3A_1666 = tpu.vector_load %arg5[%get3A_1663, %get3A_1664, %get3A_1665] {strides = array<i32>} : memref<16x8x512xf32, #tpu.memory_space<vmem>>, vector<1x1x16xf32>,
      %get3A_1667 = vector.shape_cast %get3A_1666 : vector<1x1x16xf32> to vector<16xf32>
      %mul3A_1668 = arith.mulf %get3A_1667, %get3A_817 : vector<16xf32>
      %add3A_1669 = arith.addf %scan3A_805, %mul3A_1668 : vector<16xf32>
      %mul3A_1670 = arith.constant 16 : i32
      %mul3A_1671 = arith.muli %scan3A_795, %mul3A_1670 : i32
      %get3A_1672 = arith.constant 9 : i32
      %get3A_1673 = arith.constant 1 : i32
      %get3A_1674 = arith.index_cast %get3A_1672 : i32 to index
      %get3A_1675 = arith.index_cast %get3A_1673 : i32 to index
      %get3A_1676 = arith.index_cast %mul3A_1671 : i32 to index
      %get3A_1677 = tpu.vector_load %arg5[%get3A_1674, %get3A_1675, %get3A_1676] {strides = array<i32>} : memref<16x8x512xf32, #tpu.memory_space<vmem>>, vector<1x1x16xf32>,
      %get3A_1678 = vector.shape_cast %get3A_1677 : vector<1x1x16xf32> to vector<16xf32>
      %mul3A_1679 = arith.mulf %get3A_1678, %get3A_824 : vector<16xf32>
      %add3A_1680 = arith.addf %add3A_1669, %mul3A_1679 : vector<16xf32>
      %mul3A_1681 = arith.constant 16 : i32
      %mul3A_1682 = arith.muli %scan3A_795, %mul3A_1681 : i32
      %get3A_1683 = arith.constant 9 : i32
      %get3A_1684 = arith.constant 2 : i32
      %get3A_1685 = arith.index_cast %get3A_1683 : i32 to index
      %get3A_1686 = arith.index_cast %get3A_1684 : i32 to index
      %get3A_1687 = arith.index_cast %mul3A_1682 : i32 to index
      %get3A_1688 = tpu.vector_load %arg5[%get3A_1685, %get3A_1686, %get3A_1687] {strides = array<i32>} : memref<16x8x512xf32, #tpu.memory_space<vmem>>, vector<1x1x16xf32>,
      %get3A_1689 = vector.shape_cast %get3A_1688 : vector<1x1x16xf32> to vector<16xf32>
      %mul3A_1690 = arith.mulf %get3A_1689, %get3A_831 : vector<16xf32>
      %add3A_1691 = arith.addf %add3A_1680, %mul3A_1690 : vector<16xf32>
      %mul3A_1692 = arith.constant 16 : i32
      %mul3A_1693 = arith.muli %scan3A_795, %mul3A_1692 : i32
      %get3A_1694 = arith.constant 9 : i32
      %get3A_1695 = arith.constant 3 : i32
      %get3A_1696 = arith.index_cast %get3A_1694 : i32 to index
      %get3A_1697 = arith.index_cast %get3A_1695 : i32 to index
      %get3A_1698 = arith.index_cast %mul3A_1693 : i32 to index
      %get3A_1699 = tpu.vector_load %arg5[%get3A_1696, %get3A_1697, %get3A_1698] {strides = array<i32>} : memref<16x8x512xf32, #tpu.memory_space<vmem>>, vector<1x1x16xf32>,
      %get3A_1700 = vector.shape_cast %get3A_1699 : vector<1x1x16xf32> to vector<16xf32>
      %mul3A_1701 = arith.mulf %get3A_1700, %get3A_838 : vector<16xf32>
      %add3A_1702 = arith.addf %add3A_1691, %mul3A_1701 : vector<16xf32>
      %mul3A_1703 = arith.constant 16 : i32
      %mul3A_1704 = arith.muli %scan3A_795, %mul3A_1703 : i32
      %get3A_1705 = arith.constant 9 : i32
      %get3A_1706 = arith.constant 4 : i32
      %get3A_1707 = arith.index_cast %get3A_1705 : i32 to index
      %get3A_1708 = arith.index_cast %get3A_1706 : i32 to index
      %get3A_1709 = arith.index_cast %mul3A_1704 : i32 to index
      %get3A_1710 = tpu.vector_load %arg5[%get3A_1707, %get3A_1708, %get3A_1709] {strides = array<i32>} : memref<16x8x512xf32, #tpu.memory_space<vmem>>, vector<1x1x16xf32>,
      %get3A_1711 = vector.shape_cast %get3A_1710 : vector<1x1x16xf32> to vector<16xf32>
      %mul3A_1712 = arith.mulf %get3A_1711, %get3A_845 : vector<16xf32>
      %add3A_1713 = arith.addf %add3A_1702, %mul3A_1712 : vector<16xf32>
      %mul3A_1714 = arith.constant 16 : i32
      %mul3A_1715 = arith.muli %scan3A_795, %mul3A_1714 : i32
      %get3A_1716 = arith.constant 9 : i32
      %get3A_1717 = arith.constant 5 : i32
      %get3A_1718 = arith.index_cast %get3A_1716 : i32 to index
      %get3A_1719 = arith.index_cast %get3A_1717 : i32 to index
      %get3A_1720 = arith.index_cast %mul3A_1715 : i32 to index
      %get3A_1721 = tpu.vector_load %arg5[%get3A_1718, %get3A_1719, %get3A_1720] {strides = array<i32>} : memref<16x8x512xf32, #tpu.memory_space<vmem>>, vector<1x1x16xf32>,
      %get3A_1722 = vector.shape_cast %get3A_1721 : vector<1x1x16xf32> to vector<16xf32>
      %mul3A_1723 = arith.mulf %get3A_1722, %get3A_852 : vector<16xf32>
      %add3A_1724 = arith.addf %add3A_1713, %mul3A_1723 : vector<16xf32>
      %mul3A_1725 = arith.constant 16 : i32
      %mul3A_1726 = arith.muli %scan3A_795, %mul3A_1725 : i32
      %get3A_1727 = arith.constant 9 : i32
      %get3A_1728 = arith.constant 6 : i32
      %get3A_1729 = arith.index_cast %get3A_1727 : i32 to index
      %get3A_1730 = arith.index_cast %get3A_1728 : i32 to index
      %get3A_1731 = arith.index_cast %mul3A_1726 : i32 to index
      %get3A_1732 = tpu.vector_load %arg5[%get3A_1729, %get3A_1730, %get3A_1731] {strides = array<i32>} : memref<16x8x512xf32, #tpu.memory_space<vmem>>, vector<1x1x16xf32>,
      %get3A_1733 = vector.shape_cast %get3A_1732 : vector<1x1x16xf32> to vector<16xf32>
      %mul3A_1734 = arith.mulf %get3A_1733, %get3A_859 : vector<16xf32>
      %add3A_1735 = arith.addf %add3A_1724, %mul3A_1734 : vector<16xf32>
      %mul3A_1736 = arith.constant 16 : i32
      %mul3A_1737 = arith.muli %scan3A_795, %mul3A_1736 : i32
      %get3A_1738 = arith.constant 9 : i32
      %get3A_1739 = arith.constant 7 : i32
      %get3A_1740 = arith.index_cast %get3A_1738 : i32 to index
      %get3A_1741 = arith.index_cast %get3A_1739 : i32 to index
      %get3A_1742 = arith.index_cast %mul3A_1737 : i32 to index
      %get3A_1743 = tpu.vector_load %arg5[%get3A_1740, %get3A_1741, %get3A_1742] {strides = array<i32>} : memref<16x8x512xf32, #tpu.memory_space<vmem>>, vector<1x1x16xf32>,
      %get3A_1744 = vector.shape_cast %get3A_1743 : vector<1x1x16xf32> to vector<16xf32>
      %mul3A_1745 = arith.mulf %get3A_1744, %get3A_866 : vector<16xf32>
      %add3A_1746 = arith.addf %add3A_1735, %mul3A_1745 : vector<16xf32>
      %mul3A_1747 = arith.constant 16 : i32
      %mul3A_1748 = arith.muli %scan3A_795, %mul3A_1747 : i32
      %get3A_1749 = arith.constant 10 : i32
      %get3A_1750 = arith.constant 0 : i32
      %get3A_1751 = arith.index_cast %get3A_1749 : i32 to index
      %get3A_1752 = arith.index_cast %get3A_1750 : i32 to index
      %get3A_1753 = arith.index_cast %mul3A_1748 : i32 to index
      %get3A_1754 = tpu.vector_load %arg5[%get3A_1751, %get3A_1752, %get3A_1753] {strides = array<i32>} : memref<16x8x512xf32, #tpu.memory_space<vmem>>, vector<1x1x16xf32>,
      %get3A_1755 = vector.shape_cast %get3A_1754 : vector<1x1x16xf32> to vector<16xf32>
      %mul3A_1756 = arith.mulf %get3A_1755, %get3A_817 : vector<16xf32>
      %add3A_1757 = arith.addf %scan3A_806, %mul3A_1756 : vector<16xf32>
      %mul3A_1758 = arith.constant 16 : i32
      %mul3A_1759 = arith.muli %scan3A_795, %mul3A_1758 : i32
      %get3A_1760 = arith.constant 10 : i32
      %get3A_1761 = arith.constant 1 : i32
      %get3A_1762 = arith.index_cast %get3A_1760 : i32 to index
      %get3A_1763 = arith.index_cast %get3A_1761 : i32 to index
      %get3A_1764 = arith.index_cast %mul3A_1759 : i32 to index
      %get3A_1765 = tpu.vector_load %arg5[%get3A_1762, %get3A_1763, %get3A_1764] {strides = array<i32>} : memref<16x8x512xf32, #tpu.memory_space<vmem>>, vector<1x1x16xf32>,
      %get3A_1766 = vector.shape_cast %get3A_1765 : vector<1x1x16xf32> to vector<16xf32>
      %mul3A_1767 = arith.mulf %get3A_1766, %get3A_824 : vector<16xf32>
      %add3A_1768 = arith.addf %add3A_1757, %mul3A_1767 : vector<16xf32>
      %mul3A_1769 = arith.constant 16 : i32
      %mul3A_1770 = arith.muli %scan3A_795, %mul3A_1769 : i32
      %get3A_1771 = arith.constant 10 : i32
      %get3A_1772 = arith.constant 2 : i32
      %get3A_1773 = arith.index_cast %get3A_1771 : i32 to index
      %get3A_1774 = arith.index_cast %get3A_1772 : i32 to index
      %get3A_1775 = arith.index_cast %mul3A_1770 : i32 to index
      %get3A_1776 = tpu.vector_load %arg5[%get3A_1773, %get3A_1774, %get3A_1775] {strides = array<i32>} : memref<16x8x512xf32, #tpu.memory_space<vmem>>, vector<1x1x16xf32>,
      %get3A_1777 = vector.shape_cast %get3A_1776 : vector<1x1x16xf32> to vector<16xf32>
      %mul3A_1778 = arith.mulf %get3A_1777, %get3A_831 : vector<16xf32>
      %add3A_1779 = arith.addf %add3A_1768, %mul3A_1778 : vector<16xf32>
      %mul3A_1780 = arith.constant 16 : i32
      %mul3A_1781 = arith.muli %scan3A_795, %mul3A_1780 : i32
      %get3A_1782 = arith.constant 10 : i32
      %get3A_1783 = arith.constant 3 : i32
      %get3A_1784 = arith.index_cast %get3A_1782 : i32 to index
      %get3A_1785 = arith.index_cast %get3A_1783 : i32 to index
      %get3A_1786 = arith.index_cast %mul3A_1781 : i32 to index
      %get3A_1787 = tpu.vector_load %arg5[%get3A_1784, %get3A_1785, %get3A_1786] {strides = array<i32>} : memref<16x8x512xf32, #tpu.memory_space<vmem>>, vector<1x1x16xf32>,
      %get3A_1788 = vector.shape_cast %get3A_1787 : vector<1x1x16xf32> to vector<16xf32>
      %mul3A_1789 = arith.mulf %get3A_1788, %get3A_838 : vector<16xf32>
      %add3A_1790 = arith.addf %add3A_1779, %mul3A_1789 : vector<16xf32>
      %mul3A_1791 = arith.constant 16 : i32
      %mul3A_1792 = arith.muli %scan3A_795, %mul3A_1791 : i32
      %get3A_1793 = arith.constant 10 : i32
      %get3A_1794 = arith.constant 4 : i32
      %get3A_1795 = arith.index_cast %get3A_1793 : i32 to index
      %get3A_1796 = arith.index_cast %get3A_1794 : i32 to index
      %get3A_1797 = arith.index_cast %mul3A_1792 : i32 to index
      %get3A_1798 = tpu.vector_load %arg5[%get3A_1795, %get3A_1796, %get3A_1797] {strides = array<i32>} : memref<16x8x512xf32, #tpu.memory_space<vmem>>, vector<1x1x16xf32>,
      %get3A_1799 = vector.shape_cast %get3A_1798 : vector<1x1x16xf32> to vector<16xf32>
      %mul3A_1800 = arith.mulf %get3A_1799, %get3A_845 : vector<16xf32>
      %add3A_1801 = arith.addf %add3A_1790, %mul3A_1800 : vector<16xf32>
      %mul3A_1802 = arith.constant 16 : i32
      %mul3A_1803 = arith.muli %scan3A_795, %mul3A_1802 : i32
      %get3A_1804 = arith.constant 10 : i32
      %get3A_1805 = arith.constant 5 : i32
      %get3A_1806 = arith.index_cast %get3A_1804 : i32 to index
      %get3A_1807 = arith.index_cast %get3A_1805 : i32 to index
      %get3A_1808 = arith.index_cast %mul3A_1803 : i32 to index
      %get3A_1809 = tpu.vector_load %arg5[%get3A_1806, %get3A_1807, %get3A_1808] {strides = array<i32>} : memref<16x8x512xf32, #tpu.memory_space<vmem>>, vector<1x1x16xf32>,
      %get3A_1810 = vector.shape_cast %get3A_1809 : vector<1x1x16xf32> to vector<16xf32>
      %mul3A_1811 = arith.mulf %get3A_1810, %get3A_852 : vector<16xf32>
      %add3A_1812 = arith.addf %add3A_1801, %mul3A_1811 : vector<16xf32>
      %mul3A_1813 = arith.constant 16 : i32
      %mul3A_1814 = arith.muli %scan3A_795, %mul3A_1813 : i32
      %get3A_1815 = arith.constant 10 : i32
      %get3A_1816 = arith.constant 6 : i32
      %get3A_1817 = arith.index_cast %get3A_1815 : i32 to index
      %get3A_1818 = arith.index_cast %get3A_1816 : i32 to index
      %get3A_1819 = arith.index_cast %mul3A_1814 : i32 to index
      %get3A_1820 = tpu.vector_load %arg5[%get3A_1817, %get3A_1818, %get3A_1819] {strides = array<i32>} : memref<16x8x512xf32, #tpu.memory_space<vmem>>, vector<1x1x16xf32>,
      %get3A_1821 = vector.shape_cast %get3A_1820 : vector<1x1x16xf32> to vector<16xf32>
      %mul3A_1822 = arith.mulf %get3A_1821, %get3A_859 : vector<16xf32>
      %add3A_1823 = arith.addf %add3A_1812, %mul3A_1822 : vector<16xf32>
      %mul3A_1824 = arith.constant 16 : i32
      %mul3A_1825 = arith.muli %scan3A_795, %mul3A_1824 : i32
      %get3A_1826 = arith.constant 10 : i32
      %get3A_1827 = arith.constant 7 : i32
      %get3A_1828 = arith.index_cast %get3A_1826 : i32 to index
      %get3A_1829 = arith.index_cast %get3A_1827 : i32 to index
      %get3A_1830 = arith.index_cast %mul3A_1825 : i32 to index
      %get3A_1831 = tpu.vector_load %arg5[%get3A_1828, %get3A_1829, %get3A_1830] {strides = array<i32>} : memref<16x8x512xf32, #tpu.memory_space<vmem>>, vector<1x1x16xf32>,
      %get3A_1832 = vector.shape_cast %get3A_1831 : vector<1x1x16xf32> to vector<16xf32>
      %mul3A_1833 = arith.mulf %get3A_1832, %get3A_866 : vector<16xf32>
      %add3A_1834 = arith.addf %add3A_1823, %mul3A_1833 : vector<16xf32>
      %mul3A_1835 = arith.constant 16 : i32
      %mul3A_1836 = arith.muli %scan3A_795, %mul3A_1835 : i32
      %get3A_1837 = arith.constant 11 : i32
      %get3A_1838 = arith.constant 0 : i32
      %get3A_1839 = arith.index_cast %get3A_1837 : i32 to index
      %get3A_1840 = arith.index_cast %get3A_1838 : i32 to index
      %get3A_1841 = arith.index_cast %mul3A_1836 : i32 to index
      %get3A_1842 = tpu.vector_load %arg5[%get3A_1839, %get3A_1840, %get3A_1841] {strides = array<i32>} : memref<16x8x512xf32, #tpu.memory_space<vmem>>, vector<1x1x16xf32>,
      %get3A_1843 = vector.shape_cast %get3A_1842 : vector<1x1x16xf32> to vector<16xf32>
      %mul3A_1844 = arith.mulf %get3A_1843, %get3A_817 : vector<16xf32>
      %add3A_1845 = arith.addf %scan3A_807, %mul3A_1844 : vector<16xf32>
      %mul3A_1846 = arith.constant 16 : i32
      %mul3A_1847 = arith.muli %scan3A_795, %mul3A_1846 : i32
      %get3A_1848 = arith.constant 11 : i32
      %get3A_1849 = arith.constant 1 : i32
      %get3A_1850 = arith.index_cast %get3A_1848 : i32 to index
      %get3A_1851 = arith.index_cast %get3A_1849 : i32 to index
      %get3A_1852 = arith.index_cast %mul3A_1847 : i32 to index
      %get3A_1853 = tpu.vector_load %arg5[%get3A_1850, %get3A_1851, %get3A_1852] {strides = array<i32>} : memref<16x8x512xf32, #tpu.memory_space<vmem>>, vector<1x1x16xf32>,
      %get3A_1854 = vector.shape_cast %get3A_1853 : vector<1x1x16xf32> to vector<16xf32>
      %mul3A_1855 = arith.mulf %get3A_1854, %get3A_824 : vector<16xf32>
      %add3A_1856 = arith.addf %add3A_1845, %mul3A_1855 : vector<16xf32>
      %mul3A_1857 = arith.constant 16 : i32
      %mul3A_1858 = arith.muli %scan3A_795, %mul3A_1857 : i32
      %get3A_1859 = arith.constant 11 : i32
      %get3A_1860 = arith.constant 2 : i32
      %get3A_1861 = arith.index_cast %get3A_1859 : i32 to index
      %get3A_1862 = arith.index_cast %get3A_1860 : i32 to index
      %get3A_1863 = arith.index_cast %mul3A_1858 : i32 to index
      %get3A_1864 = tpu.vector_load %arg5[%get3A_1861, %get3A_1862, %get3A_1863] {strides = array<i32>} : memref<16x8x512xf32, #tpu.memory_space<vmem>>, vector<1x1x16xf32>,
      %get3A_1865 = vector.shape_cast %get3A_1864 : vector<1x1x16xf32> to vector<16xf32>
      %mul3A_1866 = arith.mulf %get3A_1865, %get3A_831 : vector<16xf32>
      %add3A_1867 = arith.addf %add3A_1856, %mul3A_1866 : vector<16xf32>
      %mul3A_1868 = arith.constant 16 : i32
      %mul3A_1869 = arith.muli %scan3A_795, %mul3A_1868 : i32
      %get3A_1870 = arith.constant 11 : i32
      %get3A_1871 = arith.constant 3 : i32
      %get3A_1872 = arith.index_cast %get3A_1870 : i32 to index
      %get3A_1873 = arith.index_cast %get3A_1871 : i32 to index
      %get3A_1874 = arith.index_cast %mul3A_1869 : i32 to index
      %get3A_1875 = tpu.vector_load %arg5[%get3A_1872, %get3A_1873, %get3A_1874] {strides = array<i32>} : memref<16x8x512xf32, #tpu.memory_space<vmem>>, vector<1x1x16xf32>,
      %get3A_1876 = vector.shape_cast %get3A_1875 : vector<1x1x16xf32> to vector<16xf32>
      %mul3A_1877 = arith.mulf %get3A_1876, %get3A_838 : vector<16xf32>
      %add3A_1878 = arith.addf %add3A_1867, %mul3A_1877 : vector<16xf32>
      %mul3A_1879 = arith.constant 16 : i32
      %mul3A_1880 = arith.muli %scan3A_795, %mul3A_1879 : i32
      %get3A_1881 = arith.constant 11 : i32
      %get3A_1882 = arith.constant 4 : i32
      %get3A_1883 = arith.index_cast %get3A_1881 : i32 to index
      %get3A_1884 = arith.index_cast %get3A_1882 : i32 to index
      %get3A_1885 = arith.index_cast %mul3A_1880 : i32 to index
      %get3A_1886 = tpu.vector_load %arg5[%get3A_1883, %get3A_1884, %get3A_1885] {strides = array<i32>} : memref<16x8x512xf32, #tpu.memory_space<vmem>>, vector<1x1x16xf32>,
      %get3A_1887 = vector.shape_cast %get3A_1886 : vector<1x1x16xf32> to vector<16xf32>
      %mul3A_1888 = arith.mulf %get3A_1887, %get3A_845 : vector<16xf32>
      %add3A_1889 = arith.addf %add3A_1878, %mul3A_1888 : vector<16xf32>
      %mul3A_1890 = arith.constant 16 : i32
      %mul3A_1891 = arith.muli %scan3A_795, %mul3A_1890 : i32
      %get3A_1892 = arith.constant 11 : i32
      %get3A_1893 = arith.constant 5 : i32
      %get3A_1894 = arith.index_cast %get3A_1892 : i32 to index
      %get3A_1895 = arith.index_cast %get3A_1893 : i32 to index
      %get3A_1896 = arith.index_cast %mul3A_1891 : i32 to index
      %get3A_1897 = tpu.vector_load %arg5[%get3A_1894, %get3A_1895, %get3A_1896] {strides = array<i32>} : memref<16x8x512xf32, #tpu.memory_space<vmem>>, vector<1x1x16xf32>,
      %get3A_1898 = vector.shape_cast %get3A_1897 : vector<1x1x16xf32> to vector<16xf32>
      %mul3A_1899 = arith.mulf %get3A_1898, %get3A_852 : vector<16xf32>
      %add3A_1900 = arith.addf %add3A_1889, %mul3A_1899 : vector<16xf32>
      %mul3A_1901 = arith.constant 16 : i32
      %mul3A_1902 = arith.muli %scan3A_795, %mul3A_1901 : i32
      %get3A_1903 = arith.constant 11 : i32
      %get3A_1904 = arith.constant 6 : i32
      %get3A_1905 = arith.index_cast %get3A_1903 : i32 to index
      %get3A_1906 = arith.index_cast %get3A_1904 : i32 to index
      %get3A_1907 = arith.index_cast %mul3A_1902 : i32 to index
      %get3A_1908 = tpu.vector_load %arg5[%get3A_1905, %get3A_1906, %get3A_1907] {strides = array<i32>} : memref<16x8x512xf32, #tpu.memory_space<vmem>>, vector<1x1x16xf32>,
      %get3A_1909 = vector.shape_cast %get3A_1908 : vector<1x1x16xf32> to vector<16xf32>
      %mul3A_1910 = arith.mulf %get3A_1909, %get3A_859 : vector<16xf32>
      %add3A_1911 = arith.addf %add3A_1900, %mul3A_1910 : vector<16xf32>
      %mul3A_1912 = arith.constant 16 : i32
      %mul3A_1913 = arith.muli %scan3A_795, %mul3A_1912 : i32
      %get3A_1914 = arith.constant 11 : i32
      %get3A_1915 = arith.constant 7 : i32
      %get3A_1916 = arith.index_cast %get3A_1914 : i32 to index
      %get3A_1917 = arith.index_cast %get3A_1915 : i32 to index
      %get3A_1918 = arith.index_cast %mul3A_1913 : i32 to index
      %get3A_1919 = tpu.vector_load %arg5[%get3A_1916, %get3A_1917, %get3A_1918] {strides = array<i32>} : memref<16x8x512xf32, #tpu.memory_space<vmem>>, vector<1x1x16xf32>,
      %get3A_1920 = vector.shape_cast %get3A_1919 : vector<1x1x16xf32> to vector<16xf32>
      %mul3A_1921 = arith.mulf %get3A_1920, %get3A_866 : vector<16xf32>
      %add3A_1922 = arith.addf %add3A_1911, %mul3A_1921 : vector<16xf32>
      %mul3A_1923 = arith.constant 16 : i32
      %mul3A_1924 = arith.muli %scan3A_795, %mul3A_1923 : i32
      %get3A_1925 = arith.constant 12 : i32
      %get3A_1926 = arith.constant 0 : i32
      %get3A_1927 = arith.index_cast %get3A_1925 : i32 to index
      %get3A_1928 = arith.index_cast %get3A_1926 : i32 to index
      %get3A_1929 = arith.index_cast %mul3A_1924 : i32 to index
      %get3A_1930 = tpu.vector_load %arg5[%get3A_1927, %get3A_1928, %get3A_1929] {strides = array<i32>} : memref<16x8x512xf32, #tpu.memory_space<vmem>>, vector<1x1x16xf32>,
      %get3A_1931 = vector.shape_cast %get3A_1930 : vector<1x1x16xf32> to vector<16xf32>
      %mul3A_1932 = arith.mulf %get3A_1931, %get3A_817 : vector<16xf32>
      %add3A_1933 = arith.addf %scan3A_808, %mul3A_1932 : vector<16xf32>
      %mul3A_1934 = arith.constant 16 : i32
      %mul3A_1935 = arith.muli %scan3A_795, %mul3A_1934 : i32
      %get3A_1936 = arith.constant 12 : i32
      %get3A_1937 = arith.constant 1 : i32
      %get3A_1938 = arith.index_cast %get3A_1936 : i32 to index
      %get3A_1939 = arith.index_cast %get3A_1937 : i32 to index
      %get3A_1940 = arith.index_cast %mul3A_1935 : i32 to index
      %get3A_1941 = tpu.vector_load %arg5[%get3A_1938, %get3A_1939, %get3A_1940] {strides = array<i32>} : memref<16x8x512xf32, #tpu.memory_space<vmem>>, vector<1x1x16xf32>,
      %get3A_1942 = vector.shape_cast %get3A_1941 : vector<1x1x16xf32> to vector<16xf32>
      %mul3A_1943 = arith.mulf %get3A_1942, %get3A_824 : vector<16xf32>
      %add3A_1944 = arith.addf %add3A_1933, %mul3A_1943 : vector<16xf32>
      %mul3A_1945 = arith.constant 16 : i32
      %mul3A_1946 = arith.muli %scan3A_795, %mul3A_1945 : i32
      %get3A_1947 = arith.constant 12 : i32
      %get3A_1948 = arith.constant 2 : i32
      %get3A_1949 = arith.index_cast %get3A_1947 : i32 to index
      %get3A_1950 = arith.index_cast %get3A_1948 : i32 to index
      %get3A_1951 = arith.index_cast %mul3A_1946 : i32 to index
      %get3A_1952 = tpu.vector_load %arg5[%get3A_1949, %get3A_1950, %get3A_1951] {strides = array<i32>} : memref<16x8x512xf32, #tpu.memory_space<vmem>>, vector<1x1x16xf32>,
      %get3A_1953 = vector.shape_cast %get3A_1952 : vector<1x1x16xf32> to vector<16xf32>
      %mul3A_1954 = arith.mulf %get3A_1953, %get3A_831 : vector<16xf32>
      %add3A_1955 = arith.addf %add3A_1944, %mul3A_1954 : vector<16xf32>
      %mul3A_1956 = arith.constant 16 : i32
      %mul3A_1957 = arith.muli %scan3A_795, %mul3A_1956 : i32
      %get3A_1958 = arith.constant 12 : i32
      %get3A_1959 = arith.constant 3 : i32
      %get3A_1960 = arith.index_cast %get3A_1958 : i32 to index
      %get3A_1961 = arith.index_cast %get3A_1959 : i32 to index
      %get3A_1962 = arith.index_cast %mul3A_1957 : i32 to index
      %get3A_1963 = tpu.vector_load %arg5[%get3A_1960, %get3A_1961, %get3A_1962] {strides = array<i32>} : memref<16x8x512xf32, #tpu.memory_space<vmem>>, vector<1x1x16xf32>,
      %get3A_1964 = vector.shape_cast %get3A_1963 : vector<1x1x16xf32> to vector<16xf32>
      %mul3A_1965 = arith.mulf %get3A_1964, %get3A_838 : vector<16xf32>
      %add3A_1966 = arith.addf %add3A_1955, %mul3A_1965 : vector<16xf32>
      %mul3A_1967 = arith.constant 16 : i32
      %mul3A_1968 = arith.muli %scan3A_795, %mul3A_1967 : i32
      %get3A_1969 = arith.constant 12 : i32
      %get3A_1970 = arith.constant 4 : i32
      %get3A_1971 = arith.index_cast %get3A_1969 : i32 to index
      %get3A_1972 = arith.index_cast %get3A_1970 : i32 to index
      %get3A_1973 = arith.index_cast %mul3A_1968 : i32 to index
      %get3A_1974 = tpu.vector_load %arg5[%get3A_1971, %get3A_1972, %get3A_1973] {strides = array<i32>} : memref<16x8x512xf32, #tpu.memory_space<vmem>>, vector<1x1x16xf32>,
      %get3A_1975 = vector.shape_cast %get3A_1974 : vector<1x1x16xf32> to vector<16xf32>
      %mul3A_1976 = arith.mulf %get3A_1975, %get3A_845 : vector<16xf32>
      %add3A_1977 = arith.addf %add3A_1966, %mul3A_1976 : vector<16xf32>
      %mul3A_1978 = arith.constant 16 : i32
      %mul3A_1979 = arith.muli %scan3A_795, %mul3A_1978 : i32
      %get3A_1980 = arith.constant 12 : i32
      %get3A_1981 = arith.constant 5 : i32
      %get3A_1982 = arith.index_cast %get3A_1980 : i32 to index
      %get3A_1983 = arith.index_cast %get3A_1981 : i32 to index
      %get3A_1984 = arith.index_cast %mul3A_1979 : i32 to index
      %get3A_1985 = tpu.vector_load %arg5[%get3A_1982, %get3A_1983, %get3A_1984] {strides = array<i32>} : memref<16x8x512xf32, #tpu.memory_space<vmem>>, vector<1x1x16xf32>,
      %get3A_1986 = vector.shape_cast %get3A_1985 : vector<1x1x16xf32> to vector<16xf32>
      %mul3A_1987 = arith.mulf %get3A_1986, %get3A_852 : vector<16xf32>
      %add3A_1988 = arith.addf %add3A_1977, %mul3A_1987 : vector<16xf32>
      %mul3A_1989 = arith.constant 16 : i32
      %mul3A_1990 = arith.muli %scan3A_795, %mul3A_1989 : i32
      %get3A_1991 = arith.constant 12 : i32
      %get3A_1992 = arith.constant 6 : i32
      %get3A_1993 = arith.index_cast %get3A_1991 : i32 to index
      %get3A_1994 = arith.index_cast %get3A_1992 : i32 to index
      %get3A_1995 = arith.index_cast %mul3A_1990 : i32 to index
      %get3A_1996 = tpu.vector_load %arg5[%get3A_1993, %get3A_1994, %get3A_1995] {strides = array<i32>} : memref<16x8x512xf32, #tpu.memory_space<vmem>>, vector<1x1x16xf32>,
      %get3A_1997 = vector.shape_cast %get3A_1996 : vector<1x1x16xf32> to vector<16xf32>
      %mul3A_1998 = arith.mulf %get3A_1997, %get3A_859 : vector<16xf32>
      %add3A_1999 = arith.addf %add3A_1988, %mul3A_1998 : vector<16xf32>
      %mul3A_2000 = arith.constant 16 : i32
      %mul3A_2001 = arith.muli %scan3A_795, %mul3A_2000 : i32
      %get3A_2002 = arith.constant 12 : i32
      %get3A_2003 = arith.constant 7 : i32
      %get3A_2004 = arith.index_cast %get3A_2002 : i32 to index
      %get3A_2005 = arith.index_cast %get3A_2003 : i32 to index
      %get3A_2006 = arith.index_cast %mul3A_2001 : i32 to index
      %get3A_2007 = tpu.vector_load %arg5[%get3A_2004, %get3A_2005, %get3A_2006] {strides = array<i32>} : memref<16x8x512xf32, #tpu.memory_space<vmem>>, vector<1x1x16xf32>,
      %get3A_2008 = vector.shape_cast %get3A_2007 : vector<1x1x16xf32> to vector<16xf32>
      %mul3A_2009 = arith.mulf %get3A_2008, %get3A_866 : vector<16xf32>
      %add3A_2010 = arith.addf %add3A_1999, %mul3A_2009 : vector<16xf32>
      %mul3A_2011 = arith.constant 16 : i32
      %mul3A_2012 = arith.muli %scan3A_795, %mul3A_2011 : i32
      %get3A_2013 = arith.constant 13 : i32
      %get3A_2014 = arith.constant 0 : i32
      %get3A_2015 = arith.index_cast %get3A_2013 : i32 to index
      %get3A_2016 = arith.index_cast %get3A_2014 : i32 to index
      %get3A_2017 = arith.index_cast %mul3A_2012 : i32 to index
      %get3A_2018 = tpu.vector_load %arg5[%get3A_2015, %get3A_2016, %get3A_2017] {strides = array<i32>} : memref<16x8x512xf32, #tpu.memory_space<vmem>>, vector<1x1x16xf32>,
      %get3A_2019 = vector.shape_cast %get3A_2018 : vector<1x1x16xf32> to vector<16xf32>
      %mul3A_2020 = arith.mulf %get3A_2019, %get3A_817 : vector<16xf32>
      %add3A_2021 = arith.addf %scan3A_809, %mul3A_2020 : vector<16xf32>
      %mul3A_2022 = arith.constant 16 : i32
      %mul3A_2023 = arith.muli %scan3A_795, %mul3A_2022 : i32
      %get3A_2024 = arith.constant 13 : i32
      %get3A_2025 = arith.constant 1 : i32
      %get3A_2026 = arith.index_cast %get3A_2024 : i32 to index
      %get3A_2027 = arith.index_cast %get3A_2025 : i32 to index
      %get3A_2028 = arith.index_cast %mul3A_2023 : i32 to index
      %get3A_2029 = tpu.vector_load %arg5[%get3A_2026, %get3A_2027, %get3A_2028] {strides = array<i32>} : memref<16x8x512xf32, #tpu.memory_space<vmem>>, vector<1x1x16xf32>,
      %get3A_2030 = vector.shape_cast %get3A_2029 : vector<1x1x16xf32> to vector<16xf32>
      %mul3A_2031 = arith.mulf %get3A_2030, %get3A_824 : vector<16xf32>
      %add3A_2032 = arith.addf %add3A_2021, %mul3A_2031 : vector<16xf32>
      %mul3A_2033 = arith.constant 16 : i32
      %mul3A_2034 = arith.muli %scan3A_795, %mul3A_2033 : i32
      %get3A_2035 = arith.constant 13 : i32
      %get3A_2036 = arith.constant 2 : i32
      %get3A_2037 = arith.index_cast %get3A_2035 : i32 to index
      %get3A_2038 = arith.index_cast %get3A_2036 : i32 to index
      %get3A_2039 = arith.index_cast %mul3A_2034 : i32 to index
      %get3A_2040 = tpu.vector_load %arg5[%get3A_2037, %get3A_2038, %get3A_2039] {strides = array<i32>} : memref<16x8x512xf32, #tpu.memory_space<vmem>>, vector<1x1x16xf32>,
      %get3A_2041 = vector.shape_cast %get3A_2040 : vector<1x1x16xf32> to vector<16xf32>
      %mul3A_2042 = arith.mulf %get3A_2041, %get3A_831 : vector<16xf32>
      %add3A_2043 = arith.addf %add3A_2032, %mul3A_2042 : vector<16xf32>
      %mul3A_2044 = arith.constant 16 : i32
      %mul3A_2045 = arith.muli %scan3A_795, %mul3A_2044 : i32
      %get3A_2046 = arith.constant 13 : i32
      %get3A_2047 = arith.constant 3 : i32
      %get3A_2048 = arith.index_cast %get3A_2046 : i32 to index
      %get3A_2049 = arith.index_cast %get3A_2047 : i32 to index
      %get3A_2050 = arith.index_cast %mul3A_2045 : i32 to index
      %get3A_2051 = tpu.vector_load %arg5[%get3A_2048, %get3A_2049, %get3A_2050] {strides = array<i32>} : memref<16x8x512xf32, #tpu.memory_space<vmem>>, vector<1x1x16xf32>,
      %get3A_2052 = vector.shape_cast %get3A_2051 : vector<1x1x16xf32> to vector<16xf32>
      %mul3A_2053 = arith.mulf %get3A_2052, %get3A_838 : vector<16xf32>
      %add3A_2054 = arith.addf %add3A_2043, %mul3A_2053 : vector<16xf32>
      %mul3A_2055 = arith.constant 16 : i32
      %mul3A_2056 = arith.muli %scan3A_795, %mul3A_2055 : i32
      %get3A_2057 = arith.constant 13 : i32
      %get3A_2058 = arith.constant 4 : i32
      %get3A_2059 = arith.index_cast %get3A_2057 : i32 to index
      %get3A_2060 = arith.index_cast %get3A_2058 : i32 to index
      %get3A_2061 = arith.index_cast %mul3A_2056 : i32 to index
      %get3A_2062 = tpu.vector_load %arg5[%get3A_2059, %get3A_2060, %get3A_2061] {strides = array<i32>} : memref<16x8x512xf32, #tpu.memory_space<vmem>>, vector<1x1x16xf32>,
      %get3A_2063 = vector.shape_cast %get3A_2062 : vector<1x1x16xf32> to vector<16xf32>
      %mul3A_2064 = arith.mulf %get3A_2063, %get3A_845 : vector<16xf32>
      %add3A_2065 = arith.addf %add3A_2054, %mul3A_2064 : vector<16xf32>
      %mul3A_2066 = arith.constant 16 : i32
      %mul3A_2067 = arith.muli %scan3A_795, %mul3A_2066 : i32
      %get3A_2068 = arith.constant 13 : i32
      %get3A_2069 = arith.constant 5 : i32
      %get3A_2070 = arith.index_cast %get3A_2068 : i32 to index
      %get3A_2071 = arith.index_cast %get3A_2069 : i32 to index
      %get3A_2072 = arith.index_cast %mul3A_2067 : i32 to index
      %get3A_2073 = tpu.vector_load %arg5[%get3A_2070, %get3A_2071, %get3A_2072] {strides = array<i32>} : memref<16x8x512xf32, #tpu.memory_space<vmem>>, vector<1x1x16xf32>,
      %get3A_2074 = vector.shape_cast %get3A_2073 : vector<1x1x16xf32> to vector<16xf32>
      %mul3A_2075 = arith.mulf %get3A_2074, %get3A_852 : vector<16xf32>
      %add3A_2076 = arith.addf %add3A_2065, %mul3A_2075 : vector<16xf32>
      %mul3A_2077 = arith.constant 16 : i32
      %mul3A_2078 = arith.muli %scan3A_795, %mul3A_2077 : i32
      %get3A_2079 = arith.constant 13 : i32
      %get3A_2080 = arith.constant 6 : i32
      %get3A_2081 = arith.index_cast %get3A_2079 : i32 to index
      %get3A_2082 = arith.index_cast %get3A_2080 : i32 to index
      %get3A_2083 = arith.index_cast %mul3A_2078 : i32 to index
      %get3A_2084 = tpu.vector_load %arg5[%get3A_2081, %get3A_2082, %get3A_2083] {strides = array<i32>} : memref<16x8x512xf32, #tpu.memory_space<vmem>>, vector<1x1x16xf32>,
      %get3A_2085 = vector.shape_cast %get3A_2084 : vector<1x1x16xf32> to vector<16xf32>
      %mul3A_2086 = arith.mulf %get3A_2085, %get3A_859 : vector<16xf32>
      %add3A_2087 = arith.addf %add3A_2076, %mul3A_2086 : vector<16xf32>
      %mul3A_2088 = arith.constant 16 : i32
      %mul3A_2089 = arith.muli %scan3A_795, %mul3A_2088 : i32
      %get3A_2090 = arith.constant 13 : i32
      %get3A_2091 = arith.constant 7 : i32
      %get3A_2092 = arith.index_cast %get3A_2090 : i32 to index
      %get3A_2093 = arith.index_cast %get3A_2091 : i32 to index
      %get3A_2094 = arith.index_cast %mul3A_2089 : i32 to index
      %get3A_2095 = tpu.vector_load %arg5[%get3A_2092, %get3A_2093, %get3A_2094] {strides = array<i32>} : memref<16x8x512xf32, #tpu.memory_space<vmem>>, vector<1x1x16xf32>,
      %get3A_2096 = vector.shape_cast %get3A_2095 : vector<1x1x16xf32> to vector<16xf32>
      %mul3A_2097 = arith.mulf %get3A_2096, %get3A_866 : vector<16xf32>
      %add3A_2098 = arith.addf %add3A_2087, %mul3A_2097 : vector<16xf32>
      %mul3A_2099 = arith.constant 16 : i32
      %mul3A_2100 = arith.muli %scan3A_795, %mul3A_2099 : i32
      %get3A_2101 = arith.constant 14 : i32
      %get3A_2102 = arith.constant 0 : i32
      %get3A_2103 = arith.index_cast %get3A_2101 : i32 to index
      %get3A_2104 = arith.index_cast %get3A_2102 : i32 to index
      %get3A_2105 = arith.index_cast %mul3A_2100 : i32 to index
      %get3A_2106 = tpu.vector_load %arg5[%get3A_2103, %get3A_2104, %get3A_2105] {strides = array<i32>} : memref<16x8x512xf32, #tpu.memory_space<vmem>>, vector<1x1x16xf32>,
      %get3A_2107 = vector.shape_cast %get3A_2106 : vector<1x1x16xf32> to vector<16xf32>
      %mul3A_2108 = arith.mulf %get3A_2107, %get3A_817 : vector<16xf32>
      %add3A_2109 = arith.addf %scan3A_810, %mul3A_2108 : vector<16xf32>
      %mul3A_2110 = arith.constant 16 : i32
      %mul3A_2111 = arith.muli %scan3A_795, %mul3A_2110 : i32
      %get3A_2112 = arith.constant 14 : i32
      %get3A_2113 = arith.constant 1 : i32
      %get3A_2114 = arith.index_cast %get3A_2112 : i32 to index
      %get3A_2115 = arith.index_cast %get3A_2113 : i32 to index
      %get3A_2116 = arith.index_cast %mul3A_2111 : i32 to index
      %get3A_2117 = tpu.vector_load %arg5[%get3A_2114, %get3A_2115, %get3A_2116] {strides = array<i32>} : memref<16x8x512xf32, #tpu.memory_space<vmem>>, vector<1x1x16xf32>,
      %get3A_2118 = vector.shape_cast %get3A_2117 : vector<1x1x16xf32> to vector<16xf32>
      %mul3A_2119 = arith.mulf %get3A_2118, %get3A_824 : vector<16xf32>
      %add3A_2120 = arith.addf %add3A_2109, %mul3A_2119 : vector<16xf32>
      %mul3A_2121 = arith.constant 16 : i32
      %mul3A_2122 = arith.muli %scan3A_795, %mul3A_2121 : i32
      %get3A_2123 = arith.constant 14 : i32
      %get3A_2124 = arith.constant 2 : i32
      %get3A_2125 = arith.index_cast %get3A_2123 : i32 to index
      %get3A_2126 = arith.index_cast %get3A_2124 : i32 to index
      %get3A_2127 = arith.index_cast %mul3A_2122 : i32 to index
      %get3A_2128 = tpu.vector_load %arg5[%get3A_2125, %get3A_2126, %get3A_2127] {strides = array<i32>} : memref<16x8x512xf32, #tpu.memory_space<vmem>>, vector<1x1x16xf32>,
      %get3A_2129 = vector.shape_cast %get3A_2128 : vector<1x1x16xf32> to vector<16xf32>
      %mul3A_2130 = arith.mulf %get3A_2129, %get3A_831 : vector<16xf32>
      %add3A_2131 = arith.addf %add3A_2120, %mul3A_2130 : vector<16xf32>
      %mul3A_2132 = arith.constant 16 : i32
      %mul3A_2133 = arith.muli %scan3A_795, %mul3A_2132 : i32
      %get3A_2134 = arith.constant 14 : i32
      %get3A_2135 = arith.constant 3 : i32
      %get3A_2136 = arith.index_cast %get3A_2134 : i32 to index
      %get3A_2137 = arith.index_cast %get3A_2135 : i32 to index
      %get3A_2138 = arith.index_cast %mul3A_2133 : i32 to index
      %get3A_2139 = tpu.vector_load %arg5[%get3A_2136, %get3A_2137, %get3A_2138] {strides = array<i32>} : memref<16x8x512xf32, #tpu.memory_space<vmem>>, vector<1x1x16xf32>,
      %get3A_2140 = vector.shape_cast %get3A_2139 : vector<1x1x16xf32> to vector<16xf32>
      %mul3A_2141 = arith.mulf %get3A_2140, %get3A_838 : vector<16xf32>
      %add3A_2142 = arith.addf %add3A_2131, %mul3A_2141 : vector<16xf32>
      %mul3A_2143 = arith.constant 16 : i32
      %mul3A_2144 = arith.muli %scan3A_795, %mul3A_2143 : i32
      %get3A_2145 = arith.constant 14 : i32
      %get3A_2146 = arith.constant 4 : i32
      %get3A_2147 = arith.index_cast %get3A_2145 : i32 to index
      %get3A_2148 = arith.index_cast %get3A_2146 : i32 to index
      %get3A_2149 = arith.index_cast %mul3A_2144 : i32 to index
      %get3A_2150 = tpu.vector_load %arg5[%get3A_2147, %get3A_2148, %get3A_2149] {strides = array<i32>} : memref<16x8x512xf32, #tpu.memory_space<vmem>>, vector<1x1x16xf32>,
      %get3A_2151 = vector.shape_cast %get3A_2150 : vector<1x1x16xf32> to vector<16xf32>
      %mul3A_2152 = arith.mulf %get3A_2151, %get3A_845 : vector<16xf32>
      %add3A_2153 = arith.addf %add3A_2142, %mul3A_2152 : vector<16xf32>
      %mul3A_2154 = arith.constant 16 : i32
      %mul3A_2155 = arith.muli %scan3A_795, %mul3A_2154 : i32
      %get3A_2156 = arith.constant 14 : i32
      %get3A_2157 = arith.constant 5 : i32
      %get3A_2158 = arith.index_cast %get3A_2156 : i32 to index
      %get3A_2159 = arith.index_cast %get3A_2157 : i32 to index
      %get3A_2160 = arith.index_cast %mul3A_2155 : i32 to index
      %get3A_2161 = tpu.vector_load %arg5[%get3A_2158, %get3A_2159, %get3A_2160] {strides = array<i32>} : memref<16x8x512xf32, #tpu.memory_space<vmem>>, vector<1x1x16xf32>,
      %get3A_2162 = vector.shape_cast %get3A_2161 : vector<1x1x16xf32> to vector<16xf32>
      %mul3A_2163 = arith.mulf %get3A_2162, %get3A_852 : vector<16xf32>
      %add3A_2164 = arith.addf %add3A_2153, %mul3A_2163 : vector<16xf32>
      %mul3A_2165 = arith.constant 16 : i32
      %mul3A_2166 = arith.muli %scan3A_795, %mul3A_2165 : i32
      %get3A_2167 = arith.constant 14 : i32
      %get3A_2168 = arith.constant 6 : i32
      %get3A_2169 = arith.index_cast %get3A_2167 : i32 to index
      %get3A_2170 = arith.index_cast %get3A_2168 : i32 to index
      %get3A_2171 = arith.index_cast %mul3A_2166 : i32 to index
      %get3A_2172 = tpu.vector_load %arg5[%get3A_2169, %get3A_2170, %get3A_2171] {strides = array<i32>} : memref<16x8x512xf32, #tpu.memory_space<vmem>>, vector<1x1x16xf32>,
      %get3A_2173 = vector.shape_cast %get3A_2172 : vector<1x1x16xf32> to vector<16xf32>
      %mul3A_2174 = arith.mulf %get3A_2173, %get3A_859 : vector<16xf32>
      %add3A_2175 = arith.addf %add3A_2164, %mul3A_2174 : vector<16xf32>
      %mul3A_2176 = arith.constant 16 : i32
      %mul3A_2177 = arith.muli %scan3A_795, %mul3A_2176 : i32
      %get3A_2178 = arith.constant 14 : i32
      %get3A_2179 = arith.constant 7 : i32
      %get3A_2180 = arith.index_cast %get3A_2178 : i32 to index
      %get3A_2181 = arith.index_cast %get3A_2179 : i32 to index
      %get3A_2182 = arith.index_cast %mul3A_2177 : i32 to index
      %get3A_2183 = tpu.vector_load %arg5[%get3A_2180, %get3A_2181, %get3A_2182] {strides = array<i32>} : memref<16x8x512xf32, #tpu.memory_space<vmem>>, vector<1x1x16xf32>,
      %get3A_2184 = vector.shape_cast %get3A_2183 : vector<1x1x16xf32> to vector<16xf32>
      %mul3A_2185 = arith.mulf %get3A_2184, %get3A_866 : vector<16xf32>
      %add3A_2186 = arith.addf %add3A_2175, %mul3A_2185 : vector<16xf32>
      %mul3A_2187 = arith.constant 16 : i32
      %mul3A_2188 = arith.muli %scan3A_795, %mul3A_2187 : i32
      %get3A_2189 = arith.constant 15 : i32
      %get3A_2190 = arith.constant 0 : i32
      %get3A_2191 = arith.index_cast %get3A_2189 : i32 to index
      %get3A_2192 = arith.index_cast %get3A_2190 : i32 to index
      %get3A_2193 = arith.index_cast %mul3A_2188 : i32 to index
      %get3A_2194 = tpu.vector_load %arg5[%get3A_2191, %get3A_2192, %get3A_2193] {strides = array<i32>} : memref<16x8x512xf32, #tpu.memory_space<vmem>>, vector<1x1x16xf32>,
      %get3A_2195 = vector.shape_cast %get3A_2194 : vector<1x1x16xf32> to vector<16xf32>
      %mul3A_2196 = arith.mulf %get3A_2195, %get3A_817 : vector<16xf32>
      %add3A_2197 = arith.addf %scan3A_811, %mul3A_2196 : vector<16xf32>
      %mul3A_2198 = arith.constant 16 : i32
      %mul3A_2199 = arith.muli %scan3A_795, %mul3A_2198 : i32
      %get3A_2200 = arith.constant 15 : i32
      %get3A_2201 = arith.constant 1 : i32
      %get3A_2202 = arith.index_cast %get3A_2200 : i32 to index
      %get3A_2203 = arith.index_cast %get3A_2201 : i32 to index
      %get3A_2204 = arith.index_cast %mul3A_2199 : i32 to index
      %get3A_2205 = tpu.vector_load %arg5[%get3A_2202, %get3A_2203, %get3A_2204] {strides = array<i32>} : memref<16x8x512xf32, #tpu.memory_space<vmem>>, vector<1x1x16xf32>,
      %get3A_2206 = vector.shape_cast %get3A_2205 : vector<1x1x16xf32> to vector<16xf32>
      %mul3A_2207 = arith.mulf %get3A_2206, %get3A_824 : vector<16xf32>
      %add3A_2208 = arith.addf %add3A_2197, %mul3A_2207 : vector<16xf32>
      %mul3A_2209 = arith.constant 16 : i32
      %mul3A_2210 = arith.muli %scan3A_795, %mul3A_2209 : i32
      %get3A_2211 = arith.constant 15 : i32
      %get3A_2212 = arith.constant 2 : i32
      %get3A_2213 = arith.index_cast %get3A_2211 : i32 to index
      %get3A_2214 = arith.index_cast %get3A_2212 : i32 to index
      %get3A_2215 = arith.index_cast %mul3A_2210 : i32 to index
      %get3A_2216 = tpu.vector_load %arg5[%get3A_2213, %get3A_2214, %get3A_2215] {strides = array<i32>} : memref<16x8x512xf32, #tpu.memory_space<vmem>>, vector<1x1x16xf32>,
      %get3A_2217 = vector.shape_cast %get3A_2216 : vector<1x1x16xf32> to vector<16xf32>
      %mul3A_2218 = arith.mulf %get3A_2217, %get3A_831 : vector<16xf32>
      %add3A_2219 = arith.addf %add3A_2208, %mul3A_2218 : vector<16xf32>
      %mul3A_2220 = arith.constant 16 : i32
      %mul3A_2221 = arith.muli %scan3A_795, %mul3A_2220 : i32
      %get3A_2222 = arith.constant 15 : i32
      %get3A_2223 = arith.constant 3 : i32
      %get3A_2224 = arith.index_cast %get3A_2222 : i32 to index
      %get3A_2225 = arith.index_cast %get3A_2223 : i32 to index
      %get3A_2226 = arith.index_cast %mul3A_2221 : i32 to index
      %get3A_2227 = tpu.vector_load %arg5[%get3A_2224, %get3A_2225, %get3A_2226] {strides = array<i32>} : memref<16x8x512xf32, #tpu.memory_space<vmem>>, vector<1x1x16xf32>,
      %get3A_2228 = vector.shape_cast %get3A_2227 : vector<1x1x16xf32> to vector<16xf32>
      %mul3A_2229 = arith.mulf %get3A_2228, %get3A_838 : vector<16xf32>
      %add3A_2230 = arith.addf %add3A_2219, %mul3A_2229 : vector<16xf32>
      %mul3A_2231 = arith.constant 16 : i32
      %mul3A_2232 = arith.muli %scan3A_795, %mul3A_2231 : i32
      %get3A_2233 = arith.constant 15 : i32
      %get3A_2234 = arith.constant 4 : i32
      %get3A_2235 = arith.index_cast %get3A_2233 : i32 to index
      %get3A_2236 = arith.index_cast %get3A_2234 : i32 to index
      %get3A_2237 = arith.index_cast %mul3A_2232 : i32 to index
      %get3A_2238 = tpu.vector_load %arg5[%get3A_2235, %get3A_2236, %get3A_2237] {strides = array<i32>} : memref<16x8x512xf32, #tpu.memory_space<vmem>>, vector<1x1x16xf32>,
      %get3A_2239 = vector.shape_cast %get3A_2238 : vector<1x1x16xf32> to vector<16xf32>
      %mul3A_2240 = arith.mulf %get3A_2239, %get3A_845 : vector<16xf32>
      %add3A_2241 = arith.addf %add3A_2230, %mul3A_2240 : vector<16xf32>
      %mul3A_2242 = arith.constant 16 : i32
      %mul3A_2243 = arith.muli %scan3A_795, %mul3A_2242 : i32
      %get3A_2244 = arith.constant 15 : i32
      %get3A_2245 = arith.constant 5 : i32
      %get3A_2246 = arith.index_cast %get3A_2244 : i32 to index
      %get3A_2247 = arith.index_cast %get3A_2245 : i32 to index
      %get3A_2248 = arith.index_cast %mul3A_2243 : i32 to index
      %get3A_2249 = tpu.vector_load %arg5[%get3A_2246, %get3A_2247, %get3A_2248] {strides = array<i32>} : memref<16x8x512xf32, #tpu.memory_space<vmem>>, vector<1x1x16xf32>,
      %get3A_2250 = vector.shape_cast %get3A_2249 : vector<1x1x16xf32> to vector<16xf32>
      %mul3A_2251 = arith.mulf %get3A_2250, %get3A_852 : vector<16xf32>
      %add3A_2252 = arith.addf %add3A_2241, %mul3A_2251 : vector<16xf32>
      %mul3A_2253 = arith.constant 16 : i32
      %mul3A_2254 = arith.muli %scan3A_795, %mul3A_2253 : i32
      %get3A_2255 = arith.constant 15 : i32
      %get3A_2256 = arith.constant 6 : i32
      %get3A_2257 = arith.index_cast %get3A_2255 : i32 to index
      %get3A_2258 = arith.index_cast %get3A_2256 : i32 to index
      %get3A_2259 = arith.index_cast %mul3A_2254 : i32 to index
      %get3A_2260 = tpu.vector_load %arg5[%get3A_2257, %get3A_2258, %get3A_2259] {strides = array<i32>} : memref<16x8x512xf32, #tpu.memory_space<vmem>>, vector<1x1x16xf32>,
      %get3A_2261 = vector.shape_cast %get3A_2260 : vector<1x1x16xf32> to vector<16xf32>
      %mul3A_2262 = arith.mulf %get3A_2261, %get3A_859 : vector<16xf32>
      %add3A_2263 = arith.addf %add3A_2252, %mul3A_2262 : vector<16xf32>
      %mul3A_2264 = arith.constant 16 : i32
      %mul3A_2265 = arith.muli %scan3A_795, %mul3A_2264 : i32
      %get3A_2266 = arith.constant 15 : i32
      %get3A_2267 = arith.constant 7 : i32
      %get3A_2268 = arith.index_cast %get3A_2266 : i32 to index
      %get3A_2269 = arith.index_cast %get3A_2267 : i32 to index
      %get3A_2270 = arith.index_cast %mul3A_2265 : i32 to index
      %get3A_2271 = tpu.vector_load %arg5[%get3A_2268, %get3A_2269, %get3A_2270] {strides = array<i32>} : memref<16x8x512xf32, #tpu.memory_space<vmem>>, vector<1x1x16xf32>,
      %get3A_2272 = vector.shape_cast %get3A_2271 : vector<1x1x16xf32> to vector<16xf32>
      %mul3A_2273 = arith.mulf %get3A_2272, %get3A_866 : vector<16xf32>
      %add3A_2274 = arith.addf %add3A_2263, %mul3A_2273 : vector<16xf32>
      scf.yield %add3A_954, %add3A_1042, %add3A_1130, %add3A_1218, %add3A_1306, %add3A_1394, %add3A_1482, %add3A_1570, %add3A_1658, %add3A_1746, %add3A_1834, %add3A_1922, %add3A_2010, %add3A_2098, %add3A_2186, %add3A_2274 : vector<16xf32>, vector<16xf32>, vector<16xf32>, vector<16xf32>, vector<16xf32>, vector<16xf32>, vector<16xf32>, vector<16xf32>, vector<16xf32>, vector<16xf32>, vector<16xf32>, vector<16xf32>, vector<16xf32>, vector<16xf32>, vector<16xf32>, vector<16xf32>
    }
    %scan3A_104 = arith.constant 32 : i32
    %broadcast_in_dim3A_105 = arith.constant 0.000000e+00 : f32
    %broadcast_in_dim3A_106 = vector.broadcast %broadcast_in_dim3A_105 : f32 to vector<16xf32>
    %broadcast_in_dim3A_107 = vector.shape_cast %and3A_48 : vector<16xi32> to vector<16x1xi32>
    %gather3A = vector.shape_cast %broadcast_in_dim3A_107 : vector<16x1xi32> to vector<16xi32>
    %gather3A_108 = tpu.dynamic_gather %scan3A_103#0[%gather3A] in [0] : vector<16xf32>, vector<16xi32> -> vector<16xf32>
    %add3A_109 = arith.addf %scan3A_103#0, %gather3A_108 : vector<16xf32>
    %broadcast_in_dim3A_110 = vector.shape_cast %and3A_54 : vector<16xi32> to vector<16x1xi32>
    %gather3A_111 = vector.shape_cast %broadcast_in_dim3A_110 : vector<16x1xi32> to vector<16xi32>
    %gather3A_112 = tpu.dynamic_gather %add3A_109[%gather3A_111] in [0] : vector<16xf32>, vector<16xi32> -> vector<16xf32>
    %add3A_113 = arith.addf %add3A_109, %gather3A_112 : vector<16xf32>
    %broadcast_in_dim3A_114 = vector.shape_cast %and3A_60 : vector<16xi32> to vector<16x1xi32>
    %gather3A_115 = vector.shape_cast %broadcast_in_dim3A_114 : vector<16x1xi32> to vector<16xi32>
    %gather3A_116 = tpu.dynamic_gather %add3A_113[%gather3A_115] in [0] : vector<16xf32>, vector<16xi32> -> vector<16xf32>
    %add3A_117 = arith.addf %add3A_113, %gather3A_116 : vector<16xf32>
    %broadcast_in_dim3A_118 = vector.shape_cast %and3A_66 : vector<16xi32> to vector<16x1xi32>
    %gather3A_119 = vector.shape_cast %broadcast_in_dim3A_118 : vector<16x1xi32> to vector<16xi32>
    %gather3A_120 = tpu.dynamic_gather %add3A_117[%gather3A_119] in [0] : vector<16xf32>, vector<16xi32> -> vector<16xf32>
    %add3A_121 = arith.addf %add3A_117, %gather3A_120 : vector<16xf32>
    %eq3A_122 = arith.constant 0 : i32
    %eq3A_123 = vector.broadcast %eq3A_122 : i32 to vector<16xi32>
    %eq3A_124 = arith.cmpi eq, %iota3A, %eq3A_123 : vector<16xi32>
    %select_n3A_125 = arith.select %eq3A_124, %add3A_121, %broadcast_in_dim3A_106 : vector<16xi1>, vector<16xf32>
    %broadcast_in_dim3A_126 = vector.shape_cast %and3A_48 : vector<16xi32> to vector<16x1xi32>
    %gather3A_127 = vector.shape_cast %broadcast_in_dim3A_126 : vector<16x1xi32> to vector<16xi32>
    %gather3A_128 = tpu.dynamic_gather %scan3A_103#1[%gather3A_127] in [0] : vector<16xf32>, vector<16xi32> -> vector<16xf32>
    %add3A_129 = arith.addf %scan3A_103#1, %gather3A_128 : vector<16xf32>
    %broadcast_in_dim3A_130 = vector.shape_cast %and3A_54 : vector<16xi32> to vector<16x1xi32>
    %gather3A_131 = vector.shape_cast %broadcast_in_dim3A_130 : vector<16x1xi32> to vector<16xi32>
    %gather3A_132 = tpu.dynamic_gather %add3A_129[%gather3A_131] in [0] : vector<16xf32>, vector<16xi32> -> vector<16xf32>
    %add3A_133 = arith.addf %add3A_129, %gather3A_132 : vector<16xf32>
    %broadcast_in_dim3A_134 = vector.shape_cast %and3A_60 : vector<16xi32> to vector<16x1xi32>
    %gather3A_135 = vector.shape_cast %broadcast_in_dim3A_134 : vector<16x1xi32> to vector<16xi32>
    %gather3A_136 = tpu.dynamic_gather %add3A_133[%gather3A_135] in [0] : vector<16xf32>, vector<16xi32> -> vector<16xf32>
    %add3A_137 = arith.addf %add3A_133, %gather3A_136 : vector<16xf32>
    %broadcast_in_dim3A_138 = vector.shape_cast %and3A_66 : vector<16xi32> to vector<16x1xi32>
    %gather3A_139 = vector.shape_cast %broadcast_in_dim3A_138 : vector<16x1xi32> to vector<16xi32>
    %gather3A_140 = tpu.dynamic_gather %add3A_137[%gather3A_139] in [0] : vector<16xf32>, vector<16xi32> -> vector<16xf32>
    %add3A_141 = arith.addf %add3A_137, %gather3A_140 : vector<16xf32>
    %eq3A_142 = arith.constant 1 : i32
    %eq3A_143 = vector.broadcast %eq3A_142 : i32 to vector<16xi32>
    %eq3A_144 = arith.cmpi eq, %iota3A, %eq3A_143 : vector<16xi32>
    %select_n3A_145 = arith.select %eq3A_144, %add3A_141, %select_n3A_125 : vector<16xi1>, vector<16xf32>
    %broadcast_in_dim3A_146 = vector.shape_cast %and3A_48 : vector<16xi32> to vector<16x1xi32>
    %gather3A_147 = vector.shape_cast %broadcast_in_dim3A_146 : vector<16x1xi32> to vector<16xi32>
    %gather3A_148 = tpu.dynamic_gather %scan3A_103#2[%gather3A_147] in [0] : vector<16xf32>, vector<16xi32> -> vector<16xf32>
    %add3A_149 = arith.addf %scan3A_103#2, %gather3A_148 : vector<16xf32>
    %broadcast_in_dim3A_150 = vector.shape_cast %and3A_54 : vector<16xi32> to vector<16x1xi32>
    %gather3A_151 = vector.shape_cast %broadcast_in_dim3A_150 : vector<16x1xi32> to vector<16xi32>
    %gather3A_152 = tpu.dynamic_gather %add3A_149[%gather3A_151] in [0] : vector<16xf32>, vector<16xi32> -> vector<16xf32>
    %add3A_153 = arith.addf %add3A_149, %gather3A_152 : vector<16xf32>
    %broadcast_in_dim3A_154 = vector.shape_cast %and3A_60 : vector<16xi32> to vector<16x1xi32>
    %gather3A_155 = vector.shape_cast %broadcast_in_dim3A_154 : vector<16x1xi32> to vector<16xi32>
    %gather3A_156 = tpu.dynamic_gather %add3A_153[%gather3A_155] in [0] : vector<16xf32>, vector<16xi32> -> vector<16xf32>
    %add3A_157 = arith.addf %add3A_153, %gather3A_156 : vector<16xf32>
    %broadcast_in_dim3A_158 = vector.shape_cast %and3A_66 : vector<16xi32> to vector<16x1xi32>
    %gather3A_159 = vector.shape_cast %broadcast_in_dim3A_158 : vector<16x1xi32> to vector<16xi32>
    %gather3A_160 = tpu.dynamic_gather %add3A_157[%gather3A_159] in [0] : vector<16xf32>, vector<16xi32> -> vector<16xf32>
    %add3A_161 = arith.addf %add3A_157, %gather3A_160 : vector<16xf32>
    %eq3A_162 = arith.constant 2 : i32
    %eq3A_163 = vector.broadcast %eq3A_162 : i32 to vector<16xi32>
    %eq3A_164 = arith.cmpi eq, %iota3A, %eq3A_163 : vector<16xi32>
    %select_n3A_165 = arith.select %eq3A_164, %add3A_161, %select_n3A_145 : vector<16xi1>, vector<16xf32>
    %broadcast_in_dim3A_166 = vector.shape_cast %and3A_48 : vector<16xi32> to vector<16x1xi32>
    %gather3A_167 = vector.shape_cast %broadcast_in_dim3A_166 : vector<16x1xi32> to vector<16xi32>
    %gather3A_168 = tpu.dynamic_gather %scan3A_103#3[%gather3A_167] in [0] : vector<16xf32>, vector<16xi32> -> vector<16xf32>
    %add3A_169 = arith.addf %scan3A_103#3, %gather3A_168 : vector<16xf32>
    %broadcast_in_dim3A_170 = vector.shape_cast %and3A_54 : vector<16xi32> to vector<16x1xi32>
    %gather3A_171 = vector.shape_cast %broadcast_in_dim3A_170 : vector<16x1xi32> to vector<16xi32>
    %gather3A_172 = tpu.dynamic_gather %add3A_169[%gather3A_171] in [0] : vector<16xf32>, vector<16xi32> -> vector<16xf32>
    %add3A_173 = arith.addf %add3A_169, %gather3A_172 : vector<16xf32>
    %broadcast_in_dim3A_174 = vector.shape_cast %and3A_60 : vector<16xi32> to vector<16x1xi32>
    %gather3A_175 = vector.shape_cast %broadcast_in_dim3A_174 : vector<16x1xi32> to vector<16xi32>
    %gather3A_176 = tpu.dynamic_gather %add3A_173[%gather3A_175] in [0] : vector<16xf32>, vector<16xi32> -> vector<16xf32>
    %add3A_177 = arith.addf %add3A_173, %gather3A_176 : vector<16xf32>
    %broadcast_in_dim3A_178 = vector.shape_cast %and3A_66 : vector<16xi32> to vector<16x1xi32>
    %gather3A_179 = vector.shape_cast %broadcast_in_dim3A_178 : vector<16x1xi32> to vector<16xi32>
    %gather3A_180 = tpu.dynamic_gather %add3A_177[%gather3A_179] in [0] : vector<16xf32>, vector<16xi32> -> vector<16xf32>
    %add3A_181 = arith.addf %add3A_177, %gather3A_180 : vector<16xf32>
    %eq3A_182 = arith.constant 3 : i32
    %eq3A_183 = vector.broadcast %eq3A_182 : i32 to vector<16xi32>
    %eq3A_184 = arith.cmpi eq, %iota3A, %eq3A_183 : vector<16xi32>
    %select_n3A_185 = arith.select %eq3A_184, %add3A_181, %select_n3A_165 : vector<16xi1>, vector<16xf32>
    %broadcast_in_dim3A_186 = vector.shape_cast %and3A_48 : vector<16xi32> to vector<16x1xi32>
    %gather3A_187 = vector.shape_cast %broadcast_in_dim3A_186 : vector<16x1xi32> to vector<16xi32>
    %gather3A_188 = tpu.dynamic_gather %scan3A_103#4[%gather3A_187] in [0] : vector<16xf32>, vector<16xi32> -> vector<16xf32>
    %add3A_189 = arith.addf %scan3A_103#4, %gather3A_188 : vector<16xf32>
    %broadcast_in_dim3A_190 = vector.shape_cast %and3A_54 : vector<16xi32> to vector<16x1xi32>
    %gather3A_191 = vector.shape_cast %broadcast_in_dim3A_190 : vector<16x1xi32> to vector<16xi32>
    %gather3A_192 = tpu.dynamic_gather %add3A_189[%gather3A_191] in [0] : vector<16xf32>, vector<16xi32> -> vector<16xf32>
    %add3A_193 = arith.addf %add3A_189, %gather3A_192 : vector<16xf32>
    %broadcast_in_dim3A_194 = vector.shape_cast %and3A_60 : vector<16xi32> to vector<16x1xi32>
    %gather3A_195 = vector.shape_cast %broadcast_in_dim3A_194 : vector<16x1xi32> to vector<16xi32>
    %gather3A_196 = tpu.dynamic_gather %add3A_193[%gather3A_195] in [0] : vector<16xf32>, vector<16xi32> -> vector<16xf32>
    %add3A_197 = arith.addf %add3A_193, %gather3A_196 : vector<16xf32>
    %broadcast_in_dim3A_198 = vector.shape_cast %and3A_66 : vector<16xi32> to vector<16x1xi32>
    %gather3A_199 = vector.shape_cast %broadcast_in_dim3A_198 : vector<16x1xi32> to vector<16xi32>
    %gather3A_200 = tpu.dynamic_gather %add3A_197[%gather3A_199] in [0] : vector<16xf32>, vector<16xi32> -> vector<16xf32>
    %add3A_201 = arith.addf %add3A_197, %gather3A_200 : vector<16xf32>
    %eq3A_202 = arith.constant 4 : i32
    %eq3A_203 = vector.broadcast %eq3A_202 : i32 to vector<16xi32>
    %eq3A_204 = arith.cmpi eq, %iota3A, %eq3A_203 : vector<16xi32>
    %select_n3A_205 = arith.select %eq3A_204, %add3A_201, %select_n3A_185 : vector<16xi1>, vector<16xf32>
    %broadcast_in_dim3A_206 = vector.shape_cast %and3A_48 : vector<16xi32> to vector<16x1xi32>
    %gather3A_207 = vector.shape_cast %broadcast_in_dim3A_206 : vector<16x1xi32> to vector<16xi32>
    %gather3A_208 = tpu.dynamic_gather %scan3A_103#5[%gather3A_207] in [0] : vector<16xf32>, vector<16xi32> -> vector<16xf32>
    %add3A_209 = arith.addf %scan3A_103#5, %gather3A_208 : vector<16xf32>
    %broadcast_in_dim3A_210 = vector.shape_cast %and3A_54 : vector<16xi32> to vector<16x1xi32>
    %gather3A_211 = vector.shape_cast %broadcast_in_dim3A_210 : vector<16x1xi32> to vector<16xi32>
    %gather3A_212 = tpu.dynamic_gather %add3A_209[%gather3A_211] in [0] : vector<16xf32>, vector<16xi32> -> vector<16xf32>
    %add3A_213 = arith.addf %add3A_209, %gather3A_212 : vector<16xf32>
    %broadcast_in_dim3A_214 = vector.shape_cast %and3A_60 : vector<16xi32> to vector<16x1xi32>
    %gather3A_215 = vector.shape_cast %broadcast_in_dim3A_214 : vector<16x1xi32> to vector<16xi32>
    %gather3A_216 = tpu.dynamic_gather %add3A_213[%gather3A_215] in [0] : vector<16xf32>, vector<16xi32> -> vector<16xf32>
    %add3A_217 = arith.addf %add3A_213, %gather3A_216 : vector<16xf32>
    %broadcast_in_dim3A_218 = vector.shape_cast %and3A_66 : vector<16xi32> to vector<16x1xi32>
    %gather3A_219 = vector.shape_cast %broadcast_in_dim3A_218 : vector<16x1xi32> to vector<16xi32>
    %gather3A_220 = tpu.dynamic_gather %add3A_217[%gather3A_219] in [0] : vector<16xf32>, vector<16xi32> -> vector<16xf32>
    %add3A_221 = arith.addf %add3A_217, %gather3A_220 : vector<16xf32>
    %eq3A_222 = arith.constant 5 : i32
    %eq3A_223 = vector.broadcast %eq3A_222 : i32 to vector<16xi32>
    %eq3A_224 = arith.cmpi eq, %iota3A, %eq3A_223 : vector<16xi32>
    %select_n3A_225 = arith.select %eq3A_224, %add3A_221, %select_n3A_205 : vector<16xi1>, vector<16xf32>
    %broadcast_in_dim3A_226 = vector.shape_cast %and3A_48 : vector<16xi32> to vector<16x1xi32>
    %gather3A_227 = vector.shape_cast %broadcast_in_dim3A_226 : vector<16x1xi32> to vector<16xi32>
    %gather3A_228 = tpu.dynamic_gather %scan3A_103#6[%gather3A_227] in [0] : vector<16xf32>, vector<16xi32> -> vector<16xf32>
    %add3A_229 = arith.addf %scan3A_103#6, %gather3A_228 : vector<16xf32>
    %broadcast_in_dim3A_230 = vector.shape_cast %and3A_54 : vector<16xi32> to vector<16x1xi32>
    %gather3A_231 = vector.shape_cast %broadcast_in_dim3A_230 : vector<16x1xi32> to vector<16xi32>
    %gather3A_232 = tpu.dynamic_gather %add3A_229[%gather3A_231] in [0] : vector<16xf32>, vector<16xi32> -> vector<16xf32>
    %add3A_233 = arith.addf %add3A_229, %gather3A_232 : vector<16xf32>
    %broadcast_in_dim3A_234 = vector.shape_cast %and3A_60 : vector<16xi32> to vector<16x1xi32>
    %gather3A_235 = vector.shape_cast %broadcast_in_dim3A_234 : vector<16x1xi32> to vector<16xi32>
    %gather3A_236 = tpu.dynamic_gather %add3A_233[%gather3A_235] in [0] : vector<16xf32>, vector<16xi32> -> vector<16xf32>
    %add3A_237 = arith.addf %add3A_233, %gather3A_236 : vector<16xf32>
    %broadcast_in_dim3A_238 = vector.shape_cast %and3A_66 : vector<16xi32> to vector<16x1xi32>
    %gather3A_239 = vector.shape_cast %broadcast_in_dim3A_238 : vector<16x1xi32> to vector<16xi32>
    %gather3A_240 = tpu.dynamic_gather %add3A_237[%gather3A_239] in [0] : vector<16xf32>, vector<16xi32> -> vector<16xf32>
    %add3A_241 = arith.addf %add3A_237, %gather3A_240 : vector<16xf32>
    %eq3A_242 = arith.constant 6 : i32
    %eq3A_243 = vector.broadcast %eq3A_242 : i32 to vector<16xi32>
    %eq3A_244 = arith.cmpi eq, %iota3A, %eq3A_243 : vector<16xi32>
    %select_n3A_245 = arith.select %eq3A_244, %add3A_241, %select_n3A_225 : vector<16xi1>, vector<16xf32>
    %broadcast_in_dim3A_246 = vector.shape_cast %and3A_48 : vector<16xi32> to vector<16x1xi32>
    %gather3A_247 = vector.shape_cast %broadcast_in_dim3A_246 : vector<16x1xi32> to vector<16xi32>
    %gather3A_248 = tpu.dynamic_gather %scan3A_103#7[%gather3A_247] in [0] : vector<16xf32>, vector<16xi32> -> vector<16xf32>
    %add3A_249 = arith.addf %scan3A_103#7, %gather3A_248 : vector<16xf32>
    %broadcast_in_dim3A_250 = vector.shape_cast %and3A_54 : vector<16xi32> to vector<16x1xi32>
    %gather3A_251 = vector.shape_cast %broadcast_in_dim3A_250 : vector<16x1xi32> to vector<16xi32>
    %gather3A_252 = tpu.dynamic_gather %add3A_249[%gather3A_251] in [0] : vector<16xf32>, vector<16xi32> -> vector<16xf32>
    %add3A_253 = arith.addf %add3A_249, %gather3A_252 : vector<16xf32>
    %broadcast_in_dim3A_254 = vector.shape_cast %and3A_60 : vector<16xi32> to vector<16x1xi32>
    %gather3A_255 = vector.shape_cast %broadcast_in_dim3A_254 : vector<16x1xi32> to vector<16xi32>
    %gather3A_256 = tpu.dynamic_gather %add3A_253[%gather3A_255] in [0] : vector<16xf32>, vector<16xi32> -> vector<16xf32>
    %add3A_257 = arith.addf %add3A_253, %gather3A_256 : vector<16xf32>
    %broadcast_in_dim3A_258 = vector.shape_cast %and3A_66 : vector<16xi32> to vector<16x1xi32>
    %gather3A_259 = vector.shape_cast %broadcast_in_dim3A_258 : vector<16x1xi32> to vector<16xi32>
    %gather3A_260 = tpu.dynamic_gather %add3A_257[%gather3A_259] in [0] : vector<16xf32>, vector<16xi32> -> vector<16xf32>
    %add3A_261 = arith.addf %add3A_257, %gather3A_260 : vector<16xf32>
    %eq3A_262 = arith.constant 7 : i32
    %eq3A_263 = vector.broadcast %eq3A_262 : i32 to vector<16xi32>
    %eq3A_264 = arith.cmpi eq, %iota3A, %eq3A_263 : vector<16xi32>
    %select_n3A_265 = arith.select %eq3A_264, %add3A_261, %select_n3A_245 : vector<16xi1>, vector<16xf32>
    %broadcast_in_dim3A_266 = vector.shape_cast %and3A_48 : vector<16xi32> to vector<16x1xi32>
    %gather3A_267 = vector.shape_cast %broadcast_in_dim3A_266 : vector<16x1xi32> to vector<16xi32>
    %gather3A_268 = tpu.dynamic_gather %scan3A_103#8[%gather3A_267] in [0] : vector<16xf32>, vector<16xi32> -> vector<16xf32>
    %add3A_269 = arith.addf %scan3A_103#8, %gather3A_268 : vector<16xf32>
    %broadcast_in_dim3A_270 = vector.shape_cast %and3A_54 : vector<16xi32> to vector<16x1xi32>
    %gather3A_271 = vector.shape_cast %broadcast_in_dim3A_270 : vector<16x1xi32> to vector<16xi32>
    %gather3A_272 = tpu.dynamic_gather %add3A_269[%gather3A_271] in [0] : vector<16xf32>, vector<16xi32> -> vector<16xf32>
    %add3A_273 = arith.addf %add3A_269, %gather3A_272 : vector<16xf32>
    %broadcast_in_dim3A_274 = vector.shape_cast %and3A_60 : vector<16xi32> to vector<16x1xi32>
    %gather3A_275 = vector.shape_cast %broadcast_in_dim3A_274 : vector<16x1xi32> to vector<16xi32>
    %gather3A_276 = tpu.dynamic_gather %add3A_273[%gather3A_275] in [0] : vector<16xf32>, vector<16xi32> -> vector<16xf32>
    %add3A_277 = arith.addf %add3A_273, %gather3A_276 : vector<16xf32>
    %broadcast_in_dim3A_278 = vector.shape_cast %and3A_66 : vector<16xi32> to vector<16x1xi32>
    %gather3A_279 = vector.shape_cast %broadcast_in_dim3A_278 : vector<16x1xi32> to vector<16xi32>
    %gather3A_280 = tpu.dynamic_gather %add3A_277[%gather3A_279] in [0] : vector<16xf32>, vector<16xi32> -> vector<16xf32>
    %add3A_281 = arith.addf %add3A_277, %gather3A_280 : vector<16xf32>
    %eq3A_282 = arith.constant 8 : i32
    %eq3A_283 = vector.broadcast %eq3A_282 : i32 to vector<16xi32>
    %eq3A_284 = arith.cmpi eq, %iota3A, %eq3A_283 : vector<16xi32>
    %select_n3A_285 = arith.select %eq3A_284, %add3A_281, %select_n3A_265 : vector<16xi1>, vector<16xf32>
    %broadcast_in_dim3A_286 = vector.shape_cast %and3A_48 : vector<16xi32> to vector<16x1xi32>
    %gather3A_287 = vector.shape_cast %broadcast_in_dim3A_286 : vector<16x1xi32> to vector<16xi32>
    %gather3A_288 = tpu.dynamic_gather %scan3A_103#9[%gather3A_287] in [0] : vector<16xf32>, vector<16xi32> -> vector<16xf32>
    %add3A_289 = arith.addf %scan3A_103#9, %gather3A_288 : vector<16xf32>
    %broadcast_in_dim3A_290 = vector.shape_cast %and3A_54 : vector<16xi32> to vector<16x1xi32>
    %gather3A_291 = vector.shape_cast %broadcast_in_dim3A_290 : vector<16x1xi32> to vector<16xi32>
    %gather3A_292 = tpu.dynamic_gather %add3A_289[%gather3A_291] in [0] : vector<16xf32>, vector<16xi32> -> vector<16xf32>
    %add3A_293 = arith.addf %add3A_289, %gather3A_292 : vector<16xf32>
    %broadcast_in_dim3A_294 = vector.shape_cast %and3A_60 : vector<16xi32> to vector<16x1xi32>
    %gather3A_295 = vector.shape_cast %broadcast_in_dim3A_294 : vector<16x1xi32> to vector<16xi32>
    %gather3A_296 = tpu.dynamic_gather %add3A_293[%gather3A_295] in [0] : vector<16xf32>, vector<16xi32> -> vector<16xf32>
    %add3A_297 = arith.addf %add3A_293, %gather3A_296 : vector<16xf32>
    %broadcast_in_dim3A_298 = vector.shape_cast %and3A_66 : vector<16xi32> to vector<16x1xi32>
    %gather3A_299 = vector.shape_cast %broadcast_in_dim3A_298 : vector<16x1xi32> to vector<16xi32>
    %gather3A_300 = tpu.dynamic_gather %add3A_297[%gather3A_299] in [0] : vector<16xf32>, vector<16xi32> -> vector<16xf32>
    %add3A_301 = arith.addf %add3A_297, %gather3A_300 : vector<16xf32>
    %eq3A_302 = arith.constant 9 : i32
    %eq3A_303 = vector.broadcast %eq3A_302 : i32 to vector<16xi32>
    %eq3A_304 = arith.cmpi eq, %iota3A, %eq3A_303 : vector<16xi32>
    %select_n3A_305 = arith.select %eq3A_304, %add3A_301, %select_n3A_285 : vector<16xi1>, vector<16xf32>
    %broadcast_in_dim3A_306 = vector.shape_cast %and3A_48 : vector<16xi32> to vector<16x1xi32>
    %gather3A_307 = vector.shape_cast %broadcast_in_dim3A_306 : vector<16x1xi32> to vector<16xi32>
    %gather3A_308 = tpu.dynamic_gather %scan3A_103#10[%gather3A_307] in [0] : vector<16xf32>, vector<16xi32> -> vector<16xf32>
    %add3A_309 = arith.addf %scan3A_103#10, %gather3A_308 : vector<16xf32>
    %broadcast_in_dim3A_310 = vector.shape_cast %and3A_54 : vector<16xi32> to vector<16x1xi32>
    %gather3A_311 = vector.shape_cast %broadcast_in_dim3A_310 : vector<16x1xi32> to vector<16xi32>
    %gather3A_312 = tpu.dynamic_gather %add3A_309[%gather3A_311] in [0] : vector<16xf32>, vector<16xi32> -> vector<16xf32>
    %add3A_313 = arith.addf %add3A_309, %gather3A_312 : vector<16xf32>
    %broadcast_in_dim3A_314 = vector.shape_cast %and3A_60 : vector<16xi32> to vector<16x1xi32>
    %gather3A_315 = vector.shape_cast %broadcast_in_dim3A_314 : vector<16x1xi32> to vector<16xi32>
    %gather3A_316 = tpu.dynamic_gather %add3A_313[%gather3A_315] in [0] : vector<16xf32>, vector<16xi32> -> vector<16xf32>
    %add3A_317 = arith.addf %add3A_313, %gather3A_316 : vector<16xf32>
    %broadcast_in_dim3A_318 = vector.shape_cast %and3A_66 : vector<16xi32> to vector<16x1xi32>
    %gather3A_319 = vector.shape_cast %broadcast_in_dim3A_318 : vector<16x1xi32> to vector<16xi32>
    %gather3A_320 = tpu.dynamic_gather %add3A_317[%gather3A_319] in [0] : vector<16xf32>, vector<16xi32> -> vector<16xf32>
    %add3A_321 = arith.addf %add3A_317, %gather3A_320 : vector<16xf32>
    %eq3A_322 = arith.constant 10 : i32
    %eq3A_323 = vector.broadcast %eq3A_322 : i32 to vector<16xi32>
    %eq3A_324 = arith.cmpi eq, %iota3A, %eq3A_323 : vector<16xi32>
    %select_n3A_325 = arith.select %eq3A_324, %add3A_321, %select_n3A_305 : vector<16xi1>, vector<16xf32>
    %broadcast_in_dim3A_326 = vector.shape_cast %and3A_48 : vector<16xi32> to vector<16x1xi32>
    %gather3A_327 = vector.shape_cast %broadcast_in_dim3A_326 : vector<16x1xi32> to vector<16xi32>
    %gather3A_328 = tpu.dynamic_gather %scan3A_103#11[%gather3A_327] in [0] : vector<16xf32>, vector<16xi32> -> vector<16xf32>
    %add3A_329 = arith.addf %scan3A_103#11, %gather3A_328 : vector<16xf32>
    %broadcast_in_dim3A_330 = vector.shape_cast %and3A_54 : vector<16xi32> to vector<16x1xi32>
    %gather3A_331 = vector.shape_cast %broadcast_in_dim3A_330 : vector<16x1xi32> to vector<16xi32>
    %gather3A_332 = tpu.dynamic_gather %add3A_329[%gather3A_331] in [0] : vector<16xf32>, vector<16xi32> -> vector<16xf32>
    %add3A_333 = arith.addf %add3A_329, %gather3A_332 : vector<16xf32>
    %broadcast_in_dim3A_334 = vector.shape_cast %and3A_60 : vector<16xi32> to vector<16x1xi32>
    %gather3A_335 = vector.shape_cast %broadcast_in_dim3A_334 : vector<16x1xi32> to vector<16xi32>
    %gather3A_336 = tpu.dynamic_gather %add3A_333[%gather3A_335] in [0] : vector<16xf32>, vector<16xi32> -> vector<16xf32>
    %add3A_337 = arith.addf %add3A_333, %gather3A_336 : vector<16xf32>
    %broadcast_in_dim3A_338 = vector.shape_cast %and3A_66 : vector<16xi32> to vector<16x1xi32>
    %gather3A_339 = vector.shape_cast %broadcast_in_dim3A_338 : vector<16x1xi32> to vector<16xi32>
    %gather3A_340 = tpu.dynamic_gather %add3A_337[%gather3A_339] in [0] : vector<16xf32>, vector<16xi32> -> vector<16xf32>
    %add3A_341 = arith.addf %add3A_337, %gather3A_340 : vector<16xf32>
    %eq3A_342 = arith.constant 11 : i32
    %eq3A_343 = vector.broadcast %eq3A_342 : i32 to vector<16xi32>
    %eq3A_344 = arith.cmpi eq, %iota3A, %eq3A_343 : vector<16xi32>
    %select_n3A_345 = arith.select %eq3A_344, %add3A_341, %select_n3A_325 : vector<16xi1>, vector<16xf32>
    %broadcast_in_dim3A_346 = vector.shape_cast %and3A_48 : vector<16xi32> to vector<16x1xi32>
    %gather3A_347 = vector.shape_cast %broadcast_in_dim3A_346 : vector<16x1xi32> to vector<16xi32>
    %gather3A_348 = tpu.dynamic_gather %scan3A_103#12[%gather3A_347] in [0] : vector<16xf32>, vector<16xi32> -> vector<16xf32>
    %add3A_349 = arith.addf %scan3A_103#12, %gather3A_348 : vector<16xf32>
    %broadcast_in_dim3A_350 = vector.shape_cast %and3A_54 : vector<16xi32> to vector<16x1xi32>
    %gather3A_351 = vector.shape_cast %broadcast_in_dim3A_350 : vector<16x1xi32> to vector<16xi32>
    %gather3A_352 = tpu.dynamic_gather %add3A_349[%gather3A_351] in [0] : vector<16xf32>, vector<16xi32> -> vector<16xf32>
    %add3A_353 = arith.addf %add3A_349, %gather3A_352 : vector<16xf32>
    %broadcast_in_dim3A_354 = vector.shape_cast %and3A_60 : vector<16xi32> to vector<16x1xi32>
    %gather3A_355 = vector.shape_cast %broadcast_in_dim3A_354 : vector<16x1xi32> to vector<16xi32>
    %gather3A_356 = tpu.dynamic_gather %add3A_353[%gather3A_355] in [0] : vector<16xf32>, vector<16xi32> -> vector<16xf32>
    %add3A_357 = arith.addf %add3A_353, %gather3A_356 : vector<16xf32>
    %broadcast_in_dim3A_358 = vector.shape_cast %and3A_66 : vector<16xi32> to vector<16x1xi32>
    %gather3A_359 = vector.shape_cast %broadcast_in_dim3A_358 : vector<16x1xi32> to vector<16xi32>
    %gather3A_360 = tpu.dynamic_gather %add3A_357[%gather3A_359] in [0] : vector<16xf32>, vector<16xi32> -> vector<16xf32>
    %add3A_361 = arith.addf %add3A_357, %gather3A_360 : vector<16xf32>
    %eq3A_362 = arith.constant 12 : i32
    %eq3A_363 = vector.broadcast %eq3A_362 : i32 to vector<16xi32>
    %eq3A_364 = arith.cmpi eq, %iota3A, %eq3A_363 : vector<16xi32>
    %select_n3A_365 = arith.select %eq3A_364, %add3A_361, %select_n3A_345 : vector<16xi1>, vector<16xf32>
    %broadcast_in_dim3A_366 = vector.shape_cast %and3A_48 : vector<16xi32> to vector<16x1xi32>
    %gather3A_367 = vector.shape_cast %broadcast_in_dim3A_366 : vector<16x1xi32> to vector<16xi32>
    %gather3A_368 = tpu.dynamic_gather %scan3A_103#13[%gather3A_367] in [0] : vector<16xf32>, vector<16xi32> -> vector<16xf32>
    %add3A_369 = arith.addf %scan3A_103#13, %gather3A_368 : vector<16xf32>
    %broadcast_in_dim3A_370 = vector.shape_cast %and3A_54 : vector<16xi32> to vector<16x1xi32>
    %gather3A_371 = vector.shape_cast %broadcast_in_dim3A_370 : vector<16x1xi32> to vector<16xi32>
    %gather3A_372 = tpu.dynamic_gather %add3A_369[%gather3A_371] in [0] : vector<16xf32>, vector<16xi32> -> vector<16xf32>
    %add3A_373 = arith.addf %add3A_369, %gather3A_372 : vector<16xf32>
    %broadcast_in_dim3A_374 = vector.shape_cast %and3A_60 : vector<16xi32> to vector<16x1xi32>
    %gather3A_375 = vector.shape_cast %broadcast_in_dim3A_374 : vector<16x1xi32> to vector<16xi32>
    %gather3A_376 = tpu.dynamic_gather %add3A_373[%gather3A_375] in [0] : vector<16xf32>, vector<16xi32> -> vector<16xf32>
    %add3A_377 = arith.addf %add3A_373, %gather3A_376 : vector<16xf32>
    %broadcast_in_dim3A_378 = vector.shape_cast %and3A_66 : vector<16xi32> to vector<16x1xi32>
    %gather3A_379 = vector.shape_cast %broadcast_in_dim3A_378 : vector<16x1xi32> to vector<16xi32>
    %gather3A_380 = tpu.dynamic_gather %add3A_377[%gather3A_379] in [0] : vector<16xf32>, vector<16xi32> -> vector<16xf32>
    %add3A_381 = arith.addf %add3A_377, %gather3A_380 : vector<16xf32>
    %eq3A_382 = arith.constant 13 : i32
    %eq3A_383 = vector.broadcast %eq3A_382 : i32 to vector<16xi32>
    %eq3A_384 = arith.cmpi eq, %iota3A, %eq3A_383 : vector<16xi32>
    %select_n3A_385 = arith.select %eq3A_384, %add3A_381, %select_n3A_365 : vector<16xi1>, vector<16xf32>
    %broadcast_in_dim3A_386 = vector.shape_cast %and3A_48 : vector<16xi32> to vector<16x1xi32>
    %gather3A_387 = vector.shape_cast %broadcast_in_dim3A_386 : vector<16x1xi32> to vector<16xi32>
    %gather3A_388 = tpu.dynamic_gather %scan3A_103#14[%gather3A_387] in [0] : vector<16xf32>, vector<16xi32> -> vector<16xf32>
    %add3A_389 = arith.addf %scan3A_103#14, %gather3A_388 : vector<16xf32>
    %broadcast_in_dim3A_390 = vector.shape_cast %and3A_54 : vector<16xi32> to vector<16x1xi32>
    %gather3A_391 = vector.shape_cast %broadcast_in_dim3A_390 : vector<16x1xi32> to vector<16xi32>
    %gather3A_392 = tpu.dynamic_gather %add3A_389[%gather3A_391] in [0] : vector<16xf32>, vector<16xi32> -> vector<16xf32>
    %add3A_393 = arith.addf %add3A_389, %gather3A_392 : vector<16xf32>
    %broadcast_in_dim3A_394 = vector.shape_cast %and3A_60 : vector<16xi32> to vector<16x1xi32>
    %gather3A_395 = vector.shape_cast %broadcast_in_dim3A_394 : vector<16x1xi32> to vector<16xi32>
    %gather3A_396 = tpu.dynamic_gather %add3A_393[%gather3A_395] in [0] : vector<16xf32>, vector<16xi32> -> vector<16xf32>
    %add3A_397 = arith.addf %add3A_393, %gather3A_396 : vector<16xf32>
    %broadcast_in_dim3A_398 = vector.shape_cast %and3A_66 : vector<16xi32> to vector<16x1xi32>
    %gather3A_399 = vector.shape_cast %broadcast_in_dim3A_398 : vector<16x1xi32> to vector<16xi32>
    %gather3A_400 = tpu.dynamic_gather %add3A_397[%gather3A_399] in [0] : vector<16xf32>, vector<16xi32> -> vector<16xf32>
    %add3A_401 = arith.addf %add3A_397, %gather3A_400 : vector<16xf32>
    %eq3A_402 = arith.constant 14 : i32
    %eq3A_403 = vector.broadcast %eq3A_402 : i32 to vector<16xi32>
    %eq3A_404 = arith.cmpi eq, %iota3A, %eq3A_403 : vector<16xi32>
    %select_n3A_405 = arith.select %eq3A_404, %add3A_401, %select_n3A_385 : vector<16xi1>, vector<16xf32>
    %broadcast_in_dim3A_406 = vector.shape_cast %and3A_48 : vector<16xi32> to vector<16x1xi32>
    %gather3A_407 = vector.shape_cast %broadcast_in_dim3A_406 : vector<16x1xi32> to vector<16xi32>
    %gather3A_408 = tpu.dynamic_gather %scan3A_103#15[%gather3A_407] in [0] : vector<16xf32>, vector<16xi32> -> vector<16xf32>
    %add3A_409 = arith.addf %scan3A_103#15, %gather3A_408 : vector<16xf32>
    %broadcast_in_dim3A_410 = vector.shape_cast %and3A_54 : vector<16xi32> to vector<16x1xi32>
    %gather3A_411 = vector.shape_cast %broadcast_in_dim3A_410 : vector<16x1xi32> to vector<16xi32>
    %gather3A_412 = tpu.dynamic_gather %add3A_409[%gather3A_411] in [0] : vector<16xf32>, vector<16xi32> -> vector<16xf32>
    %add3A_413 = arith.addf %add3A_409, %gather3A_412 : vector<16xf32>
    %broadcast_in_dim3A_414 = vector.shape_cast %and3A_60 : vector<16xi32> to vector<16x1xi32>
    %gather3A_415 = vector.shape_cast %broadcast_in_dim3A_414 : vector<16x1xi32> to vector<16xi32>
    %gather3A_416 = tpu.dynamic_gather %add3A_413[%gather3A_415] in [0] : vector<16xf32>, vector<16xi32> -> vector<16xf32>
    %add3A_417 = arith.addf %add3A_413, %gather3A_416 : vector<16xf32>
    %broadcast_in_dim3A_418 = vector.shape_cast %and3A_66 : vector<16xi32> to vector<16x1xi32>
    %gather3A_419 = vector.shape_cast %broadcast_in_dim3A_418 : vector<16x1xi32> to vector<16xi32>
    %gather3A_420 = tpu.dynamic_gather %add3A_417[%gather3A_419] in [0] : vector<16xf32>, vector<16xi32> -> vector<16xf32>
    %add3A_421 = arith.addf %add3A_417, %gather3A_420 : vector<16xf32>
    %eq3A_422 = arith.constant 15 : i32
    %eq3A_423 = vector.broadcast %eq3A_422 : i32 to vector<16xi32>
    %eq3A_424 = arith.cmpi eq, %iota3A, %eq3A_423 : vector<16xi32>
    %select_n3A_425 = arith.select %eq3A_424, %add3A_421, %select_n3A_405 : vector<16xi1>, vector<16xf32>
    %swap3A = arith.constant 0 : index
    %swap3A_426 = tpu.vector_load %arg7[%swap3A] {strides = array<i32>} : memref<32xf32, #tpu.memory_space<vmem>>, vector<16xf32>,
    %swap3A_427 = vector.shape_cast %swap3A_426 : vector<16xf32> to vector<16xf32>
    %swap3A_428 = vector.shape_cast %select_n3A_425 : vector<16xf32> to vector<16xf32>
    tpu.vector_store %arg7[%swap3A], %swap3A_428 {strides = array<i32>} : memref<32xf32, #tpu.memory_space<vmem>>, vector<16xf32>,
    %add3A_429 = arith.constant 16 : i32
    %add3A_430 = arith.addi %add3A_37, %add3A_429 : i32
    "tpu.region"() ({
      %run_scoped3A = tpu.sem_alloc : memref<!tpu.dma_semaphore, #tpu.memory_space<semaphore_mem>>
      %dma_start3A = arith.constant 0 : i32
      %dma_start3A_795 = arith.constant 0 : i32
      %dma_start3A_796 = tpu.memref_slice %arg2[%add3A_430, %dma_start3A, %dma_start3A_795] : memref<4096x8x512xf32, #tpu.memory_space<hbm>> -> memref<16x8x512xf32, #tpu.memory_space<hbm>>
      %dma_start3A_797 = arith.constant 0 : i32
      %dma_start3A_798 = arith.constant 0 : i32
      %dma_start3A_799 = tpu.memref_slice %arg2[%add3A_430, %dma_start3A_797, %dma_start3A_798] : memref<4096x8x512xf32, #tpu.memory_space<hbm>> -> memref<16x8x512xf32, #tpu.memory_space<hbm>>
      tpu.enqueue_dma source(%dma_start3A_799 : memref<16x8x512xf32, #tpu.memory_space<hbm>>) target(%arg5 : memref<16x8x512xf32, #tpu.memory_space<vmem>>) target_semaphore(%run_scoped3A : memref<!tpu.dma_semaphore, #tpu.memory_space<semaphore_mem>>)
      %dma_wait3A = arith.constant 0 : i32
      %dma_wait3A_800 = arith.constant 0 : i32
      %dma_wait3A_801 = tpu.memref_slice %arg2[%add3A_430, %dma_wait3A, %dma_wait3A_800] : memref<4096x8x512xf32, #tpu.memory_space<hbm>> -> memref<16x8x512xf32, #tpu.memory_space<hbm>>
      %dma_wait3A_802 = arith.constant 0 : i32
      %dma_wait3A_803 = arith.constant 0 : i32
      %dma_wait3A_804 = tpu.memref_slice %arg2[%add3A_430, %dma_wait3A_802, %dma_wait3A_803] : memref<4096x8x512xf32, #tpu.memory_space<hbm>> -> memref<16x8x512xf32, #tpu.memory_space<hbm>>
      tpu.wait_dma2 semaphore(%run_scoped3A : memref<!tpu.dma_semaphore, #tpu.memory_space<semaphore_mem>>) src(%dma_wait3A_804 : memref<16x8x512xf32, #tpu.memory_space<hbm>>) dst(%arg5 : memref<16x8x512xf32, #tpu.memory_space<vmem>>)
      tpu.yield
    }) : () -> ()
    %broadcast_in_dim3A_431 = arith.constant 0.000000e+00 : f32
    %broadcast_in_dim3A_432 = vector.broadcast %broadcast_in_dim3A_431 : f32 to vector<16xf32>
    %broadcast_in_dim3A_433 = arith.constant 0.000000e+00 : f32
    %broadcast_in_dim3A_434 = vector.broadcast %broadcast_in_dim3A_433 : f32 to vector<16xf32>
    %broadcast_in_dim3A_435 = arith.constant 0.000000e+00 : f32
    %broadcast_in_dim3A_436 = vector.broadcast %broadcast_in_dim3A_435 : f32 to vector<16xf32>
    %broadcast_in_dim3A_437 = arith.constant 0.000000e+00 : f32
    %broadcast_in_dim3A_438 = vector.broadcast %broadcast_in_dim3A_437 : f32 to vector<16xf32>
    %broadcast_in_dim3A_439 = arith.constant 0.000000e+00 : f32
    %broadcast_in_dim3A_440 = vector.broadcast %broadcast_in_dim3A_439 : f32 to vector<16xf32>
    %broadcast_in_dim3A_441 = arith.constant 0.000000e+00 : f32
    %broadcast_in_dim3A_442 = vector.broadcast %broadcast_in_dim3A_441 : f32 to vector<16xf32>
    %broadcast_in_dim3A_443 = arith.constant 0.000000e+00 : f32
    %broadcast_in_dim3A_444 = vector.broadcast %broadcast_in_dim3A_443 : f32 to vector<16xf32>
    %broadcast_in_dim3A_445 = arith.constant 0.000000e+00 : f32
    %broadcast_in_dim3A_446 = vector.broadcast %broadcast_in_dim3A_445 : f32 to vector<16xf32>
    %broadcast_in_dim3A_447 = arith.constant 0.000000e+00 : f32
    %broadcast_in_dim3A_448 = vector.broadcast %broadcast_in_dim3A_447 : f32 to vector<16xf32>
    %broadcast_in_dim3A_449 = arith.constant 0.000000e+00 : f32
    %broadcast_in_dim3A_450 = vector.broadcast %broadcast_in_dim3A_449 : f32 to vector<16xf32>
    %broadcast_in_dim3A_451 = arith.constant 0.000000e+00 : f32
    %broadcast_in_dim3A_452 = vector.broadcast %broadcast_in_dim3A_451 : f32 to vector<16xf32>
    %broadcast_in_dim3A_453 = arith.constant 0.000000e+00 : f32
    %broadcast_in_dim3A_454 = vector.broadcast %broadcast_in_dim3A_453 : f32 to vector<16xf32>
    %broadcast_in_dim3A_455 = arith.constant 0.000000e+00 : f32
    %broadcast_in_dim3A_456 = vector.broadcast %broadcast_in_dim3A_455 : f32 to vector<16xf32>
    %broadcast_in_dim3A_457 = arith.constant 0.000000e+00 : f32
    %broadcast_in_dim3A_458 = vector.broadcast %broadcast_in_dim3A_457 : f32 to vector<16xf32>
    %broadcast_in_dim3A_459 = arith.constant 0.000000e+00 : f32
    %broadcast_in_dim3A_460 = vector.broadcast %broadcast_in_dim3A_459 : f32 to vector<16xf32>
    %broadcast_in_dim3A_461 = arith.constant 0.000000e+00 : f32
    %broadcast_in_dim3A_462 = vector.broadcast %broadcast_in_dim3A_461 : f32 to vector<16xf32>
    %scan3A_463 = arith.constant 0 : i32
    %scan3A_464 = arith.constant 32 : i32
    %scan3A_465 = arith.addi %scan3A_463, %scan3A_464 : i32
    %scan3A_466 = arith.constant 1 : i32
    %scan3A_467:16 = scf.for %scan3A_795 = %scan3A_463 to %scan3A_465 step %scan3A_466 iter_args(%scan3A_796 = %broadcast_in_dim3A_432, %scan3A_797 = %broadcast_in_dim3A_434, %scan3A_798 = %broadcast_in_dim3A_436, %scan3A_799 = %broadcast_in_dim3A_438, %scan3A_800 = %broadcast_in_dim3A_440, %scan3A_801 = %broadcast_in_dim3A_442, %scan3A_802 = %broadcast_in_dim3A_444, %scan3A_803 = %broadcast_in_dim3A_446, %scan3A_804 = %broadcast_in_dim3A_448, %scan3A_805 = %broadcast_in_dim3A_450, %scan3A_806 = %broadcast_in_dim3A_452, %scan3A_807 = %broadcast_in_dim3A_454, %scan3A_808 = %broadcast_in_dim3A_456, %scan3A_809 = %broadcast_in_dim3A_458, %scan3A_810 = %broadcast_in_dim3A_460, %scan3A_811 = %broadcast_in_dim3A_462) -> (vector<16xf32>, vector<16xf32>, vector<16xf32>, vector<16xf32>, vector<16xf32>, vector<16xf32>, vector<16xf32>, vector<16xf32>, vector<16xf32>, vector<16xf32>, vector<16xf32>, vector<16xf32>, vector<16xf32>, vector<16xf32>, vector<16xf32>, vector<16xf32>)  : i32 {
      %mul3A_812 = arith.constant 16 : i32
      %mul3A_813 = arith.muli %scan3A_795, %mul3A_812 : i32
      %get3A = arith.constant 0 : i32
      %get3A_814 = arith.index_cast %get3A : i32 to index
      %get3A_815 = arith.index_cast %mul3A_813 : i32 to index
      %get3A_816 = tpu.vector_load %arg6[%get3A_814, %get3A_815] {strides = array<i32>} : memref<8x512xf32, #tpu.memory_space<vmem>>, vector<1x16xf32>,
      %get3A_817 = vector.shape_cast %get3A_816 : vector<1x16xf32> to vector<16xf32>
      %mul3A_818 = arith.constant 16 : i32
      %mul3A_819 = arith.muli %scan3A_795, %mul3A_818 : i32
      %get3A_820 = arith.constant 1 : i32
      %get3A_821 = arith.index_cast %get3A_820 : i32 to index
      %get3A_822 = arith.index_cast %mul3A_819 : i32 to index
      %get3A_823 = tpu.vector_load %arg6[%get3A_821, %get3A_822] {strides = array<i32>} : memref<8x512xf32, #tpu.memory_space<vmem>>, vector<1x16xf32>,
      %get3A_824 = vector.shape_cast %get3A_823 : vector<1x16xf32> to vector<16xf32>
      %mul3A_825 = arith.constant 16 : i32
      %mul3A_826 = arith.muli %scan3A_795, %mul3A_825 : i32
      %get3A_827 = arith.constant 2 : i32
      %get3A_828 = arith.index_cast %get3A_827 : i32 to index
      %get3A_829 = arith.index_cast %mul3A_826 : i32 to index
      %get3A_830 = tpu.vector_load %arg6[%get3A_828, %get3A_829] {strides = array<i32>} : memref<8x512xf32, #tpu.memory_space<vmem>>, vector<1x16xf32>,
      %get3A_831 = vector.shape_cast %get3A_830 : vector<1x16xf32> to vector<16xf32>
      %mul3A_832 = arith.constant 16 : i32
      %mul3A_833 = arith.muli %scan3A_795, %mul3A_832 : i32
      %get3A_834 = arith.constant 3 : i32
      %get3A_835 = arith.index_cast %get3A_834 : i32 to index
      %get3A_836 = arith.index_cast %mul3A_833 : i32 to index
      %get3A_837 = tpu.vector_load %arg6[%get3A_835, %get3A_836] {strides = array<i32>} : memref<8x512xf32, #tpu.memory_space<vmem>>, vector<1x16xf32>,
      %get3A_838 = vector.shape_cast %get3A_837 : vector<1x16xf32> to vector<16xf32>
      %mul3A_839 = arith.constant 16 : i32
      %mul3A_840 = arith.muli %scan3A_795, %mul3A_839 : i32
      %get3A_841 = arith.constant 4 : i32
      %get3A_842 = arith.index_cast %get3A_841 : i32 to index
      %get3A_843 = arith.index_cast %mul3A_840 : i32 to index
      %get3A_844 = tpu.vector_load %arg6[%get3A_842, %get3A_843] {strides = array<i32>} : memref<8x512xf32, #tpu.memory_space<vmem>>, vector<1x16xf32>,
      %get3A_845 = vector.shape_cast %get3A_844 : vector<1x16xf32> to vector<16xf32>
      %mul3A_846 = arith.constant 16 : i32
      %mul3A_847 = arith.muli %scan3A_795, %mul3A_846 : i32
      %get3A_848 = arith.constant 5 : i32
      %get3A_849 = arith.index_cast %get3A_848 : i32 to index
      %get3A_850 = arith.index_cast %mul3A_847 : i32 to index
      %get3A_851 = tpu.vector_load %arg6[%get3A_849, %get3A_850] {strides = array<i32>} : memref<8x512xf32, #tpu.memory_space<vmem>>, vector<1x16xf32>,
      %get3A_852 = vector.shape_cast %get3A_851 : vector<1x16xf32> to vector<16xf32>
      %mul3A_853 = arith.constant 16 : i32
      %mul3A_854 = arith.muli %scan3A_795, %mul3A_853 : i32
      %get3A_855 = arith.constant 6 : i32
      %get3A_856 = arith.index_cast %get3A_855 : i32 to index
      %get3A_857 = arith.index_cast %mul3A_854 : i32 to index
      %get3A_858 = tpu.vector_load %arg6[%get3A_856, %get3A_857] {strides = array<i32>} : memref<8x512xf32, #tpu.memory_space<vmem>>, vector<1x16xf32>,
      %get3A_859 = vector.shape_cast %get3A_858 : vector<1x16xf32> to vector<16xf32>
      %mul3A_860 = arith.constant 16 : i32
      %mul3A_861 = arith.muli %scan3A_795, %mul3A_860 : i32
      %get3A_862 = arith.constant 7 : i32
      %get3A_863 = arith.index_cast %get3A_862 : i32 to index
      %get3A_864 = arith.index_cast %mul3A_861 : i32 to index
      %get3A_865 = tpu.vector_load %arg6[%get3A_863, %get3A_864] {strides = array<i32>} : memref<8x512xf32, #tpu.memory_space<vmem>>, vector<1x16xf32>,
      %get3A_866 = vector.shape_cast %get3A_865 : vector<1x16xf32> to vector<16xf32>
      %mul3A_867 = arith.constant 16 : i32
      %mul3A_868 = arith.muli %scan3A_795, %mul3A_867 : i32
      %get3A_869 = arith.constant 0 : i32
      %get3A_870 = arith.constant 0 : i32
      %get3A_871 = arith.index_cast %get3A_869 : i32 to index
      %get3A_872 = arith.index_cast %get3A_870 : i32 to index
      %get3A_873 = arith.index_cast %mul3A_868 : i32 to index
      %get3A_874 = tpu.vector_load %arg5[%get3A_871, %get3A_872, %get3A_873] {strides = array<i32>} : memref<16x8x512xf32, #tpu.memory_space<vmem>>, vector<1x1x16xf32>,
      %get3A_875 = vector.shape_cast %get3A_874 : vector<1x1x16xf32> to vector<16xf32>
      %mul3A_876 = arith.mulf %get3A_875, %get3A_817 : vector<16xf32>
      %add3A_877 = arith.addf %scan3A_796, %mul3A_876 : vector<16xf32>
      %mul3A_878 = arith.constant 16 : i32
      %mul3A_879 = arith.muli %scan3A_795, %mul3A_878 : i32
      %get3A_880 = arith.constant 0 : i32
      %get3A_881 = arith.constant 1 : i32
      %get3A_882 = arith.index_cast %get3A_880 : i32 to index
      %get3A_883 = arith.index_cast %get3A_881 : i32 to index
      %get3A_884 = arith.index_cast %mul3A_879 : i32 to index
      %get3A_885 = tpu.vector_load %arg5[%get3A_882, %get3A_883, %get3A_884] {strides = array<i32>} : memref<16x8x512xf32, #tpu.memory_space<vmem>>, vector<1x1x16xf32>,
      %get3A_886 = vector.shape_cast %get3A_885 : vector<1x1x16xf32> to vector<16xf32>
      %mul3A_887 = arith.mulf %get3A_886, %get3A_824 : vector<16xf32>
      %add3A_888 = arith.addf %add3A_877, %mul3A_887 : vector<16xf32>
      %mul3A_889 = arith.constant 16 : i32
      %mul3A_890 = arith.muli %scan3A_795, %mul3A_889 : i32
      %get3A_891 = arith.constant 0 : i32
      %get3A_892 = arith.constant 2 : i32
      %get3A_893 = arith.index_cast %get3A_891 : i32 to index
      %get3A_894 = arith.index_cast %get3A_892 : i32 to index
      %get3A_895 = arith.index_cast %mul3A_890 : i32 to index
      %get3A_896 = tpu.vector_load %arg5[%get3A_893, %get3A_894, %get3A_895] {strides = array<i32>} : memref<16x8x512xf32, #tpu.memory_space<vmem>>, vector<1x1x16xf32>,
      %get3A_897 = vector.shape_cast %get3A_896 : vector<1x1x16xf32> to vector<16xf32>
      %mul3A_898 = arith.mulf %get3A_897, %get3A_831 : vector<16xf32>
      %add3A_899 = arith.addf %add3A_888, %mul3A_898 : vector<16xf32>
      %mul3A_900 = arith.constant 16 : i32
      %mul3A_901 = arith.muli %scan3A_795, %mul3A_900 : i32
      %get3A_902 = arith.constant 0 : i32
      %get3A_903 = arith.constant 3 : i32
      %get3A_904 = arith.index_cast %get3A_902 : i32 to index
      %get3A_905 = arith.index_cast %get3A_903 : i32 to index
      %get3A_906 = arith.index_cast %mul3A_901 : i32 to index
      %get3A_907 = tpu.vector_load %arg5[%get3A_904, %get3A_905, %get3A_906] {strides = array<i32>} : memref<16x8x512xf32, #tpu.memory_space<vmem>>, vector<1x1x16xf32>,
      %get3A_908 = vector.shape_cast %get3A_907 : vector<1x1x16xf32> to vector<16xf32>
      %mul3A_909 = arith.mulf %get3A_908, %get3A_838 : vector<16xf32>
      %add3A_910 = arith.addf %add3A_899, %mul3A_909 : vector<16xf32>
      %mul3A_911 = arith.constant 16 : i32
      %mul3A_912 = arith.muli %scan3A_795, %mul3A_911 : i32
      %get3A_913 = arith.constant 0 : i32
      %get3A_914 = arith.constant 4 : i32
      %get3A_915 = arith.index_cast %get3A_913 : i32 to index
      %get3A_916 = arith.index_cast %get3A_914 : i32 to index
      %get3A_917 = arith.index_cast %mul3A_912 : i32 to index
      %get3A_918 = tpu.vector_load %arg5[%get3A_915, %get3A_916, %get3A_917] {strides = array<i32>} : memref<16x8x512xf32, #tpu.memory_space<vmem>>, vector<1x1x16xf32>,
      %get3A_919 = vector.shape_cast %get3A_918 : vector<1x1x16xf32> to vector<16xf32>
      %mul3A_920 = arith.mulf %get3A_919, %get3A_845 : vector<16xf32>
      %add3A_921 = arith.addf %add3A_910, %mul3A_920 : vector<16xf32>
      %mul3A_922 = arith.constant 16 : i32
      %mul3A_923 = arith.muli %scan3A_795, %mul3A_922 : i32
      %get3A_924 = arith.constant 0 : i32
      %get3A_925 = arith.constant 5 : i32
      %get3A_926 = arith.index_cast %get3A_924 : i32 to index
      %get3A_927 = arith.index_cast %get3A_925 : i32 to index
      %get3A_928 = arith.index_cast %mul3A_923 : i32 to index
      %get3A_929 = tpu.vector_load %arg5[%get3A_926, %get3A_927, %get3A_928] {strides = array<i32>} : memref<16x8x512xf32, #tpu.memory_space<vmem>>, vector<1x1x16xf32>,
      %get3A_930 = vector.shape_cast %get3A_929 : vector<1x1x16xf32> to vector<16xf32>
      %mul3A_931 = arith.mulf %get3A_930, %get3A_852 : vector<16xf32>
      %add3A_932 = arith.addf %add3A_921, %mul3A_931 : vector<16xf32>
      %mul3A_933 = arith.constant 16 : i32
      %mul3A_934 = arith.muli %scan3A_795, %mul3A_933 : i32
      %get3A_935 = arith.constant 0 : i32
      %get3A_936 = arith.constant 6 : i32
      %get3A_937 = arith.index_cast %get3A_935 : i32 to index
      %get3A_938 = arith.index_cast %get3A_936 : i32 to index
      %get3A_939 = arith.index_cast %mul3A_934 : i32 to index
      %get3A_940 = tpu.vector_load %arg5[%get3A_937, %get3A_938, %get3A_939] {strides = array<i32>} : memref<16x8x512xf32, #tpu.memory_space<vmem>>, vector<1x1x16xf32>,
      %get3A_941 = vector.shape_cast %get3A_940 : vector<1x1x16xf32> to vector<16xf32>
      %mul3A_942 = arith.mulf %get3A_941, %get3A_859 : vector<16xf32>
      %add3A_943 = arith.addf %add3A_932, %mul3A_942 : vector<16xf32>
      %mul3A_944 = arith.constant 16 : i32
      %mul3A_945 = arith.muli %scan3A_795, %mul3A_944 : i32
      %get3A_946 = arith.constant 0 : i32
      %get3A_947 = arith.constant 7 : i32
      %get3A_948 = arith.index_cast %get3A_946 : i32 to index
      %get3A_949 = arith.index_cast %get3A_947 : i32 to index
      %get3A_950 = arith.index_cast %mul3A_945 : i32 to index
      %get3A_951 = tpu.vector_load %arg5[%get3A_948, %get3A_949, %get3A_950] {strides = array<i32>} : memref<16x8x512xf32, #tpu.memory_space<vmem>>, vector<1x1x16xf32>,
      %get3A_952 = vector.shape_cast %get3A_951 : vector<1x1x16xf32> to vector<16xf32>
      %mul3A_953 = arith.mulf %get3A_952, %get3A_866 : vector<16xf32>
      %add3A_954 = arith.addf %add3A_943, %mul3A_953 : vector<16xf32>
      %mul3A_955 = arith.constant 16 : i32
      %mul3A_956 = arith.muli %scan3A_795, %mul3A_955 : i32
      %get3A_957 = arith.constant 1 : i32
      %get3A_958 = arith.constant 0 : i32
      %get3A_959 = arith.index_cast %get3A_957 : i32 to index
      %get3A_960 = arith.index_cast %get3A_958 : i32 to index
      %get3A_961 = arith.index_cast %mul3A_956 : i32 to index
      %get3A_962 = tpu.vector_load %arg5[%get3A_959, %get3A_960, %get3A_961] {strides = array<i32>} : memref<16x8x512xf32, #tpu.memory_space<vmem>>, vector<1x1x16xf32>,
      %get3A_963 = vector.shape_cast %get3A_962 : vector<1x1x16xf32> to vector<16xf32>
      %mul3A_964 = arith.mulf %get3A_963, %get3A_817 : vector<16xf32>
      %add3A_965 = arith.addf %scan3A_797, %mul3A_964 : vector<16xf32>
      %mul3A_966 = arith.constant 16 : i32
      %mul3A_967 = arith.muli %scan3A_795, %mul3A_966 : i32
      %get3A_968 = arith.constant 1 : i32
      %get3A_969 = arith.constant 1 : i32
      %get3A_970 = arith.index_cast %get3A_968 : i32 to index
      %get3A_971 = arith.index_cast %get3A_969 : i32 to index
      %get3A_972 = arith.index_cast %mul3A_967 : i32 to index
      %get3A_973 = tpu.vector_load %arg5[%get3A_970, %get3A_971, %get3A_972] {strides = array<i32>} : memref<16x8x512xf32, #tpu.memory_space<vmem>>, vector<1x1x16xf32>,
      %get3A_974 = vector.shape_cast %get3A_973 : vector<1x1x16xf32> to vector<16xf32>
      %mul3A_975 = arith.mulf %get3A_974, %get3A_824 : vector<16xf32>
      %add3A_976 = arith.addf %add3A_965, %mul3A_975 : vector<16xf32>
      %mul3A_977 = arith.constant 16 : i32
      %mul3A_978 = arith.muli %scan3A_795, %mul3A_977 : i32
      %get3A_979 = arith.constant 1 : i32
      %get3A_980 = arith.constant 2 : i32
      %get3A_981 = arith.index_cast %get3A_979 : i32 to index
      %get3A_982 = arith.index_cast %get3A_980 : i32 to index
      %get3A_983 = arith.index_cast %mul3A_978 : i32 to index
      %get3A_984 = tpu.vector_load %arg5[%get3A_981, %get3A_982, %get3A_983] {strides = array<i32>} : memref<16x8x512xf32, #tpu.memory_space<vmem>>, vector<1x1x16xf32>,
      %get3A_985 = vector.shape_cast %get3A_984 : vector<1x1x16xf32> to vector<16xf32>
      %mul3A_986 = arith.mulf %get3A_985, %get3A_831 : vector<16xf32>
      %add3A_987 = arith.addf %add3A_976, %mul3A_986 : vector<16xf32>
      %mul3A_988 = arith.constant 16 : i32
      %mul3A_989 = arith.muli %scan3A_795, %mul3A_988 : i32
      %get3A_990 = arith.constant 1 : i32
      %get3A_991 = arith.constant 3 : i32
      %get3A_992 = arith.index_cast %get3A_990 : i32 to index
      %get3A_993 = arith.index_cast %get3A_991 : i32 to index
      %get3A_994 = arith.index_cast %mul3A_989 : i32 to index
      %get3A_995 = tpu.vector_load %arg5[%get3A_992, %get3A_993, %get3A_994] {strides = array<i32>} : memref<16x8x512xf32, #tpu.memory_space<vmem>>, vector<1x1x16xf32>,
      %get3A_996 = vector.shape_cast %get3A_995 : vector<1x1x16xf32> to vector<16xf32>
      %mul3A_997 = arith.mulf %get3A_996, %get3A_838 : vector<16xf32>
      %add3A_998 = arith.addf %add3A_987, %mul3A_997 : vector<16xf32>
      %mul3A_999 = arith.constant 16 : i32
      %mul3A_1000 = arith.muli %scan3A_795, %mul3A_999 : i32
      %get3A_1001 = arith.constant 1 : i32
      %get3A_1002 = arith.constant 4 : i32
      %get3A_1003 = arith.index_cast %get3A_1001 : i32 to index
      %get3A_1004 = arith.index_cast %get3A_1002 : i32 to index
      %get3A_1005 = arith.index_cast %mul3A_1000 : i32 to index
      %get3A_1006 = tpu.vector_load %arg5[%get3A_1003, %get3A_1004, %get3A_1005] {strides = array<i32>} : memref<16x8x512xf32, #tpu.memory_space<vmem>>, vector<1x1x16xf32>,
      %get3A_1007 = vector.shape_cast %get3A_1006 : vector<1x1x16xf32> to vector<16xf32>
      %mul3A_1008 = arith.mulf %get3A_1007, %get3A_845 : vector<16xf32>
      %add3A_1009 = arith.addf %add3A_998, %mul3A_1008 : vector<16xf32>
      %mul3A_1010 = arith.constant 16 : i32
      %mul3A_1011 = arith.muli %scan3A_795, %mul3A_1010 : i32
      %get3A_1012 = arith.constant 1 : i32
      %get3A_1013 = arith.constant 5 : i32
      %get3A_1014 = arith.index_cast %get3A_1012 : i32 to index
      %get3A_1015 = arith.index_cast %get3A_1013 : i32 to index
      %get3A_1016 = arith.index_cast %mul3A_1011 : i32 to index
      %get3A_1017 = tpu.vector_load %arg5[%get3A_1014, %get3A_1015, %get3A_1016] {strides = array<i32>} : memref<16x8x512xf32, #tpu.memory_space<vmem>>, vector<1x1x16xf32>,
      %get3A_1018 = vector.shape_cast %get3A_1017 : vector<1x1x16xf32> to vector<16xf32>
      %mul3A_1019 = arith.mulf %get3A_1018, %get3A_852 : vector<16xf32>
      %add3A_1020 = arith.addf %add3A_1009, %mul3A_1019 : vector<16xf32>
      %mul3A_1021 = arith.constant 16 : i32
      %mul3A_1022 = arith.muli %scan3A_795, %mul3A_1021 : i32
      %get3A_1023 = arith.constant 1 : i32
      %get3A_1024 = arith.constant 6 : i32
      %get3A_1025 = arith.index_cast %get3A_1023 : i32 to index
      %get3A_1026 = arith.index_cast %get3A_1024 : i32 to index
      %get3A_1027 = arith.index_cast %mul3A_1022 : i32 to index
      %get3A_1028 = tpu.vector_load %arg5[%get3A_1025, %get3A_1026, %get3A_1027] {strides = array<i32>} : memref<16x8x512xf32, #tpu.memory_space<vmem>>, vector<1x1x16xf32>,
      %get3A_1029 = vector.shape_cast %get3A_1028 : vector<1x1x16xf32> to vector<16xf32>
      %mul3A_1030 = arith.mulf %get3A_1029, %get3A_859 : vector<16xf32>
      %add3A_1031 = arith.addf %add3A_1020, %mul3A_1030 : vector<16xf32>
      %mul3A_1032 = arith.constant 16 : i32
      %mul3A_1033 = arith.muli %scan3A_795, %mul3A_1032 : i32
      %get3A_1034 = arith.constant 1 : i32
      %get3A_1035 = arith.constant 7 : i32
      %get3A_1036 = arith.index_cast %get3A_1034 : i32 to index
      %get3A_1037 = arith.index_cast %get3A_1035 : i32 to index
      %get3A_1038 = arith.index_cast %mul3A_1033 : i32 to index
      %get3A_1039 = tpu.vector_load %arg5[%get3A_1036, %get3A_1037, %get3A_1038] {strides = array<i32>} : memref<16x8x512xf32, #tpu.memory_space<vmem>>, vector<1x1x16xf32>,
      %get3A_1040 = vector.shape_cast %get3A_1039 : vector<1x1x16xf32> to vector<16xf32>
      %mul3A_1041 = arith.mulf %get3A_1040, %get3A_866 : vector<16xf32>
      %add3A_1042 = arith.addf %add3A_1031, %mul3A_1041 : vector<16xf32>
      %mul3A_1043 = arith.constant 16 : i32
      %mul3A_1044 = arith.muli %scan3A_795, %mul3A_1043 : i32
      %get3A_1045 = arith.constant 2 : i32
      %get3A_1046 = arith.constant 0 : i32
      %get3A_1047 = arith.index_cast %get3A_1045 : i32 to index
      %get3A_1048 = arith.index_cast %get3A_1046 : i32 to index
      %get3A_1049 = arith.index_cast %mul3A_1044 : i32 to index
      %get3A_1050 = tpu.vector_load %arg5[%get3A_1047, %get3A_1048, %get3A_1049] {strides = array<i32>} : memref<16x8x512xf32, #tpu.memory_space<vmem>>, vector<1x1x16xf32>,
      %get3A_1051 = vector.shape_cast %get3A_1050 : vector<1x1x16xf32> to vector<16xf32>
      %mul3A_1052 = arith.mulf %get3A_1051, %get3A_817 : vector<16xf32>
      %add3A_1053 = arith.addf %scan3A_798, %mul3A_1052 : vector<16xf32>
      %mul3A_1054 = arith.constant 16 : i32
      %mul3A_1055 = arith.muli %scan3A_795, %mul3A_1054 : i32
      %get3A_1056 = arith.constant 2 : i32
      %get3A_1057 = arith.constant 1 : i32
      %get3A_1058 = arith.index_cast %get3A_1056 : i32 to index
      %get3A_1059 = arith.index_cast %get3A_1057 : i32 to index
      %get3A_1060 = arith.index_cast %mul3A_1055 : i32 to index
      %get3A_1061 = tpu.vector_load %arg5[%get3A_1058, %get3A_1059, %get3A_1060] {strides = array<i32>} : memref<16x8x512xf32, #tpu.memory_space<vmem>>, vector<1x1x16xf32>,
      %get3A_1062 = vector.shape_cast %get3A_1061 : vector<1x1x16xf32> to vector<16xf32>
      %mul3A_1063 = arith.mulf %get3A_1062, %get3A_824 : vector<16xf32>
      %add3A_1064 = arith.addf %add3A_1053, %mul3A_1063 : vector<16xf32>
      %mul3A_1065 = arith.constant 16 : i32
      %mul3A_1066 = arith.muli %scan3A_795, %mul3A_1065 : i32
      %get3A_1067 = arith.constant 2 : i32
      %get3A_1068 = arith.constant 2 : i32
      %get3A_1069 = arith.index_cast %get3A_1067 : i32 to index
      %get3A_1070 = arith.index_cast %get3A_1068 : i32 to index
      %get3A_1071 = arith.index_cast %mul3A_1066 : i32 to index
      %get3A_1072 = tpu.vector_load %arg5[%get3A_1069, %get3A_1070, %get3A_1071] {strides = array<i32>} : memref<16x8x512xf32, #tpu.memory_space<vmem>>, vector<1x1x16xf32>,
      %get3A_1073 = vector.shape_cast %get3A_1072 : vector<1x1x16xf32> to vector<16xf32>
      %mul3A_1074 = arith.mulf %get3A_1073, %get3A_831 : vector<16xf32>
      %add3A_1075 = arith.addf %add3A_1064, %mul3A_1074 : vector<16xf32>
      %mul3A_1076 = arith.constant 16 : i32
      %mul3A_1077 = arith.muli %scan3A_795, %mul3A_1076 : i32
      %get3A_1078 = arith.constant 2 : i32
      %get3A_1079 = arith.constant 3 : i32
      %get3A_1080 = arith.index_cast %get3A_1078 : i32 to index
      %get3A_1081 = arith.index_cast %get3A_1079 : i32 to index
      %get3A_1082 = arith.index_cast %mul3A_1077 : i32 to index
      %get3A_1083 = tpu.vector_load %arg5[%get3A_1080, %get3A_1081, %get3A_1082] {strides = array<i32>} : memref<16x8x512xf32, #tpu.memory_space<vmem>>, vector<1x1x16xf32>,
      %get3A_1084 = vector.shape_cast %get3A_1083 : vector<1x1x16xf32> to vector<16xf32>
      %mul3A_1085 = arith.mulf %get3A_1084, %get3A_838 : vector<16xf32>
      %add3A_1086 = arith.addf %add3A_1075, %mul3A_1085 : vector<16xf32>
      %mul3A_1087 = arith.constant 16 : i32
      %mul3A_1088 = arith.muli %scan3A_795, %mul3A_1087 : i32
      %get3A_1089 = arith.constant 2 : i32
      %get3A_1090 = arith.constant 4 : i32
      %get3A_1091 = arith.index_cast %get3A_1089 : i32 to index
      %get3A_1092 = arith.index_cast %get3A_1090 : i32 to index
      %get3A_1093 = arith.index_cast %mul3A_1088 : i32 to index
      %get3A_1094 = tpu.vector_load %arg5[%get3A_1091, %get3A_1092, %get3A_1093] {strides = array<i32>} : memref<16x8x512xf32, #tpu.memory_space<vmem>>, vector<1x1x16xf32>,
      %get3A_1095 = vector.shape_cast %get3A_1094 : vector<1x1x16xf32> to vector<16xf32>
      %mul3A_1096 = arith.mulf %get3A_1095, %get3A_845 : vector<16xf32>
      %add3A_1097 = arith.addf %add3A_1086, %mul3A_1096 : vector<16xf32>
      %mul3A_1098 = arith.constant 16 : i32
      %mul3A_1099 = arith.muli %scan3A_795, %mul3A_1098 : i32
      %get3A_1100 = arith.constant 2 : i32
      %get3A_1101 = arith.constant 5 : i32
      %get3A_1102 = arith.index_cast %get3A_1100 : i32 to index
      %get3A_1103 = arith.index_cast %get3A_1101 : i32 to index
      %get3A_1104 = arith.index_cast %mul3A_1099 : i32 to index
      %get3A_1105 = tpu.vector_load %arg5[%get3A_1102, %get3A_1103, %get3A_1104] {strides = array<i32>} : memref<16x8x512xf32, #tpu.memory_space<vmem>>, vector<1x1x16xf32>,
      %get3A_1106 = vector.shape_cast %get3A_1105 : vector<1x1x16xf32> to vector<16xf32>
      %mul3A_1107 = arith.mulf %get3A_1106, %get3A_852 : vector<16xf32>
      %add3A_1108 = arith.addf %add3A_1097, %mul3A_1107 : vector<16xf32>
      %mul3A_1109 = arith.constant 16 : i32
      %mul3A_1110 = arith.muli %scan3A_795, %mul3A_1109 : i32
      %get3A_1111 = arith.constant 2 : i32
      %get3A_1112 = arith.constant 6 : i32
      %get3A_1113 = arith.index_cast %get3A_1111 : i32 to index
      %get3A_1114 = arith.index_cast %get3A_1112 : i32 to index
      %get3A_1115 = arith.index_cast %mul3A_1110 : i32 to index
      %get3A_1116 = tpu.vector_load %arg5[%get3A_1113, %get3A_1114, %get3A_1115] {strides = array<i32>} : memref<16x8x512xf32, #tpu.memory_space<vmem>>, vector<1x1x16xf32>,
      %get3A_1117 = vector.shape_cast %get3A_1116 : vector<1x1x16xf32> to vector<16xf32>
      %mul3A_1118 = arith.mulf %get3A_1117, %get3A_859 : vector<16xf32>
      %add3A_1119 = arith.addf %add3A_1108, %mul3A_1118 : vector<16xf32>
      %mul3A_1120 = arith.constant 16 : i32
      %mul3A_1121 = arith.muli %scan3A_795, %mul3A_1120 : i32
      %get3A_1122 = arith.constant 2 : i32
      %get3A_1123 = arith.constant 7 : i32
      %get3A_1124 = arith.index_cast %get3A_1122 : i32 to index
      %get3A_1125 = arith.index_cast %get3A_1123 : i32 to index
      %get3A_1126 = arith.index_cast %mul3A_1121 : i32 to index
      %get3A_1127 = tpu.vector_load %arg5[%get3A_1124, %get3A_1125, %get3A_1126] {strides = array<i32>} : memref<16x8x512xf32, #tpu.memory_space<vmem>>, vector<1x1x16xf32>,
      %get3A_1128 = vector.shape_cast %get3A_1127 : vector<1x1x16xf32> to vector<16xf32>
      %mul3A_1129 = arith.mulf %get3A_1128, %get3A_866 : vector<16xf32>
      %add3A_1130 = arith.addf %add3A_1119, %mul3A_1129 : vector<16xf32>
      %mul3A_1131 = arith.constant 16 : i32
      %mul3A_1132 = arith.muli %scan3A_795, %mul3A_1131 : i32
      %get3A_1133 = arith.constant 3 : i32
      %get3A_1134 = arith.constant 0 : i32
      %get3A_1135 = arith.index_cast %get3A_1133 : i32 to index
      %get3A_1136 = arith.index_cast %get3A_1134 : i32 to index
      %get3A_1137 = arith.index_cast %mul3A_1132 : i32 to index
      %get3A_1138 = tpu.vector_load %arg5[%get3A_1135, %get3A_1136, %get3A_1137] {strides = array<i32>} : memref<16x8x512xf32, #tpu.memory_space<vmem>>, vector<1x1x16xf32>,
      %get3A_1139 = vector.shape_cast %get3A_1138 : vector<1x1x16xf32> to vector<16xf32>
      %mul3A_1140 = arith.mulf %get3A_1139, %get3A_817 : vector<16xf32>
      %add3A_1141 = arith.addf %scan3A_799, %mul3A_1140 : vector<16xf32>
      %mul3A_1142 = arith.constant 16 : i32
      %mul3A_1143 = arith.muli %scan3A_795, %mul3A_1142 : i32
      %get3A_1144 = arith.constant 3 : i32
      %get3A_1145 = arith.constant 1 : i32
      %get3A_1146 = arith.index_cast %get3A_1144 : i32 to index
      %get3A_1147 = arith.index_cast %get3A_1145 : i32 to index
      %get3A_1148 = arith.index_cast %mul3A_1143 : i32 to index
      %get3A_1149 = tpu.vector_load %arg5[%get3A_1146, %get3A_1147, %get3A_1148] {strides = array<i32>} : memref<16x8x512xf32, #tpu.memory_space<vmem>>, vector<1x1x16xf32>,
      %get3A_1150 = vector.shape_cast %get3A_1149 : vector<1x1x16xf32> to vector<16xf32>
      %mul3A_1151 = arith.mulf %get3A_1150, %get3A_824 : vector<16xf32>
      %add3A_1152 = arith.addf %add3A_1141, %mul3A_1151 : vector<16xf32>
      %mul3A_1153 = arith.constant 16 : i32
      %mul3A_1154 = arith.muli %scan3A_795, %mul3A_1153 : i32
      %get3A_1155 = arith.constant 3 : i32
      %get3A_1156 = arith.constant 2 : i32
      %get3A_1157 = arith.index_cast %get3A_1155 : i32 to index
      %get3A_1158 = arith.index_cast %get3A_1156 : i32 to index
      %get3A_1159 = arith.index_cast %mul3A_1154 : i32 to index
      %get3A_1160 = tpu.vector_load %arg5[%get3A_1157, %get3A_1158, %get3A_1159] {strides = array<i32>} : memref<16x8x512xf32, #tpu.memory_space<vmem>>, vector<1x1x16xf32>,
      %get3A_1161 = vector.shape_cast %get3A_1160 : vector<1x1x16xf32> to vector<16xf32>
      %mul3A_1162 = arith.mulf %get3A_1161, %get3A_831 : vector<16xf32>
      %add3A_1163 = arith.addf %add3A_1152, %mul3A_1162 : vector<16xf32>
      %mul3A_1164 = arith.constant 16 : i32
      %mul3A_1165 = arith.muli %scan3A_795, %mul3A_1164 : i32
      %get3A_1166 = arith.constant 3 : i32
      %get3A_1167 = arith.constant 3 : i32
      %get3A_1168 = arith.index_cast %get3A_1166 : i32 to index
      %get3A_1169 = arith.index_cast %get3A_1167 : i32 to index
      %get3A_1170 = arith.index_cast %mul3A_1165 : i32 to index
      %get3A_1171 = tpu.vector_load %arg5[%get3A_1168, %get3A_1169, %get3A_1170] {strides = array<i32>} : memref<16x8x512xf32, #tpu.memory_space<vmem>>, vector<1x1x16xf32>,
      %get3A_1172 = vector.shape_cast %get3A_1171 : vector<1x1x16xf32> to vector<16xf32>
      %mul3A_1173 = arith.mulf %get3A_1172, %get3A_838 : vector<16xf32>
      %add3A_1174 = arith.addf %add3A_1163, %mul3A_1173 : vector<16xf32>
      %mul3A_1175 = arith.constant 16 : i32
      %mul3A_1176 = arith.muli %scan3A_795, %mul3A_1175 : i32
      %get3A_1177 = arith.constant 3 : i32
      %get3A_1178 = arith.constant 4 : i32
      %get3A_1179 = arith.index_cast %get3A_1177 : i32 to index
      %get3A_1180 = arith.index_cast %get3A_1178 : i32 to index
      %get3A_1181 = arith.index_cast %mul3A_1176 : i32 to index
      %get3A_1182 = tpu.vector_load %arg5[%get3A_1179, %get3A_1180, %get3A_1181] {strides = array<i32>} : memref<16x8x512xf32, #tpu.memory_space<vmem>>, vector<1x1x16xf32>,
      %get3A_1183 = vector.shape_cast %get3A_1182 : vector<1x1x16xf32> to vector<16xf32>
      %mul3A_1184 = arith.mulf %get3A_1183, %get3A_845 : vector<16xf32>
      %add3A_1185 = arith.addf %add3A_1174, %mul3A_1184 : vector<16xf32>
      %mul3A_1186 = arith.constant 16 : i32
      %mul3A_1187 = arith.muli %scan3A_795, %mul3A_1186 : i32
      %get3A_1188 = arith.constant 3 : i32
      %get3A_1189 = arith.constant 5 : i32
      %get3A_1190 = arith.index_cast %get3A_1188 : i32 to index
      %get3A_1191 = arith.index_cast %get3A_1189 : i32 to index
      %get3A_1192 = arith.index_cast %mul3A_1187 : i32 to index
      %get3A_1193 = tpu.vector_load %arg5[%get3A_1190, %get3A_1191, %get3A_1192] {strides = array<i32>} : memref<16x8x512xf32, #tpu.memory_space<vmem>>, vector<1x1x16xf32>,
      %get3A_1194 = vector.shape_cast %get3A_1193 : vector<1x1x16xf32> to vector<16xf32>
      %mul3A_1195 = arith.mulf %get3A_1194, %get3A_852 : vector<16xf32>
      %add3A_1196 = arith.addf %add3A_1185, %mul3A_1195 : vector<16xf32>
      %mul3A_1197 = arith.constant 16 : i32
      %mul3A_1198 = arith.muli %scan3A_795, %mul3A_1197 : i32
      %get3A_1199 = arith.constant 3 : i32
      %get3A_1200 = arith.constant 6 : i32
      %get3A_1201 = arith.index_cast %get3A_1199 : i32 to index
      %get3A_1202 = arith.index_cast %get3A_1200 : i32 to index
      %get3A_1203 = arith.index_cast %mul3A_1198 : i32 to index
      %get3A_1204 = tpu.vector_load %arg5[%get3A_1201, %get3A_1202, %get3A_1203] {strides = array<i32>} : memref<16x8x512xf32, #tpu.memory_space<vmem>>, vector<1x1x16xf32>,
      %get3A_1205 = vector.shape_cast %get3A_1204 : vector<1x1x16xf32> to vector<16xf32>
      %mul3A_1206 = arith.mulf %get3A_1205, %get3A_859 : vector<16xf32>
      %add3A_1207 = arith.addf %add3A_1196, %mul3A_1206 : vector<16xf32>
      %mul3A_1208 = arith.constant 16 : i32
      %mul3A_1209 = arith.muli %scan3A_795, %mul3A_1208 : i32
      %get3A_1210 = arith.constant 3 : i32
      %get3A_1211 = arith.constant 7 : i32
      %get3A_1212 = arith.index_cast %get3A_1210 : i32 to index
      %get3A_1213 = arith.index_cast %get3A_1211 : i32 to index
      %get3A_1214 = arith.index_cast %mul3A_1209 : i32 to index
      %get3A_1215 = tpu.vector_load %arg5[%get3A_1212, %get3A_1213, %get3A_1214] {strides = array<i32>} : memref<16x8x512xf32, #tpu.memory_space<vmem>>, vector<1x1x16xf32>,
      %get3A_1216 = vector.shape_cast %get3A_1215 : vector<1x1x16xf32> to vector<16xf32>
      %mul3A_1217 = arith.mulf %get3A_1216, %get3A_866 : vector<16xf32>
      %add3A_1218 = arith.addf %add3A_1207, %mul3A_1217 : vector<16xf32>
      %mul3A_1219 = arith.constant 16 : i32
      %mul3A_1220 = arith.muli %scan3A_795, %mul3A_1219 : i32
      %get3A_1221 = arith.constant 4 : i32
      %get3A_1222 = arith.constant 0 : i32
      %get3A_1223 = arith.index_cast %get3A_1221 : i32 to index
      %get3A_1224 = arith.index_cast %get3A_1222 : i32 to index
      %get3A_1225 = arith.index_cast %mul3A_1220 : i32 to index
      %get3A_1226 = tpu.vector_load %arg5[%get3A_1223, %get3A_1224, %get3A_1225] {strides = array<i32>} : memref<16x8x512xf32, #tpu.memory_space<vmem>>, vector<1x1x16xf32>,
      %get3A_1227 = vector.shape_cast %get3A_1226 : vector<1x1x16xf32> to vector<16xf32>
      %mul3A_1228 = arith.mulf %get3A_1227, %get3A_817 : vector<16xf32>
      %add3A_1229 = arith.addf %scan3A_800, %mul3A_1228 : vector<16xf32>
      %mul3A_1230 = arith.constant 16 : i32
      %mul3A_1231 = arith.muli %scan3A_795, %mul3A_1230 : i32
      %get3A_1232 = arith.constant 4 : i32
      %get3A_1233 = arith.constant 1 : i32
      %get3A_1234 = arith.index_cast %get3A_1232 : i32 to index
      %get3A_1235 = arith.index_cast %get3A_1233 : i32 to index
      %get3A_1236 = arith.index_cast %mul3A_1231 : i32 to index
      %get3A_1237 = tpu.vector_load %arg5[%get3A_1234, %get3A_1235, %get3A_1236] {strides = array<i32>} : memref<16x8x512xf32, #tpu.memory_space<vmem>>, vector<1x1x16xf32>,
      %get3A_1238 = vector.shape_cast %get3A_1237 : vector<1x1x16xf32> to vector<16xf32>
      %mul3A_1239 = arith.mulf %get3A_1238, %get3A_824 : vector<16xf32>
      %add3A_1240 = arith.addf %add3A_1229, %mul3A_1239 : vector<16xf32>
      %mul3A_1241 = arith.constant 16 : i32
      %mul3A_1242 = arith.muli %scan3A_795, %mul3A_1241 : i32
      %get3A_1243 = arith.constant 4 : i32
      %get3A_1244 = arith.constant 2 : i32
      %get3A_1245 = arith.index_cast %get3A_1243 : i32 to index
      %get3A_1246 = arith.index_cast %get3A_1244 : i32 to index
      %get3A_1247 = arith.index_cast %mul3A_1242 : i32 to index
      %get3A_1248 = tpu.vector_load %arg5[%get3A_1245, %get3A_1246, %get3A_1247] {strides = array<i32>} : memref<16x8x512xf32, #tpu.memory_space<vmem>>, vector<1x1x16xf32>,
      %get3A_1249 = vector.shape_cast %get3A_1248 : vector<1x1x16xf32> to vector<16xf32>
      %mul3A_1250 = arith.mulf %get3A_1249, %get3A_831 : vector<16xf32>
      %add3A_1251 = arith.addf %add3A_1240, %mul3A_1250 : vector<16xf32>
      %mul3A_1252 = arith.constant 16 : i32
      %mul3A_1253 = arith.muli %scan3A_795, %mul3A_1252 : i32
      %get3A_1254 = arith.constant 4 : i32
      %get3A_1255 = arith.constant 3 : i32
      %get3A_1256 = arith.index_cast %get3A_1254 : i32 to index
      %get3A_1257 = arith.index_cast %get3A_1255 : i32 to index
      %get3A_1258 = arith.index_cast %mul3A_1253 : i32 to index
      %get3A_1259 = tpu.vector_load %arg5[%get3A_1256, %get3A_1257, %get3A_1258] {strides = array<i32>} : memref<16x8x512xf32, #tpu.memory_space<vmem>>, vector<1x1x16xf32>,
      %get3A_1260 = vector.shape_cast %get3A_1259 : vector<1x1x16xf32> to vector<16xf32>
      %mul3A_1261 = arith.mulf %get3A_1260, %get3A_838 : vector<16xf32>
      %add3A_1262 = arith.addf %add3A_1251, %mul3A_1261 : vector<16xf32>
      %mul3A_1263 = arith.constant 16 : i32
      %mul3A_1264 = arith.muli %scan3A_795, %mul3A_1263 : i32
      %get3A_1265 = arith.constant 4 : i32
      %get3A_1266 = arith.constant 4 : i32
      %get3A_1267 = arith.index_cast %get3A_1265 : i32 to index
      %get3A_1268 = arith.index_cast %get3A_1266 : i32 to index
      %get3A_1269 = arith.index_cast %mul3A_1264 : i32 to index
      %get3A_1270 = tpu.vector_load %arg5[%get3A_1267, %get3A_1268, %get3A_1269] {strides = array<i32>} : memref<16x8x512xf32, #tpu.memory_space<vmem>>, vector<1x1x16xf32>,
      %get3A_1271 = vector.shape_cast %get3A_1270 : vector<1x1x16xf32> to vector<16xf32>
      %mul3A_1272 = arith.mulf %get3A_1271, %get3A_845 : vector<16xf32>
      %add3A_1273 = arith.addf %add3A_1262, %mul3A_1272 : vector<16xf32>
      %mul3A_1274 = arith.constant 16 : i32
      %mul3A_1275 = arith.muli %scan3A_795, %mul3A_1274 : i32
      %get3A_1276 = arith.constant 4 : i32
      %get3A_1277 = arith.constant 5 : i32
      %get3A_1278 = arith.index_cast %get3A_1276 : i32 to index
      %get3A_1279 = arith.index_cast %get3A_1277 : i32 to index
      %get3A_1280 = arith.index_cast %mul3A_1275 : i32 to index
      %get3A_1281 = tpu.vector_load %arg5[%get3A_1278, %get3A_1279, %get3A_1280] {strides = array<i32>} : memref<16x8x512xf32, #tpu.memory_space<vmem>>, vector<1x1x16xf32>,
      %get3A_1282 = vector.shape_cast %get3A_1281 : vector<1x1x16xf32> to vector<16xf32>
      %mul3A_1283 = arith.mulf %get3A_1282, %get3A_852 : vector<16xf32>
      %add3A_1284 = arith.addf %add3A_1273, %mul3A_1283 : vector<16xf32>
      %mul3A_1285 = arith.constant 16 : i32
      %mul3A_1286 = arith.muli %scan3A_795, %mul3A_1285 : i32
      %get3A_1287 = arith.constant 4 : i32
      %get3A_1288 = arith.constant 6 : i32
      %get3A_1289 = arith.index_cast %get3A_1287 : i32 to index
      %get3A_1290 = arith.index_cast %get3A_1288 : i32 to index
      %get3A_1291 = arith.index_cast %mul3A_1286 : i32 to index
      %get3A_1292 = tpu.vector_load %arg5[%get3A_1289, %get3A_1290, %get3A_1291] {strides = array<i32>} : memref<16x8x512xf32, #tpu.memory_space<vmem>>, vector<1x1x16xf32>,
      %get3A_1293 = vector.shape_cast %get3A_1292 : vector<1x1x16xf32> to vector<16xf32>
      %mul3A_1294 = arith.mulf %get3A_1293, %get3A_859 : vector<16xf32>
      %add3A_1295 = arith.addf %add3A_1284, %mul3A_1294 : vector<16xf32>
      %mul3A_1296 = arith.constant 16 : i32
      %mul3A_1297 = arith.muli %scan3A_795, %mul3A_1296 : i32
      %get3A_1298 = arith.constant 4 : i32
      %get3A_1299 = arith.constant 7 : i32
      %get3A_1300 = arith.index_cast %get3A_1298 : i32 to index
      %get3A_1301 = arith.index_cast %get3A_1299 : i32 to index
      %get3A_1302 = arith.index_cast %mul3A_1297 : i32 to index
      %get3A_1303 = tpu.vector_load %arg5[%get3A_1300, %get3A_1301, %get3A_1302] {strides = array<i32>} : memref<16x8x512xf32, #tpu.memory_space<vmem>>, vector<1x1x16xf32>,
      %get3A_1304 = vector.shape_cast %get3A_1303 : vector<1x1x16xf32> to vector<16xf32>
      %mul3A_1305 = arith.mulf %get3A_1304, %get3A_866 : vector<16xf32>
      %add3A_1306 = arith.addf %add3A_1295, %mul3A_1305 : vector<16xf32>
      %mul3A_1307 = arith.constant 16 : i32
      %mul3A_1308 = arith.muli %scan3A_795, %mul3A_1307 : i32
      %get3A_1309 = arith.constant 5 : i32
      %get3A_1310 = arith.constant 0 : i32
      %get3A_1311 = arith.index_cast %get3A_1309 : i32 to index
      %get3A_1312 = arith.index_cast %get3A_1310 : i32 to index
      %get3A_1313 = arith.index_cast %mul3A_1308 : i32 to index
      %get3A_1314 = tpu.vector_load %arg5[%get3A_1311, %get3A_1312, %get3A_1313] {strides = array<i32>} : memref<16x8x512xf32, #tpu.memory_space<vmem>>, vector<1x1x16xf32>,
      %get3A_1315 = vector.shape_cast %get3A_1314 : vector<1x1x16xf32> to vector<16xf32>
      %mul3A_1316 = arith.mulf %get3A_1315, %get3A_817 : vector<16xf32>
      %add3A_1317 = arith.addf %scan3A_801, %mul3A_1316 : vector<16xf32>
      %mul3A_1318 = arith.constant 16 : i32
      %mul3A_1319 = arith.muli %scan3A_795, %mul3A_1318 : i32
      %get3A_1320 = arith.constant 5 : i32
      %get3A_1321 = arith.constant 1 : i32
      %get3A_1322 = arith.index_cast %get3A_1320 : i32 to index
      %get3A_1323 = arith.index_cast %get3A_1321 : i32 to index
      %get3A_1324 = arith.index_cast %mul3A_1319 : i32 to index
      %get3A_1325 = tpu.vector_load %arg5[%get3A_1322, %get3A_1323, %get3A_1324] {strides = array<i32>} : memref<16x8x512xf32, #tpu.memory_space<vmem>>, vector<1x1x16xf32>,
      %get3A_1326 = vector.shape_cast %get3A_1325 : vector<1x1x16xf32> to vector<16xf32>
      %mul3A_1327 = arith.mulf %get3A_1326, %get3A_824 : vector<16xf32>
      %add3A_1328 = arith.addf %add3A_1317, %mul3A_1327 : vector<16xf32>
      %mul3A_1329 = arith.constant 16 : i32
      %mul3A_1330 = arith.muli %scan3A_795, %mul3A_1329 : i32
      %get3A_1331 = arith.constant 5 : i32
      %get3A_1332 = arith.constant 2 : i32
      %get3A_1333 = arith.index_cast %get3A_1331 : i32 to index
      %get3A_1334 = arith.index_cast %get3A_1332 : i32 to index
      %get3A_1335 = arith.index_cast %mul3A_1330 : i32 to index
      %get3A_1336 = tpu.vector_load %arg5[%get3A_1333, %get3A_1334, %get3A_1335] {strides = array<i32>} : memref<16x8x512xf32, #tpu.memory_space<vmem>>, vector<1x1x16xf32>,
      %get3A_1337 = vector.shape_cast %get3A_1336 : vector<1x1x16xf32> to vector<16xf32>
      %mul3A_1338 = arith.mulf %get3A_1337, %get3A_831 : vector<16xf32>
      %add3A_1339 = arith.addf %add3A_1328, %mul3A_1338 : vector<16xf32>
      %mul3A_1340 = arith.constant 16 : i32
      %mul3A_1341 = arith.muli %scan3A_795, %mul3A_1340 : i32
      %get3A_1342 = arith.constant 5 : i32
      %get3A_1343 = arith.constant 3 : i32
      %get3A_1344 = arith.index_cast %get3A_1342 : i32 to index
      %get3A_1345 = arith.index_cast %get3A_1343 : i32 to index
      %get3A_1346 = arith.index_cast %mul3A_1341 : i32 to index
      %get3A_1347 = tpu.vector_load %arg5[%get3A_1344, %get3A_1345, %get3A_1346] {strides = array<i32>} : memref<16x8x512xf32, #tpu.memory_space<vmem>>, vector<1x1x16xf32>,
      %get3A_1348 = vector.shape_cast %get3A_1347 : vector<1x1x16xf32> to vector<16xf32>
      %mul3A_1349 = arith.mulf %get3A_1348, %get3A_838 : vector<16xf32>
      %add3A_1350 = arith.addf %add3A_1339, %mul3A_1349 : vector<16xf32>
      %mul3A_1351 = arith.constant 16 : i32
      %mul3A_1352 = arith.muli %scan3A_795, %mul3A_1351 : i32
      %get3A_1353 = arith.constant 5 : i32
      %get3A_1354 = arith.constant 4 : i32
      %get3A_1355 = arith.index_cast %get3A_1353 : i32 to index
      %get3A_1356 = arith.index_cast %get3A_1354 : i32 to index
      %get3A_1357 = arith.index_cast %mul3A_1352 : i32 to index
      %get3A_1358 = tpu.vector_load %arg5[%get3A_1355, %get3A_1356, %get3A_1357] {strides = array<i32>} : memref<16x8x512xf32, #tpu.memory_space<vmem>>, vector<1x1x16xf32>,
      %get3A_1359 = vector.shape_cast %get3A_1358 : vector<1x1x16xf32> to vector<16xf32>
      %mul3A_1360 = arith.mulf %get3A_1359, %get3A_845 : vector<16xf32>
      %add3A_1361 = arith.addf %add3A_1350, %mul3A_1360 : vector<16xf32>
      %mul3A_1362 = arith.constant 16 : i32
      %mul3A_1363 = arith.muli %scan3A_795, %mul3A_1362 : i32
      %get3A_1364 = arith.constant 5 : i32
      %get3A_1365 = arith.constant 5 : i32
      %get3A_1366 = arith.index_cast %get3A_1364 : i32 to index
      %get3A_1367 = arith.index_cast %get3A_1365 : i32 to index
      %get3A_1368 = arith.index_cast %mul3A_1363 : i32 to index
      %get3A_1369 = tpu.vector_load %arg5[%get3A_1366, %get3A_1367, %get3A_1368] {strides = array<i32>} : memref<16x8x512xf32, #tpu.memory_space<vmem>>, vector<1x1x16xf32>,
      %get3A_1370 = vector.shape_cast %get3A_1369 : vector<1x1x16xf32> to vector<16xf32>
      %mul3A_1371 = arith.mulf %get3A_1370, %get3A_852 : vector<16xf32>
      %add3A_1372 = arith.addf %add3A_1361, %mul3A_1371 : vector<16xf32>
      %mul3A_1373 = arith.constant 16 : i32
      %mul3A_1374 = arith.muli %scan3A_795, %mul3A_1373 : i32
      %get3A_1375 = arith.constant 5 : i32
      %get3A_1376 = arith.constant 6 : i32
      %get3A_1377 = arith.index_cast %get3A_1375 : i32 to index
      %get3A_1378 = arith.index_cast %get3A_1376 : i32 to index
      %get3A_1379 = arith.index_cast %mul3A_1374 : i32 to index
      %get3A_1380 = tpu.vector_load %arg5[%get3A_1377, %get3A_1378, %get3A_1379] {strides = array<i32>} : memref<16x8x512xf32, #tpu.memory_space<vmem>>, vector<1x1x16xf32>,
      %get3A_1381 = vector.shape_cast %get3A_1380 : vector<1x1x16xf32> to vector<16xf32>
      %mul3A_1382 = arith.mulf %get3A_1381, %get3A_859 : vector<16xf32>
      %add3A_1383 = arith.addf %add3A_1372, %mul3A_1382 : vector<16xf32>
      %mul3A_1384 = arith.constant 16 : i32
      %mul3A_1385 = arith.muli %scan3A_795, %mul3A_1384 : i32
      %get3A_1386 = arith.constant 5 : i32
      %get3A_1387 = arith.constant 7 : i32
      %get3A_1388 = arith.index_cast %get3A_1386 : i32 to index
      %get3A_1389 = arith.index_cast %get3A_1387 : i32 to index
      %get3A_1390 = arith.index_cast %mul3A_1385 : i32 to index
      %get3A_1391 = tpu.vector_load %arg5[%get3A_1388, %get3A_1389, %get3A_1390] {strides = array<i32>} : memref<16x8x512xf32, #tpu.memory_space<vmem>>, vector<1x1x16xf32>,
      %get3A_1392 = vector.shape_cast %get3A_1391 : vector<1x1x16xf32> to vector<16xf32>
      %mul3A_1393 = arith.mulf %get3A_1392, %get3A_866 : vector<16xf32>
      %add3A_1394 = arith.addf %add3A_1383, %mul3A_1393 : vector<16xf32>
      %mul3A_1395 = arith.constant 16 : i32
      %mul3A_1396 = arith.muli %scan3A_795, %mul3A_1395 : i32
      %get3A_1397 = arith.constant 6 : i32
      %get3A_1398 = arith.constant 0 : i32
      %get3A_1399 = arith.index_cast %get3A_1397 : i32 to index
      %get3A_1400 = arith.index_cast %get3A_1398 : i32 to index
      %get3A_1401 = arith.index_cast %mul3A_1396 : i32 to index
      %get3A_1402 = tpu.vector_load %arg5[%get3A_1399, %get3A_1400, %get3A_1401] {strides = array<i32>} : memref<16x8x512xf32, #tpu.memory_space<vmem>>, vector<1x1x16xf32>,
      %get3A_1403 = vector.shape_cast %get3A_1402 : vector<1x1x16xf32> to vector<16xf32>
      %mul3A_1404 = arith.mulf %get3A_1403, %get3A_817 : vector<16xf32>
      %add3A_1405 = arith.addf %scan3A_802, %mul3A_1404 : vector<16xf32>
      %mul3A_1406 = arith.constant 16 : i32
      %mul3A_1407 = arith.muli %scan3A_795, %mul3A_1406 : i32
      %get3A_1408 = arith.constant 6 : i32
      %get3A_1409 = arith.constant 1 : i32
      %get3A_1410 = arith.index_cast %get3A_1408 : i32 to index
      %get3A_1411 = arith.index_cast %get3A_1409 : i32 to index
      %get3A_1412 = arith.index_cast %mul3A_1407 : i32 to index
      %get3A_1413 = tpu.vector_load %arg5[%get3A_1410, %get3A_1411, %get3A_1412] {strides = array<i32>} : memref<16x8x512xf32, #tpu.memory_space<vmem>>, vector<1x1x16xf32>,
      %get3A_1414 = vector.shape_cast %get3A_1413 : vector<1x1x16xf32> to vector<16xf32>
      %mul3A_1415 = arith.mulf %get3A_1414, %get3A_824 : vector<16xf32>
      %add3A_1416 = arith.addf %add3A_1405, %mul3A_1415 : vector<16xf32>
      %mul3A_1417 = arith.constant 16 : i32
      %mul3A_1418 = arith.muli %scan3A_795, %mul3A_1417 : i32
      %get3A_1419 = arith.constant 6 : i32
      %get3A_1420 = arith.constant 2 : i32
      %get3A_1421 = arith.index_cast %get3A_1419 : i32 to index
      %get3A_1422 = arith.index_cast %get3A_1420 : i32 to index
      %get3A_1423 = arith.index_cast %mul3A_1418 : i32 to index
      %get3A_1424 = tpu.vector_load %arg5[%get3A_1421, %get3A_1422, %get3A_1423] {strides = array<i32>} : memref<16x8x512xf32, #tpu.memory_space<vmem>>, vector<1x1x16xf32>,
      %get3A_1425 = vector.shape_cast %get3A_1424 : vector<1x1x16xf32> to vector<16xf32>
      %mul3A_1426 = arith.mulf %get3A_1425, %get3A_831 : vector<16xf32>
      %add3A_1427 = arith.addf %add3A_1416, %mul3A_1426 : vector<16xf32>
      %mul3A_1428 = arith.constant 16 : i32
      %mul3A_1429 = arith.muli %scan3A_795, %mul3A_1428 : i32
      %get3A_1430 = arith.constant 6 : i32
      %get3A_1431 = arith.constant 3 : i32
      %get3A_1432 = arith.index_cast %get3A_1430 : i32 to index
      %get3A_1433 = arith.index_cast %get3A_1431 : i32 to index
      %get3A_1434 = arith.index_cast %mul3A_1429 : i32 to index
      %get3A_1435 = tpu.vector_load %arg5[%get3A_1432, %get3A_1433, %get3A_1434] {strides = array<i32>} : memref<16x8x512xf32, #tpu.memory_space<vmem>>, vector<1x1x16xf32>,
      %get3A_1436 = vector.shape_cast %get3A_1435 : vector<1x1x16xf32> to vector<16xf32>
      %mul3A_1437 = arith.mulf %get3A_1436, %get3A_838 : vector<16xf32>
      %add3A_1438 = arith.addf %add3A_1427, %mul3A_1437 : vector<16xf32>
      %mul3A_1439 = arith.constant 16 : i32
      %mul3A_1440 = arith.muli %scan3A_795, %mul3A_1439 : i32
      %get3A_1441 = arith.constant 6 : i32
      %get3A_1442 = arith.constant 4 : i32
      %get3A_1443 = arith.index_cast %get3A_1441 : i32 to index
      %get3A_1444 = arith.index_cast %get3A_1442 : i32 to index
      %get3A_1445 = arith.index_cast %mul3A_1440 : i32 to index
      %get3A_1446 = tpu.vector_load %arg5[%get3A_1443, %get3A_1444, %get3A_1445] {strides = array<i32>} : memref<16x8x512xf32, #tpu.memory_space<vmem>>, vector<1x1x16xf32>,
      %get3A_1447 = vector.shape_cast %get3A_1446 : vector<1x1x16xf32> to vector<16xf32>
      %mul3A_1448 = arith.mulf %get3A_1447, %get3A_845 : vector<16xf32>
      %add3A_1449 = arith.addf %add3A_1438, %mul3A_1448 : vector<16xf32>
      %mul3A_1450 = arith.constant 16 : i32
      %mul3A_1451 = arith.muli %scan3A_795, %mul3A_1450 : i32
      %get3A_1452 = arith.constant 6 : i32
      %get3A_1453 = arith.constant 5 : i32
      %get3A_1454 = arith.index_cast %get3A_1452 : i32 to index
      %get3A_1455 = arith.index_cast %get3A_1453 : i32 to index
      %get3A_1456 = arith.index_cast %mul3A_1451 : i32 to index
      %get3A_1457 = tpu.vector_load %arg5[%get3A_1454, %get3A_1455, %get3A_1456] {strides = array<i32>} : memref<16x8x512xf32, #tpu.memory_space<vmem>>, vector<1x1x16xf32>,
      %get3A_1458 = vector.shape_cast %get3A_1457 : vector<1x1x16xf32> to vector<16xf32>
      %mul3A_1459 = arith.mulf %get3A_1458, %get3A_852 : vector<16xf32>
      %add3A_1460 = arith.addf %add3A_1449, %mul3A_1459 : vector<16xf32>
      %mul3A_1461 = arith.constant 16 : i32
      %mul3A_1462 = arith.muli %scan3A_795, %mul3A_1461 : i32
      %get3A_1463 = arith.constant 6 : i32
      %get3A_1464 = arith.constant 6 : i32
      %get3A_1465 = arith.index_cast %get3A_1463 : i32 to index
      %get3A_1466 = arith.index_cast %get3A_1464 : i32 to index
      %get3A_1467 = arith.index_cast %mul3A_1462 : i32 to index
      %get3A_1468 = tpu.vector_load %arg5[%get3A_1465, %get3A_1466, %get3A_1467] {strides = array<i32>} : memref<16x8x512xf32, #tpu.memory_space<vmem>>, vector<1x1x16xf32>,
      %get3A_1469 = vector.shape_cast %get3A_1468 : vector<1x1x16xf32> to vector<16xf32>
      %mul3A_1470 = arith.mulf %get3A_1469, %get3A_859 : vector<16xf32>
      %add3A_1471 = arith.addf %add3A_1460, %mul3A_1470 : vector<16xf32>
      %mul3A_1472 = arith.constant 16 : i32
      %mul3A_1473 = arith.muli %scan3A_795, %mul3A_1472 : i32
      %get3A_1474 = arith.constant 6 : i32
      %get3A_1475 = arith.constant 7 : i32
      %get3A_1476 = arith.index_cast %get3A_1474 : i32 to index
      %get3A_1477 = arith.index_cast %get3A_1475 : i32 to index
      %get3A_1478 = arith.index_cast %mul3A_1473 : i32 to index
      %get3A_1479 = tpu.vector_load %arg5[%get3A_1476, %get3A_1477, %get3A_1478] {strides = array<i32>} : memref<16x8x512xf32, #tpu.memory_space<vmem>>, vector<1x1x16xf32>,
      %get3A_1480 = vector.shape_cast %get3A_1479 : vector<1x1x16xf32> to vector<16xf32>
      %mul3A_1481 = arith.mulf %get3A_1480, %get3A_866 : vector<16xf32>
      %add3A_1482 = arith.addf %add3A_1471, %mul3A_1481 : vector<16xf32>
      %mul3A_1483 = arith.constant 16 : i32
      %mul3A_1484 = arith.muli %scan3A_795, %mul3A_1483 : i32
      %get3A_1485 = arith.constant 7 : i32
      %get3A_1486 = arith.constant 0 : i32
      %get3A_1487 = arith.index_cast %get3A_1485 : i32 to index
      %get3A_1488 = arith.index_cast %get3A_1486 : i32 to index
      %get3A_1489 = arith.index_cast %mul3A_1484 : i32 to index
      %get3A_1490 = tpu.vector_load %arg5[%get3A_1487, %get3A_1488, %get3A_1489] {strides = array<i32>} : memref<16x8x512xf32, #tpu.memory_space<vmem>>, vector<1x1x16xf32>,
      %get3A_1491 = vector.shape_cast %get3A_1490 : vector<1x1x16xf32> to vector<16xf32>
      %mul3A_1492 = arith.mulf %get3A_1491, %get3A_817 : vector<16xf32>
      %add3A_1493 = arith.addf %scan3A_803, %mul3A_1492 : vector<16xf32>
      %mul3A_1494 = arith.constant 16 : i32
      %mul3A_1495 = arith.muli %scan3A_795, %mul3A_1494 : i32
      %get3A_1496 = arith.constant 7 : i32
      %get3A_1497 = arith.constant 1 : i32
      %get3A_1498 = arith.index_cast %get3A_1496 : i32 to index
      %get3A_1499 = arith.index_cast %get3A_1497 : i32 to index
      %get3A_1500 = arith.index_cast %mul3A_1495 : i32 to index
      %get3A_1501 = tpu.vector_load %arg5[%get3A_1498, %get3A_1499, %get3A_1500] {strides = array<i32>} : memref<16x8x512xf32, #tpu.memory_space<vmem>>, vector<1x1x16xf32>,
      %get3A_1502 = vector.shape_cast %get3A_1501 : vector<1x1x16xf32> to vector<16xf32>
      %mul3A_1503 = arith.mulf %get3A_1502, %get3A_824 : vector<16xf32>
      %add3A_1504 = arith.addf %add3A_1493, %mul3A_1503 : vector<16xf32>
      %mul3A_1505 = arith.constant 16 : i32
      %mul3A_1506 = arith.muli %scan3A_795, %mul3A_1505 : i32
      %get3A_1507 = arith.constant 7 : i32
      %get3A_1508 = arith.constant 2 : i32
      %get3A_1509 = arith.index_cast %get3A_1507 : i32 to index
      %get3A_1510 = arith.index_cast %get3A_1508 : i32 to index
      %get3A_1511 = arith.index_cast %mul3A_1506 : i32 to index
      %get3A_1512 = tpu.vector_load %arg5[%get3A_1509, %get3A_1510, %get3A_1511] {strides = array<i32>} : memref<16x8x512xf32, #tpu.memory_space<vmem>>, vector<1x1x16xf32>,
      %get3A_1513 = vector.shape_cast %get3A_1512 : vector<1x1x16xf32> to vector<16xf32>
      %mul3A_1514 = arith.mulf %get3A_1513, %get3A_831 : vector<16xf32>
      %add3A_1515 = arith.addf %add3A_1504, %mul3A_1514 : vector<16xf32>
      %mul3A_1516 = arith.constant 16 : i32
      %mul3A_1517 = arith.muli %scan3A_795, %mul3A_1516 : i32
      %get3A_1518 = arith.constant 7 : i32
      %get3A_1519 = arith.constant 3 : i32
      %get3A_1520 = arith.index_cast %get3A_1518 : i32 to index
      %get3A_1521 = arith.index_cast %get3A_1519 : i32 to index
      %get3A_1522 = arith.index_cast %mul3A_1517 : i32 to index
      %get3A_1523 = tpu.vector_load %arg5[%get3A_1520, %get3A_1521, %get3A_1522] {strides = array<i32>} : memref<16x8x512xf32, #tpu.memory_space<vmem>>, vector<1x1x16xf32>,
      %get3A_1524 = vector.shape_cast %get3A_1523 : vector<1x1x16xf32> to vector<16xf32>
      %mul3A_1525 = arith.mulf %get3A_1524, %get3A_838 : vector<16xf32>
      %add3A_1526 = arith.addf %add3A_1515, %mul3A_1525 : vector<16xf32>
      %mul3A_1527 = arith.constant 16 : i32
      %mul3A_1528 = arith.muli %scan3A_795, %mul3A_1527 : i32
      %get3A_1529 = arith.constant 7 : i32
      %get3A_1530 = arith.constant 4 : i32
      %get3A_1531 = arith.index_cast %get3A_1529 : i32 to index
      %get3A_1532 = arith.index_cast %get3A_1530 : i32 to index
      %get3A_1533 = arith.index_cast %mul3A_1528 : i32 to index
      %get3A_1534 = tpu.vector_load %arg5[%get3A_1531, %get3A_1532, %get3A_1533] {strides = array<i32>} : memref<16x8x512xf32, #tpu.memory_space<vmem>>, vector<1x1x16xf32>,
      %get3A_1535 = vector.shape_cast %get3A_1534 : vector<1x1x16xf32> to vector<16xf32>
      %mul3A_1536 = arith.mulf %get3A_1535, %get3A_845 : vector<16xf32>
      %add3A_1537 = arith.addf %add3A_1526, %mul3A_1536 : vector<16xf32>
      %mul3A_1538 = arith.constant 16 : i32
      %mul3A_1539 = arith.muli %scan3A_795, %mul3A_1538 : i32
      %get3A_1540 = arith.constant 7 : i32
      %get3A_1541 = arith.constant 5 : i32
      %get3A_1542 = arith.index_cast %get3A_1540 : i32 to index
      %get3A_1543 = arith.index_cast %get3A_1541 : i32 to index
      %get3A_1544 = arith.index_cast %mul3A_1539 : i32 to index
      %get3A_1545 = tpu.vector_load %arg5[%get3A_1542, %get3A_1543, %get3A_1544] {strides = array<i32>} : memref<16x8x512xf32, #tpu.memory_space<vmem>>, vector<1x1x16xf32>,
      %get3A_1546 = vector.shape_cast %get3A_1545 : vector<1x1x16xf32> to vector<16xf32>
      %mul3A_1547 = arith.mulf %get3A_1546, %get3A_852 : vector<16xf32>
      %add3A_1548 = arith.addf %add3A_1537, %mul3A_1547 : vector<16xf32>
      %mul3A_1549 = arith.constant 16 : i32
      %mul3A_1550 = arith.muli %scan3A_795, %mul3A_1549 : i32
      %get3A_1551 = arith.constant 7 : i32
      %get3A_1552 = arith.constant 6 : i32
      %get3A_1553 = arith.index_cast %get3A_1551 : i32 to index
      %get3A_1554 = arith.index_cast %get3A_1552 : i32 to index
      %get3A_1555 = arith.index_cast %mul3A_1550 : i32 to index
      %get3A_1556 = tpu.vector_load %arg5[%get3A_1553, %get3A_1554, %get3A_1555] {strides = array<i32>} : memref<16x8x512xf32, #tpu.memory_space<vmem>>, vector<1x1x16xf32>,
      %get3A_1557 = vector.shape_cast %get3A_1556 : vector<1x1x16xf32> to vector<16xf32>
      %mul3A_1558 = arith.mulf %get3A_1557, %get3A_859 : vector<16xf32>
      %add3A_1559 = arith.addf %add3A_1548, %mul3A_1558 : vector<16xf32>
      %mul3A_1560 = arith.constant 16 : i32
      %mul3A_1561 = arith.muli %scan3A_795, %mul3A_1560 : i32
      %get3A_1562 = arith.constant 7 : i32
      %get3A_1563 = arith.constant 7 : i32
      %get3A_1564 = arith.index_cast %get3A_1562 : i32 to index
      %get3A_1565 = arith.index_cast %get3A_1563 : i32 to index
      %get3A_1566 = arith.index_cast %mul3A_1561 : i32 to index
      %get3A_1567 = tpu.vector_load %arg5[%get3A_1564, %get3A_1565, %get3A_1566] {strides = array<i32>} : memref<16x8x512xf32, #tpu.memory_space<vmem>>, vector<1x1x16xf32>,
      %get3A_1568 = vector.shape_cast %get3A_1567 : vector<1x1x16xf32> to vector<16xf32>
      %mul3A_1569 = arith.mulf %get3A_1568, %get3A_866 : vector<16xf32>
      %add3A_1570 = arith.addf %add3A_1559, %mul3A_1569 : vector<16xf32>
      %mul3A_1571 = arith.constant 16 : i32
      %mul3A_1572 = arith.muli %scan3A_795, %mul3A_1571 : i32
      %get3A_1573 = arith.constant 8 : i32
      %get3A_1574 = arith.constant 0 : i32
      %get3A_1575 = arith.index_cast %get3A_1573 : i32 to index
      %get3A_1576 = arith.index_cast %get3A_1574 : i32 to index
      %get3A_1577 = arith.index_cast %mul3A_1572 : i32 to index
      %get3A_1578 = tpu.vector_load %arg5[%get3A_1575, %get3A_1576, %get3A_1577] {strides = array<i32>} : memref<16x8x512xf32, #tpu.memory_space<vmem>>, vector<1x1x16xf32>,
      %get3A_1579 = vector.shape_cast %get3A_1578 : vector<1x1x16xf32> to vector<16xf32>
      %mul3A_1580 = arith.mulf %get3A_1579, %get3A_817 : vector<16xf32>
      %add3A_1581 = arith.addf %scan3A_804, %mul3A_1580 : vector<16xf32>
      %mul3A_1582 = arith.constant 16 : i32
      %mul3A_1583 = arith.muli %scan3A_795, %mul3A_1582 : i32
      %get3A_1584 = arith.constant 8 : i32
      %get3A_1585 = arith.constant 1 : i32
      %get3A_1586 = arith.index_cast %get3A_1584 : i32 to index
      %get3A_1587 = arith.index_cast %get3A_1585 : i32 to index
      %get3A_1588 = arith.index_cast %mul3A_1583 : i32 to index
      %get3A_1589 = tpu.vector_load %arg5[%get3A_1586, %get3A_1587, %get3A_1588] {strides = array<i32>} : memref<16x8x512xf32, #tpu.memory_space<vmem>>, vector<1x1x16xf32>,
      %get3A_1590 = vector.shape_cast %get3A_1589 : vector<1x1x16xf32> to vector<16xf32>
      %mul3A_1591 = arith.mulf %get3A_1590, %get3A_824 : vector<16xf32>
      %add3A_1592 = arith.addf %add3A_1581, %mul3A_1591 : vector<16xf32>
      %mul3A_1593 = arith.constant 16 : i32
      %mul3A_1594 = arith.muli %scan3A_795, %mul3A_1593 : i32
      %get3A_1595 = arith.constant 8 : i32
      %get3A_1596 = arith.constant 2 : i32
      %get3A_1597 = arith.index_cast %get3A_1595 : i32 to index
      %get3A_1598 = arith.index_cast %get3A_1596 : i32 to index
      %get3A_1599 = arith.index_cast %mul3A_1594 : i32 to index
      %get3A_1600 = tpu.vector_load %arg5[%get3A_1597, %get3A_1598, %get3A_1599] {strides = array<i32>} : memref<16x8x512xf32, #tpu.memory_space<vmem>>, vector<1x1x16xf32>,
      %get3A_1601 = vector.shape_cast %get3A_1600 : vector<1x1x16xf32> to vector<16xf32>
      %mul3A_1602 = arith.mulf %get3A_1601, %get3A_831 : vector<16xf32>
      %add3A_1603 = arith.addf %add3A_1592, %mul3A_1602 : vector<16xf32>
      %mul3A_1604 = arith.constant 16 : i32
      %mul3A_1605 = arith.muli %scan3A_795, %mul3A_1604 : i32
      %get3A_1606 = arith.constant 8 : i32
      %get3A_1607 = arith.constant 3 : i32
      %get3A_1608 = arith.index_cast %get3A_1606 : i32 to index
      %get3A_1609 = arith.index_cast %get3A_1607 : i32 to index
      %get3A_1610 = arith.index_cast %mul3A_1605 : i32 to index
      %get3A_1611 = tpu.vector_load %arg5[%get3A_1608, %get3A_1609, %get3A_1610] {strides = array<i32>} : memref<16x8x512xf32, #tpu.memory_space<vmem>>, vector<1x1x16xf32>,
      %get3A_1612 = vector.shape_cast %get3A_1611 : vector<1x1x16xf32> to vector<16xf32>
      %mul3A_1613 = arith.mulf %get3A_1612, %get3A_838 : vector<16xf32>
      %add3A_1614 = arith.addf %add3A_1603, %mul3A_1613 : vector<16xf32>
      %mul3A_1615 = arith.constant 16 : i32
      %mul3A_1616 = arith.muli %scan3A_795, %mul3A_1615 : i32
      %get3A_1617 = arith.constant 8 : i32
      %get3A_1618 = arith.constant 4 : i32
      %get3A_1619 = arith.index_cast %get3A_1617 : i32 to index
      %get3A_1620 = arith.index_cast %get3A_1618 : i32 to index
      %get3A_1621 = arith.index_cast %mul3A_1616 : i32 to index
      %get3A_1622 = tpu.vector_load %arg5[%get3A_1619, %get3A_1620, %get3A_1621] {strides = array<i32>} : memref<16x8x512xf32, #tpu.memory_space<vmem>>, vector<1x1x16xf32>,
      %get3A_1623 = vector.shape_cast %get3A_1622 : vector<1x1x16xf32> to vector<16xf32>
      %mul3A_1624 = arith.mulf %get3A_1623, %get3A_845 : vector<16xf32>
      %add3A_1625 = arith.addf %add3A_1614, %mul3A_1624 : vector<16xf32>
      %mul3A_1626 = arith.constant 16 : i32
      %mul3A_1627 = arith.muli %scan3A_795, %mul3A_1626 : i32
      %get3A_1628 = arith.constant 8 : i32
      %get3A_1629 = arith.constant 5 : i32
      %get3A_1630 = arith.index_cast %get3A_1628 : i32 to index
      %get3A_1631 = arith.index_cast %get3A_1629 : i32 to index
      %get3A_1632 = arith.index_cast %mul3A_1627 : i32 to index
      %get3A_1633 = tpu.vector_load %arg5[%get3A_1630, %get3A_1631, %get3A_1632] {strides = array<i32>} : memref<16x8x512xf32, #tpu.memory_space<vmem>>, vector<1x1x16xf32>,
      %get3A_1634 = vector.shape_cast %get3A_1633 : vector<1x1x16xf32> to vector<16xf32>
      %mul3A_1635 = arith.mulf %get3A_1634, %get3A_852 : vector<16xf32>
      %add3A_1636 = arith.addf %add3A_1625, %mul3A_1635 : vector<16xf32>
      %mul3A_1637 = arith.constant 16 : i32
      %mul3A_1638 = arith.muli %scan3A_795, %mul3A_1637 : i32
      %get3A_1639 = arith.constant 8 : i32
      %get3A_1640 = arith.constant 6 : i32
      %get3A_1641 = arith.index_cast %get3A_1639 : i32 to index
      %get3A_1642 = arith.index_cast %get3A_1640 : i32 to index
      %get3A_1643 = arith.index_cast %mul3A_1638 : i32 to index
      %get3A_1644 = tpu.vector_load %arg5[%get3A_1641, %get3A_1642, %get3A_1643] {strides = array<i32>} : memref<16x8x512xf32, #tpu.memory_space<vmem>>, vector<1x1x16xf32>,
      %get3A_1645 = vector.shape_cast %get3A_1644 : vector<1x1x16xf32> to vector<16xf32>
      %mul3A_1646 = arith.mulf %get3A_1645, %get3A_859 : vector<16xf32>
      %add3A_1647 = arith.addf %add3A_1636, %mul3A_1646 : vector<16xf32>
      %mul3A_1648 = arith.constant 16 : i32
      %mul3A_1649 = arith.muli %scan3A_795, %mul3A_1648 : i32
      %get3A_1650 = arith.constant 8 : i32
      %get3A_1651 = arith.constant 7 : i32
      %get3A_1652 = arith.index_cast %get3A_1650 : i32 to index
      %get3A_1653 = arith.index_cast %get3A_1651 : i32 to index
      %get3A_1654 = arith.index_cast %mul3A_1649 : i32 to index
      %get3A_1655 = tpu.vector_load %arg5[%get3A_1652, %get3A_1653, %get3A_1654] {strides = array<i32>} : memref<16x8x512xf32, #tpu.memory_space<vmem>>, vector<1x1x16xf32>,
      %get3A_1656 = vector.shape_cast %get3A_1655 : vector<1x1x16xf32> to vector<16xf32>
      %mul3A_1657 = arith.mulf %get3A_1656, %get3A_866 : vector<16xf32>
      %add3A_1658 = arith.addf %add3A_1647, %mul3A_1657 : vector<16xf32>
      %mul3A_1659 = arith.constant 16 : i32
      %mul3A_1660 = arith.muli %scan3A_795, %mul3A_1659 : i32
      %get3A_1661 = arith.constant 9 : i32
      %get3A_1662 = arith.constant 0 : i32
      %get3A_1663 = arith.index_cast %get3A_1661 : i32 to index
      %get3A_1664 = arith.index_cast %get3A_1662 : i32 to index
      %get3A_1665 = arith.index_cast %mul3A_1660 : i32 to index
      %get3A_1666 = tpu.vector_load %arg5[%get3A_1663, %get3A_1664, %get3A_1665] {strides = array<i32>} : memref<16x8x512xf32, #tpu.memory_space<vmem>>, vector<1x1x16xf32>,
      %get3A_1667 = vector.shape_cast %get3A_1666 : vector<1x1x16xf32> to vector<16xf32>
      %mul3A_1668 = arith.mulf %get3A_1667, %get3A_817 : vector<16xf32>
      %add3A_1669 = arith.addf %scan3A_805, %mul3A_1668 : vector<16xf32>
      %mul3A_1670 = arith.constant 16 : i32
      %mul3A_1671 = arith.muli %scan3A_795, %mul3A_1670 : i32
      %get3A_1672 = arith.constant 9 : i32
      %get3A_1673 = arith.constant 1 : i32
      %get3A_1674 = arith.index_cast %get3A_1672 : i32 to index
      %get3A_1675 = arith.index_cast %get3A_1673 : i32 to index
      %get3A_1676 = arith.index_cast %mul3A_1671 : i32 to index
      %get3A_1677 = tpu.vector_load %arg5[%get3A_1674, %get3A_1675, %get3A_1676] {strides = array<i32>} : memref<16x8x512xf32, #tpu.memory_space<vmem>>, vector<1x1x16xf32>,
      %get3A_1678 = vector.shape_cast %get3A_1677 : vector<1x1x16xf32> to vector<16xf32>
      %mul3A_1679 = arith.mulf %get3A_1678, %get3A_824 : vector<16xf32>
      %add3A_1680 = arith.addf %add3A_1669, %mul3A_1679 : vector<16xf32>
      %mul3A_1681 = arith.constant 16 : i32
      %mul3A_1682 = arith.muli %scan3A_795, %mul3A_1681 : i32
      %get3A_1683 = arith.constant 9 : i32
      %get3A_1684 = arith.constant 2 : i32
      %get3A_1685 = arith.index_cast %get3A_1683 : i32 to index
      %get3A_1686 = arith.index_cast %get3A_1684 : i32 to index
      %get3A_1687 = arith.index_cast %mul3A_1682 : i32 to index
      %get3A_1688 = tpu.vector_load %arg5[%get3A_1685, %get3A_1686, %get3A_1687] {strides = array<i32>} : memref<16x8x512xf32, #tpu.memory_space<vmem>>, vector<1x1x16xf32>,
      %get3A_1689 = vector.shape_cast %get3A_1688 : vector<1x1x16xf32> to vector<16xf32>
      %mul3A_1690 = arith.mulf %get3A_1689, %get3A_831 : vector<16xf32>
      %add3A_1691 = arith.addf %add3A_1680, %mul3A_1690 : vector<16xf32>
      %mul3A_1692 = arith.constant 16 : i32
      %mul3A_1693 = arith.muli %scan3A_795, %mul3A_1692 : i32
      %get3A_1694 = arith.constant 9 : i32
      %get3A_1695 = arith.constant 3 : i32
      %get3A_1696 = arith.index_cast %get3A_1694 : i32 to index
      %get3A_1697 = arith.index_cast %get3A_1695 : i32 to index
      %get3A_1698 = arith.index_cast %mul3A_1693 : i32 to index
      %get3A_1699 = tpu.vector_load %arg5[%get3A_1696, %get3A_1697, %get3A_1698] {strides = array<i32>} : memref<16x8x512xf32, #tpu.memory_space<vmem>>, vector<1x1x16xf32>,
      %get3A_1700 = vector.shape_cast %get3A_1699 : vector<1x1x16xf32> to vector<16xf32>
      %mul3A_1701 = arith.mulf %get3A_1700, %get3A_838 : vector<16xf32>
      %add3A_1702 = arith.addf %add3A_1691, %mul3A_1701 : vector<16xf32>
      %mul3A_1703 = arith.constant 16 : i32
      %mul3A_1704 = arith.muli %scan3A_795, %mul3A_1703 : i32
      %get3A_1705 = arith.constant 9 : i32
      %get3A_1706 = arith.constant 4 : i32
      %get3A_1707 = arith.index_cast %get3A_1705 : i32 to index
      %get3A_1708 = arith.index_cast %get3A_1706 : i32 to index
      %get3A_1709 = arith.index_cast %mul3A_1704 : i32 to index
      %get3A_1710 = tpu.vector_load %arg5[%get3A_1707, %get3A_1708, %get3A_1709] {strides = array<i32>} : memref<16x8x512xf32, #tpu.memory_space<vmem>>, vector<1x1x16xf32>,
      %get3A_1711 = vector.shape_cast %get3A_1710 : vector<1x1x16xf32> to vector<16xf32>
      %mul3A_1712 = arith.mulf %get3A_1711, %get3A_845 : vector<16xf32>
      %add3A_1713 = arith.addf %add3A_1702, %mul3A_1712 : vector<16xf32>
      %mul3A_1714 = arith.constant 16 : i32
      %mul3A_1715 = arith.muli %scan3A_795, %mul3A_1714 : i32
      %get3A_1716 = arith.constant 9 : i32
      %get3A_1717 = arith.constant 5 : i32
      %get3A_1718 = arith.index_cast %get3A_1716 : i32 to index
      %get3A_1719 = arith.index_cast %get3A_1717 : i32 to index
      %get3A_1720 = arith.index_cast %mul3A_1715 : i32 to index
      %get3A_1721 = tpu.vector_load %arg5[%get3A_1718, %get3A_1719, %get3A_1720] {strides = array<i32>} : memref<16x8x512xf32, #tpu.memory_space<vmem>>, vector<1x1x16xf32>,
      %get3A_1722 = vector.shape_cast %get3A_1721 : vector<1x1x16xf32> to vector<16xf32>
      %mul3A_1723 = arith.mulf %get3A_1722, %get3A_852 : vector<16xf32>
      %add3A_1724 = arith.addf %add3A_1713, %mul3A_1723 : vector<16xf32>
      %mul3A_1725 = arith.constant 16 : i32
      %mul3A_1726 = arith.muli %scan3A_795, %mul3A_1725 : i32
      %get3A_1727 = arith.constant 9 : i32
      %get3A_1728 = arith.constant 6 : i32
      %get3A_1729 = arith.index_cast %get3A_1727 : i32 to index
      %get3A_1730 = arith.index_cast %get3A_1728 : i32 to index
      %get3A_1731 = arith.index_cast %mul3A_1726 : i32 to index
      %get3A_1732 = tpu.vector_load %arg5[%get3A_1729, %get3A_1730, %get3A_1731] {strides = array<i32>} : memref<16x8x512xf32, #tpu.memory_space<vmem>>, vector<1x1x16xf32>,
      %get3A_1733 = vector.shape_cast %get3A_1732 : vector<1x1x16xf32> to vector<16xf32>
      %mul3A_1734 = arith.mulf %get3A_1733, %get3A_859 : vector<16xf32>
      %add3A_1735 = arith.addf %add3A_1724, %mul3A_1734 : vector<16xf32>
      %mul3A_1736 = arith.constant 16 : i32
      %mul3A_1737 = arith.muli %scan3A_795, %mul3A_1736 : i32
      %get3A_1738 = arith.constant 9 : i32
      %get3A_1739 = arith.constant 7 : i32
      %get3A_1740 = arith.index_cast %get3A_1738 : i32 to index
      %get3A_1741 = arith.index_cast %get3A_1739 : i32 to index
      %get3A_1742 = arith.index_cast %mul3A_1737 : i32 to index
      %get3A_1743 = tpu.vector_load %arg5[%get3A_1740, %get3A_1741, %get3A_1742] {strides = array<i32>} : memref<16x8x512xf32, #tpu.memory_space<vmem>>, vector<1x1x16xf32>,
      %get3A_1744 = vector.shape_cast %get3A_1743 : vector<1x1x16xf32> to vector<16xf32>
      %mul3A_1745 = arith.mulf %get3A_1744, %get3A_866 : vector<16xf32>
      %add3A_1746 = arith.addf %add3A_1735, %mul3A_1745 : vector<16xf32>
      %mul3A_1747 = arith.constant 16 : i32
      %mul3A_1748 = arith.muli %scan3A_795, %mul3A_1747 : i32
      %get3A_1749 = arith.constant 10 : i32
      %get3A_1750 = arith.constant 0 : i32
      %get3A_1751 = arith.index_cast %get3A_1749 : i32 to index
      %get3A_1752 = arith.index_cast %get3A_1750 : i32 to index
      %get3A_1753 = arith.index_cast %mul3A_1748 : i32 to index
      %get3A_1754 = tpu.vector_load %arg5[%get3A_1751, %get3A_1752, %get3A_1753] {strides = array<i32>} : memref<16x8x512xf32, #tpu.memory_space<vmem>>, vector<1x1x16xf32>,
      %get3A_1755 = vector.shape_cast %get3A_1754 : vector<1x1x16xf32> to vector<16xf32>
      %mul3A_1756 = arith.mulf %get3A_1755, %get3A_817 : vector<16xf32>
      %add3A_1757 = arith.addf %scan3A_806, %mul3A_1756 : vector<16xf32>
      %mul3A_1758 = arith.constant 16 : i32
      %mul3A_1759 = arith.muli %scan3A_795, %mul3A_1758 : i32
      %get3A_1760 = arith.constant 10 : i32
      %get3A_1761 = arith.constant 1 : i32
      %get3A_1762 = arith.index_cast %get3A_1760 : i32 to index
      %get3A_1763 = arith.index_cast %get3A_1761 : i32 to index
      %get3A_1764 = arith.index_cast %mul3A_1759 : i32 to index
      %get3A_1765 = tpu.vector_load %arg5[%get3A_1762, %get3A_1763, %get3A_1764] {strides = array<i32>} : memref<16x8x512xf32, #tpu.memory_space<vmem>>, vector<1x1x16xf32>,
      %get3A_1766 = vector.shape_cast %get3A_1765 : vector<1x1x16xf32> to vector<16xf32>
      %mul3A_1767 = arith.mulf %get3A_1766, %get3A_824 : vector<16xf32>
      %add3A_1768 = arith.addf %add3A_1757, %mul3A_1767 : vector<16xf32>
      %mul3A_1769 = arith.constant 16 : i32
      %mul3A_1770 = arith.muli %scan3A_795, %mul3A_1769 : i32
      %get3A_1771 = arith.constant 10 : i32
      %get3A_1772 = arith.constant 2 : i32
      %get3A_1773 = arith.index_cast %get3A_1771 : i32 to index
      %get3A_1774 = arith.index_cast %get3A_1772 : i32 to index
      %get3A_1775 = arith.index_cast %mul3A_1770 : i32 to index
      %get3A_1776 = tpu.vector_load %arg5[%get3A_1773, %get3A_1774, %get3A_1775] {strides = array<i32>} : memref<16x8x512xf32, #tpu.memory_space<vmem>>, vector<1x1x16xf32>,
      %get3A_1777 = vector.shape_cast %get3A_1776 : vector<1x1x16xf32> to vector<16xf32>
      %mul3A_1778 = arith.mulf %get3A_1777, %get3A_831 : vector<16xf32>
      %add3A_1779 = arith.addf %add3A_1768, %mul3A_1778 : vector<16xf32>
      %mul3A_1780 = arith.constant 16 : i32
      %mul3A_1781 = arith.muli %scan3A_795, %mul3A_1780 : i32
      %get3A_1782 = arith.constant 10 : i32
      %get3A_1783 = arith.constant 3 : i32
      %get3A_1784 = arith.index_cast %get3A_1782 : i32 to index
      %get3A_1785 = arith.index_cast %get3A_1783 : i32 to index
      %get3A_1786 = arith.index_cast %mul3A_1781 : i32 to index
      %get3A_1787 = tpu.vector_load %arg5[%get3A_1784, %get3A_1785, %get3A_1786] {strides = array<i32>} : memref<16x8x512xf32, #tpu.memory_space<vmem>>, vector<1x1x16xf32>,
      %get3A_1788 = vector.shape_cast %get3A_1787 : vector<1x1x16xf32> to vector<16xf32>
      %mul3A_1789 = arith.mulf %get3A_1788, %get3A_838 : vector<16xf32>
      %add3A_1790 = arith.addf %add3A_1779, %mul3A_1789 : vector<16xf32>
      %mul3A_1791 = arith.constant 16 : i32
      %mul3A_1792 = arith.muli %scan3A_795, %mul3A_1791 : i32
      %get3A_1793 = arith.constant 10 : i32
      %get3A_1794 = arith.constant 4 : i32
      %get3A_1795 = arith.index_cast %get3A_1793 : i32 to index
      %get3A_1796 = arith.index_cast %get3A_1794 : i32 to index
      %get3A_1797 = arith.index_cast %mul3A_1792 : i32 to index
      %get3A_1798 = tpu.vector_load %arg5[%get3A_1795, %get3A_1796, %get3A_1797] {strides = array<i32>} : memref<16x8x512xf32, #tpu.memory_space<vmem>>, vector<1x1x16xf32>,
      %get3A_1799 = vector.shape_cast %get3A_1798 : vector<1x1x16xf32> to vector<16xf32>
      %mul3A_1800 = arith.mulf %get3A_1799, %get3A_845 : vector<16xf32>
      %add3A_1801 = arith.addf %add3A_1790, %mul3A_1800 : vector<16xf32>
      %mul3A_1802 = arith.constant 16 : i32
      %mul3A_1803 = arith.muli %scan3A_795, %mul3A_1802 : i32
      %get3A_1804 = arith.constant 10 : i32
      %get3A_1805 = arith.constant 5 : i32
      %get3A_1806 = arith.index_cast %get3A_1804 : i32 to index
      %get3A_1807 = arith.index_cast %get3A_1805 : i32 to index
      %get3A_1808 = arith.index_cast %mul3A_1803 : i32 to index
      %get3A_1809 = tpu.vector_load %arg5[%get3A_1806, %get3A_1807, %get3A_1808] {strides = array<i32>} : memref<16x8x512xf32, #tpu.memory_space<vmem>>, vector<1x1x16xf32>,
      %get3A_1810 = vector.shape_cast %get3A_1809 : vector<1x1x16xf32> to vector<16xf32>
      %mul3A_1811 = arith.mulf %get3A_1810, %get3A_852 : vector<16xf32>
      %add3A_1812 = arith.addf %add3A_1801, %mul3A_1811 : vector<16xf32>
      %mul3A_1813 = arith.constant 16 : i32
      %mul3A_1814 = arith.muli %scan3A_795, %mul3A_1813 : i32
      %get3A_1815 = arith.constant 10 : i32
      %get3A_1816 = arith.constant 6 : i32
      %get3A_1817 = arith.index_cast %get3A_1815 : i32 to index
      %get3A_1818 = arith.index_cast %get3A_1816 : i32 to index
      %get3A_1819 = arith.index_cast %mul3A_1814 : i32 to index
      %get3A_1820 = tpu.vector_load %arg5[%get3A_1817, %get3A_1818, %get3A_1819] {strides = array<i32>} : memref<16x8x512xf32, #tpu.memory_space<vmem>>, vector<1x1x16xf32>,
      %get3A_1821 = vector.shape_cast %get3A_1820 : vector<1x1x16xf32> to vector<16xf32>
      %mul3A_1822 = arith.mulf %get3A_1821, %get3A_859 : vector<16xf32>
      %add3A_1823 = arith.addf %add3A_1812, %mul3A_1822 : vector<16xf32>
      %mul3A_1824 = arith.constant 16 : i32
      %mul3A_1825 = arith.muli %scan3A_795, %mul3A_1824 : i32
      %get3A_1826 = arith.constant 10 : i32
      %get3A_1827 = arith.constant 7 : i32
      %get3A_1828 = arith.index_cast %get3A_1826 : i32 to index
      %get3A_1829 = arith.index_cast %get3A_1827 : i32 to index
      %get3A_1830 = arith.index_cast %mul3A_1825 : i32 to index
      %get3A_1831 = tpu.vector_load %arg5[%get3A_1828, %get3A_1829, %get3A_1830] {strides = array<i32>} : memref<16x8x512xf32, #tpu.memory_space<vmem>>, vector<1x1x16xf32>,
      %get3A_1832 = vector.shape_cast %get3A_1831 : vector<1x1x16xf32> to vector<16xf32>
      %mul3A_1833 = arith.mulf %get3A_1832, %get3A_866 : vector<16xf32>
      %add3A_1834 = arith.addf %add3A_1823, %mul3A_1833 : vector<16xf32>
      %mul3A_1835 = arith.constant 16 : i32
      %mul3A_1836 = arith.muli %scan3A_795, %mul3A_1835 : i32
      %get3A_1837 = arith.constant 11 : i32
      %get3A_1838 = arith.constant 0 : i32
      %get3A_1839 = arith.index_cast %get3A_1837 : i32 to index
      %get3A_1840 = arith.index_cast %get3A_1838 : i32 to index
      %get3A_1841 = arith.index_cast %mul3A_1836 : i32 to index
      %get3A_1842 = tpu.vector_load %arg5[%get3A_1839, %get3A_1840, %get3A_1841] {strides = array<i32>} : memref<16x8x512xf32, #tpu.memory_space<vmem>>, vector<1x1x16xf32>,
      %get3A_1843 = vector.shape_cast %get3A_1842 : vector<1x1x16xf32> to vector<16xf32>
      %mul3A_1844 = arith.mulf %get3A_1843, %get3A_817 : vector<16xf32>
      %add3A_1845 = arith.addf %scan3A_807, %mul3A_1844 : vector<16xf32>
      %mul3A_1846 = arith.constant 16 : i32
      %mul3A_1847 = arith.muli %scan3A_795, %mul3A_1846 : i32
      %get3A_1848 = arith.constant 11 : i32
      %get3A_1849 = arith.constant 1 : i32
      %get3A_1850 = arith.index_cast %get3A_1848 : i32 to index
      %get3A_1851 = arith.index_cast %get3A_1849 : i32 to index
      %get3A_1852 = arith.index_cast %mul3A_1847 : i32 to index
      %get3A_1853 = tpu.vector_load %arg5[%get3A_1850, %get3A_1851, %get3A_1852] {strides = array<i32>} : memref<16x8x512xf32, #tpu.memory_space<vmem>>, vector<1x1x16xf32>,
      %get3A_1854 = vector.shape_cast %get3A_1853 : vector<1x1x16xf32> to vector<16xf32>
      %mul3A_1855 = arith.mulf %get3A_1854, %get3A_824 : vector<16xf32>
      %add3A_1856 = arith.addf %add3A_1845, %mul3A_1855 : vector<16xf32>
      %mul3A_1857 = arith.constant 16 : i32
      %mul3A_1858 = arith.muli %scan3A_795, %mul3A_1857 : i32
      %get3A_1859 = arith.constant 11 : i32
      %get3A_1860 = arith.constant 2 : i32
      %get3A_1861 = arith.index_cast %get3A_1859 : i32 to index
      %get3A_1862 = arith.index_cast %get3A_1860 : i32 to index
      %get3A_1863 = arith.index_cast %mul3A_1858 : i32 to index
      %get3A_1864 = tpu.vector_load %arg5[%get3A_1861, %get3A_1862, %get3A_1863] {strides = array<i32>} : memref<16x8x512xf32, #tpu.memory_space<vmem>>, vector<1x1x16xf32>,
      %get3A_1865 = vector.shape_cast %get3A_1864 : vector<1x1x16xf32> to vector<16xf32>
      %mul3A_1866 = arith.mulf %get3A_1865, %get3A_831 : vector<16xf32>
      %add3A_1867 = arith.addf %add3A_1856, %mul3A_1866 : vector<16xf32>
      %mul3A_1868 = arith.constant 16 : i32
      %mul3A_1869 = arith.muli %scan3A_795, %mul3A_1868 : i32
      %get3A_1870 = arith.constant 11 : i32
      %get3A_1871 = arith.constant 3 : i32
      %get3A_1872 = arith.index_cast %get3A_1870 : i32 to index
      %get3A_1873 = arith.index_cast %get3A_1871 : i32 to index
      %get3A_1874 = arith.index_cast %mul3A_1869 : i32 to index
      %get3A_1875 = tpu.vector_load %arg5[%get3A_1872, %get3A_1873, %get3A_1874] {strides = array<i32>} : memref<16x8x512xf32, #tpu.memory_space<vmem>>, vector<1x1x16xf32>,
      %get3A_1876 = vector.shape_cast %get3A_1875 : vector<1x1x16xf32> to vector<16xf32>
      %mul3A_1877 = arith.mulf %get3A_1876, %get3A_838 : vector<16xf32>
      %add3A_1878 = arith.addf %add3A_1867, %mul3A_1877 : vector<16xf32>
      %mul3A_1879 = arith.constant 16 : i32
      %mul3A_1880 = arith.muli %scan3A_795, %mul3A_1879 : i32
      %get3A_1881 = arith.constant 11 : i32
      %get3A_1882 = arith.constant 4 : i32
      %get3A_1883 = arith.index_cast %get3A_1881 : i32 to index
      %get3A_1884 = arith.index_cast %get3A_1882 : i32 to index
      %get3A_1885 = arith.index_cast %mul3A_1880 : i32 to index
      %get3A_1886 = tpu.vector_load %arg5[%get3A_1883, %get3A_1884, %get3A_1885] {strides = array<i32>} : memref<16x8x512xf32, #tpu.memory_space<vmem>>, vector<1x1x16xf32>,
      %get3A_1887 = vector.shape_cast %get3A_1886 : vector<1x1x16xf32> to vector<16xf32>
      %mul3A_1888 = arith.mulf %get3A_1887, %get3A_845 : vector<16xf32>
      %add3A_1889 = arith.addf %add3A_1878, %mul3A_1888 : vector<16xf32>
      %mul3A_1890 = arith.constant 16 : i32
      %mul3A_1891 = arith.muli %scan3A_795, %mul3A_1890 : i32
      %get3A_1892 = arith.constant 11 : i32
      %get3A_1893 = arith.constant 5 : i32
      %get3A_1894 = arith.index_cast %get3A_1892 : i32 to index
      %get3A_1895 = arith.index_cast %get3A_1893 : i32 to index
      %get3A_1896 = arith.index_cast %mul3A_1891 : i32 to index
      %get3A_1897 = tpu.vector_load %arg5[%get3A_1894, %get3A_1895, %get3A_1896] {strides = array<i32>} : memref<16x8x512xf32, #tpu.memory_space<vmem>>, vector<1x1x16xf32>,
      %get3A_1898 = vector.shape_cast %get3A_1897 : vector<1x1x16xf32> to vector<16xf32>
      %mul3A_1899 = arith.mulf %get3A_1898, %get3A_852 : vector<16xf32>
      %add3A_1900 = arith.addf %add3A_1889, %mul3A_1899 : vector<16xf32>
      %mul3A_1901 = arith.constant 16 : i32
      %mul3A_1902 = arith.muli %scan3A_795, %mul3A_1901 : i32
      %get3A_1903 = arith.constant 11 : i32
      %get3A_1904 = arith.constant 6 : i32
      %get3A_1905 = arith.index_cast %get3A_1903 : i32 to index
      %get3A_1906 = arith.index_cast %get3A_1904 : i32 to index
      %get3A_1907 = arith.index_cast %mul3A_1902 : i32 to index
      %get3A_1908 = tpu.vector_load %arg5[%get3A_1905, %get3A_1906, %get3A_1907] {strides = array<i32>} : memref<16x8x512xf32, #tpu.memory_space<vmem>>, vector<1x1x16xf32>,
      %get3A_1909 = vector.shape_cast %get3A_1908 : vector<1x1x16xf32> to vector<16xf32>
      %mul3A_1910 = arith.mulf %get3A_1909, %get3A_859 : vector<16xf32>
      %add3A_1911 = arith.addf %add3A_1900, %mul3A_1910 : vector<16xf32>
      %mul3A_1912 = arith.constant 16 : i32
      %mul3A_1913 = arith.muli %scan3A_795, %mul3A_1912 : i32
      %get3A_1914 = arith.constant 11 : i32
      %get3A_1915 = arith.constant 7 : i32
      %get3A_1916 = arith.index_cast %get3A_1914 : i32 to index
      %get3A_1917 = arith.index_cast %get3A_1915 : i32 to index
      %get3A_1918 = arith.index_cast %mul3A_1913 : i32 to index
      %get3A_1919 = tpu.vector_load %arg5[%get3A_1916, %get3A_1917, %get3A_1918] {strides = array<i32>} : memref<16x8x512xf32, #tpu.memory_space<vmem>>, vector<1x1x16xf32>,
      %get3A_1920 = vector.shape_cast %get3A_1919 : vector<1x1x16xf32> to vector<16xf32>
      %mul3A_1921 = arith.mulf %get3A_1920, %get3A_866 : vector<16xf32>
      %add3A_1922 = arith.addf %add3A_1911, %mul3A_1921 : vector<16xf32>
      %mul3A_1923 = arith.constant 16 : i32
      %mul3A_1924 = arith.muli %scan3A_795, %mul3A_1923 : i32
      %get3A_1925 = arith.constant 12 : i32
      %get3A_1926 = arith.constant 0 : i32
      %get3A_1927 = arith.index_cast %get3A_1925 : i32 to index
      %get3A_1928 = arith.index_cast %get3A_1926 : i32 to index
      %get3A_1929 = arith.index_cast %mul3A_1924 : i32 to index
      %get3A_1930 = tpu.vector_load %arg5[%get3A_1927, %get3A_1928, %get3A_1929] {strides = array<i32>} : memref<16x8x512xf32, #tpu.memory_space<vmem>>, vector<1x1x16xf32>,
      %get3A_1931 = vector.shape_cast %get3A_1930 : vector<1x1x16xf32> to vector<16xf32>
      %mul3A_1932 = arith.mulf %get3A_1931, %get3A_817 : vector<16xf32>
      %add3A_1933 = arith.addf %scan3A_808, %mul3A_1932 : vector<16xf32>
      %mul3A_1934 = arith.constant 16 : i32
      %mul3A_1935 = arith.muli %scan3A_795, %mul3A_1934 : i32
      %get3A_1936 = arith.constant 12 : i32
      %get3A_1937 = arith.constant 1 : i32
      %get3A_1938 = arith.index_cast %get3A_1936 : i32 to index
      %get3A_1939 = arith.index_cast %get3A_1937 : i32 to index
      %get3A_1940 = arith.index_cast %mul3A_1935 : i32 to index
      %get3A_1941 = tpu.vector_load %arg5[%get3A_1938, %get3A_1939, %get3A_1940] {strides = array<i32>} : memref<16x8x512xf32, #tpu.memory_space<vmem>>, vector<1x1x16xf32>,
      %get3A_1942 = vector.shape_cast %get3A_1941 : vector<1x1x16xf32> to vector<16xf32>
      %mul3A_1943 = arith.mulf %get3A_1942, %get3A_824 : vector<16xf32>
      %add3A_1944 = arith.addf %add3A_1933, %mul3A_1943 : vector<16xf32>
      %mul3A_1945 = arith.constant 16 : i32
      %mul3A_1946 = arith.muli %scan3A_795, %mul3A_1945 : i32
      %get3A_1947 = arith.constant 12 : i32
      %get3A_1948 = arith.constant 2 : i32
      %get3A_1949 = arith.index_cast %get3A_1947 : i32 to index
      %get3A_1950 = arith.index_cast %get3A_1948 : i32 to index
      %get3A_1951 = arith.index_cast %mul3A_1946 : i32 to index
      %get3A_1952 = tpu.vector_load %arg5[%get3A_1949, %get3A_1950, %get3A_1951] {strides = array<i32>} : memref<16x8x512xf32, #tpu.memory_space<vmem>>, vector<1x1x16xf32>,
      %get3A_1953 = vector.shape_cast %get3A_1952 : vector<1x1x16xf32> to vector<16xf32>
      %mul3A_1954 = arith.mulf %get3A_1953, %get3A_831 : vector<16xf32>
      %add3A_1955 = arith.addf %add3A_1944, %mul3A_1954 : vector<16xf32>
      %mul3A_1956 = arith.constant 16 : i32
      %mul3A_1957 = arith.muli %scan3A_795, %mul3A_1956 : i32
      %get3A_1958 = arith.constant 12 : i32
      %get3A_1959 = arith.constant 3 : i32
      %get3A_1960 = arith.index_cast %get3A_1958 : i32 to index
      %get3A_1961 = arith.index_cast %get3A_1959 : i32 to index
      %get3A_1962 = arith.index_cast %mul3A_1957 : i32 to index
      %get3A_1963 = tpu.vector_load %arg5[%get3A_1960, %get3A_1961, %get3A_1962] {strides = array<i32>} : memref<16x8x512xf32, #tpu.memory_space<vmem>>, vector<1x1x16xf32>,
      %get3A_1964 = vector.shape_cast %get3A_1963 : vector<1x1x16xf32> to vector<16xf32>
      %mul3A_1965 = arith.mulf %get3A_1964, %get3A_838 : vector<16xf32>
      %add3A_1966 = arith.addf %add3A_1955, %mul3A_1965 : vector<16xf32>
      %mul3A_1967 = arith.constant 16 : i32
      %mul3A_1968 = arith.muli %scan3A_795, %mul3A_1967 : i32
      %get3A_1969 = arith.constant 12 : i32
      %get3A_1970 = arith.constant 4 : i32
      %get3A_1971 = arith.index_cast %get3A_1969 : i32 to index
      %get3A_1972 = arith.index_cast %get3A_1970 : i32 to index
      %get3A_1973 = arith.index_cast %mul3A_1968 : i32 to index
      %get3A_1974 = tpu.vector_load %arg5[%get3A_1971, %get3A_1972, %get3A_1973] {strides = array<i32>} : memref<16x8x512xf32, #tpu.memory_space<vmem>>, vector<1x1x16xf32>,
      %get3A_1975 = vector.shape_cast %get3A_1974 : vector<1x1x16xf32> to vector<16xf32>
      %mul3A_1976 = arith.mulf %get3A_1975, %get3A_845 : vector<16xf32>
      %add3A_1977 = arith.addf %add3A_1966, %mul3A_1976 : vector<16xf32>
      %mul3A_1978 = arith.constant 16 : i32
      %mul3A_1979 = arith.muli %scan3A_795, %mul3A_1978 : i32
      %get3A_1980 = arith.constant 12 : i32
      %get3A_1981 = arith.constant 5 : i32
      %get3A_1982 = arith.index_cast %get3A_1980 : i32 to index
      %get3A_1983 = arith.index_cast %get3A_1981 : i32 to index
      %get3A_1984 = arith.index_cast %mul3A_1979 : i32 to index
      %get3A_1985 = tpu.vector_load %arg5[%get3A_1982, %get3A_1983, %get3A_1984] {strides = array<i32>} : memref<16x8x512xf32, #tpu.memory_space<vmem>>, vector<1x1x16xf32>,
      %get3A_1986 = vector.shape_cast %get3A_1985 : vector<1x1x16xf32> to vector<16xf32>
      %mul3A_1987 = arith.mulf %get3A_1986, %get3A_852 : vector<16xf32>
      %add3A_1988 = arith.addf %add3A_1977, %mul3A_1987 : vector<16xf32>
      %mul3A_1989 = arith.constant 16 : i32
      %mul3A_1990 = arith.muli %scan3A_795, %mul3A_1989 : i32
      %get3A_1991 = arith.constant 12 : i32
      %get3A_1992 = arith.constant 6 : i32
      %get3A_1993 = arith.index_cast %get3A_1991 : i32 to index
      %get3A_1994 = arith.index_cast %get3A_1992 : i32 to index
      %get3A_1995 = arith.index_cast %mul3A_1990 : i32 to index
      %get3A_1996 = tpu.vector_load %arg5[%get3A_1993, %get3A_1994, %get3A_1995] {strides = array<i32>} : memref<16x8x512xf32, #tpu.memory_space<vmem>>, vector<1x1x16xf32>,
      %get3A_1997 = vector.shape_cast %get3A_1996 : vector<1x1x16xf32> to vector<16xf32>
      %mul3A_1998 = arith.mulf %get3A_1997, %get3A_859 : vector<16xf32>
      %add3A_1999 = arith.addf %add3A_1988, %mul3A_1998 : vector<16xf32>
      %mul3A_2000 = arith.constant 16 : i32
      %mul3A_2001 = arith.muli %scan3A_795, %mul3A_2000 : i32
      %get3A_2002 = arith.constant 12 : i32
      %get3A_2003 = arith.constant 7 : i32
      %get3A_2004 = arith.index_cast %get3A_2002 : i32 to index
      %get3A_2005 = arith.index_cast %get3A_2003 : i32 to index
      %get3A_2006 = arith.index_cast %mul3A_2001 : i32 to index
      %get3A_2007 = tpu.vector_load %arg5[%get3A_2004, %get3A_2005, %get3A_2006] {strides = array<i32>} : memref<16x8x512xf32, #tpu.memory_space<vmem>>, vector<1x1x16xf32>,
      %get3A_2008 = vector.shape_cast %get3A_2007 : vector<1x1x16xf32> to vector<16xf32>
      %mul3A_2009 = arith.mulf %get3A_2008, %get3A_866 : vector<16xf32>
      %add3A_2010 = arith.addf %add3A_1999, %mul3A_2009 : vector<16xf32>
      %mul3A_2011 = arith.constant 16 : i32
      %mul3A_2012 = arith.muli %scan3A_795, %mul3A_2011 : i32
      %get3A_2013 = arith.constant 13 : i32
      %get3A_2014 = arith.constant 0 : i32
      %get3A_2015 = arith.index_cast %get3A_2013 : i32 to index
      %get3A_2016 = arith.index_cast %get3A_2014 : i32 to index
      %get3A_2017 = arith.index_cast %mul3A_2012 : i32 to index
      %get3A_2018 = tpu.vector_load %arg5[%get3A_2015, %get3A_2016, %get3A_2017] {strides = array<i32>} : memref<16x8x512xf32, #tpu.memory_space<vmem>>, vector<1x1x16xf32>,
      %get3A_2019 = vector.shape_cast %get3A_2018 : vector<1x1x16xf32> to vector<16xf32>
      %mul3A_2020 = arith.mulf %get3A_2019, %get3A_817 : vector<16xf32>
      %add3A_2021 = arith.addf %scan3A_809, %mul3A_2020 : vector<16xf32>
      %mul3A_2022 = arith.constant 16 : i32
      %mul3A_2023 = arith.muli %scan3A_795, %mul3A_2022 : i32
      %get3A_2024 = arith.constant 13 : i32
      %get3A_2025 = arith.constant 1 : i32
      %get3A_2026 = arith.index_cast %get3A_2024 : i32 to index
      %get3A_2027 = arith.index_cast %get3A_2025 : i32 to index
      %get3A_2028 = arith.index_cast %mul3A_2023 : i32 to index
      %get3A_2029 = tpu.vector_load %arg5[%get3A_2026, %get3A_2027, %get3A_2028] {strides = array<i32>} : memref<16x8x512xf32, #tpu.memory_space<vmem>>, vector<1x1x16xf32>,
      %get3A_2030 = vector.shape_cast %get3A_2029 : vector<1x1x16xf32> to vector<16xf32>
      %mul3A_2031 = arith.mulf %get3A_2030, %get3A_824 : vector<16xf32>
      %add3A_2032 = arith.addf %add3A_2021, %mul3A_2031 : vector<16xf32>
      %mul3A_2033 = arith.constant 16 : i32
      %mul3A_2034 = arith.muli %scan3A_795, %mul3A_2033 : i32
      %get3A_2035 = arith.constant 13 : i32
      %get3A_2036 = arith.constant 2 : i32
      %get3A_2037 = arith.index_cast %get3A_2035 : i32 to index
      %get3A_2038 = arith.index_cast %get3A_2036 : i32 to index
      %get3A_2039 = arith.index_cast %mul3A_2034 : i32 to index
      %get3A_2040 = tpu.vector_load %arg5[%get3A_2037, %get3A_2038, %get3A_2039] {strides = array<i32>} : memref<16x8x512xf32, #tpu.memory_space<vmem>>, vector<1x1x16xf32>,
      %get3A_2041 = vector.shape_cast %get3A_2040 : vector<1x1x16xf32> to vector<16xf32>
      %mul3A_2042 = arith.mulf %get3A_2041, %get3A_831 : vector<16xf32>
      %add3A_2043 = arith.addf %add3A_2032, %mul3A_2042 : vector<16xf32>
      %mul3A_2044 = arith.constant 16 : i32
      %mul3A_2045 = arith.muli %scan3A_795, %mul3A_2044 : i32
      %get3A_2046 = arith.constant 13 : i32
      %get3A_2047 = arith.constant 3 : i32
      %get3A_2048 = arith.index_cast %get3A_2046 : i32 to index
      %get3A_2049 = arith.index_cast %get3A_2047 : i32 to index
      %get3A_2050 = arith.index_cast %mul3A_2045 : i32 to index
      %get3A_2051 = tpu.vector_load %arg5[%get3A_2048, %get3A_2049, %get3A_2050] {strides = array<i32>} : memref<16x8x512xf32, #tpu.memory_space<vmem>>, vector<1x1x16xf32>,
      %get3A_2052 = vector.shape_cast %get3A_2051 : vector<1x1x16xf32> to vector<16xf32>
      %mul3A_2053 = arith.mulf %get3A_2052, %get3A_838 : vector<16xf32>
      %add3A_2054 = arith.addf %add3A_2043, %mul3A_2053 : vector<16xf32>
      %mul3A_2055 = arith.constant 16 : i32
      %mul3A_2056 = arith.muli %scan3A_795, %mul3A_2055 : i32
      %get3A_2057 = arith.constant 13 : i32
      %get3A_2058 = arith.constant 4 : i32
      %get3A_2059 = arith.index_cast %get3A_2057 : i32 to index
      %get3A_2060 = arith.index_cast %get3A_2058 : i32 to index
      %get3A_2061 = arith.index_cast %mul3A_2056 : i32 to index
      %get3A_2062 = tpu.vector_load %arg5[%get3A_2059, %get3A_2060, %get3A_2061] {strides = array<i32>} : memref<16x8x512xf32, #tpu.memory_space<vmem>>, vector<1x1x16xf32>,
      %get3A_2063 = vector.shape_cast %get3A_2062 : vector<1x1x16xf32> to vector<16xf32>
      %mul3A_2064 = arith.mulf %get3A_2063, %get3A_845 : vector<16xf32>
      %add3A_2065 = arith.addf %add3A_2054, %mul3A_2064 : vector<16xf32>
      %mul3A_2066 = arith.constant 16 : i32
      %mul3A_2067 = arith.muli %scan3A_795, %mul3A_2066 : i32
      %get3A_2068 = arith.constant 13 : i32
      %get3A_2069 = arith.constant 5 : i32
      %get3A_2070 = arith.index_cast %get3A_2068 : i32 to index
      %get3A_2071 = arith.index_cast %get3A_2069 : i32 to index
      %get3A_2072 = arith.index_cast %mul3A_2067 : i32 to index
      %get3A_2073 = tpu.vector_load %arg5[%get3A_2070, %get3A_2071, %get3A_2072] {strides = array<i32>} : memref<16x8x512xf32, #tpu.memory_space<vmem>>, vector<1x1x16xf32>,
      %get3A_2074 = vector.shape_cast %get3A_2073 : vector<1x1x16xf32> to vector<16xf32>
      %mul3A_2075 = arith.mulf %get3A_2074, %get3A_852 : vector<16xf32>
      %add3A_2076 = arith.addf %add3A_2065, %mul3A_2075 : vector<16xf32>
      %mul3A_2077 = arith.constant 16 : i32
      %mul3A_2078 = arith.muli %scan3A_795, %mul3A_2077 : i32
      %get3A_2079 = arith.constant 13 : i32
      %get3A_2080 = arith.constant 6 : i32
      %get3A_2081 = arith.index_cast %get3A_2079 : i32 to index
      %get3A_2082 = arith.index_cast %get3A_2080 : i32 to index
      %get3A_2083 = arith.index_cast %mul3A_2078 : i32 to index
      %get3A_2084 = tpu.vector_load %arg5[%get3A_2081, %get3A_2082, %get3A_2083] {strides = array<i32>} : memref<16x8x512xf32, #tpu.memory_space<vmem>>, vector<1x1x16xf32>,
      %get3A_2085 = vector.shape_cast %get3A_2084 : vector<1x1x16xf32> to vector<16xf32>
      %mul3A_2086 = arith.mulf %get3A_2085, %get3A_859 : vector<16xf32>
      %add3A_2087 = arith.addf %add3A_2076, %mul3A_2086 : vector<16xf32>
      %mul3A_2088 = arith.constant 16 : i32
      %mul3A_2089 = arith.muli %scan3A_795, %mul3A_2088 : i32
      %get3A_2090 = arith.constant 13 : i32
      %get3A_2091 = arith.constant 7 : i32
      %get3A_2092 = arith.index_cast %get3A_2090 : i32 to index
      %get3A_2093 = arith.index_cast %get3A_2091 : i32 to index
      %get3A_2094 = arith.index_cast %mul3A_2089 : i32 to index
      %get3A_2095 = tpu.vector_load %arg5[%get3A_2092, %get3A_2093, %get3A_2094] {strides = array<i32>} : memref<16x8x512xf32, #tpu.memory_space<vmem>>, vector<1x1x16xf32>,
      %get3A_2096 = vector.shape_cast %get3A_2095 : vector<1x1x16xf32> to vector<16xf32>
      %mul3A_2097 = arith.mulf %get3A_2096, %get3A_866 : vector<16xf32>
      %add3A_2098 = arith.addf %add3A_2087, %mul3A_2097 : vector<16xf32>
      %mul3A_2099 = arith.constant 16 : i32
      %mul3A_2100 = arith.muli %scan3A_795, %mul3A_2099 : i32
      %get3A_2101 = arith.constant 14 : i32
      %get3A_2102 = arith.constant 0 : i32
      %get3A_2103 = arith.index_cast %get3A_2101 : i32 to index
      %get3A_2104 = arith.index_cast %get3A_2102 : i32 to index
      %get3A_2105 = arith.index_cast %mul3A_2100 : i32 to index
      %get3A_2106 = tpu.vector_load %arg5[%get3A_2103, %get3A_2104, %get3A_2105] {strides = array<i32>} : memref<16x8x512xf32, #tpu.memory_space<vmem>>, vector<1x1x16xf32>,
      %get3A_2107 = vector.shape_cast %get3A_2106 : vector<1x1x16xf32> to vector<16xf32>
      %mul3A_2108 = arith.mulf %get3A_2107, %get3A_817 : vector<16xf32>
      %add3A_2109 = arith.addf %scan3A_810, %mul3A_2108 : vector<16xf32>
      %mul3A_2110 = arith.constant 16 : i32
      %mul3A_2111 = arith.muli %scan3A_795, %mul3A_2110 : i32
      %get3A_2112 = arith.constant 14 : i32
      %get3A_2113 = arith.constant 1 : i32
      %get3A_2114 = arith.index_cast %get3A_2112 : i32 to index
      %get3A_2115 = arith.index_cast %get3A_2113 : i32 to index
      %get3A_2116 = arith.index_cast %mul3A_2111 : i32 to index
      %get3A_2117 = tpu.vector_load %arg5[%get3A_2114, %get3A_2115, %get3A_2116] {strides = array<i32>} : memref<16x8x512xf32, #tpu.memory_space<vmem>>, vector<1x1x16xf32>,
      %get3A_2118 = vector.shape_cast %get3A_2117 : vector<1x1x16xf32> to vector<16xf32>
      %mul3A_2119 = arith.mulf %get3A_2118, %get3A_824 : vector<16xf32>
      %add3A_2120 = arith.addf %add3A_2109, %mul3A_2119 : vector<16xf32>
      %mul3A_2121 = arith.constant 16 : i32
      %mul3A_2122 = arith.muli %scan3A_795, %mul3A_2121 : i32
      %get3A_2123 = arith.constant 14 : i32
      %get3A_2124 = arith.constant 2 : i32
      %get3A_2125 = arith.index_cast %get3A_2123 : i32 to index
      %get3A_2126 = arith.index_cast %get3A_2124 : i32 to index
      %get3A_2127 = arith.index_cast %mul3A_2122 : i32 to index
      %get3A_2128 = tpu.vector_load %arg5[%get3A_2125, %get3A_2126, %get3A_2127] {strides = array<i32>} : memref<16x8x512xf32, #tpu.memory_space<vmem>>, vector<1x1x16xf32>,
      %get3A_2129 = vector.shape_cast %get3A_2128 : vector<1x1x16xf32> to vector<16xf32>
      %mul3A_2130 = arith.mulf %get3A_2129, %get3A_831 : vector<16xf32>
      %add3A_2131 = arith.addf %add3A_2120, %mul3A_2130 : vector<16xf32>
      %mul3A_2132 = arith.constant 16 : i32
      %mul3A_2133 = arith.muli %scan3A_795, %mul3A_2132 : i32
      %get3A_2134 = arith.constant 14 : i32
      %get3A_2135 = arith.constant 3 : i32
      %get3A_2136 = arith.index_cast %get3A_2134 : i32 to index
      %get3A_2137 = arith.index_cast %get3A_2135 : i32 to index
      %get3A_2138 = arith.index_cast %mul3A_2133 : i32 to index
      %get3A_2139 = tpu.vector_load %arg5[%get3A_2136, %get3A_2137, %get3A_2138] {strides = array<i32>} : memref<16x8x512xf32, #tpu.memory_space<vmem>>, vector<1x1x16xf32>,
      %get3A_2140 = vector.shape_cast %get3A_2139 : vector<1x1x16xf32> to vector<16xf32>
      %mul3A_2141 = arith.mulf %get3A_2140, %get3A_838 : vector<16xf32>
      %add3A_2142 = arith.addf %add3A_2131, %mul3A_2141 : vector<16xf32>
      %mul3A_2143 = arith.constant 16 : i32
      %mul3A_2144 = arith.muli %scan3A_795, %mul3A_2143 : i32
      %get3A_2145 = arith.constant 14 : i32
      %get3A_2146 = arith.constant 4 : i32
      %get3A_2147 = arith.index_cast %get3A_2145 : i32 to index
      %get3A_2148 = arith.index_cast %get3A_2146 : i32 to index
      %get3A_2149 = arith.index_cast %mul3A_2144 : i32 to index
      %get3A_2150 = tpu.vector_load %arg5[%get3A_2147, %get3A_2148, %get3A_2149] {strides = array<i32>} : memref<16x8x512xf32, #tpu.memory_space<vmem>>, vector<1x1x16xf32>,
      %get3A_2151 = vector.shape_cast %get3A_2150 : vector<1x1x16xf32> to vector<16xf32>
      %mul3A_2152 = arith.mulf %get3A_2151, %get3A_845 : vector<16xf32>
      %add3A_2153 = arith.addf %add3A_2142, %mul3A_2152 : vector<16xf32>
      %mul3A_2154 = arith.constant 16 : i32
      %mul3A_2155 = arith.muli %scan3A_795, %mul3A_2154 : i32
      %get3A_2156 = arith.constant 14 : i32
      %get3A_2157 = arith.constant 5 : i32
      %get3A_2158 = arith.index_cast %get3A_2156 : i32 to index
      %get3A_2159 = arith.index_cast %get3A_2157 : i32 to index
      %get3A_2160 = arith.index_cast %mul3A_2155 : i32 to index
      %get3A_2161 = tpu.vector_load %arg5[%get3A_2158, %get3A_2159, %get3A_2160] {strides = array<i32>} : memref<16x8x512xf32, #tpu.memory_space<vmem>>, vector<1x1x16xf32>,
      %get3A_2162 = vector.shape_cast %get3A_2161 : vector<1x1x16xf32> to vector<16xf32>
      %mul3A_2163 = arith.mulf %get3A_2162, %get3A_852 : vector<16xf32>
      %add3A_2164 = arith.addf %add3A_2153, %mul3A_2163 : vector<16xf32>
      %mul3A_2165 = arith.constant 16 : i32
      %mul3A_2166 = arith.muli %scan3A_795, %mul3A_2165 : i32
      %get3A_2167 = arith.constant 14 : i32
      %get3A_2168 = arith.constant 6 : i32
      %get3A_2169 = arith.index_cast %get3A_2167 : i32 to index
      %get3A_2170 = arith.index_cast %get3A_2168 : i32 to index
      %get3A_2171 = arith.index_cast %mul3A_2166 : i32 to index
      %get3A_2172 = tpu.vector_load %arg5[%get3A_2169, %get3A_2170, %get3A_2171] {strides = array<i32>} : memref<16x8x512xf32, #tpu.memory_space<vmem>>, vector<1x1x16xf32>,
      %get3A_2173 = vector.shape_cast %get3A_2172 : vector<1x1x16xf32> to vector<16xf32>
      %mul3A_2174 = arith.mulf %get3A_2173, %get3A_859 : vector<16xf32>
      %add3A_2175 = arith.addf %add3A_2164, %mul3A_2174 : vector<16xf32>
      %mul3A_2176 = arith.constant 16 : i32
      %mul3A_2177 = arith.muli %scan3A_795, %mul3A_2176 : i32
      %get3A_2178 = arith.constant 14 : i32
      %get3A_2179 = arith.constant 7 : i32
      %get3A_2180 = arith.index_cast %get3A_2178 : i32 to index
      %get3A_2181 = arith.index_cast %get3A_2179 : i32 to index
      %get3A_2182 = arith.index_cast %mul3A_2177 : i32 to index
      %get3A_2183 = tpu.vector_load %arg5[%get3A_2180, %get3A_2181, %get3A_2182] {strides = array<i32>} : memref<16x8x512xf32, #tpu.memory_space<vmem>>, vector<1x1x16xf32>,
      %get3A_2184 = vector.shape_cast %get3A_2183 : vector<1x1x16xf32> to vector<16xf32>
      %mul3A_2185 = arith.mulf %get3A_2184, %get3A_866 : vector<16xf32>
      %add3A_2186 = arith.addf %add3A_2175, %mul3A_2185 : vector<16xf32>
      %mul3A_2187 = arith.constant 16 : i32
      %mul3A_2188 = arith.muli %scan3A_795, %mul3A_2187 : i32
      %get3A_2189 = arith.constant 15 : i32
      %get3A_2190 = arith.constant 0 : i32
      %get3A_2191 = arith.index_cast %get3A_2189 : i32 to index
      %get3A_2192 = arith.index_cast %get3A_2190 : i32 to index
      %get3A_2193 = arith.index_cast %mul3A_2188 : i32 to index
      %get3A_2194 = tpu.vector_load %arg5[%get3A_2191, %get3A_2192, %get3A_2193] {strides = array<i32>} : memref<16x8x512xf32, #tpu.memory_space<vmem>>, vector<1x1x16xf32>,
      %get3A_2195 = vector.shape_cast %get3A_2194 : vector<1x1x16xf32> to vector<16xf32>
      %mul3A_2196 = arith.mulf %get3A_2195, %get3A_817 : vector<16xf32>
      %add3A_2197 = arith.addf %scan3A_811, %mul3A_2196 : vector<16xf32>
      %mul3A_2198 = arith.constant 16 : i32
      %mul3A_2199 = arith.muli %scan3A_795, %mul3A_2198 : i32
      %get3A_2200 = arith.constant 15 : i32
      %get3A_2201 = arith.constant 1 : i32
      %get3A_2202 = arith.index_cast %get3A_2200 : i32 to index
      %get3A_2203 = arith.index_cast %get3A_2201 : i32 to index
      %get3A_2204 = arith.index_cast %mul3A_2199 : i32 to index
      %get3A_2205 = tpu.vector_load %arg5[%get3A_2202, %get3A_2203, %get3A_2204] {strides = array<i32>} : memref<16x8x512xf32, #tpu.memory_space<vmem>>, vector<1x1x16xf32>,
      %get3A_2206 = vector.shape_cast %get3A_2205 : vector<1x1x16xf32> to vector<16xf32>
      %mul3A_2207 = arith.mulf %get3A_2206, %get3A_824 : vector<16xf32>
      %add3A_2208 = arith.addf %add3A_2197, %mul3A_2207 : vector<16xf32>
      %mul3A_2209 = arith.constant 16 : i32
      %mul3A_2210 = arith.muli %scan3A_795, %mul3A_2209 : i32
      %get3A_2211 = arith.constant 15 : i32
      %get3A_2212 = arith.constant 2 : i32
      %get3A_2213 = arith.index_cast %get3A_2211 : i32 to index
      %get3A_2214 = arith.index_cast %get3A_2212 : i32 to index
      %get3A_2215 = arith.index_cast %mul3A_2210 : i32 to index
      %get3A_2216 = tpu.vector_load %arg5[%get3A_2213, %get3A_2214, %get3A_2215] {strides = array<i32>} : memref<16x8x512xf32, #tpu.memory_space<vmem>>, vector<1x1x16xf32>,
      %get3A_2217 = vector.shape_cast %get3A_2216 : vector<1x1x16xf32> to vector<16xf32>
      %mul3A_2218 = arith.mulf %get3A_2217, %get3A_831 : vector<16xf32>
      %add3A_2219 = arith.addf %add3A_2208, %mul3A_2218 : vector<16xf32>
      %mul3A_2220 = arith.constant 16 : i32
      %mul3A_2221 = arith.muli %scan3A_795, %mul3A_2220 : i32
      %get3A_2222 = arith.constant 15 : i32
      %get3A_2223 = arith.constant 3 : i32
      %get3A_2224 = arith.index_cast %get3A_2222 : i32 to index
      %get3A_2225 = arith.index_cast %get3A_2223 : i32 to index
      %get3A_2226 = arith.index_cast %mul3A_2221 : i32 to index
      %get3A_2227 = tpu.vector_load %arg5[%get3A_2224, %get3A_2225, %get3A_2226] {strides = array<i32>} : memref<16x8x512xf32, #tpu.memory_space<vmem>>, vector<1x1x16xf32>,
      %get3A_2228 = vector.shape_cast %get3A_2227 : vector<1x1x16xf32> to vector<16xf32>
      %mul3A_2229 = arith.mulf %get3A_2228, %get3A_838 : vector<16xf32>
      %add3A_2230 = arith.addf %add3A_2219, %mul3A_2229 : vector<16xf32>
      %mul3A_2231 = arith.constant 16 : i32
      %mul3A_2232 = arith.muli %scan3A_795, %mul3A_2231 : i32
      %get3A_2233 = arith.constant 15 : i32
      %get3A_2234 = arith.constant 4 : i32
      %get3A_2235 = arith.index_cast %get3A_2233 : i32 to index
      %get3A_2236 = arith.index_cast %get3A_2234 : i32 to index
      %get3A_2237 = arith.index_cast %mul3A_2232 : i32 to index
      %get3A_2238 = tpu.vector_load %arg5[%get3A_2235, %get3A_2236, %get3A_2237] {strides = array<i32>} : memref<16x8x512xf32, #tpu.memory_space<vmem>>, vector<1x1x16xf32>,
      %get3A_2239 = vector.shape_cast %get3A_2238 : vector<1x1x16xf32> to vector<16xf32>
      %mul3A_2240 = arith.mulf %get3A_2239, %get3A_845 : vector<16xf32>
      %add3A_2241 = arith.addf %add3A_2230, %mul3A_2240 : vector<16xf32>
      %mul3A_2242 = arith.constant 16 : i32
      %mul3A_2243 = arith.muli %scan3A_795, %mul3A_2242 : i32
      %get3A_2244 = arith.constant 15 : i32
      %get3A_2245 = arith.constant 5 : i32
      %get3A_2246 = arith.index_cast %get3A_2244 : i32 to index
      %get3A_2247 = arith.index_cast %get3A_2245 : i32 to index
      %get3A_2248 = arith.index_cast %mul3A_2243 : i32 to index
      %get3A_2249 = tpu.vector_load %arg5[%get3A_2246, %get3A_2247, %get3A_2248] {strides = array<i32>} : memref<16x8x512xf32, #tpu.memory_space<vmem>>, vector<1x1x16xf32>,
      %get3A_2250 = vector.shape_cast %get3A_2249 : vector<1x1x16xf32> to vector<16xf32>
      %mul3A_2251 = arith.mulf %get3A_2250, %get3A_852 : vector<16xf32>
      %add3A_2252 = arith.addf %add3A_2241, %mul3A_2251 : vector<16xf32>
      %mul3A_2253 = arith.constant 16 : i32
      %mul3A_2254 = arith.muli %scan3A_795, %mul3A_2253 : i32
      %get3A_2255 = arith.constant 15 : i32
      %get3A_2256 = arith.constant 6 : i32
      %get3A_2257 = arith.index_cast %get3A_2255 : i32 to index
      %get3A_2258 = arith.index_cast %get3A_2256 : i32 to index
      %get3A_2259 = arith.index_cast %mul3A_2254 : i32 to index
      %get3A_2260 = tpu.vector_load %arg5[%get3A_2257, %get3A_2258, %get3A_2259] {strides = array<i32>} : memref<16x8x512xf32, #tpu.memory_space<vmem>>, vector<1x1x16xf32>,
      %get3A_2261 = vector.shape_cast %get3A_2260 : vector<1x1x16xf32> to vector<16xf32>
      %mul3A_2262 = arith.mulf %get3A_2261, %get3A_859 : vector<16xf32>
      %add3A_2263 = arith.addf %add3A_2252, %mul3A_2262 : vector<16xf32>
      %mul3A_2264 = arith.constant 16 : i32
      %mul3A_2265 = arith.muli %scan3A_795, %mul3A_2264 : i32
      %get3A_2266 = arith.constant 15 : i32
      %get3A_2267 = arith.constant 7 : i32
      %get3A_2268 = arith.index_cast %get3A_2266 : i32 to index
      %get3A_2269 = arith.index_cast %get3A_2267 : i32 to index
      %get3A_2270 = arith.index_cast %mul3A_2265 : i32 to index
      %get3A_2271 = tpu.vector_load %arg5[%get3A_2268, %get3A_2269, %get3A_2270] {strides = array<i32>} : memref<16x8x512xf32, #tpu.memory_space<vmem>>, vector<1x1x16xf32>,
      %get3A_2272 = vector.shape_cast %get3A_2271 : vector<1x1x16xf32> to vector<16xf32>
      %mul3A_2273 = arith.mulf %get3A_2272, %get3A_866 : vector<16xf32>
      %add3A_2274 = arith.addf %add3A_2263, %mul3A_2273 : vector<16xf32>
      scf.yield %add3A_954, %add3A_1042, %add3A_1130, %add3A_1218, %add3A_1306, %add3A_1394, %add3A_1482, %add3A_1570, %add3A_1658, %add3A_1746, %add3A_1834, %add3A_1922, %add3A_2010, %add3A_2098, %add3A_2186, %add3A_2274 : vector<16xf32>, vector<16xf32>, vector<16xf32>, vector<16xf32>, vector<16xf32>, vector<16xf32>, vector<16xf32>, vector<16xf32>, vector<16xf32>, vector<16xf32>, vector<16xf32>, vector<16xf32>, vector<16xf32>, vector<16xf32>, vector<16xf32>, vector<16xf32>
    }
    %scan3A_468 = arith.constant 32 : i32
    %broadcast_in_dim3A_469 = arith.constant 0.000000e+00 : f32
    %broadcast_in_dim3A_470 = vector.broadcast %broadcast_in_dim3A_469 : f32 to vector<16xf32>
    %broadcast_in_dim3A_471 = vector.shape_cast %and3A_48 : vector<16xi32> to vector<16x1xi32>
    %gather3A_472 = vector.shape_cast %broadcast_in_dim3A_471 : vector<16x1xi32> to vector<16xi32>
    %gather3A_473 = tpu.dynamic_gather %scan3A_467#0[%gather3A_472] in [0] : vector<16xf32>, vector<16xi32> -> vector<16xf32>
    %add3A_474 = arith.addf %scan3A_467#0, %gather3A_473 : vector<16xf32>
    %broadcast_in_dim3A_475 = vector.shape_cast %and3A_54 : vector<16xi32> to vector<16x1xi32>
    %gather3A_476 = vector.shape_cast %broadcast_in_dim3A_475 : vector<16x1xi32> to vector<16xi32>
    %gather3A_477 = tpu.dynamic_gather %add3A_474[%gather3A_476] in [0] : vector<16xf32>, vector<16xi32> -> vector<16xf32>
    %add3A_478 = arith.addf %add3A_474, %gather3A_477 : vector<16xf32>
    %broadcast_in_dim3A_479 = vector.shape_cast %and3A_60 : vector<16xi32> to vector<16x1xi32>
    %gather3A_480 = vector.shape_cast %broadcast_in_dim3A_479 : vector<16x1xi32> to vector<16xi32>
    %gather3A_481 = tpu.dynamic_gather %add3A_478[%gather3A_480] in [0] : vector<16xf32>, vector<16xi32> -> vector<16xf32>
    %add3A_482 = arith.addf %add3A_478, %gather3A_481 : vector<16xf32>
    %broadcast_in_dim3A_483 = vector.shape_cast %and3A_66 : vector<16xi32> to vector<16x1xi32>
    %gather3A_484 = vector.shape_cast %broadcast_in_dim3A_483 : vector<16x1xi32> to vector<16xi32>
    %gather3A_485 = tpu.dynamic_gather %add3A_482[%gather3A_484] in [0] : vector<16xf32>, vector<16xi32> -> vector<16xf32>
    %add3A_486 = arith.addf %add3A_482, %gather3A_485 : vector<16xf32>
    %eq3A_487 = arith.constant 0 : i32
    %eq3A_488 = vector.broadcast %eq3A_487 : i32 to vector<16xi32>
    %eq3A_489 = arith.cmpi eq, %iota3A, %eq3A_488 : vector<16xi32>
    %select_n3A_490 = arith.select %eq3A_489, %add3A_486, %broadcast_in_dim3A_470 : vector<16xi1>, vector<16xf32>
    %broadcast_in_dim3A_491 = vector.shape_cast %and3A_48 : vector<16xi32> to vector<16x1xi32>
    %gather3A_492 = vector.shape_cast %broadcast_in_dim3A_491 : vector<16x1xi32> to vector<16xi32>
    %gather3A_493 = tpu.dynamic_gather %scan3A_467#1[%gather3A_492] in [0] : vector<16xf32>, vector<16xi32> -> vector<16xf32>
    %add3A_494 = arith.addf %scan3A_467#1, %gather3A_493 : vector<16xf32>
    %broadcast_in_dim3A_495 = vector.shape_cast %and3A_54 : vector<16xi32> to vector<16x1xi32>
    %gather3A_496 = vector.shape_cast %broadcast_in_dim3A_495 : vector<16x1xi32> to vector<16xi32>
    %gather3A_497 = tpu.dynamic_gather %add3A_494[%gather3A_496] in [0] : vector<16xf32>, vector<16xi32> -> vector<16xf32>
    %add3A_498 = arith.addf %add3A_494, %gather3A_497 : vector<16xf32>
    %broadcast_in_dim3A_499 = vector.shape_cast %and3A_60 : vector<16xi32> to vector<16x1xi32>
    %gather3A_500 = vector.shape_cast %broadcast_in_dim3A_499 : vector<16x1xi32> to vector<16xi32>
    %gather3A_501 = tpu.dynamic_gather %add3A_498[%gather3A_500] in [0] : vector<16xf32>, vector<16xi32> -> vector<16xf32>
    %add3A_502 = arith.addf %add3A_498, %gather3A_501 : vector<16xf32>
    %broadcast_in_dim3A_503 = vector.shape_cast %and3A_66 : vector<16xi32> to vector<16x1xi32>
    %gather3A_504 = vector.shape_cast %broadcast_in_dim3A_503 : vector<16x1xi32> to vector<16xi32>
    %gather3A_505 = tpu.dynamic_gather %add3A_502[%gather3A_504] in [0] : vector<16xf32>, vector<16xi32> -> vector<16xf32>
    %add3A_506 = arith.addf %add3A_502, %gather3A_505 : vector<16xf32>
    %eq3A_507 = arith.constant 1 : i32
    %eq3A_508 = vector.broadcast %eq3A_507 : i32 to vector<16xi32>
    %eq3A_509 = arith.cmpi eq, %iota3A, %eq3A_508 : vector<16xi32>
    %select_n3A_510 = arith.select %eq3A_509, %add3A_506, %select_n3A_490 : vector<16xi1>, vector<16xf32>
    %broadcast_in_dim3A_511 = vector.shape_cast %and3A_48 : vector<16xi32> to vector<16x1xi32>
    %gather3A_512 = vector.shape_cast %broadcast_in_dim3A_511 : vector<16x1xi32> to vector<16xi32>
    %gather3A_513 = tpu.dynamic_gather %scan3A_467#2[%gather3A_512] in [0] : vector<16xf32>, vector<16xi32> -> vector<16xf32>
    %add3A_514 = arith.addf %scan3A_467#2, %gather3A_513 : vector<16xf32>
    %broadcast_in_dim3A_515 = vector.shape_cast %and3A_54 : vector<16xi32> to vector<16x1xi32>
    %gather3A_516 = vector.shape_cast %broadcast_in_dim3A_515 : vector<16x1xi32> to vector<16xi32>
    %gather3A_517 = tpu.dynamic_gather %add3A_514[%gather3A_516] in [0] : vector<16xf32>, vector<16xi32> -> vector<16xf32>
    %add3A_518 = arith.addf %add3A_514, %gather3A_517 : vector<16xf32>
    %broadcast_in_dim3A_519 = vector.shape_cast %and3A_60 : vector<16xi32> to vector<16x1xi32>
    %gather3A_520 = vector.shape_cast %broadcast_in_dim3A_519 : vector<16x1xi32> to vector<16xi32>
    %gather3A_521 = tpu.dynamic_gather %add3A_518[%gather3A_520] in [0] : vector<16xf32>, vector<16xi32> -> vector<16xf32>
    %add3A_522 = arith.addf %add3A_518, %gather3A_521 : vector<16xf32>
    %broadcast_in_dim3A_523 = vector.shape_cast %and3A_66 : vector<16xi32> to vector<16x1xi32>
    %gather3A_524 = vector.shape_cast %broadcast_in_dim3A_523 : vector<16x1xi32> to vector<16xi32>
    %gather3A_525 = tpu.dynamic_gather %add3A_522[%gather3A_524] in [0] : vector<16xf32>, vector<16xi32> -> vector<16xf32>
    %add3A_526 = arith.addf %add3A_522, %gather3A_525 : vector<16xf32>
    %eq3A_527 = arith.constant 2 : i32
    %eq3A_528 = vector.broadcast %eq3A_527 : i32 to vector<16xi32>
    %eq3A_529 = arith.cmpi eq, %iota3A, %eq3A_528 : vector<16xi32>
    %select_n3A_530 = arith.select %eq3A_529, %add3A_526, %select_n3A_510 : vector<16xi1>, vector<16xf32>
    %broadcast_in_dim3A_531 = vector.shape_cast %and3A_48 : vector<16xi32> to vector<16x1xi32>
    %gather3A_532 = vector.shape_cast %broadcast_in_dim3A_531 : vector<16x1xi32> to vector<16xi32>
    %gather3A_533 = tpu.dynamic_gather %scan3A_467#3[%gather3A_532] in [0] : vector<16xf32>, vector<16xi32> -> vector<16xf32>
    %add3A_534 = arith.addf %scan3A_467#3, %gather3A_533 : vector<16xf32>
    %broadcast_in_dim3A_535 = vector.shape_cast %and3A_54 : vector<16xi32> to vector<16x1xi32>
    %gather3A_536 = vector.shape_cast %broadcast_in_dim3A_535 : vector<16x1xi32> to vector<16xi32>
    %gather3A_537 = tpu.dynamic_gather %add3A_534[%gather3A_536] in [0] : vector<16xf32>, vector<16xi32> -> vector<16xf32>
    %add3A_538 = arith.addf %add3A_534, %gather3A_537 : vector<16xf32>
    %broadcast_in_dim3A_539 = vector.shape_cast %and3A_60 : vector<16xi32> to vector<16x1xi32>
    %gather3A_540 = vector.shape_cast %broadcast_in_dim3A_539 : vector<16x1xi32> to vector<16xi32>
    %gather3A_541 = tpu.dynamic_gather %add3A_538[%gather3A_540] in [0] : vector<16xf32>, vector<16xi32> -> vector<16xf32>
    %add3A_542 = arith.addf %add3A_538, %gather3A_541 : vector<16xf32>
    %broadcast_in_dim3A_543 = vector.shape_cast %and3A_66 : vector<16xi32> to vector<16x1xi32>
    %gather3A_544 = vector.shape_cast %broadcast_in_dim3A_543 : vector<16x1xi32> to vector<16xi32>
    %gather3A_545 = tpu.dynamic_gather %add3A_542[%gather3A_544] in [0] : vector<16xf32>, vector<16xi32> -> vector<16xf32>
    %add3A_546 = arith.addf %add3A_542, %gather3A_545 : vector<16xf32>
    %eq3A_547 = arith.constant 3 : i32
    %eq3A_548 = vector.broadcast %eq3A_547 : i32 to vector<16xi32>
    %eq3A_549 = arith.cmpi eq, %iota3A, %eq3A_548 : vector<16xi32>
    %select_n3A_550 = arith.select %eq3A_549, %add3A_546, %select_n3A_530 : vector<16xi1>, vector<16xf32>
    %broadcast_in_dim3A_551 = vector.shape_cast %and3A_48 : vector<16xi32> to vector<16x1xi32>
    %gather3A_552 = vector.shape_cast %broadcast_in_dim3A_551 : vector<16x1xi32> to vector<16xi32>
    %gather3A_553 = tpu.dynamic_gather %scan3A_467#4[%gather3A_552] in [0] : vector<16xf32>, vector<16xi32> -> vector<16xf32>
    %add3A_554 = arith.addf %scan3A_467#4, %gather3A_553 : vector<16xf32>
    %broadcast_in_dim3A_555 = vector.shape_cast %and3A_54 : vector<16xi32> to vector<16x1xi32>
    %gather3A_556 = vector.shape_cast %broadcast_in_dim3A_555 : vector<16x1xi32> to vector<16xi32>
    %gather3A_557 = tpu.dynamic_gather %add3A_554[%gather3A_556] in [0] : vector<16xf32>, vector<16xi32> -> vector<16xf32>
    %add3A_558 = arith.addf %add3A_554, %gather3A_557 : vector<16xf32>
    %broadcast_in_dim3A_559 = vector.shape_cast %and3A_60 : vector<16xi32> to vector<16x1xi32>
    %gather3A_560 = vector.shape_cast %broadcast_in_dim3A_559 : vector<16x1xi32> to vector<16xi32>
    %gather3A_561 = tpu.dynamic_gather %add3A_558[%gather3A_560] in [0] : vector<16xf32>, vector<16xi32> -> vector<16xf32>
    %add3A_562 = arith.addf %add3A_558, %gather3A_561 : vector<16xf32>
    %broadcast_in_dim3A_563 = vector.shape_cast %and3A_66 : vector<16xi32> to vector<16x1xi32>
    %gather3A_564 = vector.shape_cast %broadcast_in_dim3A_563 : vector<16x1xi32> to vector<16xi32>
    %gather3A_565 = tpu.dynamic_gather %add3A_562[%gather3A_564] in [0] : vector<16xf32>, vector<16xi32> -> vector<16xf32>
    %add3A_566 = arith.addf %add3A_562, %gather3A_565 : vector<16xf32>
    %eq3A_567 = arith.constant 4 : i32
    %eq3A_568 = vector.broadcast %eq3A_567 : i32 to vector<16xi32>
    %eq3A_569 = arith.cmpi eq, %iota3A, %eq3A_568 : vector<16xi32>
    %select_n3A_570 = arith.select %eq3A_569, %add3A_566, %select_n3A_550 : vector<16xi1>, vector<16xf32>
    %broadcast_in_dim3A_571 = vector.shape_cast %and3A_48 : vector<16xi32> to vector<16x1xi32>
    %gather3A_572 = vector.shape_cast %broadcast_in_dim3A_571 : vector<16x1xi32> to vector<16xi32>
    %gather3A_573 = tpu.dynamic_gather %scan3A_467#5[%gather3A_572] in [0] : vector<16xf32>, vector<16xi32> -> vector<16xf32>
    %add3A_574 = arith.addf %scan3A_467#5, %gather3A_573 : vector<16xf32>
    %broadcast_in_dim3A_575 = vector.shape_cast %and3A_54 : vector<16xi32> to vector<16x1xi32>
    %gather3A_576 = vector.shape_cast %broadcast_in_dim3A_575 : vector<16x1xi32> to vector<16xi32>
    %gather3A_577 = tpu.dynamic_gather %add3A_574[%gather3A_576] in [0] : vector<16xf32>, vector<16xi32> -> vector<16xf32>
    %add3A_578 = arith.addf %add3A_574, %gather3A_577 : vector<16xf32>
    %broadcast_in_dim3A_579 = vector.shape_cast %and3A_60 : vector<16xi32> to vector<16x1xi32>
    %gather3A_580 = vector.shape_cast %broadcast_in_dim3A_579 : vector<16x1xi32> to vector<16xi32>
    %gather3A_581 = tpu.dynamic_gather %add3A_578[%gather3A_580] in [0] : vector<16xf32>, vector<16xi32> -> vector<16xf32>
    %add3A_582 = arith.addf %add3A_578, %gather3A_581 : vector<16xf32>
    %broadcast_in_dim3A_583 = vector.shape_cast %and3A_66 : vector<16xi32> to vector<16x1xi32>
    %gather3A_584 = vector.shape_cast %broadcast_in_dim3A_583 : vector<16x1xi32> to vector<16xi32>
    %gather3A_585 = tpu.dynamic_gather %add3A_582[%gather3A_584] in [0] : vector<16xf32>, vector<16xi32> -> vector<16xf32>
    %add3A_586 = arith.addf %add3A_582, %gather3A_585 : vector<16xf32>
    %eq3A_587 = arith.constant 5 : i32
    %eq3A_588 = vector.broadcast %eq3A_587 : i32 to vector<16xi32>
    %eq3A_589 = arith.cmpi eq, %iota3A, %eq3A_588 : vector<16xi32>
    %select_n3A_590 = arith.select %eq3A_589, %add3A_586, %select_n3A_570 : vector<16xi1>, vector<16xf32>
    %broadcast_in_dim3A_591 = vector.shape_cast %and3A_48 : vector<16xi32> to vector<16x1xi32>
    %gather3A_592 = vector.shape_cast %broadcast_in_dim3A_591 : vector<16x1xi32> to vector<16xi32>
    %gather3A_593 = tpu.dynamic_gather %scan3A_467#6[%gather3A_592] in [0] : vector<16xf32>, vector<16xi32> -> vector<16xf32>
    %add3A_594 = arith.addf %scan3A_467#6, %gather3A_593 : vector<16xf32>
    %broadcast_in_dim3A_595 = vector.shape_cast %and3A_54 : vector<16xi32> to vector<16x1xi32>
    %gather3A_596 = vector.shape_cast %broadcast_in_dim3A_595 : vector<16x1xi32> to vector<16xi32>
    %gather3A_597 = tpu.dynamic_gather %add3A_594[%gather3A_596] in [0] : vector<16xf32>, vector<16xi32> -> vector<16xf32>
    %add3A_598 = arith.addf %add3A_594, %gather3A_597 : vector<16xf32>
    %broadcast_in_dim3A_599 = vector.shape_cast %and3A_60 : vector<16xi32> to vector<16x1xi32>
    %gather3A_600 = vector.shape_cast %broadcast_in_dim3A_599 : vector<16x1xi32> to vector<16xi32>
    %gather3A_601 = tpu.dynamic_gather %add3A_598[%gather3A_600] in [0] : vector<16xf32>, vector<16xi32> -> vector<16xf32>
    %add3A_602 = arith.addf %add3A_598, %gather3A_601 : vector<16xf32>
    %broadcast_in_dim3A_603 = vector.shape_cast %and3A_66 : vector<16xi32> to vector<16x1xi32>
    %gather3A_604 = vector.shape_cast %broadcast_in_dim3A_603 : vector<16x1xi32> to vector<16xi32>
    %gather3A_605 = tpu.dynamic_gather %add3A_602[%gather3A_604] in [0] : vector<16xf32>, vector<16xi32> -> vector<16xf32>
    %add3A_606 = arith.addf %add3A_602, %gather3A_605 : vector<16xf32>
    %eq3A_607 = arith.constant 6 : i32
    %eq3A_608 = vector.broadcast %eq3A_607 : i32 to vector<16xi32>
    %eq3A_609 = arith.cmpi eq, %iota3A, %eq3A_608 : vector<16xi32>
    %select_n3A_610 = arith.select %eq3A_609, %add3A_606, %select_n3A_590 : vector<16xi1>, vector<16xf32>
    %broadcast_in_dim3A_611 = vector.shape_cast %and3A_48 : vector<16xi32> to vector<16x1xi32>
    %gather3A_612 = vector.shape_cast %broadcast_in_dim3A_611 : vector<16x1xi32> to vector<16xi32>
    %gather3A_613 = tpu.dynamic_gather %scan3A_467#7[%gather3A_612] in [0] : vector<16xf32>, vector<16xi32> -> vector<16xf32>
    %add3A_614 = arith.addf %scan3A_467#7, %gather3A_613 : vector<16xf32>
    %broadcast_in_dim3A_615 = vector.shape_cast %and3A_54 : vector<16xi32> to vector<16x1xi32>
    %gather3A_616 = vector.shape_cast %broadcast_in_dim3A_615 : vector<16x1xi32> to vector<16xi32>
    %gather3A_617 = tpu.dynamic_gather %add3A_614[%gather3A_616] in [0] : vector<16xf32>, vector<16xi32> -> vector<16xf32>
    %add3A_618 = arith.addf %add3A_614, %gather3A_617 : vector<16xf32>
    %broadcast_in_dim3A_619 = vector.shape_cast %and3A_60 : vector<16xi32> to vector<16x1xi32>
    %gather3A_620 = vector.shape_cast %broadcast_in_dim3A_619 : vector<16x1xi32> to vector<16xi32>
    %gather3A_621 = tpu.dynamic_gather %add3A_618[%gather3A_620] in [0] : vector<16xf32>, vector<16xi32> -> vector<16xf32>
    %add3A_622 = arith.addf %add3A_618, %gather3A_621 : vector<16xf32>
    %broadcast_in_dim3A_623 = vector.shape_cast %and3A_66 : vector<16xi32> to vector<16x1xi32>
    %gather3A_624 = vector.shape_cast %broadcast_in_dim3A_623 : vector<16x1xi32> to vector<16xi32>
    %gather3A_625 = tpu.dynamic_gather %add3A_622[%gather3A_624] in [0] : vector<16xf32>, vector<16xi32> -> vector<16xf32>
    %add3A_626 = arith.addf %add3A_622, %gather3A_625 : vector<16xf32>
    %eq3A_627 = arith.constant 7 : i32
    %eq3A_628 = vector.broadcast %eq3A_627 : i32 to vector<16xi32>
    %eq3A_629 = arith.cmpi eq, %iota3A, %eq3A_628 : vector<16xi32>
    %select_n3A_630 = arith.select %eq3A_629, %add3A_626, %select_n3A_610 : vector<16xi1>, vector<16xf32>
    %broadcast_in_dim3A_631 = vector.shape_cast %and3A_48 : vector<16xi32> to vector<16x1xi32>
    %gather3A_632 = vector.shape_cast %broadcast_in_dim3A_631 : vector<16x1xi32> to vector<16xi32>
    %gather3A_633 = tpu.dynamic_gather %scan3A_467#8[%gather3A_632] in [0] : vector<16xf32>, vector<16xi32> -> vector<16xf32>
    %add3A_634 = arith.addf %scan3A_467#8, %gather3A_633 : vector<16xf32>
    %broadcast_in_dim3A_635 = vector.shape_cast %and3A_54 : vector<16xi32> to vector<16x1xi32>
    %gather3A_636 = vector.shape_cast %broadcast_in_dim3A_635 : vector<16x1xi32> to vector<16xi32>
    %gather3A_637 = tpu.dynamic_gather %add3A_634[%gather3A_636] in [0] : vector<16xf32>, vector<16xi32> -> vector<16xf32>
    %add3A_638 = arith.addf %add3A_634, %gather3A_637 : vector<16xf32>
    %broadcast_in_dim3A_639 = vector.shape_cast %and3A_60 : vector<16xi32> to vector<16x1xi32>
    %gather3A_640 = vector.shape_cast %broadcast_in_dim3A_639 : vector<16x1xi32> to vector<16xi32>
    %gather3A_641 = tpu.dynamic_gather %add3A_638[%gather3A_640] in [0] : vector<16xf32>, vector<16xi32> -> vector<16xf32>
    %add3A_642 = arith.addf %add3A_638, %gather3A_641 : vector<16xf32>
    %broadcast_in_dim3A_643 = vector.shape_cast %and3A_66 : vector<16xi32> to vector<16x1xi32>
    %gather3A_644 = vector.shape_cast %broadcast_in_dim3A_643 : vector<16x1xi32> to vector<16xi32>
    %gather3A_645 = tpu.dynamic_gather %add3A_642[%gather3A_644] in [0] : vector<16xf32>, vector<16xi32> -> vector<16xf32>
    %add3A_646 = arith.addf %add3A_642, %gather3A_645 : vector<16xf32>
    %eq3A_647 = arith.constant 8 : i32
    %eq3A_648 = vector.broadcast %eq3A_647 : i32 to vector<16xi32>
    %eq3A_649 = arith.cmpi eq, %iota3A, %eq3A_648 : vector<16xi32>
    %select_n3A_650 = arith.select %eq3A_649, %add3A_646, %select_n3A_630 : vector<16xi1>, vector<16xf32>
    %broadcast_in_dim3A_651 = vector.shape_cast %and3A_48 : vector<16xi32> to vector<16x1xi32>
    %gather3A_652 = vector.shape_cast %broadcast_in_dim3A_651 : vector<16x1xi32> to vector<16xi32>
    %gather3A_653 = tpu.dynamic_gather %scan3A_467#9[%gather3A_652] in [0] : vector<16xf32>, vector<16xi32> -> vector<16xf32>
    %add3A_654 = arith.addf %scan3A_467#9, %gather3A_653 : vector<16xf32>
    %broadcast_in_dim3A_655 = vector.shape_cast %and3A_54 : vector<16xi32> to vector<16x1xi32>
    %gather3A_656 = vector.shape_cast %broadcast_in_dim3A_655 : vector<16x1xi32> to vector<16xi32>
    %gather3A_657 = tpu.dynamic_gather %add3A_654[%gather3A_656] in [0] : vector<16xf32>, vector<16xi32> -> vector<16xf32>
    %add3A_658 = arith.addf %add3A_654, %gather3A_657 : vector<16xf32>
    %broadcast_in_dim3A_659 = vector.shape_cast %and3A_60 : vector<16xi32> to vector<16x1xi32>
    %gather3A_660 = vector.shape_cast %broadcast_in_dim3A_659 : vector<16x1xi32> to vector<16xi32>
    %gather3A_661 = tpu.dynamic_gather %add3A_658[%gather3A_660] in [0] : vector<16xf32>, vector<16xi32> -> vector<16xf32>
    %add3A_662 = arith.addf %add3A_658, %gather3A_661 : vector<16xf32>
    %broadcast_in_dim3A_663 = vector.shape_cast %and3A_66 : vector<16xi32> to vector<16x1xi32>
    %gather3A_664 = vector.shape_cast %broadcast_in_dim3A_663 : vector<16x1xi32> to vector<16xi32>
    %gather3A_665 = tpu.dynamic_gather %add3A_662[%gather3A_664] in [0] : vector<16xf32>, vector<16xi32> -> vector<16xf32>
    %add3A_666 = arith.addf %add3A_662, %gather3A_665 : vector<16xf32>
    %eq3A_667 = arith.constant 9 : i32
    %eq3A_668 = vector.broadcast %eq3A_667 : i32 to vector<16xi32>
    %eq3A_669 = arith.cmpi eq, %iota3A, %eq3A_668 : vector<16xi32>
    %select_n3A_670 = arith.select %eq3A_669, %add3A_666, %select_n3A_650 : vector<16xi1>, vector<16xf32>
    %broadcast_in_dim3A_671 = vector.shape_cast %and3A_48 : vector<16xi32> to vector<16x1xi32>
    %gather3A_672 = vector.shape_cast %broadcast_in_dim3A_671 : vector<16x1xi32> to vector<16xi32>
    %gather3A_673 = tpu.dynamic_gather %scan3A_467#10[%gather3A_672] in [0] : vector<16xf32>, vector<16xi32> -> vector<16xf32>
    %add3A_674 = arith.addf %scan3A_467#10, %gather3A_673 : vector<16xf32>
    %broadcast_in_dim3A_675 = vector.shape_cast %and3A_54 : vector<16xi32> to vector<16x1xi32>
    %gather3A_676 = vector.shape_cast %broadcast_in_dim3A_675 : vector<16x1xi32> to vector<16xi32>
    %gather3A_677 = tpu.dynamic_gather %add3A_674[%gather3A_676] in [0] : vector<16xf32>, vector<16xi32> -> vector<16xf32>
    %add3A_678 = arith.addf %add3A_674, %gather3A_677 : vector<16xf32>
    %broadcast_in_dim3A_679 = vector.shape_cast %and3A_60 : vector<16xi32> to vector<16x1xi32>
    %gather3A_680 = vector.shape_cast %broadcast_in_dim3A_679 : vector<16x1xi32> to vector<16xi32>
    %gather3A_681 = tpu.dynamic_gather %add3A_678[%gather3A_680] in [0] : vector<16xf32>, vector<16xi32> -> vector<16xf32>
    %add3A_682 = arith.addf %add3A_678, %gather3A_681 : vector<16xf32>
    %broadcast_in_dim3A_683 = vector.shape_cast %and3A_66 : vector<16xi32> to vector<16x1xi32>
    %gather3A_684 = vector.shape_cast %broadcast_in_dim3A_683 : vector<16x1xi32> to vector<16xi32>
    %gather3A_685 = tpu.dynamic_gather %add3A_682[%gather3A_684] in [0] : vector<16xf32>, vector<16xi32> -> vector<16xf32>
    %add3A_686 = arith.addf %add3A_682, %gather3A_685 : vector<16xf32>
    %eq3A_687 = arith.constant 10 : i32
    %eq3A_688 = vector.broadcast %eq3A_687 : i32 to vector<16xi32>
    %eq3A_689 = arith.cmpi eq, %iota3A, %eq3A_688 : vector<16xi32>
    %select_n3A_690 = arith.select %eq3A_689, %add3A_686, %select_n3A_670 : vector<16xi1>, vector<16xf32>
    %broadcast_in_dim3A_691 = vector.shape_cast %and3A_48 : vector<16xi32> to vector<16x1xi32>
    %gather3A_692 = vector.shape_cast %broadcast_in_dim3A_691 : vector<16x1xi32> to vector<16xi32>
    %gather3A_693 = tpu.dynamic_gather %scan3A_467#11[%gather3A_692] in [0] : vector<16xf32>, vector<16xi32> -> vector<16xf32>
    %add3A_694 = arith.addf %scan3A_467#11, %gather3A_693 : vector<16xf32>
    %broadcast_in_dim3A_695 = vector.shape_cast %and3A_54 : vector<16xi32> to vector<16x1xi32>
    %gather3A_696 = vector.shape_cast %broadcast_in_dim3A_695 : vector<16x1xi32> to vector<16xi32>
    %gather3A_697 = tpu.dynamic_gather %add3A_694[%gather3A_696] in [0] : vector<16xf32>, vector<16xi32> -> vector<16xf32>
    %add3A_698 = arith.addf %add3A_694, %gather3A_697 : vector<16xf32>
    %broadcast_in_dim3A_699 = vector.shape_cast %and3A_60 : vector<16xi32> to vector<16x1xi32>
    %gather3A_700 = vector.shape_cast %broadcast_in_dim3A_699 : vector<16x1xi32> to vector<16xi32>
    %gather3A_701 = tpu.dynamic_gather %add3A_698[%gather3A_700] in [0] : vector<16xf32>, vector<16xi32> -> vector<16xf32>
    %add3A_702 = arith.addf %add3A_698, %gather3A_701 : vector<16xf32>
    %broadcast_in_dim3A_703 = vector.shape_cast %and3A_66 : vector<16xi32> to vector<16x1xi32>
    %gather3A_704 = vector.shape_cast %broadcast_in_dim3A_703 : vector<16x1xi32> to vector<16xi32>
    %gather3A_705 = tpu.dynamic_gather %add3A_702[%gather3A_704] in [0] : vector<16xf32>, vector<16xi32> -> vector<16xf32>
    %add3A_706 = arith.addf %add3A_702, %gather3A_705 : vector<16xf32>
    %eq3A_707 = arith.constant 11 : i32
    %eq3A_708 = vector.broadcast %eq3A_707 : i32 to vector<16xi32>
    %eq3A_709 = arith.cmpi eq, %iota3A, %eq3A_708 : vector<16xi32>
    %select_n3A_710 = arith.select %eq3A_709, %add3A_706, %select_n3A_690 : vector<16xi1>, vector<16xf32>
    %broadcast_in_dim3A_711 = vector.shape_cast %and3A_48 : vector<16xi32> to vector<16x1xi32>
    %gather3A_712 = vector.shape_cast %broadcast_in_dim3A_711 : vector<16x1xi32> to vector<16xi32>
    %gather3A_713 = tpu.dynamic_gather %scan3A_467#12[%gather3A_712] in [0] : vector<16xf32>, vector<16xi32> -> vector<16xf32>
    %add3A_714 = arith.addf %scan3A_467#12, %gather3A_713 : vector<16xf32>
    %broadcast_in_dim3A_715 = vector.shape_cast %and3A_54 : vector<16xi32> to vector<16x1xi32>
    %gather3A_716 = vector.shape_cast %broadcast_in_dim3A_715 : vector<16x1xi32> to vector<16xi32>
    %gather3A_717 = tpu.dynamic_gather %add3A_714[%gather3A_716] in [0] : vector<16xf32>, vector<16xi32> -> vector<16xf32>
    %add3A_718 = arith.addf %add3A_714, %gather3A_717 : vector<16xf32>
    %broadcast_in_dim3A_719 = vector.shape_cast %and3A_60 : vector<16xi32> to vector<16x1xi32>
    %gather3A_720 = vector.shape_cast %broadcast_in_dim3A_719 : vector<16x1xi32> to vector<16xi32>
    %gather3A_721 = tpu.dynamic_gather %add3A_718[%gather3A_720] in [0] : vector<16xf32>, vector<16xi32> -> vector<16xf32>
    %add3A_722 = arith.addf %add3A_718, %gather3A_721 : vector<16xf32>
    %broadcast_in_dim3A_723 = vector.shape_cast %and3A_66 : vector<16xi32> to vector<16x1xi32>
    %gather3A_724 = vector.shape_cast %broadcast_in_dim3A_723 : vector<16x1xi32> to vector<16xi32>
    %gather3A_725 = tpu.dynamic_gather %add3A_722[%gather3A_724] in [0] : vector<16xf32>, vector<16xi32> -> vector<16xf32>
    %add3A_726 = arith.addf %add3A_722, %gather3A_725 : vector<16xf32>
    %eq3A_727 = arith.constant 12 : i32
    %eq3A_728 = vector.broadcast %eq3A_727 : i32 to vector<16xi32>
    %eq3A_729 = arith.cmpi eq, %iota3A, %eq3A_728 : vector<16xi32>
    %select_n3A_730 = arith.select %eq3A_729, %add3A_726, %select_n3A_710 : vector<16xi1>, vector<16xf32>
    %broadcast_in_dim3A_731 = vector.shape_cast %and3A_48 : vector<16xi32> to vector<16x1xi32>
    %gather3A_732 = vector.shape_cast %broadcast_in_dim3A_731 : vector<16x1xi32> to vector<16xi32>
    %gather3A_733 = tpu.dynamic_gather %scan3A_467#13[%gather3A_732] in [0] : vector<16xf32>, vector<16xi32> -> vector<16xf32>
    %add3A_734 = arith.addf %scan3A_467#13, %gather3A_733 : vector<16xf32>
    %broadcast_in_dim3A_735 = vector.shape_cast %and3A_54 : vector<16xi32> to vector<16x1xi32>
    %gather3A_736 = vector.shape_cast %broadcast_in_dim3A_735 : vector<16x1xi32> to vector<16xi32>
    %gather3A_737 = tpu.dynamic_gather %add3A_734[%gather3A_736] in [0] : vector<16xf32>, vector<16xi32> -> vector<16xf32>
    %add3A_738 = arith.addf %add3A_734, %gather3A_737 : vector<16xf32>
    %broadcast_in_dim3A_739 = vector.shape_cast %and3A_60 : vector<16xi32> to vector<16x1xi32>
    %gather3A_740 = vector.shape_cast %broadcast_in_dim3A_739 : vector<16x1xi32> to vector<16xi32>
    %gather3A_741 = tpu.dynamic_gather %add3A_738[%gather3A_740] in [0] : vector<16xf32>, vector<16xi32> -> vector<16xf32>
    %add3A_742 = arith.addf %add3A_738, %gather3A_741 : vector<16xf32>
    %broadcast_in_dim3A_743 = vector.shape_cast %and3A_66 : vector<16xi32> to vector<16x1xi32>
    %gather3A_744 = vector.shape_cast %broadcast_in_dim3A_743 : vector<16x1xi32> to vector<16xi32>
    %gather3A_745 = tpu.dynamic_gather %add3A_742[%gather3A_744] in [0] : vector<16xf32>, vector<16xi32> -> vector<16xf32>
    %add3A_746 = arith.addf %add3A_742, %gather3A_745 : vector<16xf32>
    %eq3A_747 = arith.constant 13 : i32
    %eq3A_748 = vector.broadcast %eq3A_747 : i32 to vector<16xi32>
    %eq3A_749 = arith.cmpi eq, %iota3A, %eq3A_748 : vector<16xi32>
    %select_n3A_750 = arith.select %eq3A_749, %add3A_746, %select_n3A_730 : vector<16xi1>, vector<16xf32>
    %broadcast_in_dim3A_751 = vector.shape_cast %and3A_48 : vector<16xi32> to vector<16x1xi32>
    %gather3A_752 = vector.shape_cast %broadcast_in_dim3A_751 : vector<16x1xi32> to vector<16xi32>
    %gather3A_753 = tpu.dynamic_gather %scan3A_467#14[%gather3A_752] in [0] : vector<16xf32>, vector<16xi32> -> vector<16xf32>
    %add3A_754 = arith.addf %scan3A_467#14, %gather3A_753 : vector<16xf32>
    %broadcast_in_dim3A_755 = vector.shape_cast %and3A_54 : vector<16xi32> to vector<16x1xi32>
    %gather3A_756 = vector.shape_cast %broadcast_in_dim3A_755 : vector<16x1xi32> to vector<16xi32>
    %gather3A_757 = tpu.dynamic_gather %add3A_754[%gather3A_756] in [0] : vector<16xf32>, vector<16xi32> -> vector<16xf32>
    %add3A_758 = arith.addf %add3A_754, %gather3A_757 : vector<16xf32>
    %broadcast_in_dim3A_759 = vector.shape_cast %and3A_60 : vector<16xi32> to vector<16x1xi32>
    %gather3A_760 = vector.shape_cast %broadcast_in_dim3A_759 : vector<16x1xi32> to vector<16xi32>
    %gather3A_761 = tpu.dynamic_gather %add3A_758[%gather3A_760] in [0] : vector<16xf32>, vector<16xi32> -> vector<16xf32>
    %add3A_762 = arith.addf %add3A_758, %gather3A_761 : vector<16xf32>
    %broadcast_in_dim3A_763 = vector.shape_cast %and3A_66 : vector<16xi32> to vector<16x1xi32>
    %gather3A_764 = vector.shape_cast %broadcast_in_dim3A_763 : vector<16x1xi32> to vector<16xi32>
    %gather3A_765 = tpu.dynamic_gather %add3A_762[%gather3A_764] in [0] : vector<16xf32>, vector<16xi32> -> vector<16xf32>
    %add3A_766 = arith.addf %add3A_762, %gather3A_765 : vector<16xf32>
    %eq3A_767 = arith.constant 14 : i32
    %eq3A_768 = vector.broadcast %eq3A_767 : i32 to vector<16xi32>
    %eq3A_769 = arith.cmpi eq, %iota3A, %eq3A_768 : vector<16xi32>
    %select_n3A_770 = arith.select %eq3A_769, %add3A_766, %select_n3A_750 : vector<16xi1>, vector<16xf32>
    %broadcast_in_dim3A_771 = vector.shape_cast %and3A_48 : vector<16xi32> to vector<16x1xi32>
    %gather3A_772 = vector.shape_cast %broadcast_in_dim3A_771 : vector<16x1xi32> to vector<16xi32>
    %gather3A_773 = tpu.dynamic_gather %scan3A_467#15[%gather3A_772] in [0] : vector<16xf32>, vector<16xi32> -> vector<16xf32>
    %add3A_774 = arith.addf %scan3A_467#15, %gather3A_773 : vector<16xf32>
    %broadcast_in_dim3A_775 = vector.shape_cast %and3A_54 : vector<16xi32> to vector<16x1xi32>
    %gather3A_776 = vector.shape_cast %broadcast_in_dim3A_775 : vector<16x1xi32> to vector<16xi32>
    %gather3A_777 = tpu.dynamic_gather %add3A_774[%gather3A_776] in [0] : vector<16xf32>, vector<16xi32> -> vector<16xf32>
    %add3A_778 = arith.addf %add3A_774, %gather3A_777 : vector<16xf32>
    %broadcast_in_dim3A_779 = vector.shape_cast %and3A_60 : vector<16xi32> to vector<16x1xi32>
    %gather3A_780 = vector.shape_cast %broadcast_in_dim3A_779 : vector<16x1xi32> to vector<16xi32>
    %gather3A_781 = tpu.dynamic_gather %add3A_778[%gather3A_780] in [0] : vector<16xf32>, vector<16xi32> -> vector<16xf32>
    %add3A_782 = arith.addf %add3A_778, %gather3A_781 : vector<16xf32>
    %broadcast_in_dim3A_783 = vector.shape_cast %and3A_66 : vector<16xi32> to vector<16x1xi32>
    %gather3A_784 = vector.shape_cast %broadcast_in_dim3A_783 : vector<16x1xi32> to vector<16xi32>
    %gather3A_785 = tpu.dynamic_gather %add3A_782[%gather3A_784] in [0] : vector<16xf32>, vector<16xi32> -> vector<16xf32>
    %add3A_786 = arith.addf %add3A_782, %gather3A_785 : vector<16xf32>
    %eq3A_787 = arith.constant 15 : i32
    %eq3A_788 = vector.broadcast %eq3A_787 : i32 to vector<16xi32>
    %eq3A_789 = arith.cmpi eq, %iota3A, %eq3A_788 : vector<16xi32>
    %select_n3A_790 = arith.select %eq3A_789, %add3A_786, %select_n3A_770 : vector<16xi1>, vector<16xf32>
    %swap3A_791 = arith.constant 16 : index
    %swap3A_792 = tpu.vector_load %arg7[%swap3A_791] {strides = array<i32>} : memref<32xf32, #tpu.memory_space<vmem>>, vector<16xf32>,
    %swap3A_793 = vector.shape_cast %swap3A_792 : vector<16xf32> to vector<16xf32>
    %swap3A_794 = vector.shape_cast %select_n3A_790 : vector<16xf32> to vector<16xf32>
    tpu.vector_store %arg7[%swap3A_791], %swap3A_794 {strides = array<i32>} : memref<32xf32, #tpu.memory_space<vmem>>, vector<16xf32>,
    "tpu.region"() ({
      %run_scoped3A = tpu.sem_alloc : memref<!tpu.dma_semaphore, #tpu.memory_space<semaphore_mem>>
      %dma_start3A = tpu.memref_slice %arg4[%add3A_42] : memref<1024xf32, #tpu.memory_space<hbm>> -> memref<32xf32, #tpu.memory_space<hbm>>
      %dma_start3A_795 = tpu.memref_slice %arg4[%add3A_42] : memref<1024xf32, #tpu.memory_space<hbm>> -> memref<32xf32, #tpu.memory_space<hbm>>
      tpu.enqueue_dma source(%arg7 : memref<32xf32, #tpu.memory_space<vmem>>) target(%dma_start3A_795 : memref<32xf32, #tpu.memory_space<hbm>>) target_semaphore(%run_scoped3A : memref<!tpu.dma_semaphore, #tpu.memory_space<semaphore_mem>>)
      %dma_wait3A = tpu.memref_slice %arg4[%add3A_42] : memref<1024xf32, #tpu.memory_space<hbm>> -> memref<32xf32, #tpu.memory_space<hbm>>
      %dma_wait3A_796 = tpu.memref_slice %arg4[%add3A_42] : memref<1024xf32, #tpu.memory_space<hbm>> -> memref<32xf32, #tpu.memory_space<hbm>>
      tpu.wait_dma2 semaphore(%run_scoped3A : memref<!tpu.dma_semaphore, #tpu.memory_space<semaphore_mem>>) src(%arg7 : memref<32xf32, #tpu.memory_space<vmem>>) dst(%dma_wait3A_796 : memref<32xf32, #tpu.memory_space<hbm>>)
      tpu.yield
    }) : () -> ()
    return
  }
}

module attributes {stable_mosaic.version = 14 : i64} {
  func.func @_pass_b_body(%arg0: i32, %arg1: i32, %arg2: memref<512x8x512xf32, #tpu.memory_space<vmem>>, %arg3: memref<1x8x512xf32, #tpu.memory_space<vmem>>, %arg4: memref<512x1xf32, #tpu.memory_space<vmem>>) attributes {dimension_semantics = [#tpu.dimension_semantics<arbitrary>, #tpu.dimension_semantics<arbitrary>], iteration_bounds = array<i64: 2, 3>, scalar_prefetch = 0 : i64, scratch_operands = 0 : i64, tpu.core_type = #tpu.core_type<tc>, window_params = [{transform_indices = @transform_0, window_bounds = array<i64: 512, 8, 512>}, {transform_indices = @transform_1, window_bounds = array<i64: 1, 8, 512>}, {transform_indices = @transform_2, window_bounds = array<i64: 512, 1>}]} {
    %get3A = arith.constant 0 : index
    %get3A_0 = arith.constant 0 : index
    %get3A_1 = arith.constant 0 : index
    %get3A_2 = vector.load %arg2[%get3A, %get3A_0, %get3A_1] : memref<512x8x512xf32, #tpu.memory_space<vmem>>, vector<512x1x512xf32>
    %get3A_3 = vector.shape_cast %get3A_2 : vector<512x1x512xf32> to vector<512x512xf32>
    %get3A_4 = arith.constant 0 : index
    %get3A_5 = arith.constant 0 : index
    %get3A_6 = arith.constant 0 : index
    %get3A_7 = vector.load %arg3[%get3A_4, %get3A_5, %get3A_6] : memref<1x8x512xf32, #tpu.memory_space<vmem>>, vector<1x1x512xf32>
    %get3A_8 = vector.shape_cast %get3A_7 : vector<1x1x512xf32> to vector<1x512xf32>
    %convert_element_type3A = arith.truncf %get3A_3 : vector<512x512xf32> to vector<512x512xbf16>
    %convert_element_type3A_9 = arith.extf %convert_element_type3A : vector<512x512xbf16> to vector<512x512xf32>
    %sub3A = arith.subf %get3A_3, %convert_element_type3A_9 : vector<512x512xf32>
    %convert_element_type3A_10 = arith.truncf %get3A_8 : vector<1x512xf32> to vector<1x512xbf16>
    %convert_element_type3A_11 = arith.extf %convert_element_type3A_10 : vector<1x512xbf16> to vector<1x512xf32>
    %sub3A_12 = arith.subf %get3A_8, %convert_element_type3A_11 : vector<1x512xf32>
    %dot_general3A = arith.constant dense<0.000000e+00> : vector<512x1xf32>
    %dot_general3A_13 = tpu.matmul %convert_element_type3A_9, %convert_element_type3A_11, %dot_general3A {dimension_numbers = #tpu.dot_dimension_numbers<[1], [1], [0], [0], [0, 0, 1, 0], [], []>, transpose_lhs_hint = false} : vector<512x512xf32>, vector<1x512xf32>, vector<512x1xf32> -> vector<512x1xf32>
    %dot_general3A_14 = arith.constant dense<0.000000e+00> : vector<512x1xf32>
    %dot_general3A_15 = tpu.matmul %convert_element_type3A_9, %sub3A_12, %dot_general3A_14 {dimension_numbers = #tpu.dot_dimension_numbers<[1], [1], [0], [0], [0, 0, 1, 0], [], []>, transpose_lhs_hint = false} : vector<512x512xf32>, vector<1x512xf32>, vector<512x1xf32> -> vector<512x1xf32>
    %add3A = arith.addf %dot_general3A_13, %dot_general3A_15 : vector<512x1xf32>
    %dot_general3A_16 = arith.constant dense<0.000000e+00> : vector<512x1xf32>
    %dot_general3A_17 = tpu.matmul %sub3A, %convert_element_type3A_11, %dot_general3A_16 {dimension_numbers = #tpu.dot_dimension_numbers<[1], [1], [0], [0], [0, 0, 1, 0], [], []>, transpose_lhs_hint = false} : vector<512x512xf32>, vector<1x512xf32>, vector<512x1xf32> -> vector<512x1xf32>
    %add3A_18 = arith.addf %add3A, %dot_general3A_17 : vector<512x1xf32>
    %get3A_19 = arith.constant 0 : index
    %get3A_20 = arith.constant 1 : index
    %get3A_21 = arith.constant 0 : index
    %get3A_22 = vector.load %arg2[%get3A_19, %get3A_20, %get3A_21] : memref<512x8x512xf32, #tpu.memory_space<vmem>>, vector<512x1x512xf32>
    %get3A_23 = vector.shape_cast %get3A_22 : vector<512x1x512xf32> to vector<512x512xf32>
    %get3A_24 = arith.constant 0 : index
    %get3A_25 = arith.constant 1 : index
    %get3A_26 = arith.constant 0 : index
    %get3A_27 = vector.load %arg3[%get3A_24, %get3A_25, %get3A_26] : memref<1x8x512xf32, #tpu.memory_space<vmem>>, vector<1x1x512xf32>
    %get3A_28 = vector.shape_cast %get3A_27 : vector<1x1x512xf32> to vector<1x512xf32>
    %convert_element_type3A_29 = arith.truncf %get3A_23 : vector<512x512xf32> to vector<512x512xbf16>
    %convert_element_type3A_30 = arith.extf %convert_element_type3A_29 : vector<512x512xbf16> to vector<512x512xf32>
    %sub3A_31 = arith.subf %get3A_23, %convert_element_type3A_30 : vector<512x512xf32>
    %convert_element_type3A_32 = arith.truncf %get3A_28 : vector<1x512xf32> to vector<1x512xbf16>
    %convert_element_type3A_33 = arith.extf %convert_element_type3A_32 : vector<1x512xbf16> to vector<1x512xf32>
    %sub3A_34 = arith.subf %get3A_28, %convert_element_type3A_33 : vector<1x512xf32>
    %dot_general3A_35 = arith.constant dense<0.000000e+00> : vector<512x1xf32>
    %dot_general3A_36 = tpu.matmul %convert_element_type3A_30, %convert_element_type3A_33, %dot_general3A_35 {dimension_numbers = #tpu.dot_dimension_numbers<[1], [1], [0], [0], [0, 0, 1, 0], [], []>, transpose_lhs_hint = false} : vector<512x512xf32>, vector<1x512xf32>, vector<512x1xf32> -> vector<512x1xf32>
    %dot_general3A_37 = arith.constant dense<0.000000e+00> : vector<512x1xf32>
    %dot_general3A_38 = tpu.matmul %convert_element_type3A_30, %sub3A_34, %dot_general3A_37 {dimension_numbers = #tpu.dot_dimension_numbers<[1], [1], [0], [0], [0, 0, 1, 0], [], []>, transpose_lhs_hint = false} : vector<512x512xf32>, vector<1x512xf32>, vector<512x1xf32> -> vector<512x1xf32>
    %add3A_39 = arith.addf %dot_general3A_36, %dot_general3A_38 : vector<512x1xf32>
    %dot_general3A_40 = arith.constant dense<0.000000e+00> : vector<512x1xf32>
    %dot_general3A_41 = tpu.matmul %sub3A_31, %convert_element_type3A_33, %dot_general3A_40 {dimension_numbers = #tpu.dot_dimension_numbers<[1], [1], [0], [0], [0, 0, 1, 0], [], []>, transpose_lhs_hint = false} : vector<512x512xf32>, vector<1x512xf32>, vector<512x1xf32> -> vector<512x1xf32>
    %add3A_42 = arith.addf %add3A_39, %dot_general3A_41 : vector<512x1xf32>
    %add3A_43 = arith.addf %add3A_18, %add3A_42 : vector<512x1xf32>
    %get3A_44 = arith.constant 0 : index
    %get3A_45 = arith.constant 2 : index
    %get3A_46 = arith.constant 0 : index
    %get3A_47 = vector.load %arg2[%get3A_44, %get3A_45, %get3A_46] : memref<512x8x512xf32, #tpu.memory_space<vmem>>, vector<512x1x512xf32>
    %get3A_48 = vector.shape_cast %get3A_47 : vector<512x1x512xf32> to vector<512x512xf32>
    %get3A_49 = arith.constant 0 : index
    %get3A_50 = arith.constant 2 : index
    %get3A_51 = arith.constant 0 : index
    %get3A_52 = vector.load %arg3[%get3A_49, %get3A_50, %get3A_51] : memref<1x8x512xf32, #tpu.memory_space<vmem>>, vector<1x1x512xf32>
    %get3A_53 = vector.shape_cast %get3A_52 : vector<1x1x512xf32> to vector<1x512xf32>
    %convert_element_type3A_54 = arith.truncf %get3A_48 : vector<512x512xf32> to vector<512x512xbf16>
    %convert_element_type3A_55 = arith.extf %convert_element_type3A_54 : vector<512x512xbf16> to vector<512x512xf32>
    %sub3A_56 = arith.subf %get3A_48, %convert_element_type3A_55 : vector<512x512xf32>
    %convert_element_type3A_57 = arith.truncf %get3A_53 : vector<1x512xf32> to vector<1x512xbf16>
    %convert_element_type3A_58 = arith.extf %convert_element_type3A_57 : vector<1x512xbf16> to vector<1x512xf32>
    %sub3A_59 = arith.subf %get3A_53, %convert_element_type3A_58 : vector<1x512xf32>
    %dot_general3A_60 = arith.constant dense<0.000000e+00> : vector<512x1xf32>
    %dot_general3A_61 = tpu.matmul %convert_element_type3A_55, %convert_element_type3A_58, %dot_general3A_60 {dimension_numbers = #tpu.dot_dimension_numbers<[1], [1], [0], [0], [0, 0, 1, 0], [], []>, transpose_lhs_hint = false} : vector<512x512xf32>, vector<1x512xf32>, vector<512x1xf32> -> vector<512x1xf32>
    %dot_general3A_62 = arith.constant dense<0.000000e+00> : vector<512x1xf32>
    %dot_general3A_63 = tpu.matmul %convert_element_type3A_55, %sub3A_59, %dot_general3A_62 {dimension_numbers = #tpu.dot_dimension_numbers<[1], [1], [0], [0], [0, 0, 1, 0], [], []>, transpose_lhs_hint = false} : vector<512x512xf32>, vector<1x512xf32>, vector<512x1xf32> -> vector<512x1xf32>
    %add3A_64 = arith.addf %dot_general3A_61, %dot_general3A_63 : vector<512x1xf32>
    %dot_general3A_65 = arith.constant dense<0.000000e+00> : vector<512x1xf32>
    %dot_general3A_66 = tpu.matmul %sub3A_56, %convert_element_type3A_58, %dot_general3A_65 {dimension_numbers = #tpu.dot_dimension_numbers<[1], [1], [0], [0], [0, 0, 1, 0], [], []>, transpose_lhs_hint = false} : vector<512x512xf32>, vector<1x512xf32>, vector<512x1xf32> -> vector<512x1xf32>
    %add3A_67 = arith.addf %add3A_64, %dot_general3A_66 : vector<512x1xf32>
    %add3A_68 = arith.addf %add3A_43, %add3A_67 : vector<512x1xf32>
    %get3A_69 = arith.constant 0 : index
    %get3A_70 = arith.constant 3 : index
    %get3A_71 = arith.constant 0 : index
    %get3A_72 = vector.load %arg2[%get3A_69, %get3A_70, %get3A_71] : memref<512x8x512xf32, #tpu.memory_space<vmem>>, vector<512x1x512xf32>
    %get3A_73 = vector.shape_cast %get3A_72 : vector<512x1x512xf32> to vector<512x512xf32>
    %get3A_74 = arith.constant 0 : index
    %get3A_75 = arith.constant 3 : index
    %get3A_76 = arith.constant 0 : index
    %get3A_77 = vector.load %arg3[%get3A_74, %get3A_75, %get3A_76] : memref<1x8x512xf32, #tpu.memory_space<vmem>>, vector<1x1x512xf32>
    %get3A_78 = vector.shape_cast %get3A_77 : vector<1x1x512xf32> to vector<1x512xf32>
    %convert_element_type3A_79 = arith.truncf %get3A_73 : vector<512x512xf32> to vector<512x512xbf16>
    %convert_element_type3A_80 = arith.extf %convert_element_type3A_79 : vector<512x512xbf16> to vector<512x512xf32>
    %sub3A_81 = arith.subf %get3A_73, %convert_element_type3A_80 : vector<512x512xf32>
    %convert_element_type3A_82 = arith.truncf %get3A_78 : vector<1x512xf32> to vector<1x512xbf16>
    %convert_element_type3A_83 = arith.extf %convert_element_type3A_82 : vector<1x512xbf16> to vector<1x512xf32>
    %sub3A_84 = arith.subf %get3A_78, %convert_element_type3A_83 : vector<1x512xf32>
    %dot_general3A_85 = arith.constant dense<0.000000e+00> : vector<512x1xf32>
    %dot_general3A_86 = tpu.matmul %convert_element_type3A_80, %convert_element_type3A_83, %dot_general3A_85 {dimension_numbers = #tpu.dot_dimension_numbers<[1], [1], [0], [0], [0, 0, 1, 0], [], []>, transpose_lhs_hint = false} : vector<512x512xf32>, vector<1x512xf32>, vector<512x1xf32> -> vector<512x1xf32>
    %dot_general3A_87 = arith.constant dense<0.000000e+00> : vector<512x1xf32>
    %dot_general3A_88 = tpu.matmul %convert_element_type3A_80, %sub3A_84, %dot_general3A_87 {dimension_numbers = #tpu.dot_dimension_numbers<[1], [1], [0], [0], [0, 0, 1, 0], [], []>, transpose_lhs_hint = false} : vector<512x512xf32>, vector<1x512xf32>, vector<512x1xf32> -> vector<512x1xf32>
    %add3A_89 = arith.addf %dot_general3A_86, %dot_general3A_88 : vector<512x1xf32>
    %dot_general3A_90 = arith.constant dense<0.000000e+00> : vector<512x1xf32>
    %dot_general3A_91 = tpu.matmul %sub3A_81, %convert_element_type3A_83, %dot_general3A_90 {dimension_numbers = #tpu.dot_dimension_numbers<[1], [1], [0], [0], [0, 0, 1, 0], [], []>, transpose_lhs_hint = false} : vector<512x512xf32>, vector<1x512xf32>, vector<512x1xf32> -> vector<512x1xf32>
    %add3A_92 = arith.addf %add3A_89, %dot_general3A_91 : vector<512x1xf32>
    %add3A_93 = arith.addf %add3A_68, %add3A_92 : vector<512x1xf32>
    %get3A_94 = arith.constant 0 : index
    %get3A_95 = arith.constant 4 : index
    %get3A_96 = arith.constant 0 : index
    %get3A_97 = vector.load %arg2[%get3A_94, %get3A_95, %get3A_96] : memref<512x8x512xf32, #tpu.memory_space<vmem>>, vector<512x1x512xf32>
    %get3A_98 = vector.shape_cast %get3A_97 : vector<512x1x512xf32> to vector<512x512xf32>
    %get3A_99 = arith.constant 0 : index
    %get3A_100 = arith.constant 4 : index
    %get3A_101 = arith.constant 0 : index
    %get3A_102 = vector.load %arg3[%get3A_99, %get3A_100, %get3A_101] : memref<1x8x512xf32, #tpu.memory_space<vmem>>, vector<1x1x512xf32>
    %get3A_103 = vector.shape_cast %get3A_102 : vector<1x1x512xf32> to vector<1x512xf32>
    %convert_element_type3A_104 = arith.truncf %get3A_98 : vector<512x512xf32> to vector<512x512xbf16>
    %convert_element_type3A_105 = arith.extf %convert_element_type3A_104 : vector<512x512xbf16> to vector<512x512xf32>
    %sub3A_106 = arith.subf %get3A_98, %convert_element_type3A_105 : vector<512x512xf32>
    %convert_element_type3A_107 = arith.truncf %get3A_103 : vector<1x512xf32> to vector<1x512xbf16>
    %convert_element_type3A_108 = arith.extf %convert_element_type3A_107 : vector<1x512xbf16> to vector<1x512xf32>
    %sub3A_109 = arith.subf %get3A_103, %convert_element_type3A_108 : vector<1x512xf32>
    %dot_general3A_110 = arith.constant dense<0.000000e+00> : vector<512x1xf32>
    %dot_general3A_111 = tpu.matmul %convert_element_type3A_105, %convert_element_type3A_108, %dot_general3A_110 {dimension_numbers = #tpu.dot_dimension_numbers<[1], [1], [0], [0], [0, 0, 1, 0], [], []>, transpose_lhs_hint = false} : vector<512x512xf32>, vector<1x512xf32>, vector<512x1xf32> -> vector<512x1xf32>
    %dot_general3A_112 = arith.constant dense<0.000000e+00> : vector<512x1xf32>
    %dot_general3A_113 = tpu.matmul %convert_element_type3A_105, %sub3A_109, %dot_general3A_112 {dimension_numbers = #tpu.dot_dimension_numbers<[1], [1], [0], [0], [0, 0, 1, 0], [], []>, transpose_lhs_hint = false} : vector<512x512xf32>, vector<1x512xf32>, vector<512x1xf32> -> vector<512x1xf32>
    %add3A_114 = arith.addf %dot_general3A_111, %dot_general3A_113 : vector<512x1xf32>
    %dot_general3A_115 = arith.constant dense<0.000000e+00> : vector<512x1xf32>
    %dot_general3A_116 = tpu.matmul %sub3A_106, %convert_element_type3A_108, %dot_general3A_115 {dimension_numbers = #tpu.dot_dimension_numbers<[1], [1], [0], [0], [0, 0, 1, 0], [], []>, transpose_lhs_hint = false} : vector<512x512xf32>, vector<1x512xf32>, vector<512x1xf32> -> vector<512x1xf32>
    %add3A_117 = arith.addf %add3A_114, %dot_general3A_116 : vector<512x1xf32>
    %add3A_118 = arith.addf %add3A_93, %add3A_117 : vector<512x1xf32>
    %get3A_119 = arith.constant 0 : index
    %get3A_120 = arith.constant 5 : index
    %get3A_121 = arith.constant 0 : index
    %get3A_122 = vector.load %arg2[%get3A_119, %get3A_120, %get3A_121] : memref<512x8x512xf32, #tpu.memory_space<vmem>>, vector<512x1x512xf32>
    %get3A_123 = vector.shape_cast %get3A_122 : vector<512x1x512xf32> to vector<512x512xf32>
    %get3A_124 = arith.constant 0 : index
    %get3A_125 = arith.constant 5 : index
    %get3A_126 = arith.constant 0 : index
    %get3A_127 = vector.load %arg3[%get3A_124, %get3A_125, %get3A_126] : memref<1x8x512xf32, #tpu.memory_space<vmem>>, vector<1x1x512xf32>
    %get3A_128 = vector.shape_cast %get3A_127 : vector<1x1x512xf32> to vector<1x512xf32>
    %convert_element_type3A_129 = arith.truncf %get3A_123 : vector<512x512xf32> to vector<512x512xbf16>
    %convert_element_type3A_130 = arith.extf %convert_element_type3A_129 : vector<512x512xbf16> to vector<512x512xf32>
    %sub3A_131 = arith.subf %get3A_123, %convert_element_type3A_130 : vector<512x512xf32>
    %convert_element_type3A_132 = arith.truncf %get3A_128 : vector<1x512xf32> to vector<1x512xbf16>
    %convert_element_type3A_133 = arith.extf %convert_element_type3A_132 : vector<1x512xbf16> to vector<1x512xf32>
    %sub3A_134 = arith.subf %get3A_128, %convert_element_type3A_133 : vector<1x512xf32>
    %dot_general3A_135 = arith.constant dense<0.000000e+00> : vector<512x1xf32>
    %dot_general3A_136 = tpu.matmul %convert_element_type3A_130, %convert_element_type3A_133, %dot_general3A_135 {dimension_numbers = #tpu.dot_dimension_numbers<[1], [1], [0], [0], [0, 0, 1, 0], [], []>, transpose_lhs_hint = false} : vector<512x512xf32>, vector<1x512xf32>, vector<512x1xf32> -> vector<512x1xf32>
    %dot_general3A_137 = arith.constant dense<0.000000e+00> : vector<512x1xf32>
    %dot_general3A_138 = tpu.matmul %convert_element_type3A_130, %sub3A_134, %dot_general3A_137 {dimension_numbers = #tpu.dot_dimension_numbers<[1], [1], [0], [0], [0, 0, 1, 0], [], []>, transpose_lhs_hint = false} : vector<512x512xf32>, vector<1x512xf32>, vector<512x1xf32> -> vector<512x1xf32>
    %add3A_139 = arith.addf %dot_general3A_136, %dot_general3A_138 : vector<512x1xf32>
    %dot_general3A_140 = arith.constant dense<0.000000e+00> : vector<512x1xf32>
    %dot_general3A_141 = tpu.matmul %sub3A_131, %convert_element_type3A_133, %dot_general3A_140 {dimension_numbers = #tpu.dot_dimension_numbers<[1], [1], [0], [0], [0, 0, 1, 0], [], []>, transpose_lhs_hint = false} : vector<512x512xf32>, vector<1x512xf32>, vector<512x1xf32> -> vector<512x1xf32>
    %add3A_142 = arith.addf %add3A_139, %dot_general3A_141 : vector<512x1xf32>
    %add3A_143 = arith.addf %add3A_118, %add3A_142 : vector<512x1xf32>
    %get3A_144 = arith.constant 0 : index
    %get3A_145 = arith.constant 6 : index
    %get3A_146 = arith.constant 0 : index
    %get3A_147 = vector.load %arg2[%get3A_144, %get3A_145, %get3A_146] : memref<512x8x512xf32, #tpu.memory_space<vmem>>, vector<512x1x512xf32>
    %get3A_148 = vector.shape_cast %get3A_147 : vector<512x1x512xf32> to vector<512x512xf32>
    %get3A_149 = arith.constant 0 : index
    %get3A_150 = arith.constant 6 : index
    %get3A_151 = arith.constant 0 : index
    %get3A_152 = vector.load %arg3[%get3A_149, %get3A_150, %get3A_151] : memref<1x8x512xf32, #tpu.memory_space<vmem>>, vector<1x1x512xf32>
    %get3A_153 = vector.shape_cast %get3A_152 : vector<1x1x512xf32> to vector<1x512xf32>
    %convert_element_type3A_154 = arith.truncf %get3A_148 : vector<512x512xf32> to vector<512x512xbf16>
    %convert_element_type3A_155 = arith.extf %convert_element_type3A_154 : vector<512x512xbf16> to vector<512x512xf32>
    %sub3A_156 = arith.subf %get3A_148, %convert_element_type3A_155 : vector<512x512xf32>
    %convert_element_type3A_157 = arith.truncf %get3A_153 : vector<1x512xf32> to vector<1x512xbf16>
    %convert_element_type3A_158 = arith.extf %convert_element_type3A_157 : vector<1x512xbf16> to vector<1x512xf32>
    %sub3A_159 = arith.subf %get3A_153, %convert_element_type3A_158 : vector<1x512xf32>
    %dot_general3A_160 = arith.constant dense<0.000000e+00> : vector<512x1xf32>
    %dot_general3A_161 = tpu.matmul %convert_element_type3A_155, %convert_element_type3A_158, %dot_general3A_160 {dimension_numbers = #tpu.dot_dimension_numbers<[1], [1], [0], [0], [0, 0, 1, 0], [], []>, transpose_lhs_hint = false} : vector<512x512xf32>, vector<1x512xf32>, vector<512x1xf32> -> vector<512x1xf32>
    %dot_general3A_162 = arith.constant dense<0.000000e+00> : vector<512x1xf32>
    %dot_general3A_163 = tpu.matmul %convert_element_type3A_155, %sub3A_159, %dot_general3A_162 {dimension_numbers = #tpu.dot_dimension_numbers<[1], [1], [0], [0], [0, 0, 1, 0], [], []>, transpose_lhs_hint = false} : vector<512x512xf32>, vector<1x512xf32>, vector<512x1xf32> -> vector<512x1xf32>
    %add3A_164 = arith.addf %dot_general3A_161, %dot_general3A_163 : vector<512x1xf32>
    %dot_general3A_165 = arith.constant dense<0.000000e+00> : vector<512x1xf32>
    %dot_general3A_166 = tpu.matmul %sub3A_156, %convert_element_type3A_158, %dot_general3A_165 {dimension_numbers = #tpu.dot_dimension_numbers<[1], [1], [0], [0], [0, 0, 1, 0], [], []>, transpose_lhs_hint = false} : vector<512x512xf32>, vector<1x512xf32>, vector<512x1xf32> -> vector<512x1xf32>
    %add3A_167 = arith.addf %add3A_164, %dot_general3A_166 : vector<512x1xf32>
    %add3A_168 = arith.addf %add3A_143, %add3A_167 : vector<512x1xf32>
    %get3A_169 = arith.constant 0 : index
    %get3A_170 = arith.constant 7 : index
    %get3A_171 = arith.constant 0 : index
    %get3A_172 = vector.load %arg2[%get3A_169, %get3A_170, %get3A_171] : memref<512x8x512xf32, #tpu.memory_space<vmem>>, vector<512x1x512xf32>
    %get3A_173 = vector.shape_cast %get3A_172 : vector<512x1x512xf32> to vector<512x512xf32>
    %get3A_174 = arith.constant 0 : index
    %get3A_175 = arith.constant 7 : index
    %get3A_176 = arith.constant 0 : index
    %get3A_177 = vector.load %arg3[%get3A_174, %get3A_175, %get3A_176] : memref<1x8x512xf32, #tpu.memory_space<vmem>>, vector<1x1x512xf32>
    %get3A_178 = vector.shape_cast %get3A_177 : vector<1x1x512xf32> to vector<1x512xf32>
    %convert_element_type3A_179 = arith.truncf %get3A_173 : vector<512x512xf32> to vector<512x512xbf16>
    %convert_element_type3A_180 = arith.extf %convert_element_type3A_179 : vector<512x512xbf16> to vector<512x512xf32>
    %sub3A_181 = arith.subf %get3A_173, %convert_element_type3A_180 : vector<512x512xf32>
    %convert_element_type3A_182 = arith.truncf %get3A_178 : vector<1x512xf32> to vector<1x512xbf16>
    %convert_element_type3A_183 = arith.extf %convert_element_type3A_182 : vector<1x512xbf16> to vector<1x512xf32>
    %sub3A_184 = arith.subf %get3A_178, %convert_element_type3A_183 : vector<1x512xf32>
    %dot_general3A_185 = arith.constant dense<0.000000e+00> : vector<512x1xf32>
    %dot_general3A_186 = tpu.matmul %convert_element_type3A_180, %convert_element_type3A_183, %dot_general3A_185 {dimension_numbers = #tpu.dot_dimension_numbers<[1], [1], [0], [0], [0, 0, 1, 0], [], []>, transpose_lhs_hint = false} : vector<512x512xf32>, vector<1x512xf32>, vector<512x1xf32> -> vector<512x1xf32>
    %dot_general3A_187 = arith.constant dense<0.000000e+00> : vector<512x1xf32>
    %dot_general3A_188 = tpu.matmul %convert_element_type3A_180, %sub3A_184, %dot_general3A_187 {dimension_numbers = #tpu.dot_dimension_numbers<[1], [1], [0], [0], [0, 0, 1, 0], [], []>, transpose_lhs_hint = false} : vector<512x512xf32>, vector<1x512xf32>, vector<512x1xf32> -> vector<512x1xf32>
    %add3A_189 = arith.addf %dot_general3A_186, %dot_general3A_188 : vector<512x1xf32>
    %dot_general3A_190 = arith.constant dense<0.000000e+00> : vector<512x1xf32>
    %dot_general3A_191 = tpu.matmul %sub3A_181, %convert_element_type3A_183, %dot_general3A_190 {dimension_numbers = #tpu.dot_dimension_numbers<[1], [1], [0], [0], [0, 0, 1, 0], [], []>, transpose_lhs_hint = false} : vector<512x512xf32>, vector<1x512xf32>, vector<512x1xf32> -> vector<512x1xf32>
    %add3A_192 = arith.addf %add3A_189, %dot_general3A_191 : vector<512x1xf32>
    %add3A_193 = arith.addf %add3A_168, %add3A_192 : vector<512x1xf32>
    %swap3A = arith.constant 0 : index
    %swap3A_194 = arith.constant 0 : index
    %swap3A_195 = vector.load %arg4[%swap3A, %swap3A_194] : memref<512x1xf32, #tpu.memory_space<vmem>>, vector<512x1xf32>
    tpu.vector_store %arg4[%swap3A, %swap3A_194], %add3A_193 {strides = array<i32>} : memref<512x1xf32, #tpu.memory_space<vmem>>, vector<512x1xf32>,
    return
  }
  func.func @transform_0(%arg0: i32, %arg1: i32) -> (i32, i32, i32) {
    %mul3A = arith.constant 4 : i32
    %mul3A_0 = arith.muli %arg0, %mul3A : i32
    %add3A = arith.addi %mul3A_0, %arg1 : i32
    %c0_i32 = arith.constant 0 : i32
    %c0_i32_1 = arith.constant 0 : i32
    %c0_i32_2 = arith.constant 0 : i32
    return %add3A, %c0_i32, %c0_i32_1 : i32, i32, i32
  }
  func.func @transform_1(%arg0: i32, %arg1: i32) -> (i32, i32, i32) {
    %c0_i32 = arith.constant 0 : i32
    %c0_i32_0 = arith.constant 0 : i32
    %c0_i32_1 = arith.constant 0 : i32
    return %arg0, %c0_i32, %c0_i32_0 : i32, i32, i32
  }
  func.func @transform_2(%arg0: i32, %arg1: i32) -> (i32, i32) {
    %mul3A = arith.constant 3 : i32
    %mul3A_0 = arith.muli %arg0, %mul3A : i32
    %add3A = arith.addi %mul3A_0, %arg1 : i32
    %c0_i32 = arith.constant 0 : i32
    %c0_i32_1 = arith.constant 0 : i32
    return %add3A, %c0_i32 : i32, i32
  }
}

module attributes {stable_mosaic.version = 14 : i64} {
  func.func @_pass_a_body(%arg0: i32, %arg1: memref<512x8xf32, #tpu.memory_space<vmem>>, %arg2: memref<512x8x512xf32, #tpu.memory_space<vmem>>, %arg3: memref<1x1xf32, #tpu.memory_space<vmem>>, %arg4: memref<1x8x512xf32, #tpu.memory_space<vmem>>) attributes {dimension_semantics = [#tpu.dimension_semantics<arbitrary>], iteration_bounds = array<i64: 8>, scalar_prefetch = 0 : i64, scratch_operands = 0 : i64, tpu.core_type = #tpu.core_type<tc>, window_params = [{transform_indices = @transform_0, window_bounds = array<i64: 512, 8>}, {transform_indices = @transform_1, window_bounds = array<i64: 512, 8, 512>}, {pipeline_mode = #tpu.pipeline_mode<synchronous>, transform_indices = @transform_2, window_bounds = array<i64: 1, 1>}, {transform_indices = @transform_3, window_bounds = array<i64: 1, 8, 512>}]} {
    %jit3A = arith.constant 4 : i32
    %eq3A = arith.constant 0 : i32
    %eq3A_0 = arith.cmpi eq, %jit3A, %eq3A : i32
    %jit3A_1 = arith.constant 1 : i32
    %select_n3A = arith.select %eq3A_0, %jit3A_1, %jit3A : i32
    %rem3A = arith.remsi %arg0, %select_n3A : i32
    %ne3A = arith.constant 0 : i32
    %ne3A_2 = arith.cmpi ne, %rem3A, %ne3A : i32
    %lt3A = arith.constant 0 : i32
    %lt3A_3 = arith.cmpi slt, %rem3A, %lt3A : i32
    %lt3A_4 = arith.constant 0 : i32
    %lt3A_5 = arith.cmpi slt, %select_n3A, %lt3A_4 : i32
    %ne3A_6 = arith.xori %lt3A_3, %lt3A_5 : i1
    %and3A = arith.andi %ne3A_6, %ne3A_2 : i1
    %add3A = arith.addi %rem3A, %select_n3A : i32
    %select_n3A_7 = arith.select %and3A, %add3A, %rem3A : i32
    %eq3A_8 = arith.constant 0 : i32
    %eq3A_9 = arith.cmpi eq, %select_n3A_7, %eq3A_8 : i32
    %convert_element_type3A = arith.extui %eq3A_9 : i1 to i32
    %cond3A = arith.constant 0 : i32
    %cond3A_10 = arith.cmpi ne, %convert_element_type3A, %cond3A : i32
    scf.if %cond3A_10 {
      %get3A_181 = arith.constant 0 : index
      %get3A_182 = arith.constant 0 : index
      %get3A_183 = vector.load %arg3[%get3A_181, %get3A_182] : memref<1x1xf32, #tpu.memory_space<vmem>>, vector<1x1xf32>
      %broadcast_in_dim3A = vector.shape_cast %get3A_183 : vector<1x1xf32> to vector<1x1xf32>
      %broadcast_in_dim3A_184 = vector.broadcast %broadcast_in_dim3A : vector<1x1xf32> to vector<8x512xf32>
      %swap3A_185 = arith.constant 0 : index
      %swap3A_186 = arith.constant 0 : index
      %swap3A_187 = arith.constant 0 : index
      %swap3A_188 = vector.load %arg4[%swap3A_185, %swap3A_186, %swap3A_187] : memref<1x8x512xf32, #tpu.memory_space<vmem>>, vector<1x8x512xf32>
      %swap3A_189 = vector.shape_cast %swap3A_188 : vector<1x8x512xf32> to vector<8x512xf32>
      %swap3A_190 = vector.shape_cast %broadcast_in_dim3A_184 : vector<8x512xf32> to vector<1x8x512xf32>
      tpu.vector_store %arg4[%swap3A_185, %swap3A_186, %swap3A_187], %swap3A_190 {strides = array<i32>} : memref<1x8x512xf32, #tpu.memory_space<vmem>>, vector<1x8x512xf32>,
    } else {
    }
    %get3A = arith.constant 0 : index
    %get3A_11 = arith.constant 0 : index
    %get3A_12 = vector.load %arg1[%get3A, %get3A_11] : memref<512x8xf32, #tpu.memory_space<vmem>>, vector<512x8xf32>
    %slice3A = vector.extract_strided_slice %get3A_12 {offsets = [0, 0], sizes = [512, 1], strides = [1, 1]} : vector<512x8xf32> to vector<512x1xf32>
    %get3A_13 = arith.constant 0 : index
    %get3A_14 = arith.constant 0 : index
    %get3A_15 = arith.constant 0 : index
    %get3A_16 = vector.load %arg2[%get3A_13, %get3A_14, %get3A_15] : memref<512x8x512xf32, #tpu.memory_space<vmem>>, vector<512x1x512xf32>
    %get3A_17 = vector.shape_cast %get3A_16 : vector<512x1x512xf32> to vector<512x512xf32>
    %convert_element_type3A_18 = arith.truncf %slice3A : vector<512x1xf32> to vector<512x1xbf16>
    %convert_element_type3A_19 = arith.extf %convert_element_type3A_18 : vector<512x1xbf16> to vector<512x1xf32>
    %sub3A = arith.subf %slice3A, %convert_element_type3A_19 : vector<512x1xf32>
    %convert_element_type3A_20 = arith.truncf %get3A_17 : vector<512x512xf32> to vector<512x512xbf16>
    %convert_element_type3A_21 = arith.extf %convert_element_type3A_20 : vector<512x512xbf16> to vector<512x512xf32>
    %sub3A_22 = arith.subf %get3A_17, %convert_element_type3A_21 : vector<512x512xf32>
    %dot_general3A = arith.constant dense<0.000000e+00> : vector<1x512xf32>
    %dot_general3A_23 = tpu.matmul %convert_element_type3A_19, %convert_element_type3A_21, %dot_general3A {dimension_numbers = #tpu.dot_dimension_numbers<[0], [0], [1], [1], [0, 1, 1, 1], [], []>, transpose_lhs_hint = false} : vector<512x1xf32>, vector<512x512xf32>, vector<1x512xf32> -> vector<1x512xf32>
    %dot_general3A_24 = arith.constant dense<0.000000e+00> : vector<1x512xf32>
    %dot_general3A_25 = tpu.matmul %convert_element_type3A_19, %sub3A_22, %dot_general3A_24 {dimension_numbers = #tpu.dot_dimension_numbers<[0], [0], [1], [1], [0, 1, 1, 1], [], []>, transpose_lhs_hint = false} : vector<512x1xf32>, vector<512x512xf32>, vector<1x512xf32> -> vector<1x512xf32>
    %add3A_26 = arith.addf %dot_general3A_23, %dot_general3A_25 : vector<1x512xf32>
    %dot_general3A_27 = arith.constant dense<0.000000e+00> : vector<1x512xf32>
    %dot_general3A_28 = tpu.matmul %sub3A, %convert_element_type3A_21, %dot_general3A_27 {dimension_numbers = #tpu.dot_dimension_numbers<[0], [0], [1], [1], [0, 1, 1, 1], [], []>, transpose_lhs_hint = false} : vector<512x1xf32>, vector<512x512xf32>, vector<1x512xf32> -> vector<1x512xf32>
    %add3A_29 = arith.addf %add3A_26, %dot_general3A_28 : vector<1x512xf32>
    %slice3A_30 = vector.extract_strided_slice %get3A_12 {offsets = [0, 1], sizes = [512, 1], strides = [1, 1]} : vector<512x8xf32> to vector<512x1xf32>
    %get3A_31 = arith.constant 0 : index
    %get3A_32 = arith.constant 1 : index
    %get3A_33 = arith.constant 0 : index
    %get3A_34 = vector.load %arg2[%get3A_31, %get3A_32, %get3A_33] : memref<512x8x512xf32, #tpu.memory_space<vmem>>, vector<512x1x512xf32>
    %get3A_35 = vector.shape_cast %get3A_34 : vector<512x1x512xf32> to vector<512x512xf32>
    %convert_element_type3A_36 = arith.truncf %slice3A_30 : vector<512x1xf32> to vector<512x1xbf16>
    %convert_element_type3A_37 = arith.extf %convert_element_type3A_36 : vector<512x1xbf16> to vector<512x1xf32>
    %sub3A_38 = arith.subf %slice3A_30, %convert_element_type3A_37 : vector<512x1xf32>
    %convert_element_type3A_39 = arith.truncf %get3A_35 : vector<512x512xf32> to vector<512x512xbf16>
    %convert_element_type3A_40 = arith.extf %convert_element_type3A_39 : vector<512x512xbf16> to vector<512x512xf32>
    %sub3A_41 = arith.subf %get3A_35, %convert_element_type3A_40 : vector<512x512xf32>
    %dot_general3A_42 = arith.constant dense<0.000000e+00> : vector<1x512xf32>
    %dot_general3A_43 = tpu.matmul %convert_element_type3A_37, %convert_element_type3A_40, %dot_general3A_42 {dimension_numbers = #tpu.dot_dimension_numbers<[0], [0], [1], [1], [0, 1, 1, 1], [], []>, transpose_lhs_hint = false} : vector<512x1xf32>, vector<512x512xf32>, vector<1x512xf32> -> vector<1x512xf32>
    %dot_general3A_44 = arith.constant dense<0.000000e+00> : vector<1x512xf32>
    %dot_general3A_45 = tpu.matmul %convert_element_type3A_37, %sub3A_41, %dot_general3A_44 {dimension_numbers = #tpu.dot_dimension_numbers<[0], [0], [1], [1], [0, 1, 1, 1], [], []>, transpose_lhs_hint = false} : vector<512x1xf32>, vector<512x512xf32>, vector<1x512xf32> -> vector<1x512xf32>
    %add3A_46 = arith.addf %dot_general3A_43, %dot_general3A_45 : vector<1x512xf32>
    %dot_general3A_47 = arith.constant dense<0.000000e+00> : vector<1x512xf32>
    %dot_general3A_48 = tpu.matmul %sub3A_38, %convert_element_type3A_40, %dot_general3A_47 {dimension_numbers = #tpu.dot_dimension_numbers<[0], [0], [1], [1], [0, 1, 1, 1], [], []>, transpose_lhs_hint = false} : vector<512x1xf32>, vector<512x512xf32>, vector<1x512xf32> -> vector<1x512xf32>
    %add3A_49 = arith.addf %add3A_46, %dot_general3A_48 : vector<1x512xf32>
    %slice3A_50 = vector.extract_strided_slice %get3A_12 {offsets = [0, 2], sizes = [512, 1], strides = [1, 1]} : vector<512x8xf32> to vector<512x1xf32>
    %get3A_51 = arith.constant 0 : index
    %get3A_52 = arith.constant 2 : index
    %get3A_53 = arith.constant 0 : index
    %get3A_54 = vector.load %arg2[%get3A_51, %get3A_52, %get3A_53] : memref<512x8x512xf32, #tpu.memory_space<vmem>>, vector<512x1x512xf32>
    %get3A_55 = vector.shape_cast %get3A_54 : vector<512x1x512xf32> to vector<512x512xf32>
    %convert_element_type3A_56 = arith.truncf %slice3A_50 : vector<512x1xf32> to vector<512x1xbf16>
    %convert_element_type3A_57 = arith.extf %convert_element_type3A_56 : vector<512x1xbf16> to vector<512x1xf32>
    %sub3A_58 = arith.subf %slice3A_50, %convert_element_type3A_57 : vector<512x1xf32>
    %convert_element_type3A_59 = arith.truncf %get3A_55 : vector<512x512xf32> to vector<512x512xbf16>
    %convert_element_type3A_60 = arith.extf %convert_element_type3A_59 : vector<512x512xbf16> to vector<512x512xf32>
    %sub3A_61 = arith.subf %get3A_55, %convert_element_type3A_60 : vector<512x512xf32>
    %dot_general3A_62 = arith.constant dense<0.000000e+00> : vector<1x512xf32>
    %dot_general3A_63 = tpu.matmul %convert_element_type3A_57, %convert_element_type3A_60, %dot_general3A_62 {dimension_numbers = #tpu.dot_dimension_numbers<[0], [0], [1], [1], [0, 1, 1, 1], [], []>, transpose_lhs_hint = false} : vector<512x1xf32>, vector<512x512xf32>, vector<1x512xf32> -> vector<1x512xf32>
    %dot_general3A_64 = arith.constant dense<0.000000e+00> : vector<1x512xf32>
    %dot_general3A_65 = tpu.matmul %convert_element_type3A_57, %sub3A_61, %dot_general3A_64 {dimension_numbers = #tpu.dot_dimension_numbers<[0], [0], [1], [1], [0, 1, 1, 1], [], []>, transpose_lhs_hint = false} : vector<512x1xf32>, vector<512x512xf32>, vector<1x512xf32> -> vector<1x512xf32>
    %add3A_66 = arith.addf %dot_general3A_63, %dot_general3A_65 : vector<1x512xf32>
    %dot_general3A_67 = arith.constant dense<0.000000e+00> : vector<1x512xf32>
    %dot_general3A_68 = tpu.matmul %sub3A_58, %convert_element_type3A_60, %dot_general3A_67 {dimension_numbers = #tpu.dot_dimension_numbers<[0], [0], [1], [1], [0, 1, 1, 1], [], []>, transpose_lhs_hint = false} : vector<512x1xf32>, vector<512x512xf32>, vector<1x512xf32> -> vector<1x512xf32>
    %add3A_69 = arith.addf %add3A_66, %dot_general3A_68 : vector<1x512xf32>
    %slice3A_70 = vector.extract_strided_slice %get3A_12 {offsets = [0, 3], sizes = [512, 1], strides = [1, 1]} : vector<512x8xf32> to vector<512x1xf32>
    %get3A_71 = arith.constant 0 : index
    %get3A_72 = arith.constant 3 : index
    %get3A_73 = arith.constant 0 : index
    %get3A_74 = vector.load %arg2[%get3A_71, %get3A_72, %get3A_73] : memref<512x8x512xf32, #tpu.memory_space<vmem>>, vector<512x1x512xf32>
    %get3A_75 = vector.shape_cast %get3A_74 : vector<512x1x512xf32> to vector<512x512xf32>
    %convert_element_type3A_76 = arith.truncf %slice3A_70 : vector<512x1xf32> to vector<512x1xbf16>
    %convert_element_type3A_77 = arith.extf %convert_element_type3A_76 : vector<512x1xbf16> to vector<512x1xf32>
    %sub3A_78 = arith.subf %slice3A_70, %convert_element_type3A_77 : vector<512x1xf32>
    %convert_element_type3A_79 = arith.truncf %get3A_75 : vector<512x512xf32> to vector<512x512xbf16>
    %convert_element_type3A_80 = arith.extf %convert_element_type3A_79 : vector<512x512xbf16> to vector<512x512xf32>
    %sub3A_81 = arith.subf %get3A_75, %convert_element_type3A_80 : vector<512x512xf32>
    %dot_general3A_82 = arith.constant dense<0.000000e+00> : vector<1x512xf32>
    %dot_general3A_83 = tpu.matmul %convert_element_type3A_77, %convert_element_type3A_80, %dot_general3A_82 {dimension_numbers = #tpu.dot_dimension_numbers<[0], [0], [1], [1], [0, 1, 1, 1], [], []>, transpose_lhs_hint = false} : vector<512x1xf32>, vector<512x512xf32>, vector<1x512xf32> -> vector<1x512xf32>
    %dot_general3A_84 = arith.constant dense<0.000000e+00> : vector<1x512xf32>
    %dot_general3A_85 = tpu.matmul %convert_element_type3A_77, %sub3A_81, %dot_general3A_84 {dimension_numbers = #tpu.dot_dimension_numbers<[0], [0], [1], [1], [0, 1, 1, 1], [], []>, transpose_lhs_hint = false} : vector<512x1xf32>, vector<512x512xf32>, vector<1x512xf32> -> vector<1x512xf32>
    %add3A_86 = arith.addf %dot_general3A_83, %dot_general3A_85 : vector<1x512xf32>
    %dot_general3A_87 = arith.constant dense<0.000000e+00> : vector<1x512xf32>
    %dot_general3A_88 = tpu.matmul %sub3A_78, %convert_element_type3A_80, %dot_general3A_87 {dimension_numbers = #tpu.dot_dimension_numbers<[0], [0], [1], [1], [0, 1, 1, 1], [], []>, transpose_lhs_hint = false} : vector<512x1xf32>, vector<512x512xf32>, vector<1x512xf32> -> vector<1x512xf32>
    %add3A_89 = arith.addf %add3A_86, %dot_general3A_88 : vector<1x512xf32>
    %slice3A_90 = vector.extract_strided_slice %get3A_12 {offsets = [0, 4], sizes = [512, 1], strides = [1, 1]} : vector<512x8xf32> to vector<512x1xf32>
    %get3A_91 = arith.constant 0 : index
    %get3A_92 = arith.constant 4 : index
    %get3A_93 = arith.constant 0 : index
    %get3A_94 = vector.load %arg2[%get3A_91, %get3A_92, %get3A_93] : memref<512x8x512xf32, #tpu.memory_space<vmem>>, vector<512x1x512xf32>
    %get3A_95 = vector.shape_cast %get3A_94 : vector<512x1x512xf32> to vector<512x512xf32>
    %convert_element_type3A_96 = arith.truncf %slice3A_90 : vector<512x1xf32> to vector<512x1xbf16>
    %convert_element_type3A_97 = arith.extf %convert_element_type3A_96 : vector<512x1xbf16> to vector<512x1xf32>
    %sub3A_98 = arith.subf %slice3A_90, %convert_element_type3A_97 : vector<512x1xf32>
    %convert_element_type3A_99 = arith.truncf %get3A_95 : vector<512x512xf32> to vector<512x512xbf16>
    %convert_element_type3A_100 = arith.extf %convert_element_type3A_99 : vector<512x512xbf16> to vector<512x512xf32>
    %sub3A_101 = arith.subf %get3A_95, %convert_element_type3A_100 : vector<512x512xf32>
    %dot_general3A_102 = arith.constant dense<0.000000e+00> : vector<1x512xf32>
    %dot_general3A_103 = tpu.matmul %convert_element_type3A_97, %convert_element_type3A_100, %dot_general3A_102 {dimension_numbers = #tpu.dot_dimension_numbers<[0], [0], [1], [1], [0, 1, 1, 1], [], []>, transpose_lhs_hint = false} : vector<512x1xf32>, vector<512x512xf32>, vector<1x512xf32> -> vector<1x512xf32>
    %dot_general3A_104 = arith.constant dense<0.000000e+00> : vector<1x512xf32>
    %dot_general3A_105 = tpu.matmul %convert_element_type3A_97, %sub3A_101, %dot_general3A_104 {dimension_numbers = #tpu.dot_dimension_numbers<[0], [0], [1], [1], [0, 1, 1, 1], [], []>, transpose_lhs_hint = false} : vector<512x1xf32>, vector<512x512xf32>, vector<1x512xf32> -> vector<1x512xf32>
    %add3A_106 = arith.addf %dot_general3A_103, %dot_general3A_105 : vector<1x512xf32>
    %dot_general3A_107 = arith.constant dense<0.000000e+00> : vector<1x512xf32>
    %dot_general3A_108 = tpu.matmul %sub3A_98, %convert_element_type3A_100, %dot_general3A_107 {dimension_numbers = #tpu.dot_dimension_numbers<[0], [0], [1], [1], [0, 1, 1, 1], [], []>, transpose_lhs_hint = false} : vector<512x1xf32>, vector<512x512xf32>, vector<1x512xf32> -> vector<1x512xf32>
    %add3A_109 = arith.addf %add3A_106, %dot_general3A_108 : vector<1x512xf32>
    %slice3A_110 = vector.extract_strided_slice %get3A_12 {offsets = [0, 5], sizes = [512, 1], strides = [1, 1]} : vector<512x8xf32> to vector<512x1xf32>
    %get3A_111 = arith.constant 0 : index
    %get3A_112 = arith.constant 5 : index
    %get3A_113 = arith.constant 0 : index
    %get3A_114 = vector.load %arg2[%get3A_111, %get3A_112, %get3A_113] : memref<512x8x512xf32, #tpu.memory_space<vmem>>, vector<512x1x512xf32>
    %get3A_115 = vector.shape_cast %get3A_114 : vector<512x1x512xf32> to vector<512x512xf32>
    %convert_element_type3A_116 = arith.truncf %slice3A_110 : vector<512x1xf32> to vector<512x1xbf16>
    %convert_element_type3A_117 = arith.extf %convert_element_type3A_116 : vector<512x1xbf16> to vector<512x1xf32>
    %sub3A_118 = arith.subf %slice3A_110, %convert_element_type3A_117 : vector<512x1xf32>
    %convert_element_type3A_119 = arith.truncf %get3A_115 : vector<512x512xf32> to vector<512x512xbf16>
    %convert_element_type3A_120 = arith.extf %convert_element_type3A_119 : vector<512x512xbf16> to vector<512x512xf32>
    %sub3A_121 = arith.subf %get3A_115, %convert_element_type3A_120 : vector<512x512xf32>
    %dot_general3A_122 = arith.constant dense<0.000000e+00> : vector<1x512xf32>
    %dot_general3A_123 = tpu.matmul %convert_element_type3A_117, %convert_element_type3A_120, %dot_general3A_122 {dimension_numbers = #tpu.dot_dimension_numbers<[0], [0], [1], [1], [0, 1, 1, 1], [], []>, transpose_lhs_hint = false} : vector<512x1xf32>, vector<512x512xf32>, vector<1x512xf32> -> vector<1x512xf32>
    %dot_general3A_124 = arith.constant dense<0.000000e+00> : vector<1x512xf32>
    %dot_general3A_125 = tpu.matmul %convert_element_type3A_117, %sub3A_121, %dot_general3A_124 {dimension_numbers = #tpu.dot_dimension_numbers<[0], [0], [1], [1], [0, 1, 1, 1], [], []>, transpose_lhs_hint = false} : vector<512x1xf32>, vector<512x512xf32>, vector<1x512xf32> -> vector<1x512xf32>
    %add3A_126 = arith.addf %dot_general3A_123, %dot_general3A_125 : vector<1x512xf32>
    %dot_general3A_127 = arith.constant dense<0.000000e+00> : vector<1x512xf32>
    %dot_general3A_128 = tpu.matmul %sub3A_118, %convert_element_type3A_120, %dot_general3A_127 {dimension_numbers = #tpu.dot_dimension_numbers<[0], [0], [1], [1], [0, 1, 1, 1], [], []>, transpose_lhs_hint = false} : vector<512x1xf32>, vector<512x512xf32>, vector<1x512xf32> -> vector<1x512xf32>
    %add3A_129 = arith.addf %add3A_126, %dot_general3A_128 : vector<1x512xf32>
    %slice3A_130 = vector.extract_strided_slice %get3A_12 {offsets = [0, 6], sizes = [512, 1], strides = [1, 1]} : vector<512x8xf32> to vector<512x1xf32>
    %get3A_131 = arith.constant 0 : index
    %get3A_132 = arith.constant 6 : index
    %get3A_133 = arith.constant 0 : index
    %get3A_134 = vector.load %arg2[%get3A_131, %get3A_132, %get3A_133] : memref<512x8x512xf32, #tpu.memory_space<vmem>>, vector<512x1x512xf32>
    %get3A_135 = vector.shape_cast %get3A_134 : vector<512x1x512xf32> to vector<512x512xf32>
    %convert_element_type3A_136 = arith.truncf %slice3A_130 : vector<512x1xf32> to vector<512x1xbf16>
    %convert_element_type3A_137 = arith.extf %convert_element_type3A_136 : vector<512x1xbf16> to vector<512x1xf32>
    %sub3A_138 = arith.subf %slice3A_130, %convert_element_type3A_137 : vector<512x1xf32>
    %convert_element_type3A_139 = arith.truncf %get3A_135 : vector<512x512xf32> to vector<512x512xbf16>
    %convert_element_type3A_140 = arith.extf %convert_element_type3A_139 : vector<512x512xbf16> to vector<512x512xf32>
    %sub3A_141 = arith.subf %get3A_135, %convert_element_type3A_140 : vector<512x512xf32>
    %dot_general3A_142 = arith.constant dense<0.000000e+00> : vector<1x512xf32>
    %dot_general3A_143 = tpu.matmul %convert_element_type3A_137, %convert_element_type3A_140, %dot_general3A_142 {dimension_numbers = #tpu.dot_dimension_numbers<[0], [0], [1], [1], [0, 1, 1, 1], [], []>, transpose_lhs_hint = false} : vector<512x1xf32>, vector<512x512xf32>, vector<1x512xf32> -> vector<1x512xf32>
    %dot_general3A_144 = arith.constant dense<0.000000e+00> : vector<1x512xf32>
    %dot_general3A_145 = tpu.matmul %convert_element_type3A_137, %sub3A_141, %dot_general3A_144 {dimension_numbers = #tpu.dot_dimension_numbers<[0], [0], [1], [1], [0, 1, 1, 1], [], []>, transpose_lhs_hint = false} : vector<512x1xf32>, vector<512x512xf32>, vector<1x512xf32> -> vector<1x512xf32>
    %add3A_146 = arith.addf %dot_general3A_143, %dot_general3A_145 : vector<1x512xf32>
    %dot_general3A_147 = arith.constant dense<0.000000e+00> : vector<1x512xf32>
    %dot_general3A_148 = tpu.matmul %sub3A_138, %convert_element_type3A_140, %dot_general3A_147 {dimension_numbers = #tpu.dot_dimension_numbers<[0], [0], [1], [1], [0, 1, 1, 1], [], []>, transpose_lhs_hint = false} : vector<512x1xf32>, vector<512x512xf32>, vector<1x512xf32> -> vector<1x512xf32>
    %add3A_149 = arith.addf %add3A_146, %dot_general3A_148 : vector<1x512xf32>
    %slice3A_150 = vector.extract_strided_slice %get3A_12 {offsets = [0, 7], sizes = [512, 1], strides = [1, 1]} : vector<512x8xf32> to vector<512x1xf32>
    %get3A_151 = arith.constant 0 : index
    %get3A_152 = arith.constant 7 : index
    %get3A_153 = arith.constant 0 : index
    %get3A_154 = vector.load %arg2[%get3A_151, %get3A_152, %get3A_153] : memref<512x8x512xf32, #tpu.memory_space<vmem>>, vector<512x1x512xf32>
    %get3A_155 = vector.shape_cast %get3A_154 : vector<512x1x512xf32> to vector<512x512xf32>
    %convert_element_type3A_156 = arith.truncf %slice3A_150 : vector<512x1xf32> to vector<512x1xbf16>
    %convert_element_type3A_157 = arith.extf %convert_element_type3A_156 : vector<512x1xbf16> to vector<512x1xf32>
    %sub3A_158 = arith.subf %slice3A_150, %convert_element_type3A_157 : vector<512x1xf32>
    %convert_element_type3A_159 = arith.truncf %get3A_155 : vector<512x512xf32> to vector<512x512xbf16>
    %convert_element_type3A_160 = arith.extf %convert_element_type3A_159 : vector<512x512xbf16> to vector<512x512xf32>
    %sub3A_161 = arith.subf %get3A_155, %convert_element_type3A_160 : vector<512x512xf32>
    %dot_general3A_162 = arith.constant dense<0.000000e+00> : vector<1x512xf32>
    %dot_general3A_163 = tpu.matmul %convert_element_type3A_157, %convert_element_type3A_160, %dot_general3A_162 {dimension_numbers = #tpu.dot_dimension_numbers<[0], [0], [1], [1], [0, 1, 1, 1], [], []>, transpose_lhs_hint = false} : vector<512x1xf32>, vector<512x512xf32>, vector<1x512xf32> -> vector<1x512xf32>
    %dot_general3A_164 = arith.constant dense<0.000000e+00> : vector<1x512xf32>
    %dot_general3A_165 = tpu.matmul %convert_element_type3A_157, %sub3A_161, %dot_general3A_164 {dimension_numbers = #tpu.dot_dimension_numbers<[0], [0], [1], [1], [0, 1, 1, 1], [], []>, transpose_lhs_hint = false} : vector<512x1xf32>, vector<512x512xf32>, vector<1x512xf32> -> vector<1x512xf32>
    %add3A_166 = arith.addf %dot_general3A_163, %dot_general3A_165 : vector<1x512xf32>
    %dot_general3A_167 = arith.constant dense<0.000000e+00> : vector<1x512xf32>
    %dot_general3A_168 = tpu.matmul %sub3A_158, %convert_element_type3A_160, %dot_general3A_167 {dimension_numbers = #tpu.dot_dimension_numbers<[0], [0], [1], [1], [0, 1, 1, 1], [], []>, transpose_lhs_hint = false} : vector<512x1xf32>, vector<512x512xf32>, vector<1x512xf32> -> vector<1x512xf32>
    %add3A_169 = arith.addf %add3A_166, %dot_general3A_168 : vector<1x512xf32>
    %get3A_170 = arith.constant 0 : index
    %get3A_171 = arith.constant 0 : index
    %get3A_172 = arith.constant 0 : index
    %get3A_173 = vector.load %arg4[%get3A_170, %get3A_171, %get3A_172] : memref<1x8x512xf32, #tpu.memory_space<vmem>>, vector<1x8x512xf32>
    %get3A_174 = vector.shape_cast %get3A_173 : vector<1x8x512xf32> to vector<8x512xf32>
    %concatenate3A = tpu.concatenate %add3A_29, %add3A_49, %add3A_69, %add3A_89, %add3A_109, %add3A_129, %add3A_149, %add3A_169 in 0 : vector<1x512xf32>, vector<1x512xf32>, vector<1x512xf32>, vector<1x512xf32>, vector<1x512xf32>, vector<1x512xf32>, vector<1x512xf32>, vector<1x512xf32> -> vector<8x512xf32>
    %add3A_175 = arith.addf %get3A_174, %concatenate3A : vector<8x512xf32>
    %swap3A = arith.constant 0 : index
    %swap3A_176 = arith.constant 0 : index
    %swap3A_177 = arith.constant 0 : index
    %swap3A_178 = vector.load %arg4[%swap3A, %swap3A_176, %swap3A_177] : memref<1x8x512xf32, #tpu.memory_space<vmem>>, vector<1x8x512xf32>
    %swap3A_179 = vector.shape_cast %swap3A_178 : vector<1x8x512xf32> to vector<8x512xf32>
    %swap3A_180 = vector.shape_cast %add3A_175 : vector<8x512xf32> to vector<1x8x512xf32>
    tpu.vector_store %arg4[%swap3A, %swap3A_176, %swap3A_177], %swap3A_180 {strides = array<i32>} : memref<1x8x512xf32, #tpu.memory_space<vmem>>, vector<1x8x512xf32>,
    return
  }
  func.func @transform_0(%arg0: i32) -> (i32, i32) {
    %c0_i32 = arith.constant 0 : i32
    %c0_i32_0 = arith.constant 0 : i32
    return %arg0, %c0_i32 : i32, i32
  }
  func.func @transform_1(%arg0: i32) -> (i32, i32, i32) {
    %c0_i32 = arith.constant 0 : i32
    %c0_i32_0 = arith.constant 0 : i32
    %c0_i32_1 = arith.constant 0 : i32
    return %arg0, %c0_i32, %c0_i32_0 : i32, i32, i32
  }
  func.func @transform_2(%arg0: i32) -> (i32, i32) {
    %c0_i32 = arith.constant 0 : i32
    %c0_i32_0 = arith.constant 0 : i32
    %c0_i32_1 = arith.constant 0 : i32
    return %c0_i32, %c0_i32_0 : i32, i32
  }
  func.func @transform_3(%arg0: i32) -> (i32, i32, i32) {
    %jit3A = arith.constant 4 : i32
    %div3A = arith.divsi %arg0, %jit3A : i32
    %sign3A = arith.constant 0 : i32
    %sign3A_0 = arith.cmpi sgt, %arg0, %sign3A : i32
    %sign3A_1 = arith.extui %sign3A_0 : i1 to i32
    %sign3A_2 = arith.constant 0 : i32
    %sign3A_3 = arith.cmpi slt, %arg0, %sign3A_2 : i32
    %sign3A_4 = arith.extui %sign3A_3 : i1 to i32
    %sign3A_5 = arith.subi %sign3A_1, %sign3A_4 : i32
    %sign3A_6 = arith.constant 0 : i32
    %sign3A_7 = arith.cmpi sgt, %jit3A, %sign3A_6 : i32
    %sign3A_8 = arith.extui %sign3A_7 : i1 to i32
    %sign3A_9 = arith.constant 0 : i32
    %sign3A_10 = arith.cmpi slt, %jit3A, %sign3A_9 : i32
    %sign3A_11 = arith.extui %sign3A_10 : i1 to i32
    %sign3A_12 = arith.subi %sign3A_8, %sign3A_11 : i32
    %ne3A = arith.cmpi ne, %sign3A_5, %sign3A_12 : i32
    %rem3A = arith.remsi %arg0, %jit3A : i32
    %ne3A_13 = arith.constant 0 : i32
    %ne3A_14 = arith.cmpi ne, %rem3A, %ne3A_13 : i32
    %and3A = arith.andi %ne3A, %ne3A_14 : i1
    %sub3A = arith.constant 1 : i32
    %sub3A_15 = arith.subi %div3A, %sub3A : i32
    %select_n3A = arith.select %and3A, %sub3A_15, %div3A : i32
    %c0_i32 = arith.constant 0 : i32
    %c0_i32_16 = arith.constant 0 : i32
    %c0_i32_17 = arith.constant 0 : i32
    return %select_n3A, %c0_i32, %c0_i32_16 : i32, i32, i32
  }
}

module attributes {stable_mosaic.version = 14 : i64} {
  func.func @_prologue_body(%arg0: i32, %arg1: memref<2048x2048xf32, #tpu.memory_space<vmem>>, %arg2: memref<1x2048xf32, #tpu.memory_space<vmem>>, %arg3: memref<512x2048xf32, #tpu.memory_space<vmem>>, %arg4: memref<512x8xf32, #tpu.memory_space<vmem>>, %arg5: memref<1x1xf32, #tpu.memory_space<vmem>>, %arg6: memref<1x2048xf32, #tpu.memory_space<vmem>>) attributes {dimension_semantics = [#tpu.dimension_semantics<arbitrary>], iteration_bounds = array<i64: 8>, scalar_prefetch = 0 : i64, scratch_operands = 0 : i64, tpu.core_type = #tpu.core_type<tc>, window_params = [{pipeline_mode = #tpu.pipeline_mode<synchronous>, transform_indices = @transform_0, window_bounds = array<i64: 2048, 2048>}, {pipeline_mode = #tpu.pipeline_mode<synchronous>, transform_indices = @transform_1, window_bounds = array<i64: 1, 2048>}, {transform_indices = @transform_2, window_bounds = array<i64: 512, 2048>}, {transform_indices = @transform_3, window_bounds = array<i64: 512, 8>}, {pipeline_mode = #tpu.pipeline_mode<synchronous>, transform_indices = @transform_4, window_bounds = array<i64: 1, 1>}, {pipeline_mode = #tpu.pipeline_mode<synchronous>, transform_indices = @transform_5, window_bounds = array<i64: 1, 2048>}]} {
    %eq3A = arith.constant 0 : i32
    %eq3A_0 = arith.cmpi eq, %arg0, %eq3A : i32
    %convert_element_type3A = arith.extui %eq3A_0 : i1 to i32
    %cond3A = arith.constant 0 : i32
    %cond3A_1 = arith.cmpi ne, %convert_element_type3A, %cond3A : i32
    scf.if %cond3A_1 {
      %iota3A_43 = tpu.iota {dimensions = array<i32: 0>} : vector<2048x256xi32>
      %iota3A_44 = tpu.iota {dimensions = array<i32: 1>} : vector<2048x256xi32>
      %jit3A_45 = arith.constant 256 : i32
      %eq3A_46 = arith.constant 0 : i32
      %eq3A_47 = arith.cmpi eq, %jit3A_45, %eq3A_46 : i32
      %jit3A_48 = arith.constant 1 : i32
      %select_n3A_49 = arith.select %eq3A_47, %jit3A_48, %jit3A_45 : i32
      %rem3A_50 = vector.broadcast %select_n3A_49 : i32 to vector<2048x256xi32>
      %rem3A_51 = arith.remsi %iota3A_43, %rem3A_50 : vector<2048x256xi32>
      %ne3A_52 = arith.constant 0 : i32
      %ne3A_53 = vector.broadcast %ne3A_52 : i32 to vector<2048x256xi32>
      %ne3A_54 = arith.cmpi ne, %rem3A_51, %ne3A_53 : vector<2048x256xi32>
      %lt3A = arith.constant 0 : i32
      %lt3A_55 = vector.broadcast %lt3A : i32 to vector<2048x256xi32>
      %lt3A_56 = arith.cmpi slt, %rem3A_51, %lt3A_55 : vector<2048x256xi32>
      %lt3A_57 = arith.constant 0 : i32
      %lt3A_58 = arith.cmpi slt, %select_n3A_49, %lt3A_57 : i32
      %ne3A_59 = vector.broadcast %lt3A_58 : i1 to vector<2048x256xi1>
      %ne3A_60 = vector.broadcast %ne3A_59 : vector<2048x256xi1> to vector<2048x256xi1>
      %ne3A_61 = arith.xori %lt3A_56, %ne3A_60 : vector<2048x256xi1>
      %and3A_62 = arith.andi %ne3A_61, %ne3A_54 : vector<2048x256xi1>
      %add3A_63 = vector.broadcast %select_n3A_49 : i32 to vector<2048x256xi32>
      %add3A_64 = arith.addi %rem3A_51, %add3A_63 : vector<2048x256xi32>
      %select_n3A_65 = arith.select %and3A_62, %add3A_64, %rem3A_51 : vector<2048x256xi1>, vector<2048x256xi32>
      %eq3A_66 = arith.cmpi eq, %select_n3A_65, %iota3A_44 : vector<2048x256xi32>
      %convert_element_type3A_67 = arith.extui %eq3A_66 : vector<2048x256xi1> to vector<2048x256xi32>
      %convert_element_type3A_68 = arith.sitofp %convert_element_type3A_67 : vector<2048x256xi32> to vector<2048x256xf32>
      %broadcast_in_dim3A = arith.constant 1.000000e+00 : f32
      %broadcast_in_dim3A_69 = vector.broadcast %broadcast_in_dim3A : f32 to vector<1x256xf32>
      %get3A_70 = arith.constant 0 : index
      %get3A_71 = arith.constant 0 : index
      %get3A_72 = vector.load %arg1[%get3A_70, %get3A_71] : memref<2048x2048xf32, #tpu.memory_space<vmem>>, vector<256x2048xf32>
      %convert_element_type3A_73 = arith.truncf %get3A_72 : vector<256x2048xf32> to vector<256x2048xbf16>
      %convert_element_type3A_74 = arith.extf %convert_element_type3A_73 : vector<256x2048xbf16> to vector<256x2048xf32>
      %sub3A_75 = arith.subf %get3A_72, %convert_element_type3A_74 : vector<256x2048xf32>
      %dot_general3A_76 = arith.constant dense<0.000000e+00> : vector<1x2048xf32>
      %dot_general3A_77 = tpu.matmul %broadcast_in_dim3A_69, %convert_element_type3A_74, %dot_general3A_76 {dimension_numbers = #tpu.dot_dimension_numbers<[1], [0], [0], [1], [0, 0, 1, 1], [], []>, transpose_lhs_hint = false} : vector<1x256xf32>, vector<256x2048xf32>, vector<1x2048xf32> -> vector<1x2048xf32>
      %dot_general3A_78 = arith.constant dense<0.000000e+00> : vector<1x2048xf32>
      %dot_general3A_79 = tpu.matmul %broadcast_in_dim3A_69, %sub3A_75, %dot_general3A_78 {dimension_numbers = #tpu.dot_dimension_numbers<[1], [0], [0], [1], [0, 0, 1, 1], [], []>, transpose_lhs_hint = false} : vector<1x256xf32>, vector<256x2048xf32>, vector<1x2048xf32> -> vector<1x2048xf32>
      %add3A_80 = arith.addf %dot_general3A_77, %dot_general3A_79 : vector<1x2048xf32>
      %convert_element_type3A_81 = arith.truncf %add3A_80 : vector<1x2048xf32> to vector<1x2048xbf16>
      %convert_element_type3A_82 = arith.extf %convert_element_type3A_81 : vector<1x2048xbf16> to vector<1x2048xf32>
      %sub3A_83 = arith.subf %add3A_80, %convert_element_type3A_82 : vector<1x2048xf32>
      %dot_general3A_84 = arith.constant dense<0.000000e+00> : vector<1x256xf32>
      %dot_general3A_85 = tpu.matmul %convert_element_type3A_82, %convert_element_type3A_68, %dot_general3A_84 {dimension_numbers = #tpu.dot_dimension_numbers<[1], [0], [0], [1], [0, 0, 1, 1], [], []>, transpose_lhs_hint = false} : vector<1x2048xf32>, vector<2048x256xf32>, vector<1x256xf32> -> vector<1x256xf32>
      %dot_general3A_86 = arith.constant dense<0.000000e+00> : vector<1x256xf32>
      %dot_general3A_87 = tpu.matmul %sub3A_83, %convert_element_type3A_68, %dot_general3A_86 {dimension_numbers = #tpu.dot_dimension_numbers<[1], [0], [0], [1], [0, 0, 1, 1], [], []>, transpose_lhs_hint = false} : vector<1x2048xf32>, vector<2048x256xf32>, vector<1x256xf32> -> vector<1x256xf32>
      %add3A_88 = arith.addf %dot_general3A_85, %dot_general3A_87 : vector<1x256xf32>
      %get3A_89 = arith.constant 256 : index
      %get3A_90 = arith.constant 0 : index
      %get3A_91 = vector.load %arg1[%get3A_89, %get3A_90] : memref<2048x2048xf32, #tpu.memory_space<vmem>>, vector<256x2048xf32>
      %convert_element_type3A_92 = arith.truncf %get3A_91 : vector<256x2048xf32> to vector<256x2048xbf16>
      %convert_element_type3A_93 = arith.extf %convert_element_type3A_92 : vector<256x2048xbf16> to vector<256x2048xf32>
      %sub3A_94 = arith.subf %get3A_91, %convert_element_type3A_93 : vector<256x2048xf32>
      %dot_general3A_95 = arith.constant dense<0.000000e+00> : vector<1x2048xf32>
      %dot_general3A_96 = tpu.matmul %broadcast_in_dim3A_69, %convert_element_type3A_93, %dot_general3A_95 {dimension_numbers = #tpu.dot_dimension_numbers<[1], [0], [0], [1], [0, 0, 1, 1], [], []>, transpose_lhs_hint = false} : vector<1x256xf32>, vector<256x2048xf32>, vector<1x2048xf32> -> vector<1x2048xf32>
      %dot_general3A_97 = arith.constant dense<0.000000e+00> : vector<1x2048xf32>
      %dot_general3A_98 = tpu.matmul %broadcast_in_dim3A_69, %sub3A_94, %dot_general3A_97 {dimension_numbers = #tpu.dot_dimension_numbers<[1], [0], [0], [1], [0, 0, 1, 1], [], []>, transpose_lhs_hint = false} : vector<1x256xf32>, vector<256x2048xf32>, vector<1x2048xf32> -> vector<1x2048xf32>
      %add3A_99 = arith.addf %dot_general3A_96, %dot_general3A_98 : vector<1x2048xf32>
      %convert_element_type3A_100 = arith.truncf %add3A_99 : vector<1x2048xf32> to vector<1x2048xbf16>
      %convert_element_type3A_101 = arith.extf %convert_element_type3A_100 : vector<1x2048xbf16> to vector<1x2048xf32>
      %sub3A_102 = arith.subf %add3A_99, %convert_element_type3A_101 : vector<1x2048xf32>
      %dot_general3A_103 = arith.constant dense<0.000000e+00> : vector<1x256xf32>
      %dot_general3A_104 = tpu.matmul %convert_element_type3A_101, %convert_element_type3A_68, %dot_general3A_103 {dimension_numbers = #tpu.dot_dimension_numbers<[1], [0], [0], [1], [0, 0, 1, 1], [], []>, transpose_lhs_hint = false} : vector<1x2048xf32>, vector<2048x256xf32>, vector<1x256xf32> -> vector<1x256xf32>
      %dot_general3A_105 = arith.constant dense<0.000000e+00> : vector<1x256xf32>
      %dot_general3A_106 = tpu.matmul %sub3A_102, %convert_element_type3A_68, %dot_general3A_105 {dimension_numbers = #tpu.dot_dimension_numbers<[1], [0], [0], [1], [0, 0, 1, 1], [], []>, transpose_lhs_hint = false} : vector<1x2048xf32>, vector<2048x256xf32>, vector<1x256xf32> -> vector<1x256xf32>
      %add3A_107 = arith.addf %dot_general3A_104, %dot_general3A_106 : vector<1x256xf32>
      %get3A_108 = arith.constant 512 : index
      %get3A_109 = arith.constant 0 : index
      %get3A_110 = vector.load %arg1[%get3A_108, %get3A_109] : memref<2048x2048xf32, #tpu.memory_space<vmem>>, vector<256x2048xf32>
      %convert_element_type3A_111 = arith.truncf %get3A_110 : vector<256x2048xf32> to vector<256x2048xbf16>
      %convert_element_type3A_112 = arith.extf %convert_element_type3A_111 : vector<256x2048xbf16> to vector<256x2048xf32>
      %sub3A_113 = arith.subf %get3A_110, %convert_element_type3A_112 : vector<256x2048xf32>
      %dot_general3A_114 = arith.constant dense<0.000000e+00> : vector<1x2048xf32>
      %dot_general3A_115 = tpu.matmul %broadcast_in_dim3A_69, %convert_element_type3A_112, %dot_general3A_114 {dimension_numbers = #tpu.dot_dimension_numbers<[1], [0], [0], [1], [0, 0, 1, 1], [], []>, transpose_lhs_hint = false} : vector<1x256xf32>, vector<256x2048xf32>, vector<1x2048xf32> -> vector<1x2048xf32>
      %dot_general3A_116 = arith.constant dense<0.000000e+00> : vector<1x2048xf32>
      %dot_general3A_117 = tpu.matmul %broadcast_in_dim3A_69, %sub3A_113, %dot_general3A_116 {dimension_numbers = #tpu.dot_dimension_numbers<[1], [0], [0], [1], [0, 0, 1, 1], [], []>, transpose_lhs_hint = false} : vector<1x256xf32>, vector<256x2048xf32>, vector<1x2048xf32> -> vector<1x2048xf32>
      %add3A_118 = arith.addf %dot_general3A_115, %dot_general3A_117 : vector<1x2048xf32>
      %convert_element_type3A_119 = arith.truncf %add3A_118 : vector<1x2048xf32> to vector<1x2048xbf16>
      %convert_element_type3A_120 = arith.extf %convert_element_type3A_119 : vector<1x2048xbf16> to vector<1x2048xf32>
      %sub3A_121 = arith.subf %add3A_118, %convert_element_type3A_120 : vector<1x2048xf32>
      %dot_general3A_122 = arith.constant dense<0.000000e+00> : vector<1x256xf32>
      %dot_general3A_123 = tpu.matmul %convert_element_type3A_120, %convert_element_type3A_68, %dot_general3A_122 {dimension_numbers = #tpu.dot_dimension_numbers<[1], [0], [0], [1], [0, 0, 1, 1], [], []>, transpose_lhs_hint = false} : vector<1x2048xf32>, vector<2048x256xf32>, vector<1x256xf32> -> vector<1x256xf32>
      %dot_general3A_124 = arith.constant dense<0.000000e+00> : vector<1x256xf32>
      %dot_general3A_125 = tpu.matmul %sub3A_121, %convert_element_type3A_68, %dot_general3A_124 {dimension_numbers = #tpu.dot_dimension_numbers<[1], [0], [0], [1], [0, 0, 1, 1], [], []>, transpose_lhs_hint = false} : vector<1x2048xf32>, vector<2048x256xf32>, vector<1x256xf32> -> vector<1x256xf32>
      %add3A_126 = arith.addf %dot_general3A_123, %dot_general3A_125 : vector<1x256xf32>
      %get3A_127 = arith.constant 768 : index
      %get3A_128 = arith.constant 0 : index
      %get3A_129 = vector.load %arg1[%get3A_127, %get3A_128] : memref<2048x2048xf32, #tpu.memory_space<vmem>>, vector<256x2048xf32>
      %convert_element_type3A_130 = arith.truncf %get3A_129 : vector<256x2048xf32> to vector<256x2048xbf16>
      %convert_element_type3A_131 = arith.extf %convert_element_type3A_130 : vector<256x2048xbf16> to vector<256x2048xf32>
      %sub3A_132 = arith.subf %get3A_129, %convert_element_type3A_131 : vector<256x2048xf32>
      %dot_general3A_133 = arith.constant dense<0.000000e+00> : vector<1x2048xf32>
      %dot_general3A_134 = tpu.matmul %broadcast_in_dim3A_69, %convert_element_type3A_131, %dot_general3A_133 {dimension_numbers = #tpu.dot_dimension_numbers<[1], [0], [0], [1], [0, 0, 1, 1], [], []>, transpose_lhs_hint = false} : vector<1x256xf32>, vector<256x2048xf32>, vector<1x2048xf32> -> vector<1x2048xf32>
      %dot_general3A_135 = arith.constant dense<0.000000e+00> : vector<1x2048xf32>
      %dot_general3A_136 = tpu.matmul %broadcast_in_dim3A_69, %sub3A_132, %dot_general3A_135 {dimension_numbers = #tpu.dot_dimension_numbers<[1], [0], [0], [1], [0, 0, 1, 1], [], []>, transpose_lhs_hint = false} : vector<1x256xf32>, vector<256x2048xf32>, vector<1x2048xf32> -> vector<1x2048xf32>
      %add3A_137 = arith.addf %dot_general3A_134, %dot_general3A_136 : vector<1x2048xf32>
      %convert_element_type3A_138 = arith.truncf %add3A_137 : vector<1x2048xf32> to vector<1x2048xbf16>
      %convert_element_type3A_139 = arith.extf %convert_element_type3A_138 : vector<1x2048xbf16> to vector<1x2048xf32>
      %sub3A_140 = arith.subf %add3A_137, %convert_element_type3A_139 : vector<1x2048xf32>
      %dot_general3A_141 = arith.constant dense<0.000000e+00> : vector<1x256xf32>
      %dot_general3A_142 = tpu.matmul %convert_element_type3A_139, %convert_element_type3A_68, %dot_general3A_141 {dimension_numbers = #tpu.dot_dimension_numbers<[1], [0], [0], [1], [0, 0, 1, 1], [], []>, transpose_lhs_hint = false} : vector<1x2048xf32>, vector<2048x256xf32>, vector<1x256xf32> -> vector<1x256xf32>
      %dot_general3A_143 = arith.constant dense<0.000000e+00> : vector<1x256xf32>
      %dot_general3A_144 = tpu.matmul %sub3A_140, %convert_element_type3A_68, %dot_general3A_143 {dimension_numbers = #tpu.dot_dimension_numbers<[1], [0], [0], [1], [0, 0, 1, 1], [], []>, transpose_lhs_hint = false} : vector<1x2048xf32>, vector<2048x256xf32>, vector<1x256xf32> -> vector<1x256xf32>
      %add3A_145 = arith.addf %dot_general3A_142, %dot_general3A_144 : vector<1x256xf32>
      %get3A_146 = arith.constant 1024 : index
      %get3A_147 = arith.constant 0 : index
      %get3A_148 = vector.load %arg1[%get3A_146, %get3A_147] : memref<2048x2048xf32, #tpu.memory_space<vmem>>, vector<256x2048xf32>
      %convert_element_type3A_149 = arith.truncf %get3A_148 : vector<256x2048xf32> to vector<256x2048xbf16>
      %convert_element_type3A_150 = arith.extf %convert_element_type3A_149 : vector<256x2048xbf16> to vector<256x2048xf32>
      %sub3A_151 = arith.subf %get3A_148, %convert_element_type3A_150 : vector<256x2048xf32>
      %dot_general3A_152 = arith.constant dense<0.000000e+00> : vector<1x2048xf32>
      %dot_general3A_153 = tpu.matmul %broadcast_in_dim3A_69, %convert_element_type3A_150, %dot_general3A_152 {dimension_numbers = #tpu.dot_dimension_numbers<[1], [0], [0], [1], [0, 0, 1, 1], [], []>, transpose_lhs_hint = false} : vector<1x256xf32>, vector<256x2048xf32>, vector<1x2048xf32> -> vector<1x2048xf32>
      %dot_general3A_154 = arith.constant dense<0.000000e+00> : vector<1x2048xf32>
      %dot_general3A_155 = tpu.matmul %broadcast_in_dim3A_69, %sub3A_151, %dot_general3A_154 {dimension_numbers = #tpu.dot_dimension_numbers<[1], [0], [0], [1], [0, 0, 1, 1], [], []>, transpose_lhs_hint = false} : vector<1x256xf32>, vector<256x2048xf32>, vector<1x2048xf32> -> vector<1x2048xf32>
      %add3A_156 = arith.addf %dot_general3A_153, %dot_general3A_155 : vector<1x2048xf32>
      %convert_element_type3A_157 = arith.truncf %add3A_156 : vector<1x2048xf32> to vector<1x2048xbf16>
      %convert_element_type3A_158 = arith.extf %convert_element_type3A_157 : vector<1x2048xbf16> to vector<1x2048xf32>
      %sub3A_159 = arith.subf %add3A_156, %convert_element_type3A_158 : vector<1x2048xf32>
      %dot_general3A_160 = arith.constant dense<0.000000e+00> : vector<1x256xf32>
      %dot_general3A_161 = tpu.matmul %convert_element_type3A_158, %convert_element_type3A_68, %dot_general3A_160 {dimension_numbers = #tpu.dot_dimension_numbers<[1], [0], [0], [1], [0, 0, 1, 1], [], []>, transpose_lhs_hint = false} : vector<1x2048xf32>, vector<2048x256xf32>, vector<1x256xf32> -> vector<1x256xf32>
      %dot_general3A_162 = arith.constant dense<0.000000e+00> : vector<1x256xf32>
      %dot_general3A_163 = tpu.matmul %sub3A_159, %convert_element_type3A_68, %dot_general3A_162 {dimension_numbers = #tpu.dot_dimension_numbers<[1], [0], [0], [1], [0, 0, 1, 1], [], []>, transpose_lhs_hint = false} : vector<1x2048xf32>, vector<2048x256xf32>, vector<1x256xf32> -> vector<1x256xf32>
      %add3A_164 = arith.addf %dot_general3A_161, %dot_general3A_163 : vector<1x256xf32>
      %get3A_165 = arith.constant 1280 : index
      %get3A_166 = arith.constant 0 : index
      %get3A_167 = vector.load %arg1[%get3A_165, %get3A_166] : memref<2048x2048xf32, #tpu.memory_space<vmem>>, vector<256x2048xf32>
      %convert_element_type3A_168 = arith.truncf %get3A_167 : vector<256x2048xf32> to vector<256x2048xbf16>
      %convert_element_type3A_169 = arith.extf %convert_element_type3A_168 : vector<256x2048xbf16> to vector<256x2048xf32>
      %sub3A_170 = arith.subf %get3A_167, %convert_element_type3A_169 : vector<256x2048xf32>
      %dot_general3A_171 = arith.constant dense<0.000000e+00> : vector<1x2048xf32>
      %dot_general3A_172 = tpu.matmul %broadcast_in_dim3A_69, %convert_element_type3A_169, %dot_general3A_171 {dimension_numbers = #tpu.dot_dimension_numbers<[1], [0], [0], [1], [0, 0, 1, 1], [], []>, transpose_lhs_hint = false} : vector<1x256xf32>, vector<256x2048xf32>, vector<1x2048xf32> -> vector<1x2048xf32>
      %dot_general3A_173 = arith.constant dense<0.000000e+00> : vector<1x2048xf32>
      %dot_general3A_174 = tpu.matmul %broadcast_in_dim3A_69, %sub3A_170, %dot_general3A_173 {dimension_numbers = #tpu.dot_dimension_numbers<[1], [0], [0], [1], [0, 0, 1, 1], [], []>, transpose_lhs_hint = false} : vector<1x256xf32>, vector<256x2048xf32>, vector<1x2048xf32> -> vector<1x2048xf32>
      %add3A_175 = arith.addf %dot_general3A_172, %dot_general3A_174 : vector<1x2048xf32>
      %convert_element_type3A_176 = arith.truncf %add3A_175 : vector<1x2048xf32> to vector<1x2048xbf16>
      %convert_element_type3A_177 = arith.extf %convert_element_type3A_176 : vector<1x2048xbf16> to vector<1x2048xf32>
      %sub3A_178 = arith.subf %add3A_175, %convert_element_type3A_177 : vector<1x2048xf32>
      %dot_general3A_179 = arith.constant dense<0.000000e+00> : vector<1x256xf32>
      %dot_general3A_180 = tpu.matmul %convert_element_type3A_177, %convert_element_type3A_68, %dot_general3A_179 {dimension_numbers = #tpu.dot_dimension_numbers<[1], [0], [0], [1], [0, 0, 1, 1], [], []>, transpose_lhs_hint = false} : vector<1x2048xf32>, vector<2048x256xf32>, vector<1x256xf32> -> vector<1x256xf32>
      %dot_general3A_181 = arith.constant dense<0.000000e+00> : vector<1x256xf32>
      %dot_general3A_182 = tpu.matmul %sub3A_178, %convert_element_type3A_68, %dot_general3A_181 {dimension_numbers = #tpu.dot_dimension_numbers<[1], [0], [0], [1], [0, 0, 1, 1], [], []>, transpose_lhs_hint = false} : vector<1x2048xf32>, vector<2048x256xf32>, vector<1x256xf32> -> vector<1x256xf32>
      %add3A_183 = arith.addf %dot_general3A_180, %dot_general3A_182 : vector<1x256xf32>
      %get3A_184 = arith.constant 1536 : index
      %get3A_185 = arith.constant 0 : index
      %get3A_186 = vector.load %arg1[%get3A_184, %get3A_185] : memref<2048x2048xf32, #tpu.memory_space<vmem>>, vector<256x2048xf32>
      %convert_element_type3A_187 = arith.truncf %get3A_186 : vector<256x2048xf32> to vector<256x2048xbf16>
      %convert_element_type3A_188 = arith.extf %convert_element_type3A_187 : vector<256x2048xbf16> to vector<256x2048xf32>
      %sub3A_189 = arith.subf %get3A_186, %convert_element_type3A_188 : vector<256x2048xf32>
      %dot_general3A_190 = arith.constant dense<0.000000e+00> : vector<1x2048xf32>
      %dot_general3A_191 = tpu.matmul %broadcast_in_dim3A_69, %convert_element_type3A_188, %dot_general3A_190 {dimension_numbers = #tpu.dot_dimension_numbers<[1], [0], [0], [1], [0, 0, 1, 1], [], []>, transpose_lhs_hint = false} : vector<1x256xf32>, vector<256x2048xf32>, vector<1x2048xf32> -> vector<1x2048xf32>
      %dot_general3A_192 = arith.constant dense<0.000000e+00> : vector<1x2048xf32>
      %dot_general3A_193 = tpu.matmul %broadcast_in_dim3A_69, %sub3A_189, %dot_general3A_192 {dimension_numbers = #tpu.dot_dimension_numbers<[1], [0], [0], [1], [0, 0, 1, 1], [], []>, transpose_lhs_hint = false} : vector<1x256xf32>, vector<256x2048xf32>, vector<1x2048xf32> -> vector<1x2048xf32>
      %add3A_194 = arith.addf %dot_general3A_191, %dot_general3A_193 : vector<1x2048xf32>
      %convert_element_type3A_195 = arith.truncf %add3A_194 : vector<1x2048xf32> to vector<1x2048xbf16>
      %convert_element_type3A_196 = arith.extf %convert_element_type3A_195 : vector<1x2048xbf16> to vector<1x2048xf32>
      %sub3A_197 = arith.subf %add3A_194, %convert_element_type3A_196 : vector<1x2048xf32>
      %dot_general3A_198 = arith.constant dense<0.000000e+00> : vector<1x256xf32>
      %dot_general3A_199 = tpu.matmul %convert_element_type3A_196, %convert_element_type3A_68, %dot_general3A_198 {dimension_numbers = #tpu.dot_dimension_numbers<[1], [0], [0], [1], [0, 0, 1, 1], [], []>, transpose_lhs_hint = false} : vector<1x2048xf32>, vector<2048x256xf32>, vector<1x256xf32> -> vector<1x256xf32>
      %dot_general3A_200 = arith.constant dense<0.000000e+00> : vector<1x256xf32>
      %dot_general3A_201 = tpu.matmul %sub3A_197, %convert_element_type3A_68, %dot_general3A_200 {dimension_numbers = #tpu.dot_dimension_numbers<[1], [0], [0], [1], [0, 0, 1, 1], [], []>, transpose_lhs_hint = false} : vector<1x2048xf32>, vector<2048x256xf32>, vector<1x256xf32> -> vector<1x256xf32>
      %add3A_202 = arith.addf %dot_general3A_199, %dot_general3A_201 : vector<1x256xf32>
      %get3A_203 = arith.constant 1792 : index
      %get3A_204 = arith.constant 0 : index
      %get3A_205 = vector.load %arg1[%get3A_203, %get3A_204] : memref<2048x2048xf32, #tpu.memory_space<vmem>>, vector<256x2048xf32>
      %convert_element_type3A_206 = arith.truncf %get3A_205 : vector<256x2048xf32> to vector<256x2048xbf16>
      %convert_element_type3A_207 = arith.extf %convert_element_type3A_206 : vector<256x2048xbf16> to vector<256x2048xf32>
      %sub3A_208 = arith.subf %get3A_205, %convert_element_type3A_207 : vector<256x2048xf32>
      %dot_general3A_209 = arith.constant dense<0.000000e+00> : vector<1x2048xf32>
      %dot_general3A_210 = tpu.matmul %broadcast_in_dim3A_69, %convert_element_type3A_207, %dot_general3A_209 {dimension_numbers = #tpu.dot_dimension_numbers<[1], [0], [0], [1], [0, 0, 1, 1], [], []>, transpose_lhs_hint = false} : vector<1x256xf32>, vector<256x2048xf32>, vector<1x2048xf32> -> vector<1x2048xf32>
      %dot_general3A_211 = arith.constant dense<0.000000e+00> : vector<1x2048xf32>
      %dot_general3A_212 = tpu.matmul %broadcast_in_dim3A_69, %sub3A_208, %dot_general3A_211 {dimension_numbers = #tpu.dot_dimension_numbers<[1], [0], [0], [1], [0, 0, 1, 1], [], []>, transpose_lhs_hint = false} : vector<1x256xf32>, vector<256x2048xf32>, vector<1x2048xf32> -> vector<1x2048xf32>
      %add3A_213 = arith.addf %dot_general3A_210, %dot_general3A_212 : vector<1x2048xf32>
      %convert_element_type3A_214 = arith.truncf %add3A_213 : vector<1x2048xf32> to vector<1x2048xbf16>
      %convert_element_type3A_215 = arith.extf %convert_element_type3A_214 : vector<1x2048xbf16> to vector<1x2048xf32>
      %sub3A_216 = arith.subf %add3A_213, %convert_element_type3A_215 : vector<1x2048xf32>
      %dot_general3A_217 = arith.constant dense<0.000000e+00> : vector<1x256xf32>
      %dot_general3A_218 = tpu.matmul %convert_element_type3A_215, %convert_element_type3A_68, %dot_general3A_217 {dimension_numbers = #tpu.dot_dimension_numbers<[1], [0], [0], [1], [0, 0, 1, 1], [], []>, transpose_lhs_hint = false} : vector<1x2048xf32>, vector<2048x256xf32>, vector<1x256xf32> -> vector<1x256xf32>
      %dot_general3A_219 = arith.constant dense<0.000000e+00> : vector<1x256xf32>
      %dot_general3A_220 = tpu.matmul %sub3A_216, %convert_element_type3A_68, %dot_general3A_219 {dimension_numbers = #tpu.dot_dimension_numbers<[1], [0], [0], [1], [0, 0, 1, 1], [], []>, transpose_lhs_hint = false} : vector<1x2048xf32>, vector<2048x256xf32>, vector<1x256xf32> -> vector<1x256xf32>
      %add3A_221 = arith.addf %dot_general3A_218, %dot_general3A_220 : vector<1x256xf32>
      %concatenate3A = tpu.concatenate %add3A_88, %add3A_107, %add3A_126, %add3A_145, %add3A_164, %add3A_183, %add3A_202, %add3A_221 in 1 : vector<1x256xf32>, vector<1x256xf32>, vector<1x256xf32>, vector<1x256xf32>, vector<1x256xf32>, vector<1x256xf32>, vector<1x256xf32>, vector<1x256xf32> -> vector<1x2048xf32>
      %swap3A_222 = arith.constant 0 : index
      %swap3A_223 = arith.constant 0 : index
      %swap3A_224 = vector.load %arg6[%swap3A_222, %swap3A_223] : memref<1x2048xf32, #tpu.memory_space<vmem>>, vector<1x2048xf32>
      tpu.vector_store %arg6[%swap3A_222, %swap3A_223], %concatenate3A {strides = array<i32>} : memref<1x2048xf32, #tpu.memory_space<vmem>>, vector<1x2048xf32>,
      %get3A_225 = arith.constant 0 : index
      %get3A_226 = arith.constant 0 : index
      %get3A_227 = vector.load %arg2[%get3A_225, %get3A_226] : memref<1x2048xf32, #tpu.memory_space<vmem>>, vector<1x2048xf32>
      %reduce_sum3A = vector.shape_cast %get3A_227 : vector<1x2048xf32> to vector<1x1x2048xf32>
      %reduce_sum3A_228 = arith.constant dense<0.000000e+00> : vector<1xf32>
      %reduce_sum3A_229 = vector.multi_reduction <add>, %reduce_sum3A, %reduce_sum3A_228 [1, 2] : vector<1x1x2048xf32> to vector<1xf32>
      %reduce_sum3A_230 = vector.shape_cast %reduce_sum3A_229 : vector<1xf32> to vector<1x1x1xf32>
      %reduce_sum3A_231 = vector.extract %reduce_sum3A_230[0, 0, 0] : f32 from vector<1x1x1xf32>
      %broadcast_in_dim3A_232 = vector.broadcast %reduce_sum3A_231 : f32 to vector<1x1xf32>
      %swap3A_233 = arith.constant 0 : index
      %swap3A_234 = arith.constant 0 : index
      %swap3A_235 = vector.load %arg5[%swap3A_233, %swap3A_234] : memref<1x1xf32, #tpu.memory_space<vmem>>, vector<1x1xf32>
      tpu.vector_store %arg5[%swap3A_233, %swap3A_234], %broadcast_in_dim3A_232 {strides = array<i32>} : memref<1x1xf32, #tpu.memory_space<vmem>>, vector<1x1xf32>,
    } else {
    }
    %get3A = arith.constant 0 : index
    %get3A_2 = arith.constant 0 : index
    %get3A_3 = vector.load %arg3[%get3A, %get3A_2] : memref<512x2048xf32, #tpu.memory_space<vmem>>, vector<512x2048xf32>
    %get3A_4 = arith.constant 0 : index
    %get3A_5 = arith.constant 0 : index
    %get3A_6 = vector.load %arg6[%get3A_4, %get3A_5] : memref<1x2048xf32, #tpu.memory_space<vmem>>, vector<1x2048xf32>
    %mul3A = vector.broadcast %get3A_6 : vector<1x2048xf32> to vector<512x2048xf32>
    %mul3A_7 = arith.mulf %get3A_3, %mul3A : vector<512x2048xf32>
    %iota3A = tpu.iota {dimensions = array<i32: 0>} : vector<2048x8xi32>
    %iota3A_8 = tpu.iota {dimensions = array<i32: 1>} : vector<2048x8xi32>
    %jit3A = arith.constant 256 : i32
    %div3A = vector.broadcast %jit3A : i32 to vector<2048x8xi32>
    %div3A_9 = arith.divsi %iota3A, %div3A : vector<2048x8xi32>
    %sign3A = arith.constant 0 : i32
    %sign3A_10 = vector.broadcast %sign3A : i32 to vector<2048x8xi32>
    %sign3A_11 = arith.cmpi sgt, %iota3A, %sign3A_10 : vector<2048x8xi32>
    %sign3A_12 = arith.extui %sign3A_11 : vector<2048x8xi1> to vector<2048x8xi32>
    %sign3A_13 = arith.constant 0 : i32
    %sign3A_14 = vector.broadcast %sign3A_13 : i32 to vector<2048x8xi32>
    %sign3A_15 = arith.cmpi slt, %iota3A, %sign3A_14 : vector<2048x8xi32>
    %sign3A_16 = arith.extui %sign3A_15 : vector<2048x8xi1> to vector<2048x8xi32>
    %sign3A_17 = arith.subi %sign3A_12, %sign3A_16 : vector<2048x8xi32>
    %sign3A_18 = arith.constant 0 : i32
    %sign3A_19 = arith.cmpi sgt, %jit3A, %sign3A_18 : i32
    %sign3A_20 = arith.extui %sign3A_19 : i1 to i32
    %sign3A_21 = arith.constant 0 : i32
    %sign3A_22 = arith.cmpi slt, %jit3A, %sign3A_21 : i32
    %sign3A_23 = arith.extui %sign3A_22 : i1 to i32
    %sign3A_24 = arith.subi %sign3A_20, %sign3A_23 : i32
    %ne3A = vector.broadcast %sign3A_24 : i32 to vector<2048x8xi32>
    %ne3A_25 = arith.cmpi ne, %sign3A_17, %ne3A : vector<2048x8xi32>
    %rem3A = vector.broadcast %jit3A : i32 to vector<2048x8xi32>
    %rem3A_26 = arith.remsi %iota3A, %rem3A : vector<2048x8xi32>
    %ne3A_27 = arith.constant 0 : i32
    %ne3A_28 = vector.broadcast %ne3A_27 : i32 to vector<2048x8xi32>
    %ne3A_29 = arith.cmpi ne, %rem3A_26, %ne3A_28 : vector<2048x8xi32>
    %and3A = arith.andi %ne3A_25, %ne3A_29 : vector<2048x8xi1>
    %sub3A = arith.constant 1 : i32
    %sub3A_30 = vector.broadcast %sub3A : i32 to vector<2048x8xi32>
    %sub3A_31 = arith.subi %div3A_9, %sub3A_30 : vector<2048x8xi32>
    %select_n3A = arith.select %and3A, %sub3A_31, %div3A_9 : vector<2048x8xi1>, vector<2048x8xi32>
    %eq3A_32 = arith.cmpi eq, %select_n3A, %iota3A_8 : vector<2048x8xi32>
    %convert_element_type3A_33 = arith.extui %eq3A_32 : vector<2048x8xi1> to vector<2048x8xi32>
    %convert_element_type3A_34 = arith.sitofp %convert_element_type3A_33 : vector<2048x8xi32> to vector<2048x8xf32>
    %convert_element_type3A_35 = arith.truncf %mul3A_7 : vector<512x2048xf32> to vector<512x2048xbf16>
    %convert_element_type3A_36 = arith.extf %convert_element_type3A_35 : vector<512x2048xbf16> to vector<512x2048xf32>
    %sub3A_37 = arith.subf %mul3A_7, %convert_element_type3A_36 : vector<512x2048xf32>
    %dot_general3A = arith.constant dense<0.000000e+00> : vector<512x8xf32>
    %dot_general3A_38 = tpu.matmul %convert_element_type3A_36, %convert_element_type3A_34, %dot_general3A {dimension_numbers = #tpu.dot_dimension_numbers<[1], [0], [0], [1], [0, 0, 1, 1], [], []>, transpose_lhs_hint = false} : vector<512x2048xf32>, vector<2048x8xf32>, vector<512x8xf32> -> vector<512x8xf32>
    %dot_general3A_39 = arith.constant dense<0.000000e+00> : vector<512x8xf32>
    %dot_general3A_40 = tpu.matmul %sub3A_37, %convert_element_type3A_34, %dot_general3A_39 {dimension_numbers = #tpu.dot_dimension_numbers<[1], [0], [0], [1], [0, 0, 1, 1], [], []>, transpose_lhs_hint = false} : vector<512x2048xf32>, vector<2048x8xf32>, vector<512x8xf32> -> vector<512x8xf32>
    %add3A = arith.addf %dot_general3A_38, %dot_general3A_40 : vector<512x8xf32>
    %swap3A = arith.constant 0 : index
    %swap3A_41 = arith.constant 0 : index
    %swap3A_42 = vector.load %arg4[%swap3A, %swap3A_41] : memref<512x8xf32, #tpu.memory_space<vmem>>, vector<512x8xf32>
    tpu.vector_store %arg4[%swap3A, %swap3A_41], %add3A {strides = array<i32>} : memref<512x8xf32, #tpu.memory_space<vmem>>, vector<512x8xf32>,
    return
  }
  func.func @transform_0(%arg0: i32) -> (i32, i32) {
    %c0_i32 = arith.constant 0 : i32
    %c0_i32_0 = arith.constant 0 : i32
    %c0_i32_1 = arith.constant 0 : i32
    return %c0_i32, %c0_i32_0 : i32, i32
  }
  func.func @transform_1(%arg0: i32) -> (i32, i32) {
    %c0_i32 = arith.constant 0 : i32
    %c0_i32_0 = arith.constant 0 : i32
    %c0_i32_1 = arith.constant 0 : i32
    return %c0_i32, %c0_i32_0 : i32, i32
  }
  func.func @transform_2(%arg0: i32) -> (i32, i32) {
    %c0_i32 = arith.constant 0 : i32
    %c0_i32_0 = arith.constant 0 : i32
    return %arg0, %c0_i32 : i32, i32
  }
  func.func @transform_3(%arg0: i32) -> (i32, i32) {
    %c0_i32 = arith.constant 0 : i32
    %c0_i32_0 = arith.constant 0 : i32
    return %arg0, %c0_i32 : i32, i32
  }
  func.func @transform_4(%arg0: i32) -> (i32, i32) {
    %c0_i32 = arith.constant 0 : i32
    %c0_i32_0 = arith.constant 0 : i32
    %c0_i32_1 = arith.constant 0 : i32
    return %c0_i32, %c0_i32_0 : i32, i32
  }
  func.func @transform_5(%arg0: i32) -> (i32, i32) {
    %c0_i32 = arith.constant 0 : i32
    %c0_i32_0 = arith.constant 0 : i32
    %c0_i32_1 = arith.constant 0 : i32
    return %c0_i32, %c0_i32_0 : i32, i32
  }
}

</mosaic_0001>

<sc_bundles>
// kernel: kernel.6.cloned.1.call-start
scs
__scs_entry_jumppad:
0x0: {  	(pc) =	sbr.rel $0x88, $3  }
0x1: {  	(tag) =	ssettag $0x0;
	lr =	simm.s32 $0x1  }
0x2: {  	[smem:$0x3F9C] =	sst lr;
	_ =	strace $0xD0000000  }
0x3: {  	_ = 	snop  }
0x4: {  	_ = 	snop  }
0x5: {  	_ = 	snop  }
0x6: {  	_ = 	snop  }
0x7: {  	_ = 	snop  }
__scs_overlays_trampoline_lowered:
0x8: {  	[smem:$0x3FAB] =	sst s0  }
0x9: {  	[smem:$0x3FAC] =	sst s1  }
0xa: {  	[smem:$0x3FAD] =	sst s2  }
0xb: {  	[smem:$0x3FAE] =	sst s3  }
0xc: {  	[smem:$0x3FAF] =	sst s4  }
0xd: {  	[smem:$0x3FB0] =	sst s5  }
0xe: {  	[smem:$0x3FB1] =	sst s6  }
0xf: {  	[smem:$0x3FB2] =	sst s7  }
0x10: {  	[smem:$0x3FB3] =	sst s8  }
0x11: {  	[smem:$0x3FB4] =	sst s9;
	s0 =	simm.s32 @!p0 $0x0  }
0x12: {  	s1 =	sld [smem:$0x3F9A];
	s0 =	simm.s32 @p0 $0x1  }
0x13: {  	[smem:$0x3FB5] =	sst s0;
	s0 =	simm.s32 @!p1 $0x0  }
0x14: {  	s2 =	sld [smem:$0x3F99];
	s0 =	simm.s32 @p1 $0x1  }
0x15: {  	[smem:$0x3FB6] =	sst s0;
	s0 =	simm.s32 @!p2 $0x0  }
0x16: {  	s3 =	sld [smem:$0x3FDB];
	s0 =	simm.s32 @p2 $0x1  }
0x17: {  	s4 =	simm.s32 $0x1BF5;
	[smem:$0x3FB8] =	sst s0  }
0x18: {  	s0 =	sld [smem:$0x3F9B];
	_ =	swait.ge [sflag:s4], $0x0  }
0x19: {  	s7 =	sld [smem:$0x3F9C]  }
0x1a: {  	s8 =	sadd.s32 $0xFFFFE003, lr  }
0x1b: {  	s9 =	sadd.s32 $0xFFFFFEF7, lr;
	s5 =	simm.s32 $0xFFFFFFFF;
	p2 =	slt.u32 s8, $0xFFFFF086  }
0x1c: {  	p1 =	slt.u32 s9, $0xF7A;
	s5 =	simm.s32 @!p2 $0x0  }
0x1d: {  	s5 =	simm.s32 @p1 $0x1;
	p0 =	seq.s32 s7, s2  }
0x1e: {  	s7 =	smul.u32 @!p0 $0xF7A, s2;
	p2 =	seq.s32 @!p0 s5, $0x0  }
0x1f: {  	s9 =	smul.u32 $0xF7A, s1;
	s8 =	simm.s32 @!p0 $0x1BF5;
	p2 =	por !p2, p0  }
0x20: {  	[sflag:s8] =	ssyncset.s32 @!p0 $0xFFFFF086;
	s6 =	sadd.s32 @!p0 s3, s7;
	s7 =	simm.s32 @!p0 $0x108  }
0x21: {  	s3 =	sadd.s32 s3, s9;
	s6 =	sadd.s32 @!p0 $0x88, s6;
	s7 =	simm.s32 @p2 $0x1082  }
0x22: {  	[simem:s7], [sflag:s8] =	dma.local @!p0 [hbm:s6], $0xF7A  }
0x23: {  	s9 =	sor.u32 $0xD0000000, s2;
	s6 =	simm.s32 $0x108;
	_ =	swait.ge @!p0 [sflag:s8], $0x0  }
0x24: {  	s3 =	sadd.s32 $0x88, s3;
	s6 =	simm.s32 @!p1 $0x1082;
	[sflag:s4] =	ssyncset.s32 $0xFFFFF086  }
0x25: {  	[simem:s6], [sflag:s4] =	dma.local [hbm:s3], $0xF7A  }
0x26: {  	[smem:$0x3F9C] =	sst s1;
	(tag) =	ssettag s2;
	_ =	strace s9  }
0x27: {  	s1 =	sld [smem:$0x3FAC]  }
0x28: {  	s2 =	sld [smem:$0x3FAD]  }
0x29: {  	s4 =	sld [smem:$0x3FAF]  }
0x2a: {  	p0 =	seq.s32 s5, $0x0;
	s5 =	sld [smem:$0x3FB0]  }
0x2b: {  	s6 =	sld [smem:$0x3FB1]  }
0x2c: {  	s7 =	sld [smem:$0x3FB2]  }
0x2d: {  	s3 =	simm.s32 $0x108;
	s8 =	sld [smem:$0x3FB3]  }
0x2e: {  	s3 =	simm.s32 @!p0 $0x1082;
	s9 =	sld [smem:$0x3FB4]  }
0x2f: {  	lr =	sadd.s32 s0, s3;
	s0 =	sld [smem:$0x3FAB]  }
0x30: {  	s3 =	sld [smem:$0x3FAE]  }
0x31: {  	[smem:$0x3FB7] =	sst s10  }
0x32: {  	s10 =	sld [smem:$0x3FB5];
	_ =	sdelay $0x3  }
0x33: {  	p0 =	seq.s32 s10, $0x1;
	s10 =	sld [smem:$0x3FB7];
	_ =	sdelay $0x3  }
0x34: {  	[smem:$0x3FB7] =	sst s10  }
0x35: {  	s10 =	sld [smem:$0x3FB6];
	_ =	sdelay $0x3  }
0x36: {  	p1 =	seq.s32 s10, $0x1;
	s10 =	sld [smem:$0x3FB7];
	_ =	sdelay $0x3  }
0x37: {  	[smem:$0x3FB7] =	sst s10  }
0x38: {  	s10 =	sld [smem:$0x3FB8]  }
0x39: {  	_ = 	snop;
	(pc) =	sbr.ind lr, $3  }
0x3a: {  	_ = 	snop  }
0x3b: {  	_ = 	snop  }
0x3c: {  	p2 =	seq.s32 s10, $0x1;
	s10 =	sld [smem:$0x3FB7]  }
0x3d: {  	_ =	shalt  }
0x3e: {  	_ =	shalt  }
0x3f: {  	_ =	shalt  }
0x40: {  	_ =	shalt  }
0x41: {  	_ =	shalt  }
0x42: {  	_ =	shalt  }
0x43: {  	_ =	shalt  }
0x44: {  	_ =	shalt  }
0x45: {  	_ =	shalt  }
0x46: {  	_ =	shalt  }
0x47: {  	_ =	shalt  }
0x48: {  	_ =	shalt  }
0x49: {  	_ =	shalt  }
0x4a: {  	_ =	shalt  }
0x4b: {  	_ =	shalt  }
0x4c: {  	_ =	shalt  }
0x4d: {  	_ =	shalt  }
0x4e: {  	_ =	shalt  }
0x4f: {  	_ =	shalt  }
0x50: {  	_ =	shalt  }
0x51: {  	_ =	shalt  }
0x52: {  	_ =	shalt  }
0x53: {  	_ =	shalt  }
0x54: {  	_ =	shalt  }
0x55: {  	_ =	shalt  }
0x56: {  	_ =	shalt  }
0x57: {  	_ =	shalt  }
0x58: {  	_ =	shalt  }
0x59: {  	_ =	shalt  }
0x5a: {  	_ =	shalt  }
0x5b: {  	_ =	shalt  }
0x5c: {  	_ =	shalt  }
0x5d: {  	_ =	shalt  }
0x5e: {  	_ =	shalt  }
0x5f: {  	_ =	shalt  }
0x60: {  	_ =	shalt  }
0x61: {  	_ =	shalt  }
0x62: {  	_ =	shalt  }
0x63: {  	_ =	shalt  }
0x64: {  	_ =	shalt  }
0x65: {  	_ =	shalt  }
0x66: {  	_ =	shalt  }
0x67: {  	_ =	shalt  }
0x68: {  	_ =	shalt  }
0x69: {  	_ =	shalt  }
0x6a: {  	_ =	shalt  }
0x6b: {  	_ =	shalt  }
0x6c: {  	_ =	shalt  }
0x6d: {  	_ =	shalt  }
0x6e: {  	_ =	shalt  }
0x6f: {  	_ =	shalt  }
0x70: {  	_ =	shalt  }
0x71: {  	_ =	shalt  }
0x72: {  	_ =	shalt  }
0x73: {  	_ =	shalt  }
0x74: {  	_ =	shalt  }
0x75: {  	_ =	shalt  }
0x76: {  	_ =	shalt  }
0x77: {  	_ =	shalt  }
0x78: {  	_ =	shalt  }
0x79: {  	_ =	shalt  }
0x7a: {  	_ =	shalt  }
0x7b: {  	_ =	shalt  }
0x7c: {  	_ =	shalt  }
0x7d: {  	_ =	shalt  }
0x7e: {  	_ =	shalt  }
0x7f: {  	_ =	shalt  }
0x80: {  	_ =	shalt  }
0x81: {  	_ =	shalt  }
0x82: {  	_ =	shalt  }
0x83: {  	_ =	shalt  }
0x84: {  	_ =	shalt  }
0x85: {  	_ =	shalt  }
0x86: {  	_ =	shalt  }
0x87: {  	_ =	shalt  }
.Lfunc_end0:
.L_simem_size_0:
called_computation_lowered:
.L_overlay_start_0:
0x88: {  	s2 =	sld [smem:$0x3FD9]  }
0x89: {  	s3 =	sld [smem:$0x3FFE];
	_ =	sdelay $0x1  }
0x8a: {  	s1 =	srdreg.scid  }
0x8b: {  	s0 =	sand.u32 $0x1, s1  }
0x8c: {  	s17 =	sshll.u32 s0, $0xA;
	s2 =	sadd.s32 s3, s2  }
0x8d: {  	s2 =	sadd.s32 s2, s17  }
0x8e: {  	[smem:$0x3FC3] =	sst s2  }
0x8f: {  	_ = 	snop  }
0x90: {  	s2 =	sld [smem:$0x3FC8]  }
0x91: {  	s18 =	sld [smem:$0x3FD0];
	(tm) =	ssettm $0x1  }
0x92: {  	s4 =	sld [smem:$0x3FFB];
	_ =	sdelay $0x3  }
0x93: {  	_ =	strace s4  }
0x94: {  	s4 =	sld [smem:$0x3FFC];
	_ =	sdelay $0x3  }
0x95: {  	_ =	strace s4  }
0x96: {  	s4 =	sld [smem:$0x3FFD];
	_ =	sdelay $0x3  }
0x97: {  	_ =	strace s4  }
0x98: {  	_ =	strace $0x8FFFFFFF  }
0x99: {  	s19 =	sld [smem:$0x3FDB];
	_ =	sdelay $0x1  }
0x9a: {  	s5 =	simm.s32 $_scs_section_size  }
0x9b: {  	s6 =	simm.s32 $_size__tile_overlayer_lowered;
	s7 =	simm.s32 $_tile_overlayer_lowered  }
0x9c: {  	s22 =	simm.s32 $0x1BFF;
	s21 =	sshll.u32 s7, $0x1;
	s4 =	sadd.s32 s5, s19  }
0x9d: {  	s8 =	simm.s32 $0x0;
	s20 =	sshll.u32 s6, $0x1;
	s6 =	sadd.s32 s21, s4  }
0x9e: {  	[timem:s8], [sflag:s22] =	dma.local [hbm:s6], s20  }
0x9f: {  	_ =	swait.ge [sflag:s22], s20  }
0xa0: {  	s5 =	ssub.s32 $0x0, s20;
	[sflag:s22] =	ssyncset.done $0x0  }
0xa1: {  	[sflag:s22] =	ssyncadd.s32 s5;
	_ =	sdelay $0x1  }
0xa2: {  	s23 =	simm.s32 $0x1B8B  }
0xa3: {  	_ =	swait.ge [sflag:s23], $0x1  }
0xa4: {  	[sflag:s23] =	ssyncset.done $0x0  }
0xa5: {  	s25 =	simm.s32 $0x1B8E;
	s24 =	sld [smem:$0x3FFE];
	[sflag:s23] =	ssyncadd.s32 $0xFFFFFFFF  }
0xa6: {  	s26 =	simm.s32 $execute0_lowered;
	[smem:$0x3FD2] =	sst s25  }
0xa7: {  	s6 =	sshll.u32 s26, $0x1;
	_ =	strace $0x80000046;
	[dreg:$0x1] =	wrdreg $0xFFFFFFFF  }
0xa8: {  	s28 =	simm.s32 $_size_execute0_lowered;
	s4 =	sadd.s32 s4, s6;
	[dreg:$0x0] =	wrdreg $0x0  }
0xa9: {  	s6 =	sshll.u32 s28, $0x1;
	[dreg:$0x2] =	wrdreg s4  }
0xaa: {  	[dreg:$0x3] =	wrdreg s6  }
0xab: {  	[dreg:$0x4] =	wrdreg $0xC0  }
0xac: {  	_ =	task [dreg:s8], $0x5FFFF  }
0xad: {  	[dreg:$0x1] =	wrdreg $0xFFFFFFFF  }
0xae: {  	[dreg:$0x0] =	wrdreg $0x60  }
0xaf: {  	[dreg:$0x2] =	wrdreg s2  }
0xb0: {  	[dreg:$0x3] =	wrdreg s24  }
0xb1: {  	[dreg:$0x4] =	wrdreg s18  }
0xb2: {  	[dreg:$0x5] =	wrdreg $0x9  }
0xb3: {  	_ =	task.clear_ibuf [dreg:s8], $0x6FFFF;
	_ =	strace $0x90000046  }
0xb4: {  	s29 =	simm.s32 $0x9;
	_ =	strace $0x80000048  }
0xb5: {  	_ =	swait.ge [sflag:s29], $0x1  }
0xb6: {  	[sflag:s29] =	ssyncadd.s32 $0xFFFFFFFF  }
0xb7: {  	_ =	strace $0x90000048  }
0xb8: {  	_ =	sfence  }
0xb9: {  	s30 =	sld [smem:$0x0];
	_ =	sdelay $0x2  }
0xba: {  	s31 =	sshll.u32 s1, $0xD;
	s1 =	sshrl.u32 s1, $0x2  }
0xbb: {  	s3 =	sand.u32 $0x4000, s31;
	s1 =	sadd.s32 s1, s30  }
0xbc: {  	s0 =	sor.u32 s3, s0;
	s1 =	sshll.u32 s1, $0x11  }
0xbd: {  	s0 =	sor.u32 s1, s0  }
0xbe: {  	s0 =	sadd.s32 $0x8F2B, s0  }
0xbf: {  	[sflag:s0] =	ssyncadd.remote.s32 $0x1  }
0xc0: {  	_ =	sfence.sel $0xFFFF  }
0xc1: {  	[dreg:$0x0] =	wrdreg $0xFFFFFFFF;
	(pc) =	sbr.abs _section_cstart, $3  }
0xc2: {  	[dreg:$0x1] =	wrdreg $0xFFFFFFFF  }
0xc3: {  	_ =	task.clear_ibuf [dreg:s8], $0x2FFFF;
	_ =	strace $0x9FFFFFFF  }
0xc4: {  	(tm) =	ssettm $0x7FFFFFFF  }
0xc5: {  	_ =	shalt  }
tec
execute0_lowered:
.L_overlay_start_1:
0x0: {  	(tag) =	ssettag $0x1  }
0x1: {  	v0 =	vimm.s32 $0xFEDCBA98;
	v1 =	vimm.s32 $0x76543210  }
0x2: {  	v2 =	vimm.s32 $0x3210FEDC;
	v3 =	vimm.s32 $0xBA987654;
	v4 =	vimm.s32 $0x10FEDCBA  }
0x3: {  	s4 =	rddreg [dreg:$0x0];
	v5 =	vimm.s32 $0x98765432;
	v6 =	vimm.s32 $0xFEDCBA9;
	v7 =	vimm.s32 $0x87654321  }
0x4: {  	s3 =	rddreg [dreg:$0x1];
	vm0 =	vmmov $0x1;
	vm1 =	vmmov $0x3;
	vm2 =	vmmov $0x7  }
0x5: {  	s6 =	rddreg [dreg:$0x2];
	vm3 =	vmmov $0xf;
	vm4 =	vmmov $0x1f;
	v0 =	vunpack.c.l.s4.s8 v0  }
0x6: {  	s0 =	rddreg [dreg:$0x3];
	s1 =	simm.s32 $0x0;
	s2 =	stileid.u32;
	v1 =	vunpack.c.l.s4.s8 v1;
	v2 =	vunpack.c.l.s4.s8 v2;
	v3 =	vunpack.c.l.s4.s8 v3  }
0x7: {  	s7 =	srdreg.scid;
	v4 =	vunpack.c.l.s4.s8 v4;
	v5 =	vunpack.c.l.s4.s8 v5;
	v6 =	vunpack.c.l.s4.s8 v6;
	[smem:$0x7FF] =	sst s1  }
0x8: {  	v7 =	vunpack.c.l.s4.s8 v7;
	s5 =	sshrl.u32 s2, $0x3;
	s8 =	sshll.u32 s2, $0x1;
	s7 =	sand.u32 $0x1, s7;
	v0 =	vunpack.c.0.s8.s32 v0;
	v2 =	vunpack.c.0.s8.s32 v2  }
0x9: {  	_ =	strace $0x80000047;
	s9 =	sshll.u32 s5, $0x9;
	s8 =	sand.u32 $0xE, s8;
	v3 =	vunpack.c.0.s8.s32 v3;
	v4 =	vunpack.c.0.s8.s32 v4;
	v1 =	vunpack.c.0.s8.s32 v1  }
0xa: {  	s10 =	ssub.s32 $0x2, s7;
	s5 =	sshll.u32 s5, $0x14;
	v5 =	vunpack.c.0.s8.s32 v5;
	v6 =	vunpack.c.0.s8.s32 v6;
	s7 =	sor.u32 s7, s8;
	v0 =	vand.u32 $0xF, v0  }
0xb: {  	v7 =	vunpack.c.0.s8.s32 v7;
	s3 =	sadd.s32 s9, s3;
	s31 =	sshrl.u32 s10, $0x1;
	s11 =	sshll.u32 s7, $0xE;
	v2 =	vcombine.low v3, v2;
	v0 =	vcombine.low v0, v1  }
0xc: {  	vm5 =	vmmov $0x3f;
	vm6 =	vmmov $0x7f;
	s8 =	ssub.s32 s10, s31;
	s7 =	sshll.u32 s7, $0x5;
	s3 =	sadd.s32 $0xA00, s3;
	v59 =	vcombine.low v5, v4  }
0xd: {  	vm7 =	vmmov $0xff;
	s10 =	simm.s32 $0x11000;
	v60 =	vcombine.low v7, v6;
	s5 =	sor.u32 s5, s11;
	s7 =	sor.u32 s9, s7;
	v61 =	vand.u32 $0xF, v2;
	[tilespmem:$0x1FFC0] =	vst v0  }
0xe: {  	vm8 =	vmmov $0x1ff;
	vm9 =	vmmov $0x3ff;
	s9 =	simm.s32 $0x1;
	s11 =	simm.s32 $0x0;
	s5 =	sadd.s32 s5, s4;
	v62 =	vand.u32 $0xF, v59;
	[tilespmem:$0x1FFD0] =	vst v61  }
0xf: {  	vm10 =	vmmov $0x7ff;
	vm11 =	vmmov $0xfff;
	s7 =	sshrl.u32 s7, $0x3;
	v63 =	vand.u32 $0xF, v60;
	s4 =	sadd.s32 $0xC0000, s5;
	s5 =	sadd.s32 $0xC2000, s5;
	[tilespmem:$0x1FFE0] =	vst v62  }
0x10: {  	vm12 =	vmmov $0x1fff;
	vm13 =	vmmov $0x3fff;
	vm14 =	vmmov $0x7fff;
	s6 =	sadd.s32 s6, s7;
	s7 =	smax.u32 s8, $0x1;
	s8 =	simm.s32 $0x10000;
	[tilespmem:$0x1FFF0] =	vst v63  }
.LBB2_1:
0x11: {  	[tilespmem:s8], [sflag:$0x1] =	stream.linear.gather [hbm4b:s3+s1], $0x1000, $0x38;
	[tilespmem:$0x11080] =	vst v63  }
0x12: {  	_ =	swait.ge [sflag:s9], $0x1000  }
0x13: {  	[sflag:s9] =	ssyncset.done $0x0  }
0x14: {  	[sflag:s9] =	ssyncadd.s32 $0xFFFFF000  }
0x15: {  	[tilespmem:s1], [sflag:$0x1] =	stream.linear.gather [hbm4b:s4+s1], $0x10000, $0x38;
	[tilespmem:$0x11080] =	vst v63  }
0x16: {  	_ =	swait.ge [sflag:s9], $0x10000  }
0x17: {  	s12 =	sor.u32 s1, s1;
	[sflag:s9] =	ssyncset.done $0x0  }
0x18: {  	s13 =	sor.u32 $0x380, s12;
	[sflag:s9] =	ssyncadd.s32 $0xFFFF0000  }
0x19: {  	s30 =	sand.u32 $0x70, s1;
	s14 =	sand.u32 $0xC00, s1;
	v4 =	vld [tilespmem:s13+$0x10000]  }
0x1a: {  	s12 =	sor.u32 s30, s14;
	v40 =	vld [tilespmem:s13+$0x0]  }
0x1b: {  	v41 =	vld [tilespmem:s12+$0x1380]  }
0x1c: {  	v39 =	vld [tilespmem:s12+$0x2380]  }
0x1d: {  	v37 =	vld [tilespmem:s12+$0x3380]  }
0x1e: {  	v38 =	vld [tilespmem:s12+$0x4380]  }
0x1f: {  	v12 =	vld [tilespmem:s12+$0x5380]  }
0x20: {  	v26 =	vld [tilespmem:s12+$0x6380]  }
0x21: {  	v9 =	vld [tilespmem:s12+$0x7380]  }
0x22: {  	v25 =	vld [tilespmem:s12+$0x8380]  }
0x23: {  	v8 =	vld [tilespmem:s12+$0x9380]  }
0x24: {  	v27 =	vld [tilespmem:s12+$0xA380]  }
0x25: {  	v28 =	vld [tilespmem:s12+$0xB380]  }
0x26: {  	v14 =	vld [tilespmem:s12+$0xC380]  }
0x27: {  	v60 =	vld [tilespmem:s12+$0xD380]  }
0x28: {  	v5 =	vld [tilespmem:s12+$0x10300]  }
0x29: {  	v42 =	vld [tilespmem:s12+$0x300]  }
0x2a: {  	v43 =	vld [tilespmem:s12+$0x1300]  }
0x2b: {  	v44 =	vld [tilespmem:s12+$0x2300]  }
0x2c: {  	v45 =	vld [tilespmem:s12+$0x3300]  }
0x2d: {  	v33 =	vld [tilespmem:s12+$0x4300]  }
0x2e: {  	v32 =	vld [tilespmem:s12+$0x5300]  }
0x2f: {  	v30 =	vld [tilespmem:s12+$0x6300]  }
0x30: {  	v24 =	vld [tilespmem:s12+$0x7300]  }
0x31: {  	v18 =	vld [tilespmem:s12+$0x8300]  }
0x32: {  	v16 =	vld [tilespmem:s12+$0x9300]  }
0x33: {  	v2 =	vld [tilespmem:s12+$0xA300]  }
0x34: {  	v1 =	vld [tilespmem:s12+$0xB300]  }
0x35: {  	v0 =	vld [tilespmem:s12+$0xC300]  }
0x36: {  	v15 =	vld [tilespmem:s12+$0xD300]  }
0x37: {  	v6 =	vld [tilespmem:s12+$0x10280]  }
0x38: {  	v46 =	vld [tilespmem:s12+$0x280]  }
0x39: {  	v47 =	vld [tilespmem:s12+$0x1280]  }
0x3a: {  	v48 =	vld [tilespmem:s12+$0x2280]  }
0x3b: {  	v49 =	vld [tilespmem:s12+$0x3280]  }
0x3c: {  	v31 =	vld [tilespmem:s12+$0x4280]  }
0x3d: {  	v29 =	vld [tilespmem:s12+$0x5280]  }
0x3e: {  	v23 =	vld [tilespmem:s12+$0x6280]  }
0x3f: {  	v17 =	vld [tilespmem:s12+$0x7280]  }
0x40: {  	v3 =	vld [tilespmem:s12+$0x8280]  }
0x41: {  	v7 =	vld [tilespmem:s12+$0x10200]  }
0x42: {  	v34 =	vld [tilespmem:s12+$0x200]  }
0x43: {  	v22 =	vld [tilespmem:s12+$0x10100]  }
0x44: {  	v10 =	vld [tilespmem:s12+$0x100]  }
0x45: {  	v19 =	vld [tilespmem:s12+$0x10080]  }
0x46: {  	v50 =	vld [tilespmem:s12+$0x80]  }
0x47: {  	v51 =	vld [tilespmem:s12+$0x1080]  }
0x48: {  	v21 =	vld [tilespmem:s12+$0x10000]  }
0x49: {  	v20 =	vld [tilespmem:s12+$0x0]  }
0x4a: {  	v52 =	vld [tilespmem:s12+$0x1000]  }
0x4b: {  	v53 =	vld [tilespmem:s12+$0x2000]  }
0x4c: {  	v54 =	vld [tilespmem:s12+$0x3000]  }
0x4d: {  	v55 =	vld [tilespmem:s12+$0x2080]  }
0x4e: {  	v56 =	vld [tilespmem:s12+$0x3080]  }
0x4f: {  	v11 =	vld [tilespmem:s12+$0x1100];
	v57 =	vmul.f32 v20, v21  }
0x50: {  	v35 =	vld [tilespmem:s12+$0x2100];
	v10 =	vmul.f32 v10, v22;
	v52 =	vmul.f32 v52, v21  }
0x51: {  	v36 =	vld [tilespmem:s12+$0x3100];
	v50 =	vmul.f32 v50, v19;
	v53 =	vmul.f32 v53, v21  }
0x52: {  	s31 =	sor.u32 s14, s1;
	v59 =	vld [tilespmem:s12+$0x1180];
	v51 =	vmul.f32 v51, v19;
	v54 =	vmul.f32 v54, v21  }
0x53: {  	s13 =	sor.u32 $0x180, s31;
	v13 =	vld [tilespmem:s12+$0x2180];
	v55 =	vmul.f32 v55, v19;
	v56 =	vmul.f32 v56, v19  }
0x54: {  	v61 =	vimm.f32 $0.0e+00;
	v20 =	vld [tilespmem:s13+$0x10000];
	v11 =	vmul.f32 v11, v22;
	v0 =	vmul.f32 v0, v5  }
0x55: {  	v58 =	vld [tilespmem:s13+$0x0];
	v35 =	vmul.f32 v35, v22;
	v46 =	vmul.f32 v46, v6;
	v52 =	vadd.f32 v52, v61  }
0x56: {  	v57 =	vadd.f32 v57, v61;
	v53 =	vadd.f32 v53, v61;
	[tilespmem:$0x1FF90] =	vst v0;
	v0 =	vmul.f32 v17, v6;
	v17 =	vld [tilespmem:s12+$0x8080]  }
0x57: {  	v47 =	vmul.f32 v47, v6;
	v54 =	vadd.f32 v54, v61;
	v51 =	vadd.f32 v51, v52;
	v52 =	vld [tilespmem:s12+$0x3180]  }
0x58: {  	v48 =	vmul.f32 v48, v6;
	v50 =	vadd.f32 v50, v57;
	v53 =	vadd.f32 v55, v53;
	v55 =	vld [tilespmem:s12+$0x1200]  }
0x59: {  	v49 =	vmul.f32 v49, v6;
	v54 =	vadd.f32 v56, v54;
	v56 =	vld [tilespmem:s12+$0x2200];
	v57 =	vmul.f32 v13, v20  }
0x5a: {  	v13 =	vmul.f32 v34, v7;
	v34 =	vld [tilespmem:s12+$0xB280];
	v50 =	vadd.f32 v10, v50;
	v10 =	vmul.f32 v36, v22  }
0x5b: {  	v42 =	vmul.f32 v42, v5;
	v36 =	vadd.f32 v11, v51;
	v51 =	vld [tilespmem:s12+$0x3200];
	v11 =	vmul.f32 v58, v20  }
0x5c: {  	v40 =	vmul.f32 v40, v4;
	v35 =	vadd.f32 v35, v53;
	v62 =	vadd.f32 v10, v54;
	v10 =	vld [tilespmem:s12+$0x9280]  }
0x5d: {  	v43 =	vmul.f32 v43, v5;
	v41 =	vmul.f32 v41, v4;
	v50 =	vadd.f32 v11, v50;
	v11 =	vld [tilespmem:s12+$0xA280]  }
0x5e: {  	v44 =	vmul.f32 v44, v5;
	v63 =	vmul.f32 v59, v20;
	v57 =	vadd.f32 v57, v35;
	v35 =	vld [tilespmem:s12+$0xC280]  }
0x5f: {  	v54 =	vld [tilespmem:s12+$0x4200];
	v52 =	vmul.f32 v52, v20;
	v55 =	vmul.f32 v55, v7  }
0x60: {  	v36 =	vadd.f32 v63, v36;
	v59 =	vmul.f32 v56, v7;
	v56 =	vmul.f32 v26, v4;
	v26 =	vld [tilespmem:s12+$0x6080]  }
0x61: {  	v39 =	vmul.f32 v39, v4;
	v45 =	vmul.f32 v45, v5;
	v50 =	vadd.f32 v13, v50;
	v13 =	vld [tilespmem:s12+$0x5100]  }
0x62: {  	v52 =	vadd.f32 v52, v62;
	v55 =	vadd.f32 v55, v36;
	v36 =	vld [tilespmem:s12+$0xD280];
	v51 =	vmul.f32 v51, v7  }
0x63: {  	v37 =	vmul.f32 v37, v4;
	v9 =	vmul.f32 v9, v4;
	v53 =	vadd.f32 v59, v57;
	v62 =	vld [tilespmem:s12+$0x5000]  }
0x64: {  	v8 =	vmul.f32 v8, v4;
	v46 =	vadd.f32 v46, v50;
	v50 =	vld [tilespmem:s12+$0x4080];
	v51 =	vadd.f32 v51, v52  }
0x65: {  	v33 =	vmul.f32 v33, v5;
	v30 =	vmul.f32 v30, v5;
	v47 =	vadd.f32 v47, v55;
	v52 =	vld [tilespmem:s12+$0x5080]  }
0x66: {  	v59 =	vmul.f32 v38, v4;
	v48 =	vadd.f32 v48, v53;
	v49 =	vadd.f32 v49, v51;
	v51 =	vld [tilespmem:s12+$0x4000]  }
0x67: {  	v55 =	vmul.f32 v12, v4;
	v54 =	vmul.f32 v54, v7;
	v43 =	vadd.f32 v43, v47;
	v47 =	vld [tilespmem:s12+$0x6000]  }
0x68: {  	v42 =	vadd.f32 v42, v46;
	v26 =	vmul.f32 v26, v19;
	v63 =	vadd.f32 v44, v48;
	v44 =	vld [tilespmem:s12+$0x7000]  }
0x69: {  	v46 =	vmul.f32 v34, v6;
	v58 =	vmul.f32 v62, v21;
	v53 =	vadd.f32 v41, v43;
	v41 =	vld [tilespmem:s12+$0x4100]  }
0x6a: {  	v38 =	vmul.f32 v13, v22;
	v12 =	vadd.f32 v45, v49;
	v45 =	vmul.f32 v3, v6;
	v3 =	vld [tilespmem:s12+$0x9080]  }
0x6b: {  	v62 =	vadd.f32 v39, v63;
	v43 =	vadd.f32 v58, v61;
	v58 =	vld [tilespmem:s12+$0x7100];
	v57 =	vmul.f32 v51, v21  }
0x6c: {  	v63 =	vadd.f32 v37, v12;
	v51 =	vadd.f32 v40, v42;
	v40 =	vld [tilespmem:s12+$0x7080];
	v48 =	vmul.f32 v47, v21  }
0x6d: {  	v12 =	vmul.f32 v32, v5;
	v42 =	vmul.f32 v50, v19;
	v50 =	vld [tilespmem:s12+$0x6100];
	v49 =	vadd.f32 v57, v61  }
0x6e: {  	v44 =	vmul.f32 v44, v21;
	v57 =	vmul.f32 v52, v19;
	v39 =	vadd.f32 v48, v61;
	v48 =	vld [tilespmem:s12+$0x4180]  }
0x6f: {  	v47 =	vmul.f32 v10, v6;
	v41 =	vmul.f32 v41, v22;
	v37 =	vadd.f32 v42, v49;
	v49 =	vld [tilespmem:s12+$0x5180]  }
0x70: {  	v43 =	vadd.f32 v57, v43;
	v39 =	vadd.f32 v26, v39;
	v26 =	vmul.f32 v25, v4;
	v25 =	vld [tilespmem:s12+$0xA200]  }
0x71: {  	v44 =	vadd.f32 v44, v61;
	v40 =	vmul.f32 v40, v19;
	v37 =	vadd.f32 v41, v37;
	v41 =	vld [tilespmem:s12+$0x7180]  }
0x72: {  	[tilespmem:$0x1FF50] =	vst v8;
	v10 =	vmul.f32 v35, v6;
	v8 =	vmul.f32 v50, v22;
	v38 =	vadd.f32 v38, v43;
	v43 =	vld [tilespmem:s12+$0x5200]  }
0x73: {  	v52 =	vmul.f32 v28, v4;
	v3 =	vmul.f32 v3, v19;
	v40 =	vadd.f32 v40, v44;
	v44 =	vld [tilespmem:s12+$0x6180]  }
0x74: {  	v42 =	vmul.f32 v58, v22;
	v50 =	vmul.f32 v27, v4;
	v8 =	vadd.f32 v8, v39;
	v39 =	vld [tilespmem:s12+$0x6200]  }
0x75: {  	[tilespmem:$0x1FF70] =	vst v52;
	v58 =	vmul.f32 v14, v4;
	v57 =	vmul.f32 v48, v20;
	v48 =	vld [tilespmem:s12+$0x8200]  }
0x76: {  	v52 =	vmul.f32 v60, v4;
	[tilespmem:$0x1FF60] =	vst v50;
	v50 =	vld [tilespmem:s12+$0xB200];
	v40 =	vadd.f32 v42, v40;
	v14 =	vmul.f32 v49, v20  }
0x77: {  	[tilespmem:$0x1FF80] =	vst v58;
	v42 =	vld [tilespmem:s12+$0x7200];
	v37 =	vadd.f32 v57, v37;
	v41 =	vmul.f32 v41, v20;
	v58 =	vmul.f32 v43, v7  }
0x78: {  	v49 =	vld [tilespmem:s12+$0x9200];
	v38 =	vadd.f32 v14, v38;
	v43 =	vmul.f32 v24, v5;
	v44 =	vmul.f32 v44, v20  }
0x79: {  	v24 =	vadd.f32 v54, v37;
	v37 =	vld [tilespmem:s12+$0xC200];
	v60 =	vmul.f32 v39, v7;
	v39 =	vmul.f32 v18, v5  }
0x7a: {  	v54 =	vld [tilespmem:s12+$0xD200];
	v57 =	vadd.f32 v41, v40;
	v40 =	vmul.f32 v16, v5;
	v16 =	vmul.f32 v31, v6  }
0x7b: {  	v14 =	vld [tilespmem:s12+$0xA080];
	v18 =	vadd.f32 v58, v38;
	v41 =	vmul.f32 v2, v5;
	v2 =	vmul.f32 v29, v6  }
0x7c: {  	v31 =	vld [tilespmem:s12+$0x8100];
	v8 =	vadd.f32 v44, v8;
	v13 =	vmul.f32 v42, v7;
	v42 =	vmul.f32 v1, v5  }
0x7d: {  	v58 =	vld [tilespmem:s12+$0xA100];
	v1 =	vmul.f32 v23, v6;
	v44 =	vmul.f32 v11, v6;
	v16 =	vadd.f32 v16, v24  }
0x7e: {  	v11 =	vld [tilespmem:s12+$0x9000];
	v2 =	vadd.f32 v2, v18;
	v8 =	vadd.f32 v60, v8;
	v60 =	vmul.f32 v15, v5  }
0x7f: {  	v18 =	vld [tilespmem:s12+$0xA000];
	v29 =	vadd.f32 v13, v57;
	v13 =	vmul.f32 v36, v6;
	v38 =	vmul.f32 v37, v7  }
0x80: {  	[tilespmem:$0x1FFA0] =	vst v10;
	v57 =	vld [tilespmem:s12+$0x9100];
	v15 =	vmul.f32 v17, v19;
	v34 =	vmul.f32 v14, v19;
	v10 =	vadd.f32 v33, v16  }
0x81: {  	v2 =	vadd.f32 v12, v2;
	v12 =	vmul.f32 v49, v7;
	v1 =	vadd.f32 v1, v8;
	v8 =	vld [tilespmem:s12+$0x8000]  }
0x82: {  	v49 =	vmul.f32 v50, v7;
	v0 =	vadd.f32 v0, v29;
	v28 =	vadd.f32 v59, v10;
	v10 =	vld [tilespmem:s12+$0xB080]  }
0x83: {  	v29 =	vmul.f32 v48, v7;
	v11 =	vmul.f32 v11, v21;
	v1 =	vadd.f32 v30, v1;
	v30 =	vld [tilespmem:s12+$0xB000]  }
0x84: {  	v48 =	vmul.f32 v25, v7;
	v27 =	vadd.f32 v55, v2;
	v2 =	vld [tilespmem:s12+$0xB100];
	v0 =	vadd.f32 v43, v0  }
0x85: {  	v43 =	vmul.f32 v18, v21;
	v11 =	vadd.f32 v11, v61;
	v32 =	vadd.f32 v56, v1;
	v1 =	vld [tilespmem:s12+$0x8180]  }
0x86: {  	v31 =	vmul.f32 v31, v22;
	v33 =	vadd.f32 v9, v0;
	v0 =	vld [tilespmem:s12+$0x9180];
	v8 =	vmul.f32 v8, v21  }
0x87: {  	v50 =	vadd.f32 v43, v61;
	v43 =	vmul.f32 v54, v7;
	v3 =	vadd.f32 v3, v11;
	v11 =	vld [tilespmem:s12+$0xB180]  }
0x88: {  	v56 =	vmul.f32 v57, v22;
	v8 =	vadd.f32 v8, v61;
	v9 =	vmul.f32 v30, v21;
	v30 =	vld [tilespmem:s12+$0xA180]  }
0x89: {  	v57 =	vmul.f32 v58, v22;
	v58 =	vld [tilespmem:s12+$0xD100];
	v10 =	vmul.f32 v10, v19;
	v34 =	vadd.f32 v34, v50  }
0x8a: {  	v55 =	vld [tilespmem:s12+$0xC100];
	v2 =	vmul.f32 v2, v22;
	v8 =	vadd.f32 v15, v8;
	v9 =	vadd.f32 v9, v61  }
0x8b: {  	v3 =	vadd.f32 v56, v3;
	v34 =	vadd.f32 v57, v34;
	v0 =	vmul.f32 v0, v20  }
0x8c: {  	v16 =	vmul.f32 v1, v20;
	v9 =	vadd.f32 v10, v9;
	v8 =	vadd.f32 v31, v8;
	v31 =	vld [tilespmem:s12+$0xE100]  }
0x8d: {  	v1 =	vld [tilespmem:s12+$0xF100];
	v59 =	vmul.f32 v11, v20;
	v0 =	vadd.f32 v0, v3;
	v30 =	vmul.f32 v30, v20  }
0x8e: {  	v11 =	vld [tilespmem:s12+$0xD080];
	v3 =	vmul.f32 v58, v22;
	v9 =	vadd.f32 v2, v9;
	v8 =	vadd.f32 v16, v8  }
0x8f: {  	v10 =	vld [tilespmem:s12+$0xC080];
	v2 =	vmul.f32 v55, v22;
	v37 =	vadd.f32 v12, v0;
	v34 =	vadd.f32 v30, v34  }
0x90: {  	v0 =	vld [tilespmem:s12+$0xD000];
	v30 =	vimm.f32 $0.0e+00;
	v35 =	vadd.f32 v59, v9;
	v36 =	vadd.f32 v29, v8  }
0x91: {  	s14 =	simm.s32 $0x0;
	s13 =	simm.s32 $0x10;
	[tilespmem:$0x1FFB0] =	vst v13;
	v9 =	vld [tilespmem:s12+$0xC000];
	v29 =	vimm.f32 $0.0e+00;
	v8 =	vmul.f32 v31, v22;
	v31 =	vimm.f32 $0.0e+00  }
.LBB2_2:
0x92: {  	v59 =	vld [tilespmem:s12+$0xE000]  }
0x93: {  	v50 =	vld [tilespmem:s12+$0xF000]  }
0x94: {  	v54 =	vld [tilespmem:s12+$0xE080]  }
0x95: {  	v55 =	vld [tilespmem:s12+$0xF080]  }
0x96: {  	v56 =	vld [tilespmem:s12+$0xC180]  }
0x97: {  	v57 =	vld [tilespmem:$0x1FF50]  }
0x98: {  	v58 =	vld [tilespmem:$0x1FF60];
	v1 =	vmul.f32 v1, v22;
	v22 =	vadd.f32 v45, v36  }
0x99: {  	[tilespmem:$0x1FE00] =	vst v28;
	v28 =	vld [tilespmem:s12+$0xF180];
	v9 =	vmul.f32 v9, v21;
	v25 =	vmul.f32 v59, v21  }
0x9a: {  	v10 =	vmul.f32 v10, v19;
	v0 =	vmul.f32 v0, v21;
	v59 =	vld [tilespmem:$0x1FF70];
	v22 =	vadd.f32 v39, v22  }
0x9b: {  	v21 =	vmul.f32 v50, v21;
	v9 =	vadd.f32 v9, v61;
	v25 =	vadd.f32 v25, v30;
	v30 =	vld [tilespmem:s12+$0xE200]  }
0x9c: {  	v11 =	vmul.f32 v11, v19;
	v0 =	vadd.f32 v0, v31;
	v12 =	vadd.f32 v26, v22;
	v22 =	vld [tilespmem:s12+$0xD180]  }
0x9d: {  	[tilespmem:$0x1FE10] =	vst v27;
	v27 =	vmul.f32 v54, v19;
	v19 =	vmul.f32 v55, v19;
	v21 =	vadd.f32 v21, v29;
	v26 =	vld [tilespmem:s12+$0xE180]  }
0x9e: {  	v9 =	vadd.f32 v10, v9;
	v0 =	vadd.f32 v11, v0;
	v11 =	vld [tilespmem:s12+$0xF200]  }
0x9f: {  	v25 =	vadd.f32 v27, v25;
	v27 =	vld [tilespmem:s12+$0xE280];
	v19 =	vadd.f32 v19, v21  }
0xa0: {  	v10 =	vmul.f32 v56, v20;
	v21 =	vld [tilespmem:s12+$0xE300];
	v2 =	vadd.f32 v2, v9  }
0xa1: {  	v0 =	vadd.f32 v3, v0;
	v9 =	vld [tilespmem:s12+$0xF280];
	v1 =	vadd.f32 v1, v19;
	v19 =	vmul.f32 v28, v20  }
0xa2: {  	s14 =	sadd.s32 $0x80, s14;
	v8 =	vadd.f32 v8, v25;
	v22 =	vmul.f32 v22, v20;
	v3 =	vmul.f32 v26, v20;
	v20 =	vld [tilespmem:s12+$0xF300]  }
0xa3: {  	s15 =	sor.u32 s14, s13;
	v1 =	vadd.f32 v19, v1;
	v19 =	vld [tilespmem:s12+$0xF380]  }
0xa4: {  	s16 =	sor.u32 $0x380, s15;
	v2 =	vadd.f32 v10, v2;
	v3 =	vadd.f32 v3, v8;
	v8 =	vld [tilespmem:s12+$0xE380]  }
0xa5: {  	v10 =	vmul.f32 v30, v7;
	v7 =	vmul.f32 v11, v7;
	v0 =	vadd.f32 v22, v0;
	v22 =	vld [tilespmem:s16+$0x10000]  }
0xa6: {  	s30 =	sand.u32 $0x70, s13;
	s31 =	sand.u32 $0xC00, s14;
	v11 =	vmul.f32 v27, v6;
	v6 =	vmul.f32 v9, v6;
	v9 =	vld [tilespmem:s16+$0x0]  }
0xa7: {  	v1 =	vadd.f32 v7, v1;
	s12 =	sor.u32 s30, s31;
	v7 =	vld [tilespmem:$0x1FFA0]  }
0xa8: {  	v13 =	vld [tilespmem:s12+$0x9380]  }
0xa9: {  	v14 =	vld [tilespmem:s12+$0xA380]  }
0xaa: {  	v23 =	vld [tilespmem:s12+$0x300]  }
0xab: {  	v24 =	vld [tilespmem:s12+$0x1300]  }
0xac: {  	[tilespmem:$0x1FE20] =	vst v32;
	v34 =	vadd.f32 v48, v34;
	v32 =	vld [tilespmem:s12+$0x2300]  }
0xad: {  	v35 =	vadd.f32 v49, v35;
	v49 =	vadd.f32 v47, v37;
	v37 =	vld [tilespmem:s12+$0x4300]  }
0xae: {  	v2 =	vadd.f32 v38, v2;
	v38 =	vld [tilespmem:s12+$0x5300]  }
0xaf: {  	v34 =	vadd.f32 v44, v34;
	v39 =	vld [tilespmem:s12+$0x6300]  }
0xb0: {  	v35 =	vadd.f32 v46, v35;
	v36 =	vadd.f32 v40, v49;
	v40 =	vld [tilespmem:s12+$0x7300]  }
0xb1: {  	v34 =	vadd.f32 v41, v34;
	v41 =	vld [tilespmem:s12+$0x8300]  }
0xb2: {  	v35 =	vadd.f32 v42, v35;
	v42 =	vld [tilespmem:s12+$0x9300]  }
0xb3: {  	v44 =	vld [tilespmem:s12+$0xB300]  }
0xb4: {  	v45 =	vld [tilespmem:s12+$0xC300]  }
0xb5: {  	[tilespmem:$0x1FF10] =	vst v12;
	v12 =	vadd.f32 v57, v36;
	v46 =	vld [tilespmem:s12+$0xD300]  }
0xb6: {  	v47 =	vld [tilespmem:s12+$0x280]  }
0xb7: {  	[tilespmem:$0x1FF20] =	vst v12;
	v12 =	vadd.f32 v58, v34;
	v48 =	vld [tilespmem:s12+$0x1280]  }
0xb8: {  	v49 =	vld [tilespmem:s12+$0x2280]  }
0xb9: {  	[tilespmem:$0x1FF30] =	vst v12;
	v12 =	vadd.f32 v59, v35;
	v58 =	vld [tilespmem:s12+$0x3280]  }
0xba: {  	v59 =	vld [tilespmem:s12+$0x4280]  }
0xbb: {  	[tilespmem:$0x1FF40] =	vst v12;
	v12 =	vld [tilespmem:s12+$0x5280]  }
0xbc: {  	v15 =	vld [tilespmem:s12+$0x6280]  }
0xbd: {  	v16 =	vld [tilespmem:s12+$0x7280]  }
0xbe: {  	v17 =	vld [tilespmem:s12+$0x8280]  }
0xbf: {  	v25 =	vld [tilespmem:s12+$0xA280]  }
0xc0: {  	v50 =	vld [tilespmem:s12+$0xB280]  }
0xc1: {  	v34 =	vmov v51;
	v51 =	vld [tilespmem:s12+$0xC280]  }
0xc2: {  	v31 =	vmov v53;
	v53 =	vld [tilespmem:s12+$0x200]  }
0xc3: {  	v26 =	vld [tilespmem:s12+$0x4200]  }
0xc4: {  	v27 =	vld [tilespmem:s12+$0xB200]  }
0xc5: {  	v28 =	vld [tilespmem:s12+$0xD200]  }
0xc6: {  	v55 =	vld [tilespmem:s12+$0x100]  }
0xc7: {  	v57 =	vld [tilespmem:s12+$0x1100]  }
0xc8: {  	v1 =	vadd.f32 v6, v1;
	v6 =	vld [tilespmem:$0x1FF90]  }
0xc9: {  	v2 =	vadd.f32 v7, v2;
	v7 =	vld [tilespmem:$0x1FFB0]  }
0xca: {  	v3 =	vadd.f32 v10, v3;
	v10 =	vld [tilespmem:s12+$0x1380]  }
0xcb: {  	v0 =	vadd.f32 v43, v0;
	v43 =	vld [tilespmem:s12+$0xA300]  }
0xcc: {  	v3 =	vadd.f32 v11, v3;
	v11 =	vld [tilespmem:s12+$0x2380]  }
0xcd: {  	v2 =	vadd.f32 v6, v2;
	v6 =	vmul.f32 v8, v4;
	v8 =	vld [tilespmem:s12+$0x3380]  }
0xce: {  	v0 =	vadd.f32 v7, v0;
	v7 =	vmul.f32 v21, v5;
	v5 =	vmul.f32 v20, v5;
	v20 =	vld [tilespmem:s12+$0xB380]  }
0xcf: {  	v21 =	vld [tilespmem:s12+$0xC380]  }
0xd0: {  	v0 =	vadd.f32 v60, v0;
	v1 =	vadd.f32 v5, v1;
	v5 =	vmul.f32 v19, v4;
	v4 =	vld [tilespmem:$0x1FF80]  }
0xd1: {  	v19 =	vld [tilespmem:s12+$0x4380]  }
0xd2: {  	v3 =	vadd.f32 v7, v3;
	v7 =	vld [tilespmem:s12+$0x10200];
	v0 =	vadd.f32 v52, v0  }
0xd3: {  	v1 =	vadd.f32 v5, v1;
	v5 =	vld [tilespmem:s12+$0x10300]  }
0xd4: {  	[tilespmem:$0x1FE60] =	vst v0;
	v0 =	vld [tilespmem:s12+$0x5380]  }
0xd5: {  	v52 =	vld [tilespmem:s12+$0xD280];
	v2 =	vadd.f32 v4, v2;
	v4 =	vmov v22  }
0xd6: {  	[tilespmem:$0x1FE40] =	vst v1;
	v1 =	vld [tilespmem:s12+$0x6380];
	v9 =	vmul.f32 v9, v4;
	v8 =	vmul.f32 v8, v4  }
0xd7: {  	v61 =	vmul.f32 v10, v4;
	v10 =	vmul.f32 v11, v4;
	[tilespmem:$0x1FDF0] =	vst v2;
	v2 =	vadd.f32 v6, v3;
	v6 =	vld [tilespmem:s12+$0x10280]  }
0xd8: {  	v35 =	vmul.f32 v23, v5;
	v23 =	vld [tilespmem:s12+$0x8200];
	[tilespmem:$0x1FDE0] =	vst v8;
	v8 =	vmul.f32 v19, v4  }
0xd9: {  	v36 =	vmul.f32 v24, v5;
	v24 =	vld [tilespmem:s12+$0xA200];
	[tilespmem:$0x1FE50] =	vst v2;
	v0 =	vmul.f32 v0, v4  }
0xda: {  	v22 =	vld [tilespmem:s12+$0xD380];
	v60 =	vmul.f32 v46, v5;
	[tilespmem:$0x1FED0] =	vst v8;
	v8 =	vmul.f32 v32, v5  }
0xdb: {  	v2 =	vld [tilespmem:s12+$0x7380];
	[tilespmem:$0x1FEE0] =	vst v0;
	v0 =	vmul.f32 v1, v4;
	v1 =	vmul.f32 v37, v5  }
0xdc: {  	v11 =	vld [tilespmem:s12+$0x3200];
	v54 =	vmul.f32 v48, v6;
	v30 =	vmul.f32 v49, v6  }
0xdd: {  	v3 =	vld [tilespmem:s12+$0x8380];
	[tilespmem:$0x1FDC0] =	vst v9;
	v56 =	vmul.f32 v58, v6;
	v46 =	vmul.f32 v50, v6  }
0xde: {  	v9 =	vld [tilespmem:s12+$0x1200];
	[tilespmem:$0x1FDD0] =	vst v10;
	v58 =	vmul.f32 v23, v7;
	v48 =	vmul.f32 v24, v7  }
0xdf: {  	v10 =	vld [tilespmem:s12+$0x2200];
	v49 =	vmul.f32 v27, v7;
	[tilespmem:$0x1FE90] =	vst v1;
	v1 =	vmul.f32 v38, v5  }
0xe0: {  	v19 =	vld [tilespmem:s12+$0x10080];
	[tilespmem:$0x1FEF0] =	vst v0;
	v0 =	vmul.f32 v2, v4;
	v2 =	vmul.f32 v59, v6  }
0xe1: {  	v32 =	vld [tilespmem:s12+$0x1000];
	[tilespmem:$0x1FEA0] =	vst v1;
	v1 =	vmul.f32 v39, v5;
	v39 =	vmul.f32 v15, v6  }
0xe2: {  	v50 =	vld [tilespmem:s12+$0x2080];
	[tilespmem:$0x1FF00] =	vst v0;
	v0 =	vmul.f32 v3, v4;
	v3 =	vmul.f32 v12, v6  }
0xe3: {  	v23 =	vld [tilespmem:s12+$0x2000];
	[tilespmem:$0x1FEB0] =	vst v1;
	v1 =	vmul.f32 v40, v5;
	v40 =	vmul.f32 v42, v5  }
0xe4: {  	v38 =	vld [tilespmem:s12+$0x9200];
	v42 =	vmul.f32 v44, v5;
	[tilespmem:$0x1FE70] =	vst v0;
	v0 =	vmul.f32 v13, v4  }
0xe5: {  	v24 =	vld [tilespmem:s12+$0x3000];
	v44 =	vmul.f32 v25, v6;
	[tilespmem:$0x1FEC0] =	vst v1;
	v1 =	vmul.f32 v41, v5  }
0xe6: {  	v25 =	vmul.f32 v9, v7;
	v13 =	vld [tilespmem:s12+$0x5200];
	v41 =	vmul.f32 v43, v5;
	[tilespmem:$0x1FF50] =	vst v0  }
0xe7: {  	v15 =	vld [tilespmem:s12+$0x3100];
	v0 =	vmul.f32 v14, v4;
	[tilespmem:$0x1FE80] =	vst v1;
	v1 =	vmul.f32 v45, v5  }
0xe8: {  	v43 =	vld [tilespmem:s12+$0xC200];
	v45 =	vmul.f32 v17, v6;
	v17 =	vmul.f32 v51, v6  }
0xe9: {  	v50 =	vmul.f32 v50, v19;
	v59 =	vmul.f32 v38, v7;
	v14 =	vld [tilespmem:s12+$0x7200];
	[tilespmem:$0x1FF60] =	vst v0  }
0xea: {  	v0 =	vmul.f32 v20, v4;
	v20 =	vld [tilespmem:s12+$0x6200];
	[tilespmem:$0x1FFA0] =	vst v17;
	v17 =	vmul.f32 v52, v6  }
0xeb: {  	v52 =	vmul.f32 v11, v7;
	v11 =	vmul.f32 v13, v7;
	v13 =	vld [tilespmem:s12+$0x0]  }
0xec: {  	v51 =	vmul.f32 v10, v7;
	[tilespmem:$0x1FF70] =	vst v0;
	v0 =	vmul.f32 v21, v4;
	v21 =	vld [tilespmem:s12+$0x10000]  }
0xed: {  	v12 =	vld [tilespmem:s12+$0x2100];
	v10 =	vmul.f32 v26, v7;
	[tilespmem:$0x1FF90] =	vst v1;
	v1 =	vmul.f32 v16, v6  }
0xee: {  	v16 =	vld [tilespmem:s12+$0x80];
	v38 =	vmul.f32 v43, v7;
	v43 =	vmul.f32 v28, v7  }
0xef: {  	s15 =	sor.u32 s31, s13;
	v28 =	vld [tilespmem:s12+$0x3080];
	[tilespmem:$0x1FFB0] =	vst v17;
	v17 =	vmul.f32 v53, v7;
	v9 =	vmul.f32 v14, v7  }
0xf0: {  	s15 =	sor.u32 $0x180, s15;
	[tilespmem:$0x1FF80] =	vst v0;
	v0 =	vmul.f32 v22, v4;
	v22 =	vld [tilespmem:s12+$0x10100];
	v37 =	vmul.f32 v20, v7  }
0xf1: {  	v53 =	vld [tilespmem:s15+$0x0];
	v13 =	vmul.f32 v13, v21;
	v14 =	vmul.f32 v32, v21  }
0xf2: {  	v20 =	vld [tilespmem:s15+$0x10000];
	v23 =	vmul.f32 v23, v21;
	v24 =	vmul.f32 v24, v21  }
0xf3: {  	v16 =	vmul.f32 v16, v19;
	v13 =	vadd.f32 v13, v34;
	v14 =	vadd.f32 v14, v31;
	v31 =	vld [tilespmem:s12+$0x3180]  }
0xf4: {  	v18 =	vld [tilespmem:s12+$0x9280];
	v28 =	vmul.f32 v28, v19;
	v23 =	vadd.f32 v23, v62;
	v24 =	vadd.f32 v24, v63  }
0xf5: {  	v26 =	vmul.f32 v55, v22;
	v12 =	vmul.f32 v12, v22;
	v13 =	vadd.f32 v16, v13  }
0xf6: {  	v15 =	vmul.f32 v15, v22;
	v23 =	vadd.f32 v50, v23;
	v24 =	vadd.f32 v28, v24  }
0xf7: {  	v27 =	vmul.f32 v57, v22;
	v57 =	vld [tilespmem:s12+$0x2180];
	v16 =	vmul.f32 v53, v20;
	v13 =	vadd.f32 v26, v13  }
0xf8: {  	v12 =	vadd.f32 v12, v23;
	v15 =	vadd.f32 v15, v24;
	v23 =	vmul.f32 v31, v20  }
0xf9: {  	v29 =	vmul.f32 v47, v6;
	v47 =	vmul.f32 v18, v6;
	v18 =	vld [tilespmem:s12+$0x1080];
	v13 =	vadd.f32 v16, v13  }
0xfa: {  	v15 =	vadd.f32 v23, v15  }
0xfb: {  	v13 =	vadd.f32 v17, v13  }
0xfc: {  	v26 =	vmul.f32 v57, v20;
	v15 =	vadd.f32 v52, v15;
	v52 =	vmov v0;
	v0 =	vld [tilespmem:$0x1FDC0]  }
0xfd: {  	[tilespmem:$0x1FE30] =	vst v33;
	v33 =	vld [tilespmem:s12+$0x3300];
	v13 =	vadd.f32 v29, v13  }
0xfe: {  	v18 =	vmul.f32 v18, v19;
	v55 =	vld [tilespmem:s12+$0x1180];
	v12 =	vadd.f32 v26, v12  }
0xff: {  	v62 =	vld [tilespmem:s12+$0x4100];
	v13 =	vadd.f32 v35, v13  }
0x100: {  	v14 =	vadd.f32 v18, v14;
	v18 =	vld [tilespmem:s12+$0x5100];
	v12 =	vadd.f32 v51, v12  }
0x101: {  	v51 =	vadd.f32 v0, v13;
	v0 =	vld [tilespmem:$0x1FDD0]  }
0x102: {  	v28 =	vld [tilespmem:s12+$0x6100];
	v12 =	vadd.f32 v30, v12  }
0x103: {  	v14 =	vadd.f32 v27, v14;
	v27 =	vld [tilespmem:s12+$0x7100]  }
0x104: {  	v24 =	vld [tilespmem:s12+$0x4080];
	v8 =	vadd.f32 v8, v12  }
0x105: {  	v31 =	vld [tilespmem:s12+$0x5080]  }
0x106: {  	v16 =	vmul.f32 v62, v22;
	v62 =	vadd.f32 v0, v8;
	v0 =	vld [tilespmem:$0x1FDE0]  }
0x107: {  	v33 =	vmul.f32 v33, v5;
	v63 =	vmul.f32 v55, v20;
	v55 =	vld [tilespmem:s12+$0x8000];
	v15 =	vadd.f32 v56, v15  }
0x108: {  	v23 =	vld [tilespmem:s12+$0x4000]  }
0x109: {  	v26 =	vld [tilespmem:s12+$0x6000];
	v34 =	vadd.f32 v33, v15  }
0x10a: {  	v14 =	vadd.f32 v63, v14;
	v17 =	vld [tilespmem:s12+$0x5000]  }
0x10b: {  	v63 =	vadd.f32 v0, v34;
	v0 =	vld [tilespmem:$0x1FE00]  }
0x10c: {  	v14 =	vadd.f32 v25, v14;
	v25 =	vmul.f32 v28, v22;
	v28 =	vld [tilespmem:s12+$0x7000]  }
0x10d: {  	v29 =	vmul.f32 v31, v19;
	v31 =	vld [tilespmem:s12+$0x7080]  }
0x10e: {  	v30 =	vld [tilespmem:s12+$0x6080];
	v23 =	vmul.f32 v23, v21  }
0x10f: {  	v56 =	vld [tilespmem:s12+$0x9000]  }
0x110: {  	v14 =	vadd.f32 v54, v14;
	v23 =	vadd.f32 v23, v0;
	v0 =	vld [tilespmem:$0x1FE10]  }
0x111: {  	v35 =	vld [tilespmem:s12+$0x4180]  }
0x112: {  	v14 =	vadd.f32 v36, v14;
	v36 =	vld [tilespmem:s12+$0x5180]  }
0x113: {  	v17 =	vmul.f32 v17, v21;
	v33 =	vld [tilespmem:s12+$0xA000]  }
0x114: {  	v54 =	vmul.f32 v28, v21;
	v28 =	vld [tilespmem:s12+$0x7180]  }
0x115: {  	v17 =	vadd.f32 v17, v0;
	v0 =	vld [tilespmem:$0x1FE20]  }
0x116: {  	v50 =	vmul.f32 v26, v21;
	v53 =	vadd.f32 v61, v14;
	v61 =	vld [tilespmem:$0x1FDF0]  }
0x117: {  	v26 =	vmul.f32 v30, v19;
	v30 =	vmul.f32 v31, v19;
	v31 =	vld [tilespmem:s12+$0x8100]  }
0x118: {  	v24 =	vmul.f32 v24, v19;
	v8 =	vld [tilespmem:s12+$0x6180]  }
0x119: {  	v15 =	vmul.f32 v35, v20;
	v35 =	vld [tilespmem:$0x1FF20]  }
0x11a: {  	v23 =	vadd.f32 v24, v23;
	v14 =	vadd.f32 v50, v0;
	v0 =	vld [tilespmem:$0x1FE30]  }
0x11b: {  	v18 =	vmul.f32 v18, v22;
	v13 =	vmul.f32 v36, v20;
	v36 =	vld [tilespmem:s12+$0xB180];
	v17 =	vadd.f32 v29, v17  }
0x11c: {  	v34 =	vld [tilespmem:$0x1FEF0];
	v16 =	vadd.f32 v16, v23;
	v14 =	vadd.f32 v26, v14  }
0x11d: {  	v8 =	vmul.f32 v8, v20;
	v24 =	vld [tilespmem:s12+$0x9100];
	v17 =	vadd.f32 v18, v17  }
0x11e: {  	v15 =	vadd.f32 v15, v16;
	v16 =	vmul.f32 v31, v22;
	v31 =	vld [tilespmem:$0x1FE60];
	v14 =	vadd.f32 v25, v14  }
0x11f: {  	v13 =	vadd.f32 v13, v17;
	v17 =	vld [tilespmem:s12+$0x9080];
	v12 =	vadd.f32 v54, v0  }
0x120: {  	v29 =	vld [tilespmem:$0x1FE40];
	v8 =	vadd.f32 v8, v14  }
0x121: {  	v27 =	vmul.f32 v27, v22;
	v25 =	vld [tilespmem:s12+$0x8080];
	v12 =	vadd.f32 v30, v12  }
0x122: {  	v18 =	vld [tilespmem:s12+$0xB100];
	v8 =	vadd.f32 v37, v8  }
0x123: {  	v23 =	vmul.f32 v28, v20;
	v50 =	vld [tilespmem:$0x1FF40];
	v12 =	vadd.f32 v27, v12  }
0x124: {  	v10 =	vadd.f32 v10, v15;
	v0 =	vadd.f32 v39, v8;
	v8 =	vmul.f32 v17, v19;
	v17 =	vld [tilespmem:$0x1FE90]  }
0x125: {  	v12 =	vadd.f32 v23, v12;
	v23 =	vmul.f32 v24, v22;
	v24 =	vld [tilespmem:$0x1FEB0]  }
0x126: {  	v2 =	vadd.f32 v2, v10;
	v11 =	vadd.f32 v11, v13;
	v10 =	vmul.f32 v25, v19;
	v25 =	vld [tilespmem:$0x1FED0]  }
0x127: {  	v26 =	vld [tilespmem:s12+$0xA100]  }
0x128: {  	v3 =	vadd.f32 v3, v11;
	v11 =	vld [tilespmem:s12+$0xB000]  }
0x129: {  	v2 =	vadd.f32 v17, v2;
	v17 =	vld [tilespmem:$0x1FEA0]  }
0x12a: {  	v0 =	vadd.f32 v24, v0;
	v24 =	vld [tilespmem:$0x1FEC0]  }
0x12b: {  	v9 =	vadd.f32 v9, v12;
	v28 =	vadd.f32 v25, v2;
	v2 =	vld [tilespmem:$0x1FEE0]  }
0x12c: {  	v32 =	vadd.f32 v34, v0;
	v0 =	vld [tilespmem:$0x1FF00]  }
0x12d: {  	v13 =	vmul.f32 v56, v21;
	v56 =	vld [tilespmem:s12+$0xE100];
	v1 =	vadd.f32 v1, v9  }
0x12e: {  	v37 =	vld [tilespmem:$0x1FF30];
	v3 =	vadd.f32 v17, v3  }
0x12f: {  	v9 =	vld [tilespmem:s12+$0xA080];
	v1 =	vadd.f32 v24, v1  }
0x130: {  	v17 =	vld [tilespmem:s12+$0xB080];
	v27 =	vadd.f32 v2, v3  }
0x131: {  	v3 =	vmul.f32 v33, v21;
	v33 =	vadd.f32 v0, v1;
	v1 =	vmul.f32 v11, v21;
	v11 =	vld [tilespmem:$0x1FF10]  }
0x132: {  	v14 =	vmul.f32 v55, v21;
	v55 =	vld [tilespmem:s12+$0xD100]  }
0x133: {  	v12 =	vadd.f32 v13, v35;
	v2 =	vld [tilespmem:s12+$0x9180]  }
0x134: {  	v18 =	vmul.f32 v18, v22;
	v0 =	vld [tilespmem:s12+$0xA180]  }
0x135: {  	v8 =	vadd.f32 v8, v12;
	v9 =	vmul.f32 v9, v19;
	v24 =	vld [tilespmem:s12+$0x8180];
	v3 =	vadd.f32 v3, v37  }
0x136: {  	v30 =	vld [tilespmem:$0x1FE50];
	v1 =	vadd.f32 v1, v50;
	v54 =	vmul.f32 v17, v19;
	v11 =	vadd.f32 v14, v11  }
0x137: {  	v57 =	vmul.f32 v26, v22;
	v26 =	vld [tilespmem:$0x1FE70];
	v8 =	vadd.f32 v23, v8;
	v3 =	vadd.f32 v9, v3  }
0x138: {  	v13 =	vmul.f32 v36, v20;
	v17 =	vld [tilespmem:s12+$0xC100];
	v9 =	vadd.f32 v54, v1;
	v10 =	vadd.f32 v10, v11  }
0x139: {  	p0 =	sne.s32 s13, $0x1F0;
	v39 =	vld [tilespmem:$0x1FE80];
	v2 =	vmul.f32 v2, v20;
	v0 =	vmul.f32 v0, v20;
	v3 =	vadd.f32 v57, v3  }
.Ltmp0:
0x13a: {  	v1 =	vld [tilespmem:s12+$0xF100];
	v9 =	vadd.f32 v18, v9;
	v11 =	vmul.f32 v24, v20;
	v16 =	vadd.f32 v16, v10;
	(pc) =	sbr.rel @p0 .LBB2_2-.Ltmp0, $4  }
0x13b: {  	v8 =	vadd.f32 v2, v8;
	v34 =	vadd.f32 v0, v3;
	v0 =	vld [tilespmem:s12+$0xD000]  }
0x13c: {  	v35 =	vadd.f32 v13, v9;
	v9 =	vld [tilespmem:s12+$0xC000];
	v57 =	vadd.f32 v11, v16  }
0x13d: {  	v2 =	vmul.f32 v17, v22;
	v3 =	vmul.f32 v55, v22;
	v10 =	vld [tilespmem:s12+$0xC080]  }
0x13e: {  	s13 =	sadd.s32 $0x10, s13;
	v37 =	vadd.f32 v59, v8;
	v8 =	vmul.f32 v56, v22;
	v11 =	vld [tilespmem:s12+$0xD080];
	v36 =	vadd.f32 v58, v57  }
0x13f: {  	_ = 	snop  }
0x140: {  	v24 =	vmul.f32 v0, v21;
	v0 =	vld [tilespmem:$0x1FF50]  }
0x141: {  	v16 =	vadd.f32 v47, v37;
	_ =	sdelay $0x1  }
0x142: {  	v16 =	vadd.f32 v40, v16  }
0x143: {  	v12 =	vadd.f32 v48, v34;
	v14 =	vld [tilespmem:s12+$0xE000]  }
0x144: {  	v16 =	vadd.f32 v0, v16;
	v0 =	vld [tilespmem:$0x1FF60]  }
0x145: {  	v15 =	vmul.f32 v1, v22;
	v17 =	vld [tilespmem:s12+$0xF000];
	v1 =	vadd.f32 v45, v36;
	v12 =	vadd.f32 v44, v12  }
0x146: {  	v13 =	vadd.f32 v49, v35;
	v18 =	vld [tilespmem:s12+$0xE080]  }
0x147: {  	v22 =	vld [tilespmem:s12+$0xF080];
	v1 =	vadd.f32 v39, v1;
	v12 =	vadd.f32 v41, v12  }
0x148: {  	v23 =	vld [tilespmem:s12+$0xC180];
	v13 =	vadd.f32 v46, v13;
	v9 =	vmul.f32 v9, v21;
	v10 =	vmul.f32 v10, v19  }
0x149: {  	v25 =	vadd.f32 v26, v1;
	v14 =	vmul.f32 v14, v21;
	v1 =	vadd.f32 v0, v12;
	v0 =	vld [tilespmem:$0x1FF70]  }
0x14a: {  	v35 =	vld [tilespmem:s12+$0xE180];
	v11 =	vmul.f32 v11, v19;
	v9 =	vadd.f32 v9, v61;
	v36 =	vmul.f32 v17, v21  }
0x14b: {  	v17 =	vadd.f32 v24, v31;
	v18 =	vmul.f32 v18, v19;
	v14 =	vadd.f32 v14, v30  }
0x14c: {  	v13 =	vadd.f32 v42, v13;
	v24 =	vld [tilespmem:s12+$0xE200];
	v9 =	vadd.f32 v10, v9  }
0x14d: {  	v21 =	vld [tilespmem:s12+$0xF180];
	v19 =	vmul.f32 v22, v19;
	v11 =	vadd.f32 v11, v17;
	v14 =	vadd.f32 v18, v14  }
0x14e: {  	v10 =	vmul.f32 v23, v20;
	v0 =	vadd.f32 v0, v13;
	v13 =	vadd.f32 v36, v29  }
0x14f: {  	v17 =	vld [tilespmem:s12+$0xF200];
	v2 =	vadd.f32 v2, v9;
	v9 =	vmul.f32 v35, v20;
	v8 =	vadd.f32 v8, v14  }
0x150: {  	v40 =	vld [tilespmem:s12+$0xE300];
	v13 =	vadd.f32 v19, v13  }
0x151: {  	v26 =	vld [tilespmem:s12+$0xD180];
	v2 =	vadd.f32 v10, v2;
	v10 =	vmul.f32 v24, v7;
	v8 =	vadd.f32 v9, v8  }
0x152: {  	v18 =	vld [tilespmem:s12+$0xE280];
	v39 =	vmul.f32 v21, v20;
	v37 =	vadd.f32 v15, v13  }
0x153: {  	v8 =	vadd.f32 v10, v8;
	v10 =	vld [tilespmem:$0x1FFA0]  }
0x154: {  	v7 =	vmul.f32 v17, v7;
	v19 =	vld [tilespmem:$0x1FFC0];
	v9 =	vadd.f32 v39, v37  }
0x155: {  	v3 =	vadd.f32 v3, v11;
	v11 =	vld [tilespmem:s12+$0xF280]  }
0x156: {  	v7 =	vadd.f32 v7, v9;
	v9 =	vld [tilespmem:s12+$0xF300]  }
0x157: {  	v2 =	vadd.f32 v38, v2  }
0x158: {  	v22 =	vmul.f32 v26, v20;
	v20 =	vld [tilespmem:$0x1FFD0]  }
0x159: {  	v41 =	vmul.f32 v18, v6;
	v2 =	vadd.f32 v10, v2;
	v10 =	vperm.xlane v51, v19  }
0x15a: {  	v3 =	vadd.f32 v22, v3;
	v6 =	vmul.f32 v11, v6;
	v11 =	vperm.xlane v53, v19  }
0x15b: {  	v12 =	vmul.f32 v40, v5;
	v10 =	vadd.f32 v10, v51;
	v5 =	vmul.f32 v9, v5;
	v9 =	vld [tilespmem:$0x1FF90]  }
0x15c: {  	v3 =	vadd.f32 v43, v3;
	v43 =	vperm.xlane v62, v19;
	v11 =	vadd.f32 v11, v53  }
0x15d: {  	v21 =	vld [tilespmem:$0x1FFE0];
	v46 =	vperm.xlane v10, v20  }
0x15e: {  	v42 =	vld [tilespmem:$0x1FFB0];
	v6 =	vadd.f32 v6, v7;
	v7 =	vadd.f32 v43, v62;
	v17 =	vperm.xlane v11, v20  }
0x15f: {  	v45 =	vperm.xlane v63, v19;
	v10 =	vadd.f32 v46, v10  }
0x160: {  	v11 =	vadd.f32 v17, v11;
	v2 =	vadd.f32 v9, v2;
	v9 =	vperm.xlane v7, v20  }
0x161: {  	v15 =	vadd.f32 v45, v63  }
0x162: {  	v44 =	vld [tilespmem:s12+$0xE380];
	v17 =	vperm.xlane v11, v21;
	v7 =	vadd.f32 v9, v7;
	v9 =	vperm.xlane v10, v21  }
0x163: {  	v18 =	vld [tilespmem:s12+$0xF380];
	v3 =	vadd.f32 v42, v3;
	v47 =	vperm.xlane v15, v20  }
0x164: {  	v9 =	vadd.f32 v9, v10;
	v10 =	vadd.f32 v17, v11;
	v17 =	vld [tilespmem:$0x1FFF0]  }
0x165: {  	v8 =	vadd.f32 v41, v8;
	v13 =	vadd.f32 v47, v15  }
0x166: {  	v3 =	vadd.f32 v60, v3;
	v5 =	vadd.f32 v5, v6;
	v6 =	vperm.xlane v7, v21  }
0x167: {  	v14 =	vmul.f32 v44, v4;
	v8 =	vadd.f32 v12, v8;
	v11 =	vperm.xlane v13, v21  }
0x168: {  	v4 =	vmul.f32 v18, v4;
	v3 =	vadd.f32 v52, v3;
	v6 =	vadd.f32 v6, v7  }
0x169: {  	v11 =	vadd.f32 v11, v13;
	v7 =	vperm.xlane v9, v17;
	v49 =	vperm.xlane v10, v17  }
0x16a: {  	v8 =	vadd.f32 v14, v8;
	v53 =	vperm.xlane v16, v19;
	v50 =	vperm.xlane v6, v17  }
0x16b: {  	v7 =	vadd.f32 v7, v9;
	v9 =	vadd.f32 v49, v10;
	v10 =	vperm.xlane v11, v17  }
0x16c: {  	v4 =	vadd.f32 v4, v5;
	v5 =	vadd.f32 v50, v6;
	v6 =	vperm.xlane v28, v19  }
0x16d: {  	v7 =	vsel vm0, v7, v9;
	v9 =	vadd.f32 v10, v11;
	v10 =	vperm.xlane v27, v19  }
0x16e: {  	v6 =	vadd.f32 v6, v28;
	v5 =	vsel vm1, v7, v5;
	v7 =	vperm.xlane v32, v19  }
0x16f: {  	v5 =	vsel vm2, v5, v9;
	v9 =	vadd.f32 v10, v27;
	v10 =	vperm.xlane v33, v19  }
0x170: {  	v48 =	vld [tilespmem:$0x1FF80];
	v51 =	vperm.xlane v25, v19;
	v11 =	vperm.xlane v6, v20;
	v7 =	vadd.f32 v7, v32  }
0x171: {  	v14 =	vadd.f32 v53, v16;
	v52 =	vperm.xlane v9, v20;
	v10 =	vadd.f32 v10, v33  }
0x172: {  	v12 =	vadd.f32 v51, v25;
	v6 =	vadd.f32 v11, v6;
	v11 =	vperm.xlane v7, v20  }
0x173: {  	v56 =	vperm.xlane v14, v20;
	v9 =	vadd.f32 v52, v9;
	v54 =	vperm.xlane v10, v20  }
0x174: {  	v55 =	vperm.xlane v6, v21;
	v7 =	vadd.f32 v11, v7;
	v11 =	vperm.xlane v12, v20  }
0x175: {  	v2 =	vadd.f32 v48, v2;
	v16 =	vperm.xlane v9, v21;
	v10 =	vadd.f32 v54, v10  }
0x176: {  	v6 =	vadd.f32 v55, v6;
	v57 =	vperm.xlane v7, v21;
	v11 =	vadd.f32 v11, v12  }
0x177: {  	v13 =	vadd.f32 v56, v14;
	v9 =	vadd.f32 v16, v9;
	v58 =	vperm.xlane v10, v21  }
0x178: {  	v59 =	vperm.xlane v6, v17;
	v7 =	vadd.f32 v57, v7;
	v60 =	vperm.xlane v11, v21  }
0x179: {  	v61 =	vperm.xlane v13, v21;
	v16 =	vperm.xlane v9, v17;
	v10 =	vadd.f32 v58, v10  }
0x17a: {  	v6 =	vadd.f32 v59, v6;
	v62 =	vperm.xlane v7, v17;
	v11 =	vadd.f32 v60, v11  }
0x17b: {  	v12 =	vadd.f32 v61, v13;
	v9 =	vadd.f32 v16, v9;
	v63 =	vperm.xlane v10, v17  }
0x17c: {  	v5 =	vsel vm3, v5, v6;
	v6 =	vadd.f32 v62, v7;
	v7 =	vperm.xlane v11, v17  }
0x17d: {  	v5 =	vsel vm4, v5, v9;
	v9 =	vadd.f32 v63, v10;
	v10 =	vperm.xlane v12, v17  }
0x17e: {  	v5 =	vsel vm5, v5, v6;
	v6 =	vadd.f32 v7, v11;
	v7 =	vperm.xlane v1, v19  }
0x17f: {  	v5 =	vsel vm6, v5, v9;
	v9 =	vadd.f32 v10, v12;
	v10 =	vperm.xlane v0, v19  }
0x180: {  	v5 =	vsel vm7, v5, v6;
	v1 =	vadd.f32 v7, v1;
	v6 =	vperm.xlane v2, v19  }
0x181: {  	v7 =	vperm.xlane v3, v19;
	v5 =	vsel vm8, v5, v9;
	v0 =	vadd.f32 v10, v0  }
0x182: {  	v9 =	vperm.xlane v1, v20;
	v2 =	vadd.f32 v6, v2;
	v6 =	vperm.xlane v8, v19  }
0x183: {  	v3 =	vadd.f32 v7, v3;
	v7 =	vperm.xlane v4, v19;
	v10 =	vperm.xlane v0, v20  }
0x184: {  	v1 =	vadd.f32 v9, v1;
	v9 =	vperm.xlane v2, v20;
	v6 =	vadd.f32 v6, v8  }
0x185: {  	v8 =	vperm.xlane v3, v20;
	v4 =	vadd.f32 v7, v4;
	v0 =	vadd.f32 v10, v0  }
0x186: {  	v7 =	vperm.xlane v1, v21;
	v2 =	vadd.f32 v9, v2;
	v9 =	vperm.xlane v6, v20  }
0x187: {  	v3 =	vadd.f32 v8, v3;
	v8 =	vperm.xlane v4, v20;
	v10 =	vperm.xlane v0, v21  }
0x188: {  	v1 =	vadd.f32 v7, v1;
	v7 =	vperm.xlane v2, v21;
	v6 =	vadd.f32 v9, v6  }
0x189: {  	v9 =	vperm.xlane v3, v21;
	v4 =	vadd.f32 v8, v4;
	v0 =	vadd.f32 v10, v0  }
0x18a: {  	v8 =	vperm.xlane v1, v17;
	v2 =	vadd.f32 v7, v2;
	v7 =	vperm.xlane v6, v21  }
0x18b: {  	v3 =	vadd.f32 v9, v3;
	v9 =	vperm.xlane v4, v21;
	v10 =	vperm.xlane v0, v17  }
0x18c: {  	v1 =	vadd.f32 v8, v1;
	v8 =	vperm.xlane v2, v17;
	v6 =	vadd.f32 v7, v6  }
0x18d: {  	v7 =	vperm.xlane v3, v17;
	v4 =	vadd.f32 v9, v4;
	v0 =	vadd.f32 v10, v0  }
0x18e: {  	v1 =	vsel vm9, v5, v1;
	v2 =	vadd.f32 v8, v2;
	v5 =	vperm.xlane v6, v17  }
0x18f: {  	v0 =	vsel vm10, v1, v0;
	v1 =	vadd.f32 v7, v3;
	v3 =	vperm.xlane v4, v17  }
0x190: {  	v0 =	vsel vm11, v0, v2;
	v2 =	vadd.f32 v5, v6  }
0x191: {  	v0 =	vsel vm12, v0, v1;
	v1 =	vadd.f32 v3, v4  }
0x192: {  	v0 =	vsel vm13, v0, v2  }
0x193: {  	v0 =	vsel vm14, v0, v1  }
0x194: {  	s13 =	simm.s32 $0x0;
	[tilespmem:$0x11000] =	vst v0  }
0x195: {  	[tilespmem:s13], [sflag:$0x1] =	stream.linear.gather [hbm4b:s5+s13], $0x10000, $0x38;
	[tilespmem:$0x11080] =	vst v63  }
0x196: {  	_ =	swait.ge [sflag:s9], $0x10000  }
0x197: {  	s29 =	sor.u32 s13, s13;
	[sflag:s9] =	ssyncset.done $0x0  }
0x198: {  	s14 =	sor.u32 $0x380, s29;
	[sflag:s9] =	ssyncadd.s32 $0xFFFF0000  }
0x199: {  	s30 =	sand.u32 $0x70, s13;
	s15 =	sand.u32 $0xC00, s13;
	v4 =	vld [tilespmem:s14+$0x10000]  }
0x19a: {  	s12 =	sor.u32 s30, s15;
	v40 =	vld [tilespmem:s14+$0x0]  }
0x19b: {  	v41 =	vld [tilespmem:s12+$0x1380]  }
0x19c: {  	v39 =	vld [tilespmem:s12+$0x2380]  }
0x19d: {  	v37 =	vld [tilespmem:s12+$0x3380]  }
0x19e: {  	v38 =	vld [tilespmem:s12+$0x4380]  }
0x19f: {  	v12 =	vld [tilespmem:s12+$0x5380]  }
0x1a0: {  	v26 =	vld [tilespmem:s12+$0x6380]  }
0x1a1: {  	v9 =	vld [tilespmem:s12+$0x7380]  }
0x1a2: {  	v25 =	vld [tilespmem:s12+$0x8380]  }
0x1a3: {  	v8 =	vld [tilespmem:s12+$0x9380]  }
0x1a4: {  	v27 =	vld [tilespmem:s12+$0xA380]  }
0x1a5: {  	v28 =	vld [tilespmem:s12+$0xB380]  }
0x1a6: {  	v14 =	vld [tilespmem:s12+$0xC380]  }
0x1a7: {  	v60 =	vld [tilespmem:s12+$0xD380]  }
0x1a8: {  	v5 =	vld [tilespmem:s12+$0x10300]  }
0x1a9: {  	v42 =	vld [tilespmem:s12+$0x300]  }
0x1aa: {  	v43 =	vld [tilespmem:s12+$0x1300]  }
0x1ab: {  	v44 =	vld [tilespmem:s12+$0x2300]  }
0x1ac: {  	v45 =	vld [tilespmem:s12+$0x3300]  }
0x1ad: {  	v33 =	vld [tilespmem:s12+$0x4300]  }
0x1ae: {  	v32 =	vld [tilespmem:s12+$0x5300]  }
0x1af: {  	v30 =	vld [tilespmem:s12+$0x6300]  }
0x1b0: {  	v24 =	vld [tilespmem:s12+$0x7300]  }
0x1b1: {  	v18 =	vld [tilespmem:s12+$0x8300]  }
0x1b2: {  	v16 =	vld [tilespmem:s12+$0x9300]  }
0x1b3: {  	v2 =	vld [tilespmem:s12+$0xA300]  }
0x1b4: {  	v1 =	vld [tilespmem:s12+$0xB300]  }
0x1b5: {  	v0 =	vld [tilespmem:s12+$0xC300]  }
0x1b6: {  	v15 =	vld [tilespmem:s12+$0xD300]  }
0x1b7: {  	v6 =	vld [tilespmem:s12+$0x10280]  }
0x1b8: {  	v46 =	vld [tilespmem:s12+$0x280]  }
0x1b9: {  	v47 =	vld [tilespmem:s12+$0x1280]  }
0x1ba: {  	v48 =	vld [tilespmem:s12+$0x2280]  }
0x1bb: {  	v49 =	vld [tilespmem:s12+$0x3280]  }
0x1bc: {  	v31 =	vld [tilespmem:s12+$0x4280]  }
0x1bd: {  	v29 =	vld [tilespmem:s12+$0x5280]  }
0x1be: {  	v23 =	vld [tilespmem:s12+$0x6280]  }
0x1bf: {  	v17 =	vld [tilespmem:s12+$0x7280]  }
0x1c0: {  	v3 =	vld [tilespmem:s12+$0x8280]  }
0x1c1: {  	v22 =	vld [tilespmem:s12+$0x10100]  }
0x1c2: {  	v10 =	vld [tilespmem:s12+$0x100]  }
0x1c3: {  	v11 =	vld [tilespmem:s12+$0x1100]  }
0x1c4: {  	v19 =	vld [tilespmem:s12+$0x10080]  }
0x1c5: {  	v50 =	vld [tilespmem:s12+$0x80]  }
0x1c6: {  	v51 =	vld [tilespmem:s12+$0x1080]  }
0x1c7: {  	v21 =	vld [tilespmem:s12+$0x10000]  }
0x1c8: {  	v20 =	vld [tilespmem:s12+$0x0]  }
0x1c9: {  	v52 =	vld [tilespmem:s12+$0x1000]  }
0x1ca: {  	v13 =	vld [tilespmem:s12+$0x2000]  }
0x1cb: {  	v54 =	vld [tilespmem:s12+$0x3000]  }
0x1cc: {  	v55 =	vld [tilespmem:s12+$0x2080]  }
0x1cd: {  	v56 =	vld [tilespmem:s12+$0x3080]  }
0x1ce: {  	v35 =	vld [tilespmem:s12+$0x2100];
	v57 =	vmul.f32 v20, v21  }
0x1cf: {  	v7 =	vld [tilespmem:s12+$0x10200];
	v10 =	vmul.f32 v10, v22;
	v52 =	vmul.f32 v52, v21  }
0x1d0: {  	v34 =	vld [tilespmem:s12+$0x200];
	v50 =	vmul.f32 v50, v19;
	v53 =	vmul.f32 v13, v21  }
0x1d1: {  	s31 =	sor.u32 s15, s13;
	v36 =	vld [tilespmem:s12+$0x3100];
	v51 =	vmul.f32 v51, v19;
	v54 =	vmul.f32 v54, v21  }
0x1d2: {  	s14 =	sor.u32 $0x180, s31;
	v59 =	vld [tilespmem:s12+$0x1180];
	v55 =	vmul.f32 v55, v19;
	v56 =	vmul.f32 v56, v19  }
0x1d3: {  	v20 =	vld [tilespmem:s14+$0x10000];
	v11 =	vmul.f32 v11, v22;
	v35 =	vmul.f32 v35, v22  }
0x1d4: {  	v61 =	vimm.f32 $0.0e+00;
	v13 =	vld [tilespmem:s12+$0x2180];
	v46 =	vmul.f32 v46, v6;
	v0 =	vmul.f32 v0, v5  }
0x1d5: {  	v58 =	vld [tilespmem:s14+$0x0];
	v47 =	vmul.f32 v47, v6;
	v48 =	vmul.f32 v48, v6;
	v52 =	vadd.f32 v52, v61  }
0x1d6: {  	v57 =	vadd.f32 v57, v61;
	v53 =	vadd.f32 v53, v61;
	[tilespmem:$0x1FD90] =	vst v0;
	v0 =	vmul.f32 v17, v6;
	v17 =	vld [tilespmem:s12+$0x8080]  }
0x1d7: {  	v49 =	vmul.f32 v49, v6;
	v54 =	vadd.f32 v54, v61;
	v51 =	vadd.f32 v51, v52;
	v52 =	vld [tilespmem:s12+$0x3180]  }
0x1d8: {  	v42 =	vmul.f32 v42, v5;
	v50 =	vadd.f32 v50, v57;
	v53 =	vadd.f32 v55, v53;
	v55 =	vld [tilespmem:s12+$0x1200]  }
0x1d9: {  	v40 =	vmul.f32 v40, v4;
	v54 =	vadd.f32 v56, v54;
	v56 =	vld [tilespmem:s12+$0x2200];
	v57 =	vmul.f32 v13, v20  }
0x1da: {  	v13 =	vmul.f32 v34, v7;
	v34 =	vld [tilespmem:s12+$0xB280];
	v50 =	vadd.f32 v10, v50;
	v10 =	vmul.f32 v36, v22  }
0x1db: {  	v43 =	vmul.f32 v43, v5;
	v36 =	vadd.f32 v11, v51;
	v51 =	vld [tilespmem:s12+$0x3200];
	v11 =	vmul.f32 v58, v20  }
0x1dc: {  	v41 =	vmul.f32 v41, v4;
	v35 =	vadd.f32 v35, v53;
	v62 =	vadd.f32 v10, v54;
	v10 =	vld [tilespmem:s12+$0x9280]  }
0x1dd: {  	v44 =	vmul.f32 v44, v5;
	v39 =	vmul.f32 v39, v4;
	v50 =	vadd.f32 v11, v50;
	v11 =	vld [tilespmem:s12+$0xA280]  }
0x1de: {  	v45 =	vmul.f32 v45, v5;
	v63 =	vmul.f32 v59, v20;
	v57 =	vadd.f32 v57, v35;
	v35 =	vld [tilespmem:s12+$0xC280]  }
0x1df: {  	v54 =	vld [tilespmem:s12+$0x4200];
	v52 =	vmul.f32 v52, v20;
	v55 =	vmul.f32 v55, v7  }
0x1e0: {  	v36 =	vadd.f32 v63, v36;
	v59 =	vmul.f32 v56, v7;
	v56 =	vmul.f32 v26, v4;
	v26 =	vld [tilespmem:s12+$0x6080]  }
0x1e1: {  	v50 =	vadd.f32 v13, v50;
	v13 =	vld [tilespmem:s12+$0x5100];
	v52 =	vadd.f32 v52, v62;
	v51 =	vmul.f32 v51, v7  }
0x1e2: {  	v37 =	vmul.f32 v37, v4;
	v9 =	vmul.f32 v9, v4;
	v55 =	vadd.f32 v55, v36;
	v36 =	vld [tilespmem:s12+$0xD280]  }
0x1e3: {  	v8 =	vmul.f32 v8, v4;
	v53 =	vadd.f32 v59, v57;
	v62 =	vld [tilespmem:s12+$0x5000];
	v51 =	vadd.f32 v51, v52  }
0x1e4: {  	v33 =	vmul.f32 v33, v5;
	v46 =	vadd.f32 v46, v50;
	v50 =	vld [tilespmem:s12+$0x4080];
	v47 =	vadd.f32 v47, v55  }
0x1e5: {  	v30 =	vmul.f32 v30, v5;
	v48 =	vadd.f32 v48, v53;
	v49 =	vadd.f32 v49, v51;
	v51 =	vld [tilespmem:s12+$0x4000]  }
0x1e6: {  	v59 =	vmul.f32 v38, v4;
	v55 =	vmul.f32 v12, v4;
	v43 =	vadd.f32 v43, v47;
	v47 =	vld [tilespmem:s12+$0x6000]  }
0x1e7: {  	v42 =	vadd.f32 v42, v46;
	v26 =	vmul.f32 v26, v19;
	v63 =	vadd.f32 v44, v48;
	v44 =	vld [tilespmem:s12+$0x7000]  }
0x1e8: {  	v52 =	vld [tilespmem:s12+$0x5080];
	v46 =	vmul.f32 v34, v6;
	v38 =	vmul.f32 v13, v22;
	v12 =	vadd.f32 v45, v49  }
0x1e9: {  	v58 =	vmul.f32 v62, v21;
	v53 =	vadd.f32 v41, v43;
	v41 =	vld [tilespmem:s12+$0x4100];
	v62 =	vadd.f32 v39, v63  }
0x1ea: {  	v45 =	vmul.f32 v3, v6;
	v3 =	vld [tilespmem:s12+$0x9080];
	v63 =	vadd.f32 v37, v12;
	v57 =	vmul.f32 v51, v21  }
0x1eb: {  	v12 =	vmul.f32 v32, v5;
	v51 =	vadd.f32 v40, v42;
	v40 =	vld [tilespmem:s12+$0x7080];
	v42 =	vmul.f32 v50, v19  }
0x1ec: {  	v48 =	vmul.f32 v47, v21;
	v50 =	vld [tilespmem:s12+$0x6100];
	v44 =	vmul.f32 v44, v21;
	v49 =	vadd.f32 v57, v61  }
0x1ed: {  	v43 =	vadd.f32 v58, v61;
	v58 =	vld [tilespmem:s12+$0x7100];
	v47 =	vmul.f32 v10, v6;
	v57 =	vmul.f32 v52, v19  }
0x1ee: {  	v39 =	vadd.f32 v48, v61;
	v48 =	vld [tilespmem:s12+$0x4180];
	v41 =	vmul.f32 v41, v22;
	v37 =	vadd.f32 v42, v49  }
0x1ef: {  	v10 =	vmul.f32 v35, v6;
	v44 =	vadd.f32 v44, v61;
	v43 =	vadd.f32 v57, v43;
	v49 =	vld [tilespmem:s12+$0x5180]  }
0x1f0: {  	v52 =	vmul.f32 v28, v4;
	v40 =	vmul.f32 v40, v19;
	v37 =	vadd.f32 v41, v37;
	v41 =	vld [tilespmem:s12+$0x7180]  }
0x1f1: {  	[tilespmem:$0x1FD50] =	vst v8;
	v39 =	vadd.f32 v26, v39;
	v8 =	vmul.f32 v50, v22;
	v38 =	vadd.f32 v38, v43;
	v43 =	vld [tilespmem:s12+$0x5200]  }
0x1f2: {  	v3 =	vmul.f32 v3, v19;
	v26 =	vmul.f32 v25, v4;
	v40 =	vadd.f32 v40, v44;
	v44 =	vld [tilespmem:s12+$0x6180]  }
0x1f3: {  	v42 =	vmul.f32 v58, v22;
	v58 =	vmul.f32 v14, v4;
	v8 =	vadd.f32 v8, v39;
	v39 =	vld [tilespmem:s12+$0x6200]  }
0x1f4: {  	v25 =	vld [tilespmem:s12+$0xA200];
	v50 =	vmul.f32 v27, v4;
	v57 =	vmul.f32 v48, v20  }
0x1f5: {  	[tilespmem:$0x1FD70] =	vst v52;
	v52 =	vmul.f32 v60, v4;
	v48 =	vld [tilespmem:s12+$0x8200];
	v14 =	vmul.f32 v49, v20  }
0x1f6: {  	[tilespmem:$0x1FD60] =	vst v50;
	v50 =	vld [tilespmem:s12+$0xB200];
	v37 =	vadd.f32 v57, v37;
	v57 =	vmul.f32 v54, v7;
	v41 =	vmul.f32 v41, v20  }
0x1f7: {  	v40 =	vadd.f32 v42, v40;
	v42 =	vld [tilespmem:s12+$0x7200];
	v60 =	vmul.f32 v43, v7;
	v43 =	vmul.f32 v24, v5  }
0x1f8: {  	v49 =	vld [tilespmem:s12+$0x9200];
	v38 =	vadd.f32 v14, v38;
	v44 =	vmul.f32 v44, v20;
	v13 =	vmul.f32 v39, v7  }
0x1f9: {  	[tilespmem:$0x1FD80] =	vst v58;
	v54 =	vld [tilespmem:s12+$0xD200];
	v39 =	vmul.f32 v18, v5;
	v58 =	vadd.f32 v41, v40;
	v40 =	vmul.f32 v16, v5  }
0x1fa: {  	v24 =	vadd.f32 v57, v37;
	v37 =	vld [tilespmem:s12+$0xC200];
	v16 =	vmul.f32 v31, v6;
	v41 =	vmul.f32 v2, v5  }
0x1fb: {  	v57 =	vld [tilespmem:s12+$0x9100];
	v18 =	vadd.f32 v60, v38;
	v2 =	vmul.f32 v29, v6;
	v60 =	vmul.f32 v15, v5  }
0x1fc: {  	v31 =	vld [tilespmem:s12+$0x8100];
	v38 =	vmul.f32 v36, v6;
	v15 =	vmul.f32 v17, v19  }
0x1fd: {  	v8 =	vadd.f32 v44, v8;
	v14 =	vmul.f32 v42, v7;
	v44 =	vmul.f32 v11, v6;
	v11 =	vld [tilespmem:s12+$0x9000]  }
0x1fe: {  	v42 =	vmul.f32 v1, v5;
	v16 =	vadd.f32 v16, v24;
	v2 =	vadd.f32 v2, v18;
	v18 =	vld [tilespmem:s12+$0xA000]  }
0x1ff: {  	[tilespmem:$0x1FDA0] =	vst v10;
	v1 =	vmul.f32 v23, v6;
	v8 =	vadd.f32 v13, v8;
	v29 =	vadd.f32 v14, v58;
	v58 =	vld [tilespmem:s12+$0xA100]  }
0x200: {  	[tilespmem:$0x1FDB0] =	vst v38;
	v38 =	vmul.f32 v37, v7;
	v14 =	vld [tilespmem:s12+$0xA080];
	v10 =	vadd.f32 v33, v16;
	v2 =	vadd.f32 v12, v2  }
0x201: {  	v12 =	vmul.f32 v49, v7;
	v49 =	vmul.f32 v50, v7;
	v1 =	vadd.f32 v1, v8;
	v8 =	vld [tilespmem:s12+$0x8000]  }
0x202: {  	v0 =	vadd.f32 v0, v29;
	v29 =	vmul.f32 v48, v7;
	v28 =	vadd.f32 v59, v10;
	v10 =	vld [tilespmem:s12+$0xB080]  }
0x203: {  	v48 =	vmul.f32 v25, v7;
	v11 =	vmul.f32 v11, v21;
	v1 =	vadd.f32 v30, v1;
	v30 =	vld [tilespmem:s12+$0xB000]  }
0x204: {  	v31 =	vmul.f32 v31, v22;
	v27 =	vadd.f32 v55, v2;
	v2 =	vld [tilespmem:s12+$0xB100];
	v0 =	vadd.f32 v43, v0  }
0x205: {  	v43 =	vmul.f32 v18, v21;
	v11 =	vadd.f32 v11, v61;
	v32 =	vadd.f32 v56, v1;
	v1 =	vld [tilespmem:s12+$0x8180]  }
0x206: {  	v34 =	vmul.f32 v14, v19;
	v33 =	vadd.f32 v9, v0;
	v0 =	vld [tilespmem:s12+$0x9180];
	v8 =	vmul.f32 v8, v21  }
0x207: {  	v50 =	vadd.f32 v43, v61;
	v43 =	vmul.f32 v54, v7;
	v3 =	vadd.f32 v3, v11;
	v11 =	vld [tilespmem:s12+$0xB180]  }
0x208: {  	v56 =	vmul.f32 v57, v22;
	v8 =	vadd.f32 v8, v61;
	v9 =	vmul.f32 v30, v21;
	v30 =	vld [tilespmem:s12+$0xA180]  }
0x209: {  	v57 =	vmul.f32 v58, v22;
	v58 =	vld [tilespmem:s12+$0xD100];
	v10 =	vmul.f32 v10, v19;
	v34 =	vadd.f32 v34, v50  }
0x20a: {  	v55 =	vld [tilespmem:s12+$0xC100];
	v2 =	vmul.f32 v2, v22;
	v8 =	vadd.f32 v15, v8;
	v9 =	vadd.f32 v9, v61  }
0x20b: {  	v3 =	vadd.f32 v56, v3;
	v34 =	vadd.f32 v57, v34;
	v0 =	vmul.f32 v0, v20  }
0x20c: {  	v16 =	vmul.f32 v1, v20;
	v9 =	vadd.f32 v10, v9;
	v8 =	vadd.f32 v31, v8;
	v31 =	vld [tilespmem:s12+$0xE100]  }
0x20d: {  	v1 =	vld [tilespmem:s12+$0xF100];
	v59 =	vmul.f32 v11, v20;
	v0 =	vadd.f32 v0, v3;
	v30 =	vmul.f32 v30, v20  }
0x20e: {  	v11 =	vld [tilespmem:s12+$0xD080];
	v3 =	vmul.f32 v58, v22;
	v9 =	vadd.f32 v2, v9;
	v8 =	vadd.f32 v16, v8  }
0x20f: {  	v10 =	vld [tilespmem:s12+$0xC080];
	v2 =	vmul.f32 v55, v22;
	v37 =	vadd.f32 v12, v0;
	v34 =	vadd.f32 v30, v34  }
0x210: {  	v0 =	vld [tilespmem:s12+$0xD000];
	v30 =	vimm.f32 $0.0e+00;
	v35 =	vadd.f32 v59, v9;
	v36 =	vadd.f32 v29, v8  }
0x211: {  	s14 =	simm.s32 $0x10;
	v9 =	vld [tilespmem:s12+$0xC000];
	v29 =	vimm.f32 $0.0e+00;
	v8 =	vmul.f32 v31, v22;
	v31 =	vimm.f32 $0.0e+00  }
.LBB2_4:
0x212: {  	v59 =	vld [tilespmem:s12+$0xE000]  }
0x213: {  	v50 =	vld [tilespmem:s12+$0xF000]  }
0x214: {  	v54 =	vld [tilespmem:s12+$0xE080]  }
0x215: {  	v55 =	vld [tilespmem:s12+$0xF080]  }
0x216: {  	v56 =	vld [tilespmem:s12+$0xC180]  }
0x217: {  	v57 =	vld [tilespmem:$0x1FD50]  }
0x218: {  	v58 =	vld [tilespmem:$0x1FD60];
	v1 =	vmul.f32 v1, v22;
	v22 =	vadd.f32 v45, v36  }
0x219: {  	[tilespmem:$0x1FC00] =	vst v28;
	v28 =	vld [tilespmem:s12+$0xF180];
	v9 =	vmul.f32 v9, v21;
	v25 =	vmul.f32 v59, v21  }
0x21a: {  	v10 =	vmul.f32 v10, v19;
	v0 =	vmul.f32 v0, v21;
	v59 =	vld [tilespmem:$0x1FD70];
	v22 =	vadd.f32 v39, v22  }
0x21b: {  	v21 =	vmul.f32 v50, v21;
	v9 =	vadd.f32 v9, v61;
	v25 =	vadd.f32 v25, v30;
	v30 =	vld [tilespmem:s12+$0xE200]  }
0x21c: {  	v11 =	vmul.f32 v11, v19;
	v0 =	vadd.f32 v0, v31;
	v12 =	vadd.f32 v26, v22;
	v22 =	vld [tilespmem:s12+$0xD180]  }
0x21d: {  	[tilespmem:$0x1FC10] =	vst v27;
	v27 =	vmul.f32 v54, v19;
	v19 =	vmul.f32 v55, v19;
	v21 =	vadd.f32 v21, v29;
	v26 =	vld [tilespmem:s12+$0xE180]  }
0x21e: {  	v9 =	vadd.f32 v10, v9;
	v0 =	vadd.f32 v11, v0;
	v11 =	vld [tilespmem:s12+$0xF200]  }
0x21f: {  	v25 =	vadd.f32 v27, v25;
	v27 =	vld [tilespmem:s12+$0xE280];
	v19 =	vadd.f32 v19, v21  }
0x220: {  	v10 =	vmul.f32 v56, v20;
	v21 =	vld [tilespmem:s12+$0xE300];
	v2 =	vadd.f32 v2, v9  }
0x221: {  	v0 =	vadd.f32 v3, v0;
	v9 =	vld [tilespmem:s12+$0xF280];
	v1 =	vadd.f32 v1, v19;
	v19 =	vmul.f32 v28, v20  }
0x222: {  	s13 =	sadd.s32 $0x80, s13;
	v8 =	vadd.f32 v8, v25;
	v22 =	vmul.f32 v22, v20;
	v3 =	vmul.f32 v26, v20;
	v20 =	vld [tilespmem:s12+$0xF300]  }
0x223: {  	s15 =	sor.u32 s13, s14;
	v1 =	vadd.f32 v19, v1;
	v19 =	vld [tilespmem:s12+$0xF380]  }
0x224: {  	s16 =	sor.u32 $0x380, s15;
	v2 =	vadd.f32 v10, v2;
	v3 =	vadd.f32 v3, v8;
	v8 =	vld [tilespmem:s12+$0xE380]  }
0x225: {  	v10 =	vmul.f32 v30, v7;
	v7 =	vmul.f32 v11, v7;
	v0 =	vadd.f32 v22, v0;
	v22 =	vld [tilespmem:s16+$0x10000]  }
0x226: {  	s30 =	sand.u32 $0x70, s14;
	s31 =	sand.u32 $0xC00, s13;
	v11 =	vmul.f32 v27, v6;
	v6 =	vmul.f32 v9, v6;
	v9 =	vld [tilespmem:s16+$0x0]  }
0x227: {  	v1 =	vadd.f32 v7, v1;
	s12 =	sor.u32 s30, s31;
	v7 =	vld [tilespmem:$0x1FDA0]  }
0x228: {  	v13 =	vld [tilespmem:s12+$0x9380]  }
0x229: {  	v14 =	vld [tilespmem:s12+$0xA380]  }
0x22a: {  	v23 =	vld [tilespmem:s12+$0x300]  }
0x22b: {  	v24 =	vld [tilespmem:s12+$0x1300]  }
0x22c: {  	[tilespmem:$0x1FC20] =	vst v32;
	v34 =	vadd.f32 v48, v34;
	v32 =	vld [tilespmem:s12+$0x2300]  }
0x22d: {  	v35 =	vadd.f32 v49, v35;
	v49 =	vadd.f32 v47, v37;
	v37 =	vld [tilespmem:s12+$0x4300]  }
0x22e: {  	v2 =	vadd.f32 v38, v2;
	v38 =	vld [tilespmem:s12+$0x5300]  }
0x22f: {  	v34 =	vadd.f32 v44, v34;
	v39 =	vld [tilespmem:s12+$0x6300]  }
0x230: {  	v35 =	vadd.f32 v46, v35;
	v36 =	vadd.f32 v40, v49;
	v40 =	vld [tilespmem:s12+$0x7300]  }
0x231: {  	v34 =	vadd.f32 v41, v34;
	v41 =	vld [tilespmem:s12+$0x8300]  }
0x232: {  	v35 =	vadd.f32 v42, v35;
	v42 =	vld [tilespmem:s12+$0x9300]  }
0x233: {  	v44 =	vld [tilespmem:s12+$0xB300]  }
0x234: {  	v45 =	vld [tilespmem:s12+$0xC300]  }
0x235: {  	[tilespmem:$0x1FD10] =	vst v12;
	v12 =	vadd.f32 v57, v36;
	v46 =	vld [tilespmem:s12+$0xD300]  }
0x236: {  	v47 =	vld [tilespmem:s12+$0x280]  }
0x237: {  	[tilespmem:$0x1FD20] =	vst v12;
	v12 =	vadd.f32 v58, v34;
	v48 =	vld [tilespmem:s12+$0x1280]  }
0x238: {  	v49 =	vld [tilespmem:s12+$0x2280]  }
0x239: {  	[tilespmem:$0x1FD30] =	vst v12;
	v12 =	vadd.f32 v59, v35;
	v58 =	vld [tilespmem:s12+$0x3280]  }
0x23a: {  	v59 =	vld [tilespmem:s12+$0x4280]  }
0x23b: {  	[tilespmem:$0x1FD40] =	vst v12;
	v12 =	vld [tilespmem:s12+$0x5280]  }
0x23c: {  	v15 =	vld [tilespmem:s12+$0x6280]  }
0x23d: {  	v16 =	vld [tilespmem:s12+$0x7280]  }
0x23e: {  	v17 =	vld [tilespmem:s12+$0x8280]  }
0x23f: {  	v25 =	vld [tilespmem:s12+$0xA280]  }
0x240: {  	v50 =	vld [tilespmem:s12+$0xB280]  }
0x241: {  	v34 =	vmov v51;
	v51 =	vld [tilespmem:s12+$0xC280]  }
0x242: {  	v31 =	vmov v53;
	v53 =	vld [tilespmem:s12+$0x200]  }
0x243: {  	v26 =	vld [tilespmem:s12+$0x4200]  }
0x244: {  	v27 =	vld [tilespmem:s12+$0xB200]  }
0x245: {  	v28 =	vld [tilespmem:s12+$0xD200]  }
0x246: {  	v55 =	vld [tilespmem:s12+$0x100]  }
0x247: {  	v57 =	vld [tilespmem:s12+$0x1100]  }
0x248: {  	v1 =	vadd.f32 v6, v1;
	v6 =	vld [tilespmem:$0x1FD90]  }
0x249: {  	v2 =	vadd.f32 v7, v2;
	v7 =	vld [tilespmem:$0x1FDB0]  }
0x24a: {  	v3 =	vadd.f32 v10, v3;
	v10 =	vld [tilespmem:s12+$0x1380]  }
0x24b: {  	v0 =	vadd.f32 v43, v0;
	v43 =	vld [tilespmem:s12+$0xA300]  }
0x24c: {  	v3 =	vadd.f32 v11, v3;
	v11 =	vld [tilespmem:s12+$0x2380]  }
0x24d: {  	v2 =	vadd.f32 v6, v2;
	v6 =	vmul.f32 v8, v4;
	v8 =	vld [tilespmem:s12+$0x3380]  }
0x24e: {  	v0 =	vadd.f32 v7, v0;
	v7 =	vmul.f32 v21, v5;
	v5 =	vmul.f32 v20, v5;
	v20 =	vld [tilespmem:s12+$0xB380]  }
0x24f: {  	v21 =	vld [tilespmem:s12+$0xC380]  }
0x250: {  	v0 =	vadd.f32 v60, v0;
	v1 =	vadd.f32 v5, v1;
	v5 =	vmul.f32 v19, v4;
	v4 =	vld [tilespmem:$0x1FD80]  }
0x251: {  	v19 =	vld [tilespmem:s12+$0x4380]  }
0x252: {  	v3 =	vadd.f32 v7, v3;
	v7 =	vld [tilespmem:s12+$0x10200];
	v0 =	vadd.f32 v52, v0  }
0x253: {  	v1 =	vadd.f32 v5, v1;
	v5 =	vld [tilespmem:s12+$0x10300]  }
0x254: {  	[tilespmem:$0x1FC60] =	vst v0;
	v0 =	vld [tilespmem:s12+$0x5380]  }
0x255: {  	v52 =	vld [tilespmem:s12+$0xD280];
	v2 =	vadd.f32 v4, v2;
	v4 =	vmov v22  }
0x256: {  	[tilespmem:$0x1FC40] =	vst v1;
	v1 =	vld [tilespmem:s12+$0x6380];
	v9 =	vmul.f32 v9, v4;
	v8 =	vmul.f32 v8, v4  }
0x257: {  	v61 =	vmul.f32 v10, v4;
	v10 =	vmul.f32 v11, v4;
	[tilespmem:$0x1FBF0] =	vst v2;
	v2 =	vadd.f32 v6, v3;
	v6 =	vld [tilespmem:s12+$0x10280]  }
0x258: {  	v35 =	vmul.f32 v23, v5;
	v23 =	vld [tilespmem:s12+$0x8200];
	[tilespmem:$0x1FBE0] =	vst v8;
	v8 =	vmul.f32 v19, v4  }
0x259: {  	v36 =	vmul.f32 v24, v5;
	v24 =	vld [tilespmem:s12+$0xA200];
	[tilespmem:$0x1FC50] =	vst v2;
	v0 =	vmul.f32 v0, v4  }
0x25a: {  	v22 =	vld [tilespmem:s12+$0xD380];
	v60 =	vmul.f32 v46, v5;
	[tilespmem:$0x1FCD0] =	vst v8;
	v8 =	vmul.f32 v32, v5  }
0x25b: {  	v2 =	vld [tilespmem:s12+$0x7380];
	[tilespmem:$0x1FCE0] =	vst v0;
	v0 =	vmul.f32 v1, v4;
	v1 =	vmul.f32 v37, v5  }
0x25c: {  	v11 =	vld [tilespmem:s12+$0x3200];
	v54 =	vmul.f32 v48, v6;
	v30 =	vmul.f32 v49, v6  }
0x25d: {  	v3 =	vld [tilespmem:s12+$0x8380];
	[tilespmem:$0x1FBC0] =	vst v9;
	v56 =	vmul.f32 v58, v6;
	v46 =	vmul.f32 v50, v6  }
0x25e: {  	v9 =	vld [tilespmem:s12+$0x1200];
	[tilespmem:$0x1FBD0] =	vst v10;
	v58 =	vmul.f32 v23, v7;
	v48 =	vmul.f32 v24, v7  }
0x25f: {  	v10 =	vld [tilespmem:s12+$0x2200];
	v49 =	vmul.f32 v27, v7;
	[tilespmem:$0x1FC90] =	vst v1;
	v1 =	vmul.f32 v38, v5  }
0x260: {  	v19 =	vld [tilespmem:s12+$0x10080];
	[tilespmem:$0x1FCF0] =	vst v0;
	v0 =	vmul.f32 v2, v4;
	v2 =	vmul.f32 v59, v6  }
0x261: {  	v32 =	vld [tilespmem:s12+$0x1000];
	[tilespmem:$0x1FCA0] =	vst v1;
	v1 =	vmul.f32 v39, v5;
	v39 =	vmul.f32 v15, v6  }
0x262: {  	v50 =	vld [tilespmem:s12+$0x2080];
	[tilespmem:$0x1FD00] =	vst v0;
	v0 =	vmul.f32 v3, v4;
	v3 =	vmul.f32 v12, v6  }
0x263: {  	v23 =	vld [tilespmem:s12+$0x2000];
	[tilespmem:$0x1FCB0] =	vst v1;
	v1 =	vmul.f32 v40, v5;
	v40 =	vmul.f32 v42, v5  }
0x264: {  	v38 =	vld [tilespmem:s12+$0x9200];
	v42 =	vmul.f32 v44, v5;
	[tilespmem:$0x1FC70] =	vst v0;
	v0 =	vmul.f32 v13, v4  }
0x265: {  	v24 =	vld [tilespmem:s12+$0x3000];
	v44 =	vmul.f32 v25, v6;
	[tilespmem:$0x1FCC0] =	vst v1;
	v1 =	vmul.f32 v41, v5  }
0x266: {  	v25 =	vmul.f32 v9, v7;
	v13 =	vld [tilespmem:s12+$0x5200];
	v41 =	vmul.f32 v43, v5;
	[tilespmem:$0x1FD50] =	vst v0  }
0x267: {  	v15 =	vld [tilespmem:s12+$0x3100];
	v0 =	vmul.f32 v14, v4;
	[tilespmem:$0x1FC80] =	vst v1;
	v1 =	vmul.f32 v45, v5  }
0x268: {  	v43 =	vld [tilespmem:s12+$0xC200];
	v45 =	vmul.f32 v17, v6;
	v17 =	vmul.f32 v51, v6  }
0x269: {  	v50 =	vmul.f32 v50, v19;
	v59 =	vmul.f32 v38, v7;
	v14 =	vld [tilespmem:s12+$0x7200];
	[tilespmem:$0x1FD60] =	vst v0  }
0x26a: {  	v0 =	vmul.f32 v20, v4;
	v20 =	vld [tilespmem:s12+$0x6200];
	[tilespmem:$0x1FDA0] =	vst v17;
	v17 =	vmul.f32 v52, v6  }
0x26b: {  	v52 =	vmul.f32 v11, v7;
	v11 =	vmul.f32 v13, v7;
	v13 =	vld [tilespmem:s12+$0x0]  }
0x26c: {  	v51 =	vmul.f32 v10, v7;
	[tilespmem:$0x1FD70] =	vst v0;
	v0 =	vmul.f32 v21, v4;
	v21 =	vld [tilespmem:s12+$0x10000]  }
0x26d: {  	v12 =	vld [tilespmem:s12+$0x2100];
	v10 =	vmul.f32 v26, v7;
	[tilespmem:$0x1FD90] =	vst v1;
	v1 =	vmul.f32 v16, v6  }
0x26e: {  	v16 =	vld [tilespmem:s12+$0x80];
	v38 =	vmul.f32 v43, v7;
	v43 =	vmul.f32 v28, v7  }
0x26f: {  	s15 =	sor.u32 s31, s14;
	v28 =	vld [tilespmem:s12+$0x3080];
	[tilespmem:$0x1FDB0] =	vst v17;
	v17 =	vmul.f32 v53, v7;
	v9 =	vmul.f32 v14, v7  }
0x270: {  	s15 =	sor.u32 $0x180, s15;
	[tilespmem:$0x1FD80] =	vst v0;
	v0 =	vmul.f32 v22, v4;
	v22 =	vld [tilespmem:s12+$0x10100];
	v37 =	vmul.f32 v20, v7  }
0x271: {  	v53 =	vld [tilespmem:s15+$0x0];
	v13 =	vmul.f32 v13, v21;
	v14 =	vmul.f32 v32, v21  }
0x272: {  	v20 =	vld [tilespmem:s15+$0x10000];
	v23 =	vmul.f32 v23, v21;
	v24 =	vmul.f32 v24, v21  }
0x273: {  	v16 =	vmul.f32 v16, v19;
	v13 =	vadd.f32 v13, v34;
	v14 =	vadd.f32 v14, v31;
	v31 =	vld [tilespmem:s12+$0x3180]  }
0x274: {  	v18 =	vld [tilespmem:s12+$0x9280];
	v28 =	vmul.f32 v28, v19;
	v23 =	vadd.f32 v23, v62;
	v24 =	vadd.f32 v24, v63  }
0x275: {  	v26 =	vmul.f32 v55, v22;
	v12 =	vmul.f32 v12, v22;
	v13 =	vadd.f32 v16, v13  }
0x276: {  	v15 =	vmul.f32 v15, v22;
	v23 =	vadd.f32 v50, v23;
	v24 =	vadd.f32 v28, v24  }
0x277: {  	v27 =	vmul.f32 v57, v22;
	v57 =	vld [tilespmem:s12+$0x2180];
	v16 =	vmul.f32 v53, v20;
	v13 =	vadd.f32 v26, v13  }
0x278: {  	v12 =	vadd.f32 v12, v23;
	v15 =	vadd.f32 v15, v24;
	v23 =	vmul.f32 v31, v20  }
0x279: {  	v29 =	vmul.f32 v47, v6;
	v47 =	vmul.f32 v18, v6;
	v18 =	vld [tilespmem:s12+$0x1080];
	v13 =	vadd.f32 v16, v13  }
0x27a: {  	v15 =	vadd.f32 v23, v15  }
0x27b: {  	v13 =	vadd.f32 v17, v13  }
0x27c: {  	v26 =	vmul.f32 v57, v20;
	v15 =	vadd.f32 v52, v15;
	v52 =	vmov v0;
	v0 =	vld [tilespmem:$0x1FBC0]  }
0x27d: {  	[tilespmem:$0x1FC30] =	vst v33;
	v33 =	vld [tilespmem:s12+$0x3300];
	v13 =	vadd.f32 v29, v13  }
0x27e: {  	v18 =	vmul.f32 v18, v19;
	v55 =	vld [tilespmem:s12+$0x1180];
	v12 =	vadd.f32 v26, v12  }
0x27f: {  	v62 =	vld [tilespmem:s12+$0x4100];
	v13 =	vadd.f32 v35, v13  }
0x280: {  	v14 =	vadd.f32 v18, v14;
	v18 =	vld [tilespmem:s12+$0x5100];
	v12 =	vadd.f32 v51, v12  }
0x281: {  	v51 =	vadd.f32 v0, v13;
	v0 =	vld [tilespmem:$0x1FBD0]  }
0x282: {  	v28 =	vld [tilespmem:s12+$0x6100];
	v12 =	vadd.f32 v30, v12  }
0x283: {  	v14 =	vadd.f32 v27, v14;
	v27 =	vld [tilespmem:s12+$0x7100]  }
0x284: {  	v24 =	vld [tilespmem:s12+$0x4080];
	v8 =	vadd.f32 v8, v12  }
0x285: {  	v31 =	vld [tilespmem:s12+$0x5080]  }
0x286: {  	v16 =	vmul.f32 v62, v22;
	v62 =	vadd.f32 v0, v8;
	v0 =	vld [tilespmem:$0x1FBE0]  }
0x287: {  	v33 =	vmul.f32 v33, v5;
	v63 =	vmul.f32 v55, v20;
	v55 =	vld [tilespmem:s12+$0x8000];
	v15 =	vadd.f32 v56, v15  }
0x288: {  	v23 =	vld [tilespmem:s12+$0x4000]  }
0x289: {  	v26 =	vld [tilespmem:s12+$0x6000];
	v34 =	vadd.f32 v33, v15  }
0x28a: {  	v14 =	vadd.f32 v63, v14;
	v17 =	vld [tilespmem:s12+$0x5000]  }
0x28b: {  	v63 =	vadd.f32 v0, v34;
	v0 =	vld [tilespmem:$0x1FC00]  }
0x28c: {  	v14 =	vadd.f32 v25, v14;
	v25 =	vmul.f32 v28, v22;
	v28 =	vld [tilespmem:s12+$0x7000]  }
0x28d: {  	v29 =	vmul.f32 v31, v19;
	v31 =	vld [tilespmem:s12+$0x7080]  }
0x28e: {  	v30 =	vld [tilespmem:s12+$0x6080];
	v23 =	vmul.f32 v23, v21  }
0x28f: {  	v56 =	vld [tilespmem:s12+$0x9000]  }
0x290: {  	v14 =	vadd.f32 v54, v14;
	v23 =	vadd.f32 v23, v0;
	v0 =	vld [tilespmem:$0x1FC10]  }
0x291: {  	v35 =	vld [tilespmem:s12+$0x4180]  }
0x292: {  	v14 =	vadd.f32 v36, v14;
	v36 =	vld [tilespmem:s12+$0x5180]  }
0x293: {  	v17 =	vmul.f32 v17, v21;
	v33 =	vld [tilespmem:s12+$0xA000]  }
0x294: {  	v54 =	vmul.f32 v28, v21;
	v28 =	vld [tilespmem:s12+$0x7180]  }
0x295: {  	v17 =	vadd.f32 v17, v0;
	v0 =	vld [tilespmem:$0x1FC20]  }
0x296: {  	v50 =	vmul.f32 v26, v21;
	v53 =	vadd.f32 v61, v14;
	v61 =	vld [tilespmem:$0x1FBF0]  }
0x297: {  	v26 =	vmul.f32 v30, v19;
	v30 =	vmul.f32 v31, v19;
	v31 =	vld [tilespmem:s12+$0x8100]  }
0x298: {  	v24 =	vmul.f32 v24, v19;
	v8 =	vld [tilespmem:s12+$0x6180]  }
0x299: {  	v15 =	vmul.f32 v35, v20;
	v35 =	vld [tilespmem:$0x1FD20]  }
0x29a: {  	v23 =	vadd.f32 v24, v23;
	v14 =	vadd.f32 v50, v0;
	v0 =	vld [tilespmem:$0x1FC30]  }
0x29b: {  	v18 =	vmul.f32 v18, v22;
	v13 =	vmul.f32 v36, v20;
	v36 =	vld [tilespmem:s12+$0xB180];
	v17 =	vadd.f32 v29, v17  }
0x29c: {  	v34 =	vld [tilespmem:$0x1FCF0];
	v16 =	vadd.f32 v16, v23;
	v14 =	vadd.f32 v26, v14  }
0x29d: {  	v8 =	vmul.f32 v8, v20;
	v24 =	vld [tilespmem:s12+$0x9100];
	v17 =	vadd.f32 v18, v17  }
0x29e: {  	v15 =	vadd.f32 v15, v16;
	v16 =	vmul.f32 v31, v22;
	v31 =	vld [tilespmem:$0x1FC60];
	v14 =	vadd.f32 v25, v14  }
0x29f: {  	v13 =	vadd.f32 v13, v17;
	v17 =	vld [tilespmem:s12+$0x9080];
	v12 =	vadd.f32 v54, v0  }
0x2a0: {  	v29 =	vld [tilespmem:$0x1FC40];
	v8 =	vadd.f32 v8, v14  }
0x2a1: {  	v27 =	vmul.f32 v27, v22;
	v25 =	vld [tilespmem:s12+$0x8080];
	v12 =	vadd.f32 v30, v12  }
0x2a2: {  	v18 =	vld [tilespmem:s12+$0xB100];
	v8 =	vadd.f32 v37, v8  }
0x2a3: {  	v23 =	vmul.f32 v28, v20;
	v50 =	vld [tilespmem:$0x1FD40];
	v12 =	vadd.f32 v27, v12  }
0x2a4: {  	v10 =	vadd.f32 v10, v15;
	v0 =	vadd.f32 v39, v8;
	v8 =	vmul.f32 v17, v19;
	v17 =	vld [tilespmem:$0x1FC90]  }
0x2a5: {  	v12 =	vadd.f32 v23, v12;
	v23 =	vmul.f32 v24, v22;
	v24 =	vld [tilespmem:$0x1FCB0]  }
0x2a6: {  	v2 =	vadd.f32 v2, v10;
	v11 =	vadd.f32 v11, v13;
	v10 =	vmul.f32 v25, v19;
	v25 =	vld [tilespmem:$0x1FCD0]  }
0x2a7: {  	v26 =	vld [tilespmem:s12+$0xA100]  }
0x2a8: {  	v3 =	vadd.f32 v3, v11;
	v11 =	vld [tilespmem:s12+$0xB000]  }
0x2a9: {  	v2 =	vadd.f32 v17, v2;
	v17 =	vld [tilespmem:$0x1FCA0]  }
0x2aa: {  	v0 =	vadd.f32 v24, v0;
	v24 =	vld [tilespmem:$0x1FCC0]  }
0x2ab: {  	v9 =	vadd.f32 v9, v12;
	v28 =	vadd.f32 v25, v2;
	v2 =	vld [tilespmem:$0x1FCE0]  }
0x2ac: {  	v32 =	vadd.f32 v34, v0;
	v0 =	vld [tilespmem:$0x1FD00]  }
0x2ad: {  	v13 =	vmul.f32 v56, v21;
	v56 =	vld [tilespmem:s12+$0xE100];
	v1 =	vadd.f32 v1, v9  }
0x2ae: {  	v37 =	vld [tilespmem:$0x1FD30];
	v3 =	vadd.f32 v17, v3  }
0x2af: {  	v9 =	vld [tilespmem:s12+$0xA080];
	v1 =	vadd.f32 v24, v1  }
0x2b0: {  	v17 =	vld [tilespmem:s12+$0xB080];
	v27 =	vadd.f32 v2, v3  }
0x2b1: {  	v3 =	vmul.f32 v33, v21;
	v33 =	vadd.f32 v0, v1;
	v1 =	vmul.f32 v11, v21;
	v11 =	vld [tilespmem:$0x1FD10]  }
0x2b2: {  	v14 =	vmul.f32 v55, v21;
	v55 =	vld [tilespmem:s12+$0xD100]  }
0x2b3: {  	v12 =	vadd.f32 v13, v35;
	v2 =	vld [tilespmem:s12+$0x9180]  }
0x2b4: {  	v18 =	vmul.f32 v18, v22;
	v0 =	vld [tilespmem:s12+$0xA180]  }
0x2b5: {  	v8 =	vadd.f32 v8, v12;
	v9 =	vmul.f32 v9, v19;
	v24 =	vld [tilespmem:s12+$0x8180];
	v3 =	vadd.f32 v3, v37  }
0x2b6: {  	v30 =	vld [tilespmem:$0x1FC50];
	v1 =	vadd.f32 v1, v50;
	v54 =	vmul.f32 v17, v19;
	v11 =	vadd.f32 v14, v11  }
0x2b7: {  	v57 =	vmul.f32 v26, v22;
	v26 =	vld [tilespmem:$0x1FC70];
	v8 =	vadd.f32 v23, v8;
	v3 =	vadd.f32 v9, v3  }
0x2b8: {  	v13 =	vmul.f32 v36, v20;
	v17 =	vld [tilespmem:s12+$0xC100];
	v9 =	vadd.f32 v54, v1;
	v10 =	vadd.f32 v10, v11  }
0x2b9: {  	p0 =	sne.s32 s14, $0x1F0;
	v39 =	vld [tilespmem:$0x1FC80];
	v2 =	vmul.f32 v2, v20;
	v0 =	vmul.f32 v0, v20;
	v3 =	vadd.f32 v57, v3  }
.Ltmp1:
0x2ba: {  	v1 =	vld [tilespmem:s12+$0xF100];
	v9 =	vadd.f32 v18, v9;
	v11 =	vmul.f32 v24, v20;
	v16 =	vadd.f32 v16, v10;
	(pc) =	sbr.rel @p0 .LBB2_4-.Ltmp1, $4  }
0x2bb: {  	v8 =	vadd.f32 v2, v8;
	v34 =	vadd.f32 v0, v3;
	v0 =	vld [tilespmem:s12+$0xD000]  }
0x2bc: {  	v35 =	vadd.f32 v13, v9;
	v9 =	vld [tilespmem:s12+$0xC000];
	v57 =	vadd.f32 v11, v16  }
0x2bd: {  	v2 =	vmul.f32 v17, v22;
	v3 =	vmul.f32 v55, v22;
	v10 =	vld [tilespmem:s12+$0xC080]  }
0x2be: {  	s14 =	sadd.s32 $0x10, s14;
	v37 =	vadd.f32 v59, v8;
	v8 =	vmul.f32 v56, v22;
	v11 =	vld [tilespmem:s12+$0xD080];
	v36 =	vadd.f32 v58, v57  }
0x2bf: {  	v14 =	vld [tilespmem:s12+$0xE000]  }
0x2c0: {  	v17 =	vld [tilespmem:s12+$0xF000]  }
0x2c1: {  	v18 =	vld [tilespmem:s12+$0xE080]  }
0x2c2: {  	v56 =	vld [tilespmem:s12+$0xF080]  }
0x2c3: {  	v23 =	vld [tilespmem:s12+$0xC180]  }
0x2c4: {  	v57 =	vld [tilespmem:$0x1FD50]  }
0x2c5: {  	v58 =	vld [tilespmem:s12+$0xD180]  }
0x2c6: {  	v12 =	vadd.f32 v48, v34;
	v13 =	vadd.f32 v49, v35;
	v15 =	vmul.f32 v1, v22;
	v59 =	vld [tilespmem:$0x1FD60]  }
0x2c7: {  	v34 =	vld [tilespmem:$0x1FD70];
	v55 =	vadd.f32 v45, v36;
	v16 =	vadd.f32 v47, v37;
	v24 =	vmul.f32 v0, v21  }
0x2c8: {  	v35 =	vld [tilespmem:s12+$0xE180];
	v12 =	vadd.f32 v44, v12;
	v13 =	vadd.f32 v46, v13;
	v9 =	vmul.f32 v9, v21  }
0x2c9: {  	v48 =	vld [tilespmem:s12+$0xF280];
	v10 =	vmul.f32 v10, v19;
	v1 =	vadd.f32 v39, v55;
	v16 =	vadd.f32 v40, v16  }
0x2ca: {  	v44 =	vld [tilespmem:s12+$0xF200];
	v37 =	vadd.f32 v24, v31;
	v11 =	vmul.f32 v11, v19;
	v12 =	vadd.f32 v41, v12  }
0x2cb: {  	v46 =	vld [tilespmem:s12+$0xE280];
	v13 =	vadd.f32 v42, v13;
	v9 =	vadd.f32 v9, v61;
	v14 =	vmul.f32 v14, v21  }
0x2cc: {  	v39 =	vld [tilespmem:s12+$0xF180];
	v25 =	vadd.f32 v26, v1;
	v36 =	vmul.f32 v17, v21;
	v18 =	vmul.f32 v18, v19  }
0x2cd: {  	v40 =	vld [tilespmem:s12+$0xE200];
	v16 =	vadd.f32 v57, v16;
	v41 =	vmul.f32 v56, v19;
	v42 =	vmul.f32 v23, v20  }
0x2ce: {  	v61 =	vld [tilespmem:s12+$0xF300];
	v45 =	vmul.f32 v58, v20;
	v1 =	vadd.f32 v59, v12;
	v0 =	vadd.f32 v34, v13  }
0x2cf: {  	v47 =	vmul.f32 v35, v20;
	v19 =	vld [tilespmem:$0x1FFC0];
	v9 =	vadd.f32 v10, v9;
	v11 =	vadd.f32 v11, v37  }
0x2d0: {  	v59 =	vmul.f32 v48, v6;
	v14 =	vadd.f32 v14, v30;
	v13 =	vadd.f32 v36, v29  }
0x2d1: {  	v57 =	vld [tilespmem:s12+$0xE300];
	v56 =	vmul.f32 v44, v7;
	v58 =	vmul.f32 v46, v6;
	v2 =	vadd.f32 v2, v9  }
0x2d2: {  	v3 =	vadd.f32 v3, v11;
	v50 =	vmul.f32 v39, v20;
	v54 =	vmul.f32 v40, v7  }
0x2d3: {  	v22 =	vld [tilespmem:$0x1FDA0];
	v14 =	vadd.f32 v18, v14;
	v13 =	vadd.f32 v41, v13;
	v37 =	vmul.f32 v61, v5  }
0x2d4: {  	v30 =	vld [tilespmem:s12+$0xE380];
	v2 =	vadd.f32 v42, v2;
	v23 =	vperm.xlane v51, v19;
	v24 =	vperm.xlane v53, v19  }
0x2d5: {  	v20 =	vld [tilespmem:$0x1FFD0];
	v3 =	vadd.f32 v45, v3;
	v29 =	vperm.xlane v62, v19;
	v31 =	vperm.xlane v63, v19  }
0x2d6: {  	v40 =	vld [tilespmem:s12+$0xF380];
	v12 =	vmul.f32 v57, v5;
	v8 =	vadd.f32 v8, v14;
	v49 =	vadd.f32 v15, v13  }
0x2d7: {  	v26 =	vld [tilespmem:$0x1FDB0];
	v57 =	vperm.xlane v32, v19;
	v2 =	vadd.f32 v38, v2;
	v3 =	vadd.f32 v43, v3  }
0x2d8: {  	v61 =	vperm.xlane v25, v19;
	v10 =	vadd.f32 v23, v51;
	v11 =	vadd.f32 v24, v53  }
0x2d9: {  	v34 =	vadd.f32 v29, v62;
	v15 =	vadd.f32 v31, v63;
	v14 =	vmul.f32 v30, v4  }
0x2da: {  	v63 =	vperm.xlane v16, v19;
	v8 =	vadd.f32 v47, v8;
	v55 =	vadd.f32 v50, v49  }
0x2db: {  	v38 =	vld [tilespmem:$0x1FD90];
	v46 =	vmul.f32 v40, v4;
	v2 =	vadd.f32 v22, v2;
	v35 =	vperm.xlane v10, v20  }
0x2dc: {  	v3 =	vadd.f32 v26, v3;
	v36 =	vperm.xlane v11, v20;
	v8 =	vadd.f32 v54, v8  }
0x2dd: {  	v41 =	vperm.xlane v15, v20;
	v7 =	vadd.f32 v56, v55;
	v10 =	vadd.f32 v35, v10  }
0x2de: {  	v21 =	vld [tilespmem:$0x1FFE0];
	v39 =	vperm.xlane v34, v20;
	v11 =	vadd.f32 v36, v11;
	v3 =	vadd.f32 v60, v3  }
0x2df: {  	v47 =	vld [tilespmem:$0x1FD80];
	v56 =	vperm.xlane v27, v19;
	v13 =	vadd.f32 v41, v15;
	v8 =	vadd.f32 v58, v8  }
0x2e0: {  	v54 =	vperm.xlane v28, v19;
	v6 =	vadd.f32 v59, v7;
	v2 =	vadd.f32 v38, v2  }
0x2e1: {  	v41 =	vperm.xlane v0, v19;
	v7 =	vadd.f32 v39, v34;
	v58 =	vadd.f32 v56, v27  }
0x2e2: {  	v59 =	vperm.xlane v33, v19;
	v39 =	vperm.xlane v1, v19;
	v3 =	vadd.f32 v52, v3  }
0x2e3: {  	v42 =	vperm.xlane v10, v21;
	v0 =	vadd.f32 v41, v0;
	v8 =	vadd.f32 v12, v8  }
0x2e4: {  	v17 =	vperm.xlane v11, v21;
	v5 =	vadd.f32 v37, v6;
	v2 =	vadd.f32 v47, v2  }
0x2e5: {  	v45 =	vperm.xlane v13, v21;
	v12 =	vadd.f32 v61, v25;
	v1 =	vadd.f32 v39, v1  }
0x2e6: {  	v43 =	vperm.xlane v7, v21;
	v9 =	vadd.f32 v42, v10;
	v44 =	vadd.f32 v17, v11  }
0x2e7: {  	v62 =	vperm.xlane v58, v20;
	v17 =	vld [tilespmem:$0x1FFF0];
	v11 =	vadd.f32 v45, v13;
	v10 =	vadd.f32 v59, v33  }
0x2e8: {  	v8 =	vadd.f32 v14, v8;
	v14 =	vadd.f32 v63, v16;
	v24 =	vperm.xlane v12, v20  }
0x2e9: {  	v6 =	vadd.f32 v43, v7;
	v42 =	vperm.xlane v2, v19;
	v43 =	vperm.xlane v3, v19  }
0x2ea: {  	v4 =	vadd.f32 v46, v5;
	v22 =	vperm.xlane v10, v20;
	v26 =	vperm.xlane v14, v20  }
0x2eb: {  	v2 =	vadd.f32 v42, v2;
	v45 =	vperm.xlane v8, v19;
	v3 =	vadd.f32 v43, v3  }
0x2ec: {  	v46 =	vperm.xlane v4, v19;
	v10 =	vadd.f32 v22, v10;
	v48 =	vperm.xlane v9, v17  }
0x2ed: {  	v49 =	vperm.xlane v44, v17;
	v50 =	vperm.xlane v6, v17;
	v13 =	vadd.f32 v26, v14  }
0x2ee: {  	v52 =	vperm.xlane v11, v17;
	v4 =	vadd.f32 v46, v4;
	v7 =	vadd.f32 v48, v9  }
0x2ef: {  	v47 =	vperm.xlane v2, v20;
	v51 =	vadd.f32 v49, v44;
	v53 =	vadd.f32 v50, v6  }
0x2f0: {  	v55 =	vadd.f32 v52, v11;
	v6 =	vadd.f32 v54, v28;
	v28 =	vperm.xlane v10, v21  }
0x2f1: {  	v9 =	vadd.f32 v62, v58;
	v31 =	vperm.xlane v13, v21;
	v44 =	vperm.xlane v1, v20  }
0x2f2: {  	v11 =	vadd.f32 v24, v12;
	v48 =	vperm.xlane v3, v20;
	v60 =	vperm.xlane v6, v20  }
0x2f3: {  	v2 =	vadd.f32 v47, v2;
	v7 =	vsel vm0, v7, v51;
	v10 =	vadd.f32 v28, v10  }
0x2f4: {  	v25 =	vperm.xlane v9, v21;
	v12 =	vadd.f32 v31, v13;
	v6 =	vadd.f32 v60, v6  }
0x2f5: {  	v30 =	vperm.xlane v11, v21;
	v1 =	vadd.f32 v44, v1;
	v3 =	vadd.f32 v48, v3  }
0x2f6: {  	v5 =	vsel vm1, v7, v53;
	v7 =	vadd.f32 v57, v32;
	v23 =	vperm.xlane v6, v21  }
0x2f7: {  	v51 =	vperm.xlane v4, v20;
	v52 =	vperm.xlane v2, v21;
	v5 =	vsel vm2, v5, v55  }
0x2f8: {  	v9 =	vadd.f32 v25, v9;
	v18 =	vperm.xlane v7, v20;
	v6 =	vadd.f32 v23, v6  }
0x2f9: {  	v11 =	vadd.f32 v30, v11;
	v33 =	vperm.xlane v10, v17;
	v37 =	vperm.xlane v12, v17  }
0x2fa: {  	v49 =	vperm.xlane v1, v21;
	v7 =	vadd.f32 v18, v7;
	v29 =	vperm.xlane v6, v17  }
0x2fb: {  	v53 =	vperm.xlane v3, v21;
	v4 =	vadd.f32 v51, v4;
	v2 =	vadd.f32 v52, v2  }
0x2fc: {  	v16 =	vperm.xlane v9, v17;
	v27 =	vperm.xlane v7, v21;
	v6 =	vadd.f32 v29, v6  }
0x2fd: {  	v36 =	vadd.f32 v33, v10;
	v40 =	vadd.f32 v37, v12;
	v10 =	vperm.xlane v0, v20  }
0x2fe: {  	v7 =	vadd.f32 v27, v7;
	v5 =	vsel vm3, v5, v6;
	v6 =	vadd.f32 v45, v8  }
0x2ff: {  	v35 =	vperm.xlane v11, v17;
	v1 =	vadd.f32 v49, v1;
	v0 =	vadd.f32 v10, v0  }
0x300: {  	v3 =	vadd.f32 v53, v3;
	v32 =	vperm.xlane v7, v17;
	v50 =	vperm.xlane v6, v20  }
0x301: {  	v56 =	vperm.xlane v4, v21;
	v9 =	vadd.f32 v16, v9;
	v10 =	vperm.xlane v0, v21  }
0x302: {  	v57 =	vperm.xlane v2, v17;
	v34 =	vadd.f32 v32, v7;
	v6 =	vadd.f32 v50, v6  }
0x303: {  	v38 =	vadd.f32 v35, v11;
	v0 =	vadd.f32 v10, v0;
	v5 =	vsel vm4, v5, v9  }
0x304: {  	v54 =	vperm.xlane v1, v17;
	v5 =	vsel vm5, v5, v34;
	v55 =	vperm.xlane v6, v21  }
0x305: {  	v58 =	vperm.xlane v3, v17;
	v10 =	vperm.xlane v0, v17;
	v5 =	vsel vm6, v5, v36  }
0x306: {  	v1 =	vadd.f32 v54, v1;
	v5 =	vsel vm7, v5, v38;
	v6 =	vadd.f32 v55, v6  }
0x307: {  	v4 =	vadd.f32 v56, v4;
	v0 =	vadd.f32 v10, v0;
	v5 =	vsel vm8, v5, v40  }
0x308: {  	v2 =	vadd.f32 v57, v2;
	v1 =	vsel vm9, v5, v1;
	v59 =	vperm.xlane v6, v17  }
0x309: {  	v60 =	vadd.f32 v58, v3;
	v61 =	vperm.xlane v4, v17;
	v0 =	vsel vm10, v1, v0  }
0x30a: {  	v0 =	vsel vm11, v0, v2;
	v62 =	vadd.f32 v59, v6  }
0x30b: {  	v63 =	vadd.f32 v61, v4;
	v0 =	vsel vm12, v0, v60  }
0x30c: {  	s11 =	sadd.s32 $0x1, s11;
	v0 =	vsel vm13, v0, v62  }
0x30d: {  	p0 =	sne.s32 s11, s7;
	v0 =	vsel vm14, v0, v63  }
.Ltmp2:
0x30e: {  	[tilespmem:$0x11010] =	vst v0;
	(pc) =	sbr.rel @p0 .LBB2_1-.Ltmp2, $4  }
0x30f: {  	[hbm4b:s6+s1] =	stream.linear.scatter [tilespmem:s10], [sflag:$0x1], $0x20, $0x38;
	[tilespmem:$0x11080] =	vst v63  }
0x310: {  	_ =	swait.ge [sflag:s9], $0x20  }
0x311: {  	[sflag:s9] =	ssyncset.done $0x0  }
0x312: {  	[sflag:s9] =	ssyncadd.s32 $0xFFFFFFE0  }
0x313: {  	_ =	sfence.sel $0x180000  }
0x314: {  	[bflag:$0x0] =	sbarrier.arrive $0xFFFF  }
0x315: {  	p0 =	sne.s32 s2, $0x0;
	_ =	strace $0x90000047  }
0x316: {  	s0 =	sadd.s32 @!p0 $0x100000, s0;
	[bflag:$0x2] =	sbarrier.arrive $0xFFFF  }
0x317: {  	[sflag:s0] =	ssyncadd.tile.s32 @!p0 $0x1;
	_ =	shalt  }
.Lfunc_end2:
_tile_overlayer_lowered:
.L_overlay_start_2:
0x318: {  	(tag) =	ssettag $0x2  }
0x319: {  	s0 =	rddreg [dreg:$0x0];
	s2 =	stileid.u32  }
0x31a: {  	s1 =	rddreg [dreg:$0x1];
	p0 =	sne.s32 s2, $0x0  }
0x31b: {  	s3 =	rddreg [dreg:$0x2];
	[bflag:$0x3] =	sbarrier.arrive $0xFFFF;
	s2 =	simm.s32 @!p0 $0x1C01  }
0x31c: {  	[timem:s3], [sflag:s2] =	dma.local @!p0 [hbm:s0], s1  }
0x31d: {  	s0 =	simm.s32 @!p0 $0x1  }
0x31e: {  	_ =	swait.ge @!p0 [sflag:s0], s1  }
0x31f: {  	s1 =	ssub.s32 @!p0 $0x0, s1;
	[sflag:s0] =	ssyncset.done @!p0 $0x0  }
0x320: {  	[sflag:s0] =	ssyncadd.s32 @!p0 s1  }
0x321: {  	[bflag:$0x3] =	sbarrier.arrive $0xFFFF  }
0x322: {  	_ =	shalt  }

</sc_bundles>
